<compile_context>
chip_gen: v7x
topology: tpu7x:2x2x1
jax: 0.10.2.dev20260603
libtpu: 0.0.44.dev20260713+nightly
codegen_flags: <defaults>
</compile_context>

<pallas_src>
import functools

import jax
import jax.numpy as jnp
from jax import lax
from jax.experimental import pallas as pl
from jax.experimental.pallas import tpu as pltpu
from jax.experimental.pallas import tpu_sc as plsc

_N = 32768
_D = 768
_E = 64
_BN = 512

_NW = 32
_ROWS_PER_W = _N // _NW
_BLK = 128
_NBLK = _ROWS_PER_W // _BLK
_LANES = 16
_NG = _BLK // _LANES


def _tc_logits_body(x_ref, w1_ref, b1_ref, w2_ref, b2_ref, logits_ref):
    x = x_ref[...]
    mu = jnp.mean(x, axis=-1, keepdims=True)
    xc = x - mu
    var = jnp.mean(xc * xc, axis=-1, keepdims=True)
    xn = xc / jnp.sqrt(var + 1e-5)

    h = jnp.dot(xn, w1_ref[...], preferred_element_type=jnp.float32)
    h = h + b1_ref[...]
    h = 0.5 * h * (1.0 + jax.lax.erf(h * 0.7071067811865476))

    logits = jnp.dot(h, w2_ref[...], preferred_element_type=jnp.float32)
    logits = logits + b2_ref[...]

    m = jnp.max(logits, axis=-1, keepdims=True)
    ex = jnp.exp(logits - m)
    logits_ref[...] = ex / jnp.sum(ex, axis=-1, keepdims=True)


def _tc_logits(x, W1f, b1f, W2, b2f):
    grid = (_N // _BN,)
    return pl.pallas_call(
        _tc_logits_body,
        grid=grid,
        in_specs=[
            pl.BlockSpec((_BN, _D), lambda i: (i, 0)),
            pl.BlockSpec((_D, _D), lambda i: (0, 0)),
            pl.BlockSpec((1, _D), lambda i: (0, 0)),
            pl.BlockSpec((_D, _E), lambda i: (0, 0)),
            pl.BlockSpec((1, _E), lambda i: (0, 0)),
        ],
        out_specs=pl.BlockSpec((_BN, _E), lambda i: (i, 0)),
        out_shape=jax.ShapeDtypeStruct((_N, _E), jnp.float32),
        compiler_params=pltpu.CompilerParams(
            dimension_semantics=("arbitrary",),
        ),
    )(x, W1f, b1f, W2, b2f)


def _scan_top2_groups(in_tile, rows_list):
    ng = len(rows_list)
    neg = jnp.full((_LANES,), -1.0, dtype=jnp.float32)
    zero_i = jnp.zeros((_LANES,), dtype=jnp.int32)

    def body(e, carry):
        e_vec = jnp.full((_LANES,), e, dtype=jnp.int32)
        out = []
        for g in range(ng):
            l1, l2, i1, i2 = carry[g]
            v = plsc.load_gather(in_tile, [rows_list[g], e_vec])
            gt1 = v > l1
            gt2 = v > l2
            l2n = jnp.where(gt1, l1, jnp.where(gt2, v, l2))
            i2n = jnp.where(gt1, i1, jnp.where(gt2, e_vec, i2))
            l1n = jnp.where(gt1, v, l1)
            i1n = jnp.where(gt1, e_vec, i1)
            out.append((l1n, l2n, i1n, i2n))
        return tuple(out)

    init = tuple((neg, neg, zero_i, zero_i) for _ in range(ng))
    return lax.fori_loop(0, _E, body, init)


def _sc_route_body(logits_hbm, zeros_hbm, routed_hbm, idx_hbm,
                   in_t, out_t, idx_t):
    info = plsc.get_sparse_core_info()
    wid = lax.axis_index("s") * info.num_cores + lax.axis_index("c")
    pltpu.sync_copy(zeros_hbm, out_t)

    col0 = jnp.zeros((_LANES,), dtype=jnp.int32)
    col1 = jnp.ones((_LANES,), dtype=jnp.int32)
    zf = jnp.zeros((_LANES,), dtype=jnp.float32)
    eps = jnp.full((_LANES,), 1e-8, dtype=jnp.float32)

    rows_list = [lax.iota(jnp.int32, _LANES) + grp * _LANES
                 for grp in range(_NG)]

    for blk in range(_NBLK):
        base = wid * _ROWS_PER_W + blk * _BLK
        pltpu.sync_copy(logits_hbm.at[pl.ds(base, _BLK)], in_t)
        results = _scan_top2_groups(in_t, rows_list)
        touched = []
        for g, (p1, p2, i1, i2) in enumerate(results):
            denom = p1 + p2 + eps
            plsc.store_scatter(out_t, [rows_list[g], i1], p1 / denom)
            plsc.store_scatter(out_t, [rows_list[g], i2], p2 / denom)
            plsc.store_scatter(idx_t, [rows_list[g], col0], i1)
            plsc.store_scatter(idx_t, [rows_list[g], col1], i2)
            touched.append((rows_list[g], i1, i2))
        pltpu.sync_copy(out_t, routed_hbm.at[pl.ds(base, _BLK)])
        pltpu.sync_copy(idx_t, idx_hbm.at[pl.ds(base, _BLK)])
        for rows, i1, i2 in touched:
            plsc.store_scatter(out_t, [rows, i1], zf)
            plsc.store_scatter(out_t, [rows, i2], zf)


@functools.partial(
    pl.kernel,
    mesh=plsc.VectorSubcoreMesh(core_axis_name="c", subcore_axis_name="s"),
    out_type=[
        jax.ShapeDtypeStruct((_N, _E), jnp.float32),
        jax.ShapeDtypeStruct((_N, 2), jnp.int32),
    ],
    scratch_types=[
        pltpu.VMEM((_BLK, _E), jnp.float32),
        pltpu.VMEM((_BLK, _E), jnp.float32),
        pltpu.VMEM((_BLK, 2), jnp.int32),
    ],
    compiler_params=pltpu.CompilerParams(needs_layout_passes=False),
)
def _sc_route(logits_hbm, zeros_hbm, routed_hbm, idx_hbm, in_t, out_t, idx_t):
    _sc_route_body(logits_hbm, zeros_hbm, routed_hbm, idx_hbm,
                   in_t, out_t, idx_t)


def kernel(fused_latent, ln_g, ln_b, W1, b1, W2, b2):
    W1f = ln_g[:, None] * W1
    b1f = (b1 + ln_b @ W1).reshape(1, _D)
    logits = _tc_logits(fused_latent, W1f, b1f, W2, b2.reshape(1, _E))
    zeros = jnp.zeros((_BLK, _E), dtype=jnp.float32)
    routed, idx = _sc_route(logits, zeros)
    return routed, idx

# --- scband reference (transcript-rebuilt; emitter-appended) ---
"""Pipeline reference for scband-mo-egate-4939212391142 (READ-ONLY COPY).

The authoritative reference and input builder live on the scoring server;
editing this copy changes nothing except your own understanding.
"""

import jax, jax.numpy as jnp
import numpy as np

N = 32768
D = 768
E = 64
K = 2

def setup_inputs(seed: int = 0) -> dict:
    key = jax.random.key(seed)
    ks = jax.random.split(key, 4)
    return {
        "fused_latent": jax.random.normal(ks[0], (N, D), dtype=jnp.float32),
        "ln_g": jnp.ones((D,), dtype=jnp.float32),
        "ln_b": jnp.zeros((D,), dtype=jnp.float32),
        "W1": jax.random.normal(ks[1], (D, D), dtype=jnp.float32) * 0.02,
        "b1": jnp.zeros((D,), dtype=jnp.float32),
        "W2": jax.random.normal(ks[2], (D, E), dtype=jnp.float32) * 0.02,
        "b2": jnp.zeros((E,), dtype=jnp.float32),
    }

def reference(fused_latent, ln_g, ln_b, W1, b1, W2, b2):
    # LayerNorm (eps=1e-5, elementwise affine) as in nn.LayerNorm
    mu = jnp.mean(fused_latent, axis=-1, keepdims=True)
    var = jnp.var(fused_latent, axis=-1, keepdims=True)
    xn = (fused_latent - mu) / jnp.sqrt(var + 1e-5) * ln_g + ln_b
    # Linear -> GELU (exact, erf-based like torch default) -> Linear
    h = jax.nn.gelu(xn @ W1 + b1, approximate=False)
    logits = h @ W2 + b2
    probs = jax.nn.softmax(logits, axis=-1)
    # top-k selection + scatter mask (k_active=2 < n_experts=64)
    topk_vals, topk_idx = jax.lax.top_k(probs, K)
    rows = jnp.arange(probs.shape[0])[:, None]
    mask = jnp.zeros_like(probs).at[rows, topk_idx].set(1.0)
    routed = probs * mask
    routed = routed / (jnp.sum(routed, axis=-1, keepdims=True) + 1e-08)
    return routed, topk_idx

if __name__ == "__main__":
    import jax
    _d = setup_inputs()
    print(jax.jit(kernel)(*tuple(_d.values())))

</pallas_src>

<mosaic_0001>
#map = affine_map<(d0, d1) -> (0, 0)>
module attributes {stable_mosaic.version = 14 : i64} {
  func.func @_sc_route(%arg0: i32, %arg1: i32, %arg2: memref<32768x64xf32, #tpu.memory_space<hbm>>, %arg3: memref<128x64xf32, #tpu.memory_space<hbm>>, %arg4: memref<32768x64xf32, #tpu.memory_space<hbm>>, %arg5: memref<32768x2xi32, #tpu.memory_space<hbm>>, %arg6: memref<128x64xf32, #tpu.memory_space<vmem>>, %arg7: memref<128x64xf32, #tpu.memory_space<vmem>>, %arg8: memref<128x2xi32, #tpu.memory_space<vmem>>) attributes {dimension_semantics = [#tpu.dimension_semantics<core_parallel>, #tpu.dimension_semantics<subcore_parallel>], iteration_bounds = array<i64: 2, 16>, scalar_prefetch = 0 : i64, scratch_operands = 3 : i64, tpu.core_type = #tpu.core_type<sc_vector_subcore>, window_params = [{transform_indices = #map}, {transform_indices = #map}, {transform_indices = #map}, {transform_indices = #map}]} {
    %mul3A = arith.constant 2 : i32
    %mul3A_0 = arith.muli %arg1, %mul3A : i32
    %add3A = arith.addi %mul3A_0, %arg0 : i32
    "tpu.region"() ({
      %run_scoped3A = tpu.sem_alloc : memref<!tpu.dma_semaphore, #tpu.memory_space<semaphore_mem>>
      tpu.enqueue_dma source(%arg3 : memref<128x64xf32, #tpu.memory_space<hbm>>) target(%arg7 : memref<128x64xf32, #tpu.memory_space<vmem>>) target_semaphore(%run_scoped3A : memref<!tpu.dma_semaphore, #tpu.memory_space<semaphore_mem>>)
      tpu.wait_dma2 semaphore(%run_scoped3A : memref<!tpu.dma_semaphore, #tpu.memory_space<semaphore_mem>>) src(%arg3 : memref<128x64xf32, #tpu.memory_space<hbm>>) dst(%arg7 : memref<128x64xf32, #tpu.memory_space<vmem>>)
      tpu.yield
    }) : () -> ()
    %broadcast_in_dim3A = arith.constant 0 : i32
    %broadcast_in_dim3A_1 = vector.broadcast %broadcast_in_dim3A : i32 to vector<16xi32>
    %broadcast_in_dim3A_2 = arith.constant 1 : i32
    %broadcast_in_dim3A_3 = vector.broadcast %broadcast_in_dim3A_2 : i32 to vector<16xi32>
    %broadcast_in_dim3A_4 = arith.constant 0.000000e+00 : f32
    %broadcast_in_dim3A_5 = vector.broadcast %broadcast_in_dim3A_4 : f32 to vector<16xf32>
    %broadcast_in_dim3A_6 = arith.constant 9.99999993E-9 : f32
    %broadcast_in_dim3A_7 = vector.broadcast %broadcast_in_dim3A_6 : f32 to vector<16xf32>
    %iota3A = tpu.iota {dimensions = array<i32: 0>} : vector<16xi32>
    %add3A_8 = arith.constant 0 : i32
    %add3A_9 = vector.broadcast %add3A_8 : i32 to vector<16xi32>
    %add3A_10 = arith.addi %iota3A, %add3A_9 : vector<16xi32>
    %iota3A_11 = tpu.iota {dimensions = array<i32: 0>} : vector<16xi32>
    %add3A_12 = arith.constant 16 : i32
    %add3A_13 = vector.broadcast %add3A_12 : i32 to vector<16xi32>
    %add3A_14 = arith.addi %iota3A_11, %add3A_13 : vector<16xi32>
    %iota3A_15 = tpu.iota {dimensions = array<i32: 0>} : vector<16xi32>
    %add3A_16 = arith.constant 32 : i32
    %add3A_17 = vector.broadcast %add3A_16 : i32 to vector<16xi32>
    %add3A_18 = arith.addi %iota3A_15, %add3A_17 : vector<16xi32>
    %iota3A_19 = tpu.iota {dimensions = array<i32: 0>} : vector<16xi32>
    %add3A_20 = arith.constant 48 : i32
    %add3A_21 = vector.broadcast %add3A_20 : i32 to vector<16xi32>
    %add3A_22 = arith.addi %iota3A_19, %add3A_21 : vector<16xi32>
    %iota3A_23 = tpu.iota {dimensions = array<i32: 0>} : vector<16xi32>
    %add3A_24 = arith.constant 64 : i32
    %add3A_25 = vector.broadcast %add3A_24 : i32 to vector<16xi32>
    %add3A_26 = arith.addi %iota3A_23, %add3A_25 : vector<16xi32>
    %iota3A_27 = tpu.iota {dimensions = array<i32: 0>} : vector<16xi32>
    %add3A_28 = arith.constant 80 : i32
    %add3A_29 = vector.broadcast %add3A_28 : i32 to vector<16xi32>
    %add3A_30 = arith.addi %iota3A_27, %add3A_29 : vector<16xi32>
    %iota3A_31 = tpu.iota {dimensions = array<i32: 0>} : vector<16xi32>
    %add3A_32 = arith.constant 96 : i32
    %add3A_33 = vector.broadcast %add3A_32 : i32 to vector<16xi32>
    %add3A_34 = arith.addi %iota3A_31, %add3A_33 : vector<16xi32>
    %iota3A_35 = tpu.iota {dimensions = array<i32: 0>} : vector<16xi32>
    %add3A_36 = arith.constant 112 : i32
    %add3A_37 = vector.broadcast %add3A_36 : i32 to vector<16xi32>
    %add3A_38 = arith.addi %iota3A_35, %add3A_37 : vector<16xi32>
    %mul3A_39 = arith.constant 1024 : i32
    %mul3A_40 = arith.muli %add3A, %mul3A_39 : i32
    %add3A_41 = arith.constant 0 : i32
    %add3A_42 = arith.addi %mul3A_40, %add3A_41 : i32
    "tpu.region"() ({
      %run_scoped3A = tpu.sem_alloc : memref<!tpu.dma_semaphore, #tpu.memory_space<semaphore_mem>>
      %dma_start3A = arith.constant 0 : i32
      %dma_start3A_405 = tpu.memref_slice %arg2[%add3A_42, %dma_start3A] : memref<32768x64xf32, #tpu.memory_space<hbm>> -> memref<128x64xf32, #tpu.memory_space<hbm>>
      %dma_start3A_406 = arith.constant 0 : i32
      %dma_start3A_407 = tpu.memref_slice %arg2[%add3A_42, %dma_start3A_406] : memref<32768x64xf32, #tpu.memory_space<hbm>> -> memref<128x64xf32, #tpu.memory_space<hbm>>
      tpu.enqueue_dma source(%dma_start3A_407 : memref<128x64xf32, #tpu.memory_space<hbm>>) target(%arg6 : memref<128x64xf32, #tpu.memory_space<vmem>>) target_semaphore(%run_scoped3A : memref<!tpu.dma_semaphore, #tpu.memory_space<semaphore_mem>>)
      %dma_wait3A = arith.constant 0 : i32
      %dma_wait3A_408 = tpu.memref_slice %arg2[%add3A_42, %dma_wait3A] : memref<32768x64xf32, #tpu.memory_space<hbm>> -> memref<128x64xf32, #tpu.memory_space<hbm>>
      %dma_wait3A_409 = arith.constant 0 : i32
      %dma_wait3A_410 = tpu.memref_slice %arg2[%add3A_42, %dma_wait3A_409] : memref<32768x64xf32, #tpu.memory_space<hbm>> -> memref<128x64xf32, #tpu.memory_space<hbm>>
      tpu.wait_dma2 semaphore(%run_scoped3A : memref<!tpu.dma_semaphore, #tpu.memory_space<semaphore_mem>>) src(%dma_wait3A_410 : memref<128x64xf32, #tpu.memory_space<hbm>>) dst(%arg6 : memref<128x64xf32, #tpu.memory_space<vmem>>)
      tpu.yield
    }) : () -> ()
    %broadcast_in_dim3A_43 = arith.constant -1.000000e+00 : f32
    %broadcast_in_dim3A_44 = vector.broadcast %broadcast_in_dim3A_43 : f32 to vector<16xf32>
    %broadcast_in_dim3A_45 = arith.constant 0 : i32
    %broadcast_in_dim3A_46 = vector.broadcast %broadcast_in_dim3A_45 : i32 to vector<16xi32>
    %scan3A = arith.constant 0 : i32
    %scan3A_47 = arith.constant 64 : i32
    %scan3A_48 = arith.addi %scan3A, %scan3A_47 : i32
    %scan3A_49 = arith.constant 1 : i32
    %scan3A_50:32 = scf.for %scan3A_405 = %scan3A to %scan3A_48 step %scan3A_49 iter_args(%scan3A_406 = %broadcast_in_dim3A_44, %scan3A_407 = %broadcast_in_dim3A_44, %scan3A_408 = %broadcast_in_dim3A_46, %scan3A_409 = %broadcast_in_dim3A_46, %scan3A_410 = %broadcast_in_dim3A_44, %scan3A_411 = %broadcast_in_dim3A_44, %scan3A_412 = %broadcast_in_dim3A_46, %scan3A_413 = %broadcast_in_dim3A_46, %scan3A_414 = %broadcast_in_dim3A_44, %scan3A_415 = %broadcast_in_dim3A_44, %scan3A_416 = %broadcast_in_dim3A_46, %scan3A_417 = %broadcast_in_dim3A_46, %scan3A_418 = %broadcast_in_dim3A_44, %scan3A_419 = %broadcast_in_dim3A_44, %scan3A_420 = %broadcast_in_dim3A_46, %scan3A_421 = %broadcast_in_dim3A_46, %scan3A_422 = %broadcast_in_dim3A_44, %scan3A_423 = %broadcast_in_dim3A_44, %scan3A_424 = %broadcast_in_dim3A_46, %scan3A_425 = %broadcast_in_dim3A_46, %scan3A_426 = %broadcast_in_dim3A_44, %scan3A_427 = %broadcast_in_dim3A_44, %scan3A_428 = %broadcast_in_dim3A_46, %scan3A_429 = %broadcast_in_dim3A_46, %scan3A_430 = %broadcast_in_dim3A_44, %scan3A_431 = %broadcast_in_dim3A_44, %scan3A_432 = %broadcast_in_dim3A_46, %scan3A_433 = %broadcast_in_dim3A_46, %scan3A_434 = %broadcast_in_dim3A_44, %scan3A_435 = %broadcast_in_dim3A_44, %scan3A_436 = %broadcast_in_dim3A_46, %scan3A_437 = %broadcast_in_dim3A_46) -> (vector<16xf32>, vector<16xf32>, vector<16xi32>, vector<16xi32>, vector<16xf32>, vector<16xf32>, vector<16xi32>, vector<16xi32>, vector<16xf32>, vector<16xf32>, vector<16xi32>, vector<16xi32>, vector<16xf32>, vector<16xf32>, vector<16xi32>, vector<16xi32>, vector<16xf32>, vector<16xf32>, vector<16xi32>, vector<16xi32>, vector<16xf32>, vector<16xf32>, vector<16xi32>, vector<16xi32>, vector<16xf32>, vector<16xf32>, vector<16xi32>, vector<16xi32>, vector<16xf32>, vector<16xf32>, vector<16xi32>, vector<16xi32>)  : i32 {
      %broadcast_in_dim3A_438 = vector.broadcast %scan3A_405 : i32 to vector<16xi32>
      %gather3A = tpu.vector_load_idx %arg6[%add3A_10, %broadcast_in_dim3A_438] : memref<128x64xf32, #tpu.memory_space<vmem>>[vector<16xi32>, vector<16xi32>], vector<16xf32>,
      %gt3A = arith.cmpf ogt, %gather3A, %scan3A_406 : vector<16xf32>
      %gt3A_439 = arith.cmpf ogt, %gather3A, %scan3A_407 : vector<16xf32>
      %select_n3A = arith.select %gt3A_439, %gather3A, %scan3A_407 : vector<16xi1>, vector<16xf32>
      %select_n3A_440 = arith.select %gt3A, %scan3A_406, %select_n3A : vector<16xi1>, vector<16xf32>
      %select_n3A_441 = arith.select %gt3A_439, %broadcast_in_dim3A_438, %scan3A_409 : vector<16xi1>, vector<16xi32>
      %select_n3A_442 = arith.select %gt3A, %scan3A_408, %select_n3A_441 : vector<16xi1>, vector<16xi32>
      %select_n3A_443 = arith.select %gt3A, %gather3A, %scan3A_406 : vector<16xi1>, vector<16xf32>
      %select_n3A_444 = arith.select %gt3A, %broadcast_in_dim3A_438, %scan3A_408 : vector<16xi1>, vector<16xi32>
      %gather3A_445 = tpu.vector_load_idx %arg6[%add3A_14, %broadcast_in_dim3A_438] : memref<128x64xf32, #tpu.memory_space<vmem>>[vector<16xi32>, vector<16xi32>], vector<16xf32>,
      %gt3A_446 = arith.cmpf ogt, %gather3A_445, %scan3A_410 : vector<16xf32>
      %gt3A_447 = arith.cmpf ogt, %gather3A_445, %scan3A_411 : vector<16xf32>
      %select_n3A_448 = arith.select %gt3A_447, %gather3A_445, %scan3A_411 : vector<16xi1>, vector<16xf32>
      %select_n3A_449 = arith.select %gt3A_446, %scan3A_410, %select_n3A_448 : vector<16xi1>, vector<16xf32>
      %select_n3A_450 = arith.select %gt3A_447, %broadcast_in_dim3A_438, %scan3A_413 : vector<16xi1>, vector<16xi32>
      %select_n3A_451 = arith.select %gt3A_446, %scan3A_412, %select_n3A_450 : vector<16xi1>, vector<16xi32>
      %select_n3A_452 = arith.select %gt3A_446, %gather3A_445, %scan3A_410 : vector<16xi1>, vector<16xf32>
      %select_n3A_453 = arith.select %gt3A_446, %broadcast_in_dim3A_438, %scan3A_412 : vector<16xi1>, vector<16xi32>
      %gather3A_454 = tpu.vector_load_idx %arg6[%add3A_18, %broadcast_in_dim3A_438] : memref<128x64xf32, #tpu.memory_space<vmem>>[vector<16xi32>, vector<16xi32>], vector<16xf32>,
      %gt3A_455 = arith.cmpf ogt, %gather3A_454, %scan3A_414 : vector<16xf32>
      %gt3A_456 = arith.cmpf ogt, %gather3A_454, %scan3A_415 : vector<16xf32>
      %select_n3A_457 = arith.select %gt3A_456, %gather3A_454, %scan3A_415 : vector<16xi1>, vector<16xf32>
      %select_n3A_458 = arith.select %gt3A_455, %scan3A_414, %select_n3A_457 : vector<16xi1>, vector<16xf32>
      %select_n3A_459 = arith.select %gt3A_456, %broadcast_in_dim3A_438, %scan3A_417 : vector<16xi1>, vector<16xi32>
      %select_n3A_460 = arith.select %gt3A_455, %scan3A_416, %select_n3A_459 : vector<16xi1>, vector<16xi32>
      %select_n3A_461 = arith.select %gt3A_455, %gather3A_454, %scan3A_414 : vector<16xi1>, vector<16xf32>
      %select_n3A_462 = arith.select %gt3A_455, %broadcast_in_dim3A_438, %scan3A_416 : vector<16xi1>, vector<16xi32>
      %gather3A_463 = tpu.vector_load_idx %arg6[%add3A_22, %broadcast_in_dim3A_438] : memref<128x64xf32, #tpu.memory_space<vmem>>[vector<16xi32>, vector<16xi32>], vector<16xf32>,
      %gt3A_464 = arith.cmpf ogt, %gather3A_463, %scan3A_418 : vector<16xf32>
      %gt3A_465 = arith.cmpf ogt, %gather3A_463, %scan3A_419 : vector<16xf32>
      %select_n3A_466 = arith.select %gt3A_465, %gather3A_463, %scan3A_419 : vector<16xi1>, vector<16xf32>
      %select_n3A_467 = arith.select %gt3A_464, %scan3A_418, %select_n3A_466 : vector<16xi1>, vector<16xf32>
      %select_n3A_468 = arith.select %gt3A_465, %broadcast_in_dim3A_438, %scan3A_421 : vector<16xi1>, vector<16xi32>
      %select_n3A_469 = arith.select %gt3A_464, %scan3A_420, %select_n3A_468 : vector<16xi1>, vector<16xi32>
      %select_n3A_470 = arith.select %gt3A_464, %gather3A_463, %scan3A_418 : vector<16xi1>, vector<16xf32>
      %select_n3A_471 = arith.select %gt3A_464, %broadcast_in_dim3A_438, %scan3A_420 : vector<16xi1>, vector<16xi32>
      %gather3A_472 = tpu.vector_load_idx %arg6[%add3A_26, %broadcast_in_dim3A_438] : memref<128x64xf32, #tpu.memory_space<vmem>>[vector<16xi32>, vector<16xi32>], vector<16xf32>,
      %gt3A_473 = arith.cmpf ogt, %gather3A_472, %scan3A_422 : vector<16xf32>
      %gt3A_474 = arith.cmpf ogt, %gather3A_472, %scan3A_423 : vector<16xf32>
      %select_n3A_475 = arith.select %gt3A_474, %gather3A_472, %scan3A_423 : vector<16xi1>, vector<16xf32>
      %select_n3A_476 = arith.select %gt3A_473, %scan3A_422, %select_n3A_475 : vector<16xi1>, vector<16xf32>
      %select_n3A_477 = arith.select %gt3A_474, %broadcast_in_dim3A_438, %scan3A_425 : vector<16xi1>, vector<16xi32>
      %select_n3A_478 = arith.select %gt3A_473, %scan3A_424, %select_n3A_477 : vector<16xi1>, vector<16xi32>
      %select_n3A_479 = arith.select %gt3A_473, %gather3A_472, %scan3A_422 : vector<16xi1>, vector<16xf32>
      %select_n3A_480 = arith.select %gt3A_473, %broadcast_in_dim3A_438, %scan3A_424 : vector<16xi1>, vector<16xi32>
      %gather3A_481 = tpu.vector_load_idx %arg6[%add3A_30, %broadcast_in_dim3A_438] : memref<128x64xf32, #tpu.memory_space<vmem>>[vector<16xi32>, vector<16xi32>], vector<16xf32>,
      %gt3A_482 = arith.cmpf ogt, %gather3A_481, %scan3A_426 : vector<16xf32>
      %gt3A_483 = arith.cmpf ogt, %gather3A_481, %scan3A_427 : vector<16xf32>
      %select_n3A_484 = arith.select %gt3A_483, %gather3A_481, %scan3A_427 : vector<16xi1>, vector<16xf32>
      %select_n3A_485 = arith.select %gt3A_482, %scan3A_426, %select_n3A_484 : vector<16xi1>, vector<16xf32>
      %select_n3A_486 = arith.select %gt3A_483, %broadcast_in_dim3A_438, %scan3A_429 : vector<16xi1>, vector<16xi32>
      %select_n3A_487 = arith.select %gt3A_482, %scan3A_428, %select_n3A_486 : vector<16xi1>, vector<16xi32>
      %select_n3A_488 = arith.select %gt3A_482, %gather3A_481, %scan3A_426 : vector<16xi1>, vector<16xf32>
      %select_n3A_489 = arith.select %gt3A_482, %broadcast_in_dim3A_438, %scan3A_428 : vector<16xi1>, vector<16xi32>
      %gather3A_490 = tpu.vector_load_idx %arg6[%add3A_34, %broadcast_in_dim3A_438] : memref<128x64xf32, #tpu.memory_space<vmem>>[vector<16xi32>, vector<16xi32>], vector<16xf32>,
      %gt3A_491 = arith.cmpf ogt, %gather3A_490, %scan3A_430 : vector<16xf32>
      %gt3A_492 = arith.cmpf ogt, %gather3A_490, %scan3A_431 : vector<16xf32>
      %select_n3A_493 = arith.select %gt3A_492, %gather3A_490, %scan3A_431 : vector<16xi1>, vector<16xf32>
      %select_n3A_494 = arith.select %gt3A_491, %scan3A_430, %select_n3A_493 : vector<16xi1>, vector<16xf32>
      %select_n3A_495 = arith.select %gt3A_492, %broadcast_in_dim3A_438, %scan3A_433 : vector<16xi1>, vector<16xi32>
      %select_n3A_496 = arith.select %gt3A_491, %scan3A_432, %select_n3A_495 : vector<16xi1>, vector<16xi32>
      %select_n3A_497 = arith.select %gt3A_491, %gather3A_490, %scan3A_430 : vector<16xi1>, vector<16xf32>
      %select_n3A_498 = arith.select %gt3A_491, %broadcast_in_dim3A_438, %scan3A_432 : vector<16xi1>, vector<16xi32>
      %gather3A_499 = tpu.vector_load_idx %arg6[%add3A_38, %broadcast_in_dim3A_438] : memref<128x64xf32, #tpu.memory_space<vmem>>[vector<16xi32>, vector<16xi32>], vector<16xf32>,
      %gt3A_500 = arith.cmpf ogt, %gather3A_499, %scan3A_434 : vector<16xf32>
      %gt3A_501 = arith.cmpf ogt, %gather3A_499, %scan3A_435 : vector<16xf32>
      %select_n3A_502 = arith.select %gt3A_501, %gather3A_499, %scan3A_435 : vector<16xi1>, vector<16xf32>
      %select_n3A_503 = arith.select %gt3A_500, %scan3A_434, %select_n3A_502 : vector<16xi1>, vector<16xf32>
      %select_n3A_504 = arith.select %gt3A_501, %broadcast_in_dim3A_438, %scan3A_437 : vector<16xi1>, vector<16xi32>
      %select_n3A_505 = arith.select %gt3A_500, %scan3A_436, %select_n3A_504 : vector<16xi1>, vector<16xi32>
      %select_n3A_506 = arith.select %gt3A_500, %gather3A_499, %scan3A_434 : vector<16xi1>, vector<16xf32>
      %select_n3A_507 = arith.select %gt3A_500, %broadcast_in_dim3A_438, %scan3A_436 : vector<16xi1>, vector<16xi32>
      scf.yield %select_n3A_443, %select_n3A_440, %select_n3A_444, %select_n3A_442, %select_n3A_452, %select_n3A_449, %select_n3A_453, %select_n3A_451, %select_n3A_461, %select_n3A_458, %select_n3A_462, %select_n3A_460, %select_n3A_470, %select_n3A_467, %select_n3A_471, %select_n3A_469, %select_n3A_479, %select_n3A_476, %select_n3A_480, %select_n3A_478, %select_n3A_488, %select_n3A_485, %select_n3A_489, %select_n3A_487, %select_n3A_497, %select_n3A_494, %select_n3A_498, %select_n3A_496, %select_n3A_506, %select_n3A_503, %select_n3A_507, %select_n3A_505 : vector<16xf32>, vector<16xf32>, vector<16xi32>, vector<16xi32>, vector<16xf32>, vector<16xf32>, vector<16xi32>, vector<16xi32>, vector<16xf32>, vector<16xf32>, vector<16xi32>, vector<16xi32>, vector<16xf32>, vector<16xf32>, vector<16xi32>, vector<16xi32>, vector<16xf32>, vector<16xf32>, vector<16xi32>, vector<16xi32>, vector<16xf32>, vector<16xf32>, vector<16xi32>, vector<16xi32>, vector<16xf32>, vector<16xf32>, vector<16xi32>, vector<16xi32>, vector<16xf32>, vector<16xf32>, vector<16xi32>, vector<16xi32>
    }
    %scan3A_51 = arith.constant 64 : i32
    %add3A_52 = arith.addf %scan3A_50#0, %scan3A_50#1 : vector<16xf32>
    %add3A_53 = arith.addf %add3A_52, %broadcast_in_dim3A_7 : vector<16xf32>
    %div3A = arith.divf %scan3A_50#0, %add3A_53 : vector<16xf32>
    tpu.vector_store_idx %arg7[%add3A_10, %scan3A_50#2], %div3A : memref<128x64xf32, #tpu.memory_space<vmem>>[vector<16xi32>, vector<16xi32>], vector<16xf32>,
    %div3A_54 = arith.divf %scan3A_50#1, %add3A_53 : vector<16xf32>
    tpu.vector_store_idx %arg7[%add3A_10, %scan3A_50#3], %div3A_54 : memref<128x64xf32, #tpu.memory_space<vmem>>[vector<16xi32>, vector<16xi32>], vector<16xf32>,
    tpu.vector_store_idx %arg8[%add3A_10, %broadcast_in_dim3A_1], %scan3A_50#2 : memref<128x2xi32, #tpu.memory_space<vmem>>[vector<16xi32>, vector<16xi32>], vector<16xi32>,
    tpu.vector_store_idx %arg8[%add3A_10, %broadcast_in_dim3A_3], %scan3A_50#3 : memref<128x2xi32, #tpu.memory_space<vmem>>[vector<16xi32>, vector<16xi32>], vector<16xi32>,
    %add3A_55 = arith.addf %scan3A_50#4, %scan3A_50#5 : vector<16xf32>
    %add3A_56 = arith.addf %add3A_55, %broadcast_in_dim3A_7 : vector<16xf32>
    %div3A_57 = arith.divf %scan3A_50#4, %add3A_56 : vector<16xf32>
    tpu.vector_store_idx %arg7[%add3A_14, %scan3A_50#6], %div3A_57 : memref<128x64xf32, #tpu.memory_space<vmem>>[vector<16xi32>, vector<16xi32>], vector<16xf32>,
    %div3A_58 = arith.divf %scan3A_50#5, %add3A_56 : vector<16xf32>
    tpu.vector_store_idx %arg7[%add3A_14, %scan3A_50#7], %div3A_58 : memref<128x64xf32, #tpu.memory_space<vmem>>[vector<16xi32>, vector<16xi32>], vector<16xf32>,
    tpu.vector_store_idx %arg8[%add3A_14, %broadcast_in_dim3A_1], %scan3A_50#6 : memref<128x2xi32, #tpu.memory_space<vmem>>[vector<16xi32>, vector<16xi32>], vector<16xi32>,
    tpu.vector_store_idx %arg8[%add3A_14, %broadcast_in_dim3A_3], %scan3A_50#7 : memref<128x2xi32, #tpu.memory_space<vmem>>[vector<16xi32>, vector<16xi32>], vector<16xi32>,
    %add3A_59 = arith.addf %scan3A_50#8, %scan3A_50#9 : vector<16xf32>
    %add3A_60 = arith.addf %add3A_59, %broadcast_in_dim3A_7 : vector<16xf32>
    %div3A_61 = arith.divf %scan3A_50#8, %add3A_60 : vector<16xf32>
    tpu.vector_store_idx %arg7[%add3A_18, %scan3A_50#10], %div3A_61 : memref<128x64xf32, #tpu.memory_space<vmem>>[vector<16xi32>, vector<16xi32>], vector<16xf32>,
    %div3A_62 = arith.divf %scan3A_50#9, %add3A_60 : vector<16xf32>
    tpu.vector_store_idx %arg7[%add3A_18, %scan3A_50#11], %div3A_62 : memref<128x64xf32, #tpu.memory_space<vmem>>[vector<16xi32>, vector<16xi32>], vector<16xf32>,
    tpu.vector_store_idx %arg8[%add3A_18, %broadcast_in_dim3A_1], %scan3A_50#10 : memref<128x2xi32, #tpu.memory_space<vmem>>[vector<16xi32>, vector<16xi32>], vector<16xi32>,
    tpu.vector_store_idx %arg8[%add3A_18, %broadcast_in_dim3A_3], %scan3A_50#11 : memref<128x2xi32, #tpu.memory_space<vmem>>[vector<16xi32>, vector<16xi32>], vector<16xi32>,
    %add3A_63 = arith.addf %scan3A_50#12, %scan3A_50#13 : vector<16xf32>
    %add3A_64 = arith.addf %add3A_63, %broadcast_in_dim3A_7 : vector<16xf32>
    %div3A_65 = arith.divf %scan3A_50#12, %add3A_64 : vector<16xf32>
    tpu.vector_store_idx %arg7[%add3A_22, %scan3A_50#14], %div3A_65 : memref<128x64xf32, #tpu.memory_space<vmem>>[vector<16xi32>, vector<16xi32>], vector<16xf32>,
    %div3A_66 = arith.divf %scan3A_50#13, %add3A_64 : vector<16xf32>
    tpu.vector_store_idx %arg7[%add3A_22, %scan3A_50#15], %div3A_66 : memref<128x64xf32, #tpu.memory_space<vmem>>[vector<16xi32>, vector<16xi32>], vector<16xf32>,
    tpu.vector_store_idx %arg8[%add3A_22, %broadcast_in_dim3A_1], %scan3A_50#14 : memref<128x2xi32, #tpu.memory_space<vmem>>[vector<16xi32>, vector<16xi32>], vector<16xi32>,
    tpu.vector_store_idx %arg8[%add3A_22, %broadcast_in_dim3A_3], %scan3A_50#15 : memref<128x2xi32, #tpu.memory_space<vmem>>[vector<16xi32>, vector<16xi32>], vector<16xi32>,
    %add3A_67 = arith.addf %scan3A_50#16, %scan3A_50#17 : vector<16xf32>
    %add3A_68 = arith.addf %add3A_67, %broadcast_in_dim3A_7 : vector<16xf32>
    %div3A_69 = arith.divf %scan3A_50#16, %add3A_68 : vector<16xf32>
    tpu.vector_store_idx %arg7[%add3A_26, %scan3A_50#18], %div3A_69 : memref<128x64xf32, #tpu.memory_space<vmem>>[vector<16xi32>, vector<16xi32>], vector<16xf32>,
    %div3A_70 = arith.divf %scan3A_50#17, %add3A_68 : vector<16xf32>
    tpu.vector_store_idx %arg7[%add3A_26, %scan3A_50#19], %div3A_70 : memref<128x64xf32, #tpu.memory_space<vmem>>[vector<16xi32>, vector<16xi32>], vector<16xf32>,
    tpu.vector_store_idx %arg8[%add3A_26, %broadcast_in_dim3A_1], %scan3A_50#18 : memref<128x2xi32, #tpu.memory_space<vmem>>[vector<16xi32>, vector<16xi32>], vector<16xi32>,
    tpu.vector_store_idx %arg8[%add3A_26, %broadcast_in_dim3A_3], %scan3A_50#19 : memref<128x2xi32, #tpu.memory_space<vmem>>[vector<16xi32>, vector<16xi32>], vector<16xi32>,
    %add3A_71 = arith.addf %scan3A_50#20, %scan3A_50#21 : vector<16xf32>
    %add3A_72 = arith.addf %add3A_71, %broadcast_in_dim3A_7 : vector<16xf32>
    %div3A_73 = arith.divf %scan3A_50#20, %add3A_72 : vector<16xf32>
    tpu.vector_store_idx %arg7[%add3A_30, %scan3A_50#22], %div3A_73 : memref<128x64xf32, #tpu.memory_space<vmem>>[vector<16xi32>, vector<16xi32>], vector<16xf32>,
    %div3A_74 = arith.divf %scan3A_50#21, %add3A_72 : vector<16xf32>
    tpu.vector_store_idx %arg7[%add3A_30, %scan3A_50#23], %div3A_74 : memref<128x64xf32, #tpu.memory_space<vmem>>[vector<16xi32>, vector<16xi32>], vector<16xf32>,
    tpu.vector_store_idx %arg8[%add3A_30, %broadcast_in_dim3A_1], %scan3A_50#22 : memref<128x2xi32, #tpu.memory_space<vmem>>[vector<16xi32>, vector<16xi32>], vector<16xi32>,
    tpu.vector_store_idx %arg8[%add3A_30, %broadcast_in_dim3A_3], %scan3A_50#23 : memref<128x2xi32, #tpu.memory_space<vmem>>[vector<16xi32>, vector<16xi32>], vector<16xi32>,
    %add3A_75 = arith.addf %scan3A_50#24, %scan3A_50#25 : vector<16xf32>
    %add3A_76 = arith.addf %add3A_75, %broadcast_in_dim3A_7 : vector<16xf32>
    %div3A_77 = arith.divf %scan3A_50#24, %add3A_76 : vector<16xf32>
    tpu.vector_store_idx %arg7[%add3A_34, %scan3A_50#26], %div3A_77 : memref<128x64xf32, #tpu.memory_space<vmem>>[vector<16xi32>, vector<16xi32>], vector<16xf32>,
    %div3A_78 = arith.divf %scan3A_50#25, %add3A_76 : vector<16xf32>
    tpu.vector_store_idx %arg7[%add3A_34, %scan3A_50#27], %div3A_78 : memref<128x64xf32, #tpu.memory_space<vmem>>[vector<16xi32>, vector<16xi32>], vector<16xf32>,
    tpu.vector_store_idx %arg8[%add3A_34, %broadcast_in_dim3A_1], %scan3A_50#26 : memref<128x2xi32, #tpu.memory_space<vmem>>[vector<16xi32>, vector<16xi32>], vector<16xi32>,
    tpu.vector_store_idx %arg8[%add3A_34, %broadcast_in_dim3A_3], %scan3A_50#27 : memref<128x2xi32, #tpu.memory_space<vmem>>[vector<16xi32>, vector<16xi32>], vector<16xi32>,
    %add3A_79 = arith.addf %scan3A_50#28, %scan3A_50#29 : vector<16xf32>
    %add3A_80 = arith.addf %add3A_79, %broadcast_in_dim3A_7 : vector<16xf32>
    %div3A_81 = arith.divf %scan3A_50#28, %add3A_80 : vector<16xf32>
    tpu.vector_store_idx %arg7[%add3A_38, %scan3A_50#30], %div3A_81 : memref<128x64xf32, #tpu.memory_space<vmem>>[vector<16xi32>, vector<16xi32>], vector<16xf32>,
    %div3A_82 = arith.divf %scan3A_50#29, %add3A_80 : vector<16xf32>
    tpu.vector_store_idx %arg7[%add3A_38, %scan3A_50#31], %div3A_82 : memref<128x64xf32, #tpu.memory_space<vmem>>[vector<16xi32>, vector<16xi32>], vector<16xf32>,
    tpu.vector_store_idx %arg8[%add3A_38, %broadcast_in_dim3A_1], %scan3A_50#30 : memref<128x2xi32, #tpu.memory_space<vmem>>[vector<16xi32>, vector<16xi32>], vector<16xi32>,
    tpu.vector_store_idx %arg8[%add3A_38, %broadcast_in_dim3A_3], %scan3A_50#31 : memref<128x2xi32, #tpu.memory_space<vmem>>[vector<16xi32>, vector<16xi32>], vector<16xi32>,
    "tpu.region"() ({
      %run_scoped3A = tpu.sem_alloc : memref<!tpu.dma_semaphore, #tpu.memory_space<semaphore_mem>>
      %dma_start3A = arith.constant 0 : i32
      %dma_start3A_405 = tpu.memref_slice %arg4[%add3A_42, %dma_start3A] : memref<32768x64xf32, #tpu.memory_space<hbm>> -> memref<128x64xf32, #tpu.memory_space<hbm>>
      %dma_start3A_406 = arith.constant 0 : i32
      %dma_start3A_407 = tpu.memref_slice %arg4[%add3A_42, %dma_start3A_406] : memref<32768x64xf32, #tpu.memory_space<hbm>> -> memref<128x64xf32, #tpu.memory_space<hbm>>
      tpu.enqueue_dma source(%arg7 : memref<128x64xf32, #tpu.memory_space<vmem>>) target(%dma_start3A_407 : memref<128x64xf32, #tpu.memory_space<hbm>>) target_semaphore(%run_scoped3A : memref<!tpu.dma_semaphore, #tpu.memory_space<semaphore_mem>>)
      %dma_wait3A = arith.constant 0 : i32
      %dma_wait3A_408 = tpu.memref_slice %arg4[%add3A_42, %dma_wait3A] : memref<32768x64xf32, #tpu.memory_space<hbm>> -> memref<128x64xf32, #tpu.memory_space<hbm>>
      %dma_wait3A_409 = arith.constant 0 : i32
      %dma_wait3A_410 = tpu.memref_slice %arg4[%add3A_42, %dma_wait3A_409] : memref<32768x64xf32, #tpu.memory_space<hbm>> -> memref<128x64xf32, #tpu.memory_space<hbm>>
      tpu.wait_dma2 semaphore(%run_scoped3A : memref<!tpu.dma_semaphore, #tpu.memory_space<semaphore_mem>>) src(%arg7 : memref<128x64xf32, #tpu.memory_space<vmem>>) dst(%dma_wait3A_410 : memref<128x64xf32, #tpu.memory_space<hbm>>)
      tpu.yield
    }) : () -> ()
    "tpu.region"() ({
      %run_scoped3A = tpu.sem_alloc : memref<!tpu.dma_semaphore, #tpu.memory_space<semaphore_mem>>
      %dma_start3A = arith.constant 0 : i32
      %dma_start3A_405 = tpu.memref_slice %arg5[%add3A_42, %dma_start3A] : memref<32768x2xi32, #tpu.memory_space<hbm>> -> memref<128x2xi32, #tpu.memory_space<hbm>>
      %dma_start3A_406 = arith.constant 0 : i32
      %dma_start3A_407 = tpu.memref_slice %arg5[%add3A_42, %dma_start3A_406] : memref<32768x2xi32, #tpu.memory_space<hbm>> -> memref<128x2xi32, #tpu.memory_space<hbm>>
      tpu.enqueue_dma source(%arg8 : memref<128x2xi32, #tpu.memory_space<vmem>>) target(%dma_start3A_407 : memref<128x2xi32, #tpu.memory_space<hbm>>) target_semaphore(%run_scoped3A : memref<!tpu.dma_semaphore, #tpu.memory_space<semaphore_mem>>)
      %dma_wait3A = arith.constant 0 : i32
      %dma_wait3A_408 = tpu.memref_slice %arg5[%add3A_42, %dma_wait3A] : memref<32768x2xi32, #tpu.memory_space<hbm>> -> memref<128x2xi32, #tpu.memory_space<hbm>>
      %dma_wait3A_409 = arith.constant 0 : i32
      %dma_wait3A_410 = tpu.memref_slice %arg5[%add3A_42, %dma_wait3A_409] : memref<32768x2xi32, #tpu.memory_space<hbm>> -> memref<128x2xi32, #tpu.memory_space<hbm>>
      tpu.wait_dma2 semaphore(%run_scoped3A : memref<!tpu.dma_semaphore, #tpu.memory_space<semaphore_mem>>) src(%arg8 : memref<128x2xi32, #tpu.memory_space<vmem>>) dst(%dma_wait3A_410 : memref<128x2xi32, #tpu.memory_space<hbm>>)
      tpu.yield
    }) : () -> ()
    tpu.vector_store_idx %arg7[%add3A_10, %scan3A_50#2], %broadcast_in_dim3A_5 : memref<128x64xf32, #tpu.memory_space<vmem>>[vector<16xi32>, vector<16xi32>], vector<16xf32>,
    tpu.vector_store_idx %arg7[%add3A_10, %scan3A_50#3], %broadcast_in_dim3A_5 : memref<128x64xf32, #tpu.memory_space<vmem>>[vector<16xi32>, vector<16xi32>], vector<16xf32>,
    tpu.vector_store_idx %arg7[%add3A_14, %scan3A_50#6], %broadcast_in_dim3A_5 : memref<128x64xf32, #tpu.memory_space<vmem>>[vector<16xi32>, vector<16xi32>], vector<16xf32>,
    tpu.vector_store_idx %arg7[%add3A_14, %scan3A_50#7], %broadcast_in_dim3A_5 : memref<128x64xf32, #tpu.memory_space<vmem>>[vector<16xi32>, vector<16xi32>], vector<16xf32>,
    tpu.vector_store_idx %arg7[%add3A_18, %scan3A_50#10], %broadcast_in_dim3A_5 : memref<128x64xf32, #tpu.memory_space<vmem>>[vector<16xi32>, vector<16xi32>], vector<16xf32>,
    tpu.vector_store_idx %arg7[%add3A_18, %scan3A_50#11], %broadcast_in_dim3A_5 : memref<128x64xf32, #tpu.memory_space<vmem>>[vector<16xi32>, vector<16xi32>], vector<16xf32>,
    tpu.vector_store_idx %arg7[%add3A_22, %scan3A_50#14], %broadcast_in_dim3A_5 : memref<128x64xf32, #tpu.memory_space<vmem>>[vector<16xi32>, vector<16xi32>], vector<16xf32>,
    tpu.vector_store_idx %arg7[%add3A_22, %scan3A_50#15], %broadcast_in_dim3A_5 : memref<128x64xf32, #tpu.memory_space<vmem>>[vector<16xi32>, vector<16xi32>], vector<16xf32>,
    tpu.vector_store_idx %arg7[%add3A_26, %scan3A_50#18], %broadcast_in_dim3A_5 : memref<128x64xf32, #tpu.memory_space<vmem>>[vector<16xi32>, vector<16xi32>], vector<16xf32>,
    tpu.vector_store_idx %arg7[%add3A_26, %scan3A_50#19], %broadcast_in_dim3A_5 : memref<128x64xf32, #tpu.memory_space<vmem>>[vector<16xi32>, vector<16xi32>], vector<16xf32>,
    tpu.vector_store_idx %arg7[%add3A_30, %scan3A_50#22], %broadcast_in_dim3A_5 : memref<128x64xf32, #tpu.memory_space<vmem>>[vector<16xi32>, vector<16xi32>], vector<16xf32>,
    tpu.vector_store_idx %arg7[%add3A_30, %scan3A_50#23], %broadcast_in_dim3A_5 : memref<128x64xf32, #tpu.memory_space<vmem>>[vector<16xi32>, vector<16xi32>], vector<16xf32>,
    tpu.vector_store_idx %arg7[%add3A_34, %scan3A_50#26], %broadcast_in_dim3A_5 : memref<128x64xf32, #tpu.memory_space<vmem>>[vector<16xi32>, vector<16xi32>], vector<16xf32>,
    tpu.vector_store_idx %arg7[%add3A_34, %scan3A_50#27], %broadcast_in_dim3A_5 : memref<128x64xf32, #tpu.memory_space<vmem>>[vector<16xi32>, vector<16xi32>], vector<16xf32>,
    tpu.vector_store_idx %arg7[%add3A_38, %scan3A_50#30], %broadcast_in_dim3A_5 : memref<128x64xf32, #tpu.memory_space<vmem>>[vector<16xi32>, vector<16xi32>], vector<16xf32>,
    tpu.vector_store_idx %arg7[%add3A_38, %scan3A_50#31], %broadcast_in_dim3A_5 : memref<128x64xf32, #tpu.memory_space<vmem>>[vector<16xi32>, vector<16xi32>], vector<16xf32>,
    %mul3A_83 = arith.constant 1024 : i32
    %mul3A_84 = arith.muli %add3A, %mul3A_83 : i32
    %add3A_85 = arith.constant 128 : i32
    %add3A_86 = arith.addi %mul3A_84, %add3A_85 : i32
    "tpu.region"() ({
      %run_scoped3A = tpu.sem_alloc : memref<!tpu.dma_semaphore, #tpu.memory_space<semaphore_mem>>
      %dma_start3A = arith.constant 0 : i32
      %dma_start3A_405 = tpu.memref_slice %arg2[%add3A_86, %dma_start3A] : memref<32768x64xf32, #tpu.memory_space<hbm>> -> memref<128x64xf32, #tpu.memory_space<hbm>>
      %dma_start3A_406 = arith.constant 0 : i32
      %dma_start3A_407 = tpu.memref_slice %arg2[%add3A_86, %dma_start3A_406] : memref<32768x64xf32, #tpu.memory_space<hbm>> -> memref<128x64xf32, #tpu.memory_space<hbm>>
      tpu.enqueue_dma source(%dma_start3A_407 : memref<128x64xf32, #tpu.memory_space<hbm>>) target(%arg6 : memref<128x64xf32, #tpu.memory_space<vmem>>) target_semaphore(%run_scoped3A : memref<!tpu.dma_semaphore, #tpu.memory_space<semaphore_mem>>)
      %dma_wait3A = arith.constant 0 : i32
      %dma_wait3A_408 = tpu.memref_slice %arg2[%add3A_86, %dma_wait3A] : memref<32768x64xf32, #tpu.memory_space<hbm>> -> memref<128x64xf32, #tpu.memory_space<hbm>>
      %dma_wait3A_409 = arith.constant 0 : i32
      %dma_wait3A_410 = tpu.memref_slice %arg2[%add3A_86, %dma_wait3A_409] : memref<32768x64xf32, #tpu.memory_space<hbm>> -> memref<128x64xf32, #tpu.memory_space<hbm>>
      tpu.wait_dma2 semaphore(%run_scoped3A : memref<!tpu.dma_semaphore, #tpu.memory_space<semaphore_mem>>) src(%dma_wait3A_410 : memref<128x64xf32, #tpu.memory_space<hbm>>) dst(%arg6 : memref<128x64xf32, #tpu.memory_space<vmem>>)
      tpu.yield
    }) : () -> ()
    %broadcast_in_dim3A_87 = arith.constant -1.000000e+00 : f32
    %broadcast_in_dim3A_88 = vector.broadcast %broadcast_in_dim3A_87 : f32 to vector<16xf32>
    %broadcast_in_dim3A_89 = arith.constant 0 : i32
    %broadcast_in_dim3A_90 = vector.broadcast %broadcast_in_dim3A_89 : i32 to vector<16xi32>
    %scan3A_91 = arith.constant 0 : i32
    %scan3A_92 = arith.constant 64 : i32
    %scan3A_93 = arith.addi %scan3A_91, %scan3A_92 : i32
    %scan3A_94 = arith.constant 1 : i32
    %scan3A_95:32 = scf.for %scan3A_405 = %scan3A_91 to %scan3A_93 step %scan3A_94 iter_args(%scan3A_406 = %broadcast_in_dim3A_88, %scan3A_407 = %broadcast_in_dim3A_88, %scan3A_408 = %broadcast_in_dim3A_90, %scan3A_409 = %broadcast_in_dim3A_90, %scan3A_410 = %broadcast_in_dim3A_88, %scan3A_411 = %broadcast_in_dim3A_88, %scan3A_412 = %broadcast_in_dim3A_90, %scan3A_413 = %broadcast_in_dim3A_90, %scan3A_414 = %broadcast_in_dim3A_88, %scan3A_415 = %broadcast_in_dim3A_88, %scan3A_416 = %broadcast_in_dim3A_90, %scan3A_417 = %broadcast_in_dim3A_90, %scan3A_418 = %broadcast_in_dim3A_88, %scan3A_419 = %broadcast_in_dim3A_88, %scan3A_420 = %broadcast_in_dim3A_90, %scan3A_421 = %broadcast_in_dim3A_90, %scan3A_422 = %broadcast_in_dim3A_88, %scan3A_423 = %broadcast_in_dim3A_88, %scan3A_424 = %broadcast_in_dim3A_90, %scan3A_425 = %broadcast_in_dim3A_90, %scan3A_426 = %broadcast_in_dim3A_88, %scan3A_427 = %broadcast_in_dim3A_88, %scan3A_428 = %broadcast_in_dim3A_90, %scan3A_429 = %broadcast_in_dim3A_90, %scan3A_430 = %broadcast_in_dim3A_88, %scan3A_431 = %broadcast_in_dim3A_88, %scan3A_432 = %broadcast_in_dim3A_90, %scan3A_433 = %broadcast_in_dim3A_90, %scan3A_434 = %broadcast_in_dim3A_88, %scan3A_435 = %broadcast_in_dim3A_88, %scan3A_436 = %broadcast_in_dim3A_90, %scan3A_437 = %broadcast_in_dim3A_90) -> (vector<16xf32>, vector<16xf32>, vector<16xi32>, vector<16xi32>, vector<16xf32>, vector<16xf32>, vector<16xi32>, vector<16xi32>, vector<16xf32>, vector<16xf32>, vector<16xi32>, vector<16xi32>, vector<16xf32>, vector<16xf32>, vector<16xi32>, vector<16xi32>, vector<16xf32>, vector<16xf32>, vector<16xi32>, vector<16xi32>, vector<16xf32>, vector<16xf32>, vector<16xi32>, vector<16xi32>, vector<16xf32>, vector<16xf32>, vector<16xi32>, vector<16xi32>, vector<16xf32>, vector<16xf32>, vector<16xi32>, vector<16xi32>)  : i32 {
      %broadcast_in_dim3A_438 = vector.broadcast %scan3A_405 : i32 to vector<16xi32>
      %gather3A = tpu.vector_load_idx %arg6[%add3A_10, %broadcast_in_dim3A_438] : memref<128x64xf32, #tpu.memory_space<vmem>>[vector<16xi32>, vector<16xi32>], vector<16xf32>,
      %gt3A = arith.cmpf ogt, %gather3A, %scan3A_406 : vector<16xf32>
      %gt3A_439 = arith.cmpf ogt, %gather3A, %scan3A_407 : vector<16xf32>
      %select_n3A = arith.select %gt3A_439, %gather3A, %scan3A_407 : vector<16xi1>, vector<16xf32>
      %select_n3A_440 = arith.select %gt3A, %scan3A_406, %select_n3A : vector<16xi1>, vector<16xf32>
      %select_n3A_441 = arith.select %gt3A_439, %broadcast_in_dim3A_438, %scan3A_409 : vector<16xi1>, vector<16xi32>
      %select_n3A_442 = arith.select %gt3A, %scan3A_408, %select_n3A_441 : vector<16xi1>, vector<16xi32>
      %select_n3A_443 = arith.select %gt3A, %gather3A, %scan3A_406 : vector<16xi1>, vector<16xf32>
      %select_n3A_444 = arith.select %gt3A, %broadcast_in_dim3A_438, %scan3A_408 : vector<16xi1>, vector<16xi32>
      %gather3A_445 = tpu.vector_load_idx %arg6[%add3A_14, %broadcast_in_dim3A_438] : memref<128x64xf32, #tpu.memory_space<vmem>>[vector<16xi32>, vector<16xi32>], vector<16xf32>,
      %gt3A_446 = arith.cmpf ogt, %gather3A_445, %scan3A_410 : vector<16xf32>
      %gt3A_447 = arith.cmpf ogt, %gather3A_445, %scan3A_411 : vector<16xf32>
      %select_n3A_448 = arith.select %gt3A_447, %gather3A_445, %scan3A_411 : vector<16xi1>, vector<16xf32>
      %select_n3A_449 = arith.select %gt3A_446, %scan3A_410, %select_n3A_448 : vector<16xi1>, vector<16xf32>
      %select_n3A_450 = arith.select %gt3A_447, %broadcast_in_dim3A_438, %scan3A_413 : vector<16xi1>, vector<16xi32>
      %select_n3A_451 = arith.select %gt3A_446, %scan3A_412, %select_n3A_450 : vector<16xi1>, vector<16xi32>
      %select_n3A_452 = arith.select %gt3A_446, %gather3A_445, %scan3A_410 : vector<16xi1>, vector<16xf32>
      %select_n3A_453 = arith.select %gt3A_446, %broadcast_in_dim3A_438, %scan3A_412 : vector<16xi1>, vector<16xi32>
      %gather3A_454 = tpu.vector_load_idx %arg6[%add3A_18, %broadcast_in_dim3A_438] : memref<128x64xf32, #tpu.memory_space<vmem>>[vector<16xi32>, vector<16xi32>], vector<16xf32>,
      %gt3A_455 = arith.cmpf ogt, %gather3A_454, %scan3A_414 : vector<16xf32>
      %gt3A_456 = arith.cmpf ogt, %gather3A_454, %scan3A_415 : vector<16xf32>
      %select_n3A_457 = arith.select %gt3A_456, %gather3A_454, %scan3A_415 : vector<16xi1>, vector<16xf32>
      %select_n3A_458 = arith.select %gt3A_455, %scan3A_414, %select_n3A_457 : vector<16xi1>, vector<16xf32>
      %select_n3A_459 = arith.select %gt3A_456, %broadcast_in_dim3A_438, %scan3A_417 : vector<16xi1>, vector<16xi32>
      %select_n3A_460 = arith.select %gt3A_455, %scan3A_416, %select_n3A_459 : vector<16xi1>, vector<16xi32>
      %select_n3A_461 = arith.select %gt3A_455, %gather3A_454, %scan3A_414 : vector<16xi1>, vector<16xf32>
      %select_n3A_462 = arith.select %gt3A_455, %broadcast_in_dim3A_438, %scan3A_416 : vector<16xi1>, vector<16xi32>
      %gather3A_463 = tpu.vector_load_idx %arg6[%add3A_22, %broadcast_in_dim3A_438] : memref<128x64xf32, #tpu.memory_space<vmem>>[vector<16xi32>, vector<16xi32>], vector<16xf32>,
      %gt3A_464 = arith.cmpf ogt, %gather3A_463, %scan3A_418 : vector<16xf32>
      %gt3A_465 = arith.cmpf ogt, %gather3A_463, %scan3A_419 : vector<16xf32>
      %select_n3A_466 = arith.select %gt3A_465, %gather3A_463, %scan3A_419 : vector<16xi1>, vector<16xf32>
      %select_n3A_467 = arith.select %gt3A_464, %scan3A_418, %select_n3A_466 : vector<16xi1>, vector<16xf32>
      %select_n3A_468 = arith.select %gt3A_465, %broadcast_in_dim3A_438, %scan3A_421 : vector<16xi1>, vector<16xi32>
      %select_n3A_469 = arith.select %gt3A_464, %scan3A_420, %select_n3A_468 : vector<16xi1>, vector<16xi32>
      %select_n3A_470 = arith.select %gt3A_464, %gather3A_463, %scan3A_418 : vector<16xi1>, vector<16xf32>
      %select_n3A_471 = arith.select %gt3A_464, %broadcast_in_dim3A_438, %scan3A_420 : vector<16xi1>, vector<16xi32>
      %gather3A_472 = tpu.vector_load_idx %arg6[%add3A_26, %broadcast_in_dim3A_438] : memref<128x64xf32, #tpu.memory_space<vmem>>[vector<16xi32>, vector<16xi32>], vector<16xf32>,
      %gt3A_473 = arith.cmpf ogt, %gather3A_472, %scan3A_422 : vector<16xf32>
      %gt3A_474 = arith.cmpf ogt, %gather3A_472, %scan3A_423 : vector<16xf32>
      %select_n3A_475 = arith.select %gt3A_474, %gather3A_472, %scan3A_423 : vector<16xi1>, vector<16xf32>
      %select_n3A_476 = arith.select %gt3A_473, %scan3A_422, %select_n3A_475 : vector<16xi1>, vector<16xf32>
      %select_n3A_477 = arith.select %gt3A_474, %broadcast_in_dim3A_438, %scan3A_425 : vector<16xi1>, vector<16xi32>
      %select_n3A_478 = arith.select %gt3A_473, %scan3A_424, %select_n3A_477 : vector<16xi1>, vector<16xi32>
      %select_n3A_479 = arith.select %gt3A_473, %gather3A_472, %scan3A_422 : vector<16xi1>, vector<16xf32>
      %select_n3A_480 = arith.select %gt3A_473, %broadcast_in_dim3A_438, %scan3A_424 : vector<16xi1>, vector<16xi32>
      %gather3A_481 = tpu.vector_load_idx %arg6[%add3A_30, %broadcast_in_dim3A_438] : memref<128x64xf32, #tpu.memory_space<vmem>>[vector<16xi32>, vector<16xi32>], vector<16xf32>,
      %gt3A_482 = arith.cmpf ogt, %gather3A_481, %scan3A_426 : vector<16xf32>
      %gt3A_483 = arith.cmpf ogt, %gather3A_481, %scan3A_427 : vector<16xf32>
      %select_n3A_484 = arith.select %gt3A_483, %gather3A_481, %scan3A_427 : vector<16xi1>, vector<16xf32>
      %select_n3A_485 = arith.select %gt3A_482, %scan3A_426, %select_n3A_484 : vector<16xi1>, vector<16xf32>
      %select_n3A_486 = arith.select %gt3A_483, %broadcast_in_dim3A_438, %scan3A_429 : vector<16xi1>, vector<16xi32>
      %select_n3A_487 = arith.select %gt3A_482, %scan3A_428, %select_n3A_486 : vector<16xi1>, vector<16xi32>
      %select_n3A_488 = arith.select %gt3A_482, %gather3A_481, %scan3A_426 : vector<16xi1>, vector<16xf32>
      %select_n3A_489 = arith.select %gt3A_482, %broadcast_in_dim3A_438, %scan3A_428 : vector<16xi1>, vector<16xi32>
      %gather3A_490 = tpu.vector_load_idx %arg6[%add3A_34, %broadcast_in_dim3A_438] : memref<128x64xf32, #tpu.memory_space<vmem>>[vector<16xi32>, vector<16xi32>], vector<16xf32>,
      %gt3A_491 = arith.cmpf ogt, %gather3A_490, %scan3A_430 : vector<16xf32>
      %gt3A_492 = arith.cmpf ogt, %gather3A_490, %scan3A_431 : vector<16xf32>
      %select_n3A_493 = arith.select %gt3A_492, %gather3A_490, %scan3A_431 : vector<16xi1>, vector<16xf32>
      %select_n3A_494 = arith.select %gt3A_491, %scan3A_430, %select_n3A_493 : vector<16xi1>, vector<16xf32>
      %select_n3A_495 = arith.select %gt3A_492, %broadcast_in_dim3A_438, %scan3A_433 : vector<16xi1>, vector<16xi32>
      %select_n3A_496 = arith.select %gt3A_491, %scan3A_432, %select_n3A_495 : vector<16xi1>, vector<16xi32>
      %select_n3A_497 = arith.select %gt3A_491, %gather3A_490, %scan3A_430 : vector<16xi1>, vector<16xf32>
      %select_n3A_498 = arith.select %gt3A_491, %broadcast_in_dim3A_438, %scan3A_432 : vector<16xi1>, vector<16xi32>
      %gather3A_499 = tpu.vector_load_idx %arg6[%add3A_38, %broadcast_in_dim3A_438] : memref<128x64xf32, #tpu.memory_space<vmem>>[vector<16xi32>, vector<16xi32>], vector<16xf32>,
      %gt3A_500 = arith.cmpf ogt, %gather3A_499, %scan3A_434 : vector<16xf32>
      %gt3A_501 = arith.cmpf ogt, %gather3A_499, %scan3A_435 : vector<16xf32>
      %select_n3A_502 = arith.select %gt3A_501, %gather3A_499, %scan3A_435 : vector<16xi1>, vector<16xf32>
      %select_n3A_503 = arith.select %gt3A_500, %scan3A_434, %select_n3A_502 : vector<16xi1>, vector<16xf32>
      %select_n3A_504 = arith.select %gt3A_501, %broadcast_in_dim3A_438, %scan3A_437 : vector<16xi1>, vector<16xi32>
      %select_n3A_505 = arith.select %gt3A_500, %scan3A_436, %select_n3A_504 : vector<16xi1>, vector<16xi32>
      %select_n3A_506 = arith.select %gt3A_500, %gather3A_499, %scan3A_434 : vector<16xi1>, vector<16xf32>
      %select_n3A_507 = arith.select %gt3A_500, %broadcast_in_dim3A_438, %scan3A_436 : vector<16xi1>, vector<16xi32>
      scf.yield %select_n3A_443, %select_n3A_440, %select_n3A_444, %select_n3A_442, %select_n3A_452, %select_n3A_449, %select_n3A_453, %select_n3A_451, %select_n3A_461, %select_n3A_458, %select_n3A_462, %select_n3A_460, %select_n3A_470, %select_n3A_467, %select_n3A_471, %select_n3A_469, %select_n3A_479, %select_n3A_476, %select_n3A_480, %select_n3A_478, %select_n3A_488, %select_n3A_485, %select_n3A_489, %select_n3A_487, %select_n3A_497, %select_n3A_494, %select_n3A_498, %select_n3A_496, %select_n3A_506, %select_n3A_503, %select_n3A_507, %select_n3A_505 : vector<16xf32>, vector<16xf32>, vector<16xi32>, vector<16xi32>, vector<16xf32>, vector<16xf32>, vector<16xi32>, vector<16xi32>, vector<16xf32>, vector<16xf32>, vector<16xi32>, vector<16xi32>, vector<16xf32>, vector<16xf32>, vector<16xi32>, vector<16xi32>, vector<16xf32>, vector<16xf32>, vector<16xi32>, vector<16xi32>, vector<16xf32>, vector<16xf32>, vector<16xi32>, vector<16xi32>, vector<16xf32>, vector<16xf32>, vector<16xi32>, vector<16xi32>, vector<16xf32>, vector<16xf32>, vector<16xi32>, vector<16xi32>
    }
    %scan3A_96 = arith.constant 64 : i32
    %add3A_97 = arith.addf %scan3A_95#0, %scan3A_95#1 : vector<16xf32>
    %add3A_98 = arith.addf %add3A_97, %broadcast_in_dim3A_7 : vector<16xf32>
    %div3A_99 = arith.divf %scan3A_95#0, %add3A_98 : vector<16xf32>
    tpu.vector_store_idx %arg7[%add3A_10, %scan3A_95#2], %div3A_99 : memref<128x64xf32, #tpu.memory_space<vmem>>[vector<16xi32>, vector<16xi32>], vector<16xf32>,
    %div3A_100 = arith.divf %scan3A_95#1, %add3A_98 : vector<16xf32>
    tpu.vector_store_idx %arg7[%add3A_10, %scan3A_95#3], %div3A_100 : memref<128x64xf32, #tpu.memory_space<vmem>>[vector<16xi32>, vector<16xi32>], vector<16xf32>,
    tpu.vector_store_idx %arg8[%add3A_10, %broadcast_in_dim3A_1], %scan3A_95#2 : memref<128x2xi32, #tpu.memory_space<vmem>>[vector<16xi32>, vector<16xi32>], vector<16xi32>,
    tpu.vector_store_idx %arg8[%add3A_10, %broadcast_in_dim3A_3], %scan3A_95#3 : memref<128x2xi32, #tpu.memory_space<vmem>>[vector<16xi32>, vector<16xi32>], vector<16xi32>,
    %add3A_101 = arith.addf %scan3A_95#4, %scan3A_95#5 : vector<16xf32>
    %add3A_102 = arith.addf %add3A_101, %broadcast_in_dim3A_7 : vector<16xf32>
    %div3A_103 = arith.divf %scan3A_95#4, %add3A_102 : vector<16xf32>
    tpu.vector_store_idx %arg7[%add3A_14, %scan3A_95#6], %div3A_103 : memref<128x64xf32, #tpu.memory_space<vmem>>[vector<16xi32>, vector<16xi32>], vector<16xf32>,
    %div3A_104 = arith.divf %scan3A_95#5, %add3A_102 : vector<16xf32>
    tpu.vector_store_idx %arg7[%add3A_14, %scan3A_95#7], %div3A_104 : memref<128x64xf32, #tpu.memory_space<vmem>>[vector<16xi32>, vector<16xi32>], vector<16xf32>,
    tpu.vector_store_idx %arg8[%add3A_14, %broadcast_in_dim3A_1], %scan3A_95#6 : memref<128x2xi32, #tpu.memory_space<vmem>>[vector<16xi32>, vector<16xi32>], vector<16xi32>,
    tpu.vector_store_idx %arg8[%add3A_14, %broadcast_in_dim3A_3], %scan3A_95#7 : memref<128x2xi32, #tpu.memory_space<vmem>>[vector<16xi32>, vector<16xi32>], vector<16xi32>,
    %add3A_105 = arith.addf %scan3A_95#8, %scan3A_95#9 : vector<16xf32>
    %add3A_106 = arith.addf %add3A_105, %broadcast_in_dim3A_7 : vector<16xf32>
    %div3A_107 = arith.divf %scan3A_95#8, %add3A_106 : vector<16xf32>
    tpu.vector_store_idx %arg7[%add3A_18, %scan3A_95#10], %div3A_107 : memref<128x64xf32, #tpu.memory_space<vmem>>[vector<16xi32>, vector<16xi32>], vector<16xf32>,
    %div3A_108 = arith.divf %scan3A_95#9, %add3A_106 : vector<16xf32>
    tpu.vector_store_idx %arg7[%add3A_18, %scan3A_95#11], %div3A_108 : memref<128x64xf32, #tpu.memory_space<vmem>>[vector<16xi32>, vector<16xi32>], vector<16xf32>,
    tpu.vector_store_idx %arg8[%add3A_18, %broadcast_in_dim3A_1], %scan3A_95#10 : memref<128x2xi32, #tpu.memory_space<vmem>>[vector<16xi32>, vector<16xi32>], vector<16xi32>,
    tpu.vector_store_idx %arg8[%add3A_18, %broadcast_in_dim3A_3], %scan3A_95#11 : memref<128x2xi32, #tpu.memory_space<vmem>>[vector<16xi32>, vector<16xi32>], vector<16xi32>,
    %add3A_109 = arith.addf %scan3A_95#12, %scan3A_95#13 : vector<16xf32>
    %add3A_110 = arith.addf %add3A_109, %broadcast_in_dim3A_7 : vector<16xf32>
    %div3A_111 = arith.divf %scan3A_95#12, %add3A_110 : vector<16xf32>
    tpu.vector_store_idx %arg7[%add3A_22, %scan3A_95#14], %div3A_111 : memref<128x64xf32, #tpu.memory_space<vmem>>[vector<16xi32>, vector<16xi32>], vector<16xf32>,
    %div3A_112 = arith.divf %scan3A_95#13, %add3A_110 : vector<16xf32>
    tpu.vector_store_idx %arg7[%add3A_22, %scan3A_95#15], %div3A_112 : memref<128x64xf32, #tpu.memory_space<vmem>>[vector<16xi32>, vector<16xi32>], vector<16xf32>,
    tpu.vector_store_idx %arg8[%add3A_22, %broadcast_in_dim3A_1], %scan3A_95#14 : memref<128x2xi32, #tpu.memory_space<vmem>>[vector<16xi32>, vector<16xi32>], vector<16xi32>,
    tpu.vector_store_idx %arg8[%add3A_22, %broadcast_in_dim3A_3], %scan3A_95#15 : memref<128x2xi32, #tpu.memory_space<vmem>>[vector<16xi32>, vector<16xi32>], vector<16xi32>,
    %add3A_113 = arith.addf %scan3A_95#16, %scan3A_95#17 : vector<16xf32>
    %add3A_114 = arith.addf %add3A_113, %broadcast_in_dim3A_7 : vector<16xf32>
    %div3A_115 = arith.divf %scan3A_95#16, %add3A_114 : vector<16xf32>
    tpu.vector_store_idx %arg7[%add3A_26, %scan3A_95#18], %div3A_115 : memref<128x64xf32, #tpu.memory_space<vmem>>[vector<16xi32>, vector<16xi32>], vector<16xf32>,
    %div3A_116 = arith.divf %scan3A_95#17, %add3A_114 : vector<16xf32>
    tpu.vector_store_idx %arg7[%add3A_26, %scan3A_95#19], %div3A_116 : memref<128x64xf32, #tpu.memory_space<vmem>>[vector<16xi32>, vector<16xi32>], vector<16xf32>,
    tpu.vector_store_idx %arg8[%add3A_26, %broadcast_in_dim3A_1], %scan3A_95#18 : memref<128x2xi32, #tpu.memory_space<vmem>>[vector<16xi32>, vector<16xi32>], vector<16xi32>,
    tpu.vector_store_idx %arg8[%add3A_26, %broadcast_in_dim3A_3], %scan3A_95#19 : memref<128x2xi32, #tpu.memory_space<vmem>>[vector<16xi32>, vector<16xi32>], vector<16xi32>,
    %add3A_117 = arith.addf %scan3A_95#20, %scan3A_95#21 : vector<16xf32>
    %add3A_118 = arith.addf %add3A_117, %broadcast_in_dim3A_7 : vector<16xf32>
    %div3A_119 = arith.divf %scan3A_95#20, %add3A_118 : vector<16xf32>
    tpu.vector_store_idx %arg7[%add3A_30, %scan3A_95#22], %div3A_119 : memref<128x64xf32, #tpu.memory_space<vmem>>[vector<16xi32>, vector<16xi32>], vector<16xf32>,
    %div3A_120 = arith.divf %scan3A_95#21, %add3A_118 : vector<16xf32>
    tpu.vector_store_idx %arg7[%add3A_30, %scan3A_95#23], %div3A_120 : memref<128x64xf32, #tpu.memory_space<vmem>>[vector<16xi32>, vector<16xi32>], vector<16xf32>,
    tpu.vector_store_idx %arg8[%add3A_30, %broadcast_in_dim3A_1], %scan3A_95#22 : memref<128x2xi32, #tpu.memory_space<vmem>>[vector<16xi32>, vector<16xi32>], vector<16xi32>,
    tpu.vector_store_idx %arg8[%add3A_30, %broadcast_in_dim3A_3], %scan3A_95#23 : memref<128x2xi32, #tpu.memory_space<vmem>>[vector<16xi32>, vector<16xi32>], vector<16xi32>,
    %add3A_121 = arith.addf %scan3A_95#24, %scan3A_95#25 : vector<16xf32>
    %add3A_122 = arith.addf %add3A_121, %broadcast_in_dim3A_7 : vector<16xf32>
    %div3A_123 = arith.divf %scan3A_95#24, %add3A_122 : vector<16xf32>
    tpu.vector_store_idx %arg7[%add3A_34, %scan3A_95#26], %div3A_123 : memref<128x64xf32, #tpu.memory_space<vmem>>[vector<16xi32>, vector<16xi32>], vector<16xf32>,
    %div3A_124 = arith.divf %scan3A_95#25, %add3A_122 : vector<16xf32>
    tpu.vector_store_idx %arg7[%add3A_34, %scan3A_95#27], %div3A_124 : memref<128x64xf32, #tpu.memory_space<vmem>>[vector<16xi32>, vector<16xi32>], vector<16xf32>,
    tpu.vector_store_idx %arg8[%add3A_34, %broadcast_in_dim3A_1], %scan3A_95#26 : memref<128x2xi32, #tpu.memory_space<vmem>>[vector<16xi32>, vector<16xi32>], vector<16xi32>,
    tpu.vector_store_idx %arg8[%add3A_34, %broadcast_in_dim3A_3], %scan3A_95#27 : memref<128x2xi32, #tpu.memory_space<vmem>>[vector<16xi32>, vector<16xi32>], vector<16xi32>,
    %add3A_125 = arith.addf %scan3A_95#28, %scan3A_95#29 : vector<16xf32>
    %add3A_126 = arith.addf %add3A_125, %broadcast_in_dim3A_7 : vector<16xf32>
    %div3A_127 = arith.divf %scan3A_95#28, %add3A_126 : vector<16xf32>
    tpu.vector_store_idx %arg7[%add3A_38, %scan3A_95#30], %div3A_127 : memref<128x64xf32, #tpu.memory_space<vmem>>[vector<16xi32>, vector<16xi32>], vector<16xf32>,
    %div3A_128 = arith.divf %scan3A_95#29, %add3A_126 : vector<16xf32>
    tpu.vector_store_idx %arg7[%add3A_38, %scan3A_95#31], %div3A_128 : memref<128x64xf32, #tpu.memory_space<vmem>>[vector<16xi32>, vector<16xi32>], vector<16xf32>,
    tpu.vector_store_idx %arg8[%add3A_38, %broadcast_in_dim3A_1], %scan3A_95#30 : memref<128x2xi32, #tpu.memory_space<vmem>>[vector<16xi32>, vector<16xi32>], vector<16xi32>,
    tpu.vector_store_idx %arg8[%add3A_38, %broadcast_in_dim3A_3], %scan3A_95#31 : memref<128x2xi32, #tpu.memory_space<vmem>>[vector<16xi32>, vector<16xi32>], vector<16xi32>,
    "tpu.region"() ({
      %run_scoped3A = tpu.sem_alloc : memref<!tpu.dma_semaphore, #tpu.memory_space<semaphore_mem>>
      %dma_start3A = arith.constant 0 : i32
      %dma_start3A_405 = tpu.memref_slice %arg4[%add3A_86, %dma_start3A] : memref<32768x64xf32, #tpu.memory_space<hbm>> -> memref<128x64xf32, #tpu.memory_space<hbm>>
      %dma_start3A_406 = arith.constant 0 : i32
      %dma_start3A_407 = tpu.memref_slice %arg4[%add3A_86, %dma_start3A_406] : memref<32768x64xf32, #tpu.memory_space<hbm>> -> memref<128x64xf32, #tpu.memory_space<hbm>>
      tpu.enqueue_dma source(%arg7 : memref<128x64xf32, #tpu.memory_space<vmem>>) target(%dma_start3A_407 : memref<128x64xf32, #tpu.memory_space<hbm>>) target_semaphore(%run_scoped3A : memref<!tpu.dma_semaphore, #tpu.memory_space<semaphore_mem>>)
      %dma_wait3A = arith.constant 0 : i32
      %dma_wait3A_408 = tpu.memref_slice %arg4[%add3A_86, %dma_wait3A] : memref<32768x64xf32, #tpu.memory_space<hbm>> -> memref<128x64xf32, #tpu.memory_space<hbm>>
      %dma_wait3A_409 = arith.constant 0 : i32
      %dma_wait3A_410 = tpu.memref_slice %arg4[%add3A_86, %dma_wait3A_409] : memref<32768x64xf32, #tpu.memory_space<hbm>> -> memref<128x64xf32, #tpu.memory_space<hbm>>
      tpu.wait_dma2 semaphore(%run_scoped3A : memref<!tpu.dma_semaphore, #tpu.memory_space<semaphore_mem>>) src(%arg7 : memref<128x64xf32, #tpu.memory_space<vmem>>) dst(%dma_wait3A_410 : memref<128x64xf32, #tpu.memory_space<hbm>>)
      tpu.yield
    }) : () -> ()
    "tpu.region"() ({
      %run_scoped3A = tpu.sem_alloc : memref<!tpu.dma_semaphore, #tpu.memory_space<semaphore_mem>>
      %dma_start3A = arith.constant 0 : i32
      %dma_start3A_405 = tpu.memref_slice %arg5[%add3A_86, %dma_start3A] : memref<32768x2xi32, #tpu.memory_space<hbm>> -> memref<128x2xi32, #tpu.memory_space<hbm>>
      %dma_start3A_406 = arith.constant 0 : i32
      %dma_start3A_407 = tpu.memref_slice %arg5[%add3A_86, %dma_start3A_406] : memref<32768x2xi32, #tpu.memory_space<hbm>> -> memref<128x2xi32, #tpu.memory_space<hbm>>
      tpu.enqueue_dma source(%arg8 : memref<128x2xi32, #tpu.memory_space<vmem>>) target(%dma_start3A_407 : memref<128x2xi32, #tpu.memory_space<hbm>>) target_semaphore(%run_scoped3A : memref<!tpu.dma_semaphore, #tpu.memory_space<semaphore_mem>>)
      %dma_wait3A = arith.constant 0 : i32
      %dma_wait3A_408 = tpu.memref_slice %arg5[%add3A_86, %dma_wait3A] : memref<32768x2xi32, #tpu.memory_space<hbm>> -> memref<128x2xi32, #tpu.memory_space<hbm>>
      %dma_wait3A_409 = arith.constant 0 : i32
      %dma_wait3A_410 = tpu.memref_slice %arg5[%add3A_86, %dma_wait3A_409] : memref<32768x2xi32, #tpu.memory_space<hbm>> -> memref<128x2xi32, #tpu.memory_space<hbm>>
      tpu.wait_dma2 semaphore(%run_scoped3A : memref<!tpu.dma_semaphore, #tpu.memory_space<semaphore_mem>>) src(%arg8 : memref<128x2xi32, #tpu.memory_space<vmem>>) dst(%dma_wait3A_410 : memref<128x2xi32, #tpu.memory_space<hbm>>)
      tpu.yield
    }) : () -> ()
    tpu.vector_store_idx %arg7[%add3A_10, %scan3A_95#2], %broadcast_in_dim3A_5 : memref<128x64xf32, #tpu.memory_space<vmem>>[vector<16xi32>, vector<16xi32>], vector<16xf32>,
    tpu.vector_store_idx %arg7[%add3A_10, %scan3A_95#3], %broadcast_in_dim3A_5 : memref<128x64xf32, #tpu.memory_space<vmem>>[vector<16xi32>, vector<16xi32>], vector<16xf32>,
    tpu.vector_store_idx %arg7[%add3A_14, %scan3A_95#6], %broadcast_in_dim3A_5 : memref<128x64xf32, #tpu.memory_space<vmem>>[vector<16xi32>, vector<16xi32>], vector<16xf32>,
    tpu.vector_store_idx %arg7[%add3A_14, %scan3A_95#7], %broadcast_in_dim3A_5 : memref<128x64xf32, #tpu.memory_space<vmem>>[vector<16xi32>, vector<16xi32>], vector<16xf32>,
    tpu.vector_store_idx %arg7[%add3A_18, %scan3A_95#10], %broadcast_in_dim3A_5 : memref<128x64xf32, #tpu.memory_space<vmem>>[vector<16xi32>, vector<16xi32>], vector<16xf32>,
    tpu.vector_store_idx %arg7[%add3A_18, %scan3A_95#11], %broadcast_in_dim3A_5 : memref<128x64xf32, #tpu.memory_space<vmem>>[vector<16xi32>, vector<16xi32>], vector<16xf32>,
    tpu.vector_store_idx %arg7[%add3A_22, %scan3A_95#14], %broadcast_in_dim3A_5 : memref<128x64xf32, #tpu.memory_space<vmem>>[vector<16xi32>, vector<16xi32>], vector<16xf32>,
    tpu.vector_store_idx %arg7[%add3A_22, %scan3A_95#15], %broadcast_in_dim3A_5 : memref<128x64xf32, #tpu.memory_space<vmem>>[vector<16xi32>, vector<16xi32>], vector<16xf32>,
    tpu.vector_store_idx %arg7[%add3A_26, %scan3A_95#18], %broadcast_in_dim3A_5 : memref<128x64xf32, #tpu.memory_space<vmem>>[vector<16xi32>, vector<16xi32>], vector<16xf32>,
    tpu.vector_store_idx %arg7[%add3A_26, %scan3A_95#19], %broadcast_in_dim3A_5 : memref<128x64xf32, #tpu.memory_space<vmem>>[vector<16xi32>, vector<16xi32>], vector<16xf32>,
    tpu.vector_store_idx %arg7[%add3A_30, %scan3A_95#22], %broadcast_in_dim3A_5 : memref<128x64xf32, #tpu.memory_space<vmem>>[vector<16xi32>, vector<16xi32>], vector<16xf32>,
    tpu.vector_store_idx %arg7[%add3A_30, %scan3A_95#23], %broadcast_in_dim3A_5 : memref<128x64xf32, #tpu.memory_space<vmem>>[vector<16xi32>, vector<16xi32>], vector<16xf32>,
    tpu.vector_store_idx %arg7[%add3A_34, %scan3A_95#26], %broadcast_in_dim3A_5 : memref<128x64xf32, #tpu.memory_space<vmem>>[vector<16xi32>, vector<16xi32>], vector<16xf32>,
    tpu.vector_store_idx %arg7[%add3A_34, %scan3A_95#27], %broadcast_in_dim3A_5 : memref<128x64xf32, #tpu.memory_space<vmem>>[vector<16xi32>, vector<16xi32>], vector<16xf32>,
    tpu.vector_store_idx %arg7[%add3A_38, %scan3A_95#30], %broadcast_in_dim3A_5 : memref<128x64xf32, #tpu.memory_space<vmem>>[vector<16xi32>, vector<16xi32>], vector<16xf32>,
    tpu.vector_store_idx %arg7[%add3A_38, %scan3A_95#31], %broadcast_in_dim3A_5 : memref<128x64xf32, #tpu.memory_space<vmem>>[vector<16xi32>, vector<16xi32>], vector<16xf32>,
    %mul3A_129 = arith.constant 1024 : i32
    %mul3A_130 = arith.muli %add3A, %mul3A_129 : i32
    %add3A_131 = arith.constant 256 : i32
    %add3A_132 = arith.addi %mul3A_130, %add3A_131 : i32
    "tpu.region"() ({
      %run_scoped3A = tpu.sem_alloc : memref<!tpu.dma_semaphore, #tpu.memory_space<semaphore_mem>>
      %dma_start3A = arith.constant 0 : i32
      %dma_start3A_405 = tpu.memref_slice %arg2[%add3A_132, %dma_start3A] : memref<32768x64xf32, #tpu.memory_space<hbm>> -> memref<128x64xf32, #tpu.memory_space<hbm>>
      %dma_start3A_406 = arith.constant 0 : i32
      %dma_start3A_407 = tpu.memref_slice %arg2[%add3A_132, %dma_start3A_406] : memref<32768x64xf32, #tpu.memory_space<hbm>> -> memref<128x64xf32, #tpu.memory_space<hbm>>
      tpu.enqueue_dma source(%dma_start3A_407 : memref<128x64xf32, #tpu.memory_space<hbm>>) target(%arg6 : memref<128x64xf32, #tpu.memory_space<vmem>>) target_semaphore(%run_scoped3A : memref<!tpu.dma_semaphore, #tpu.memory_space<semaphore_mem>>)
      %dma_wait3A = arith.constant 0 : i32
      %dma_wait3A_408 = tpu.memref_slice %arg2[%add3A_132, %dma_wait3A] : memref<32768x64xf32, #tpu.memory_space<hbm>> -> memref<128x64xf32, #tpu.memory_space<hbm>>
      %dma_wait3A_409 = arith.constant 0 : i32
      %dma_wait3A_410 = tpu.memref_slice %arg2[%add3A_132, %dma_wait3A_409] : memref<32768x64xf32, #tpu.memory_space<hbm>> -> memref<128x64xf32, #tpu.memory_space<hbm>>
      tpu.wait_dma2 semaphore(%run_scoped3A : memref<!tpu.dma_semaphore, #tpu.memory_space<semaphore_mem>>) src(%dma_wait3A_410 : memref<128x64xf32, #tpu.memory_space<hbm>>) dst(%arg6 : memref<128x64xf32, #tpu.memory_space<vmem>>)
      tpu.yield
    }) : () -> ()
    %broadcast_in_dim3A_133 = arith.constant -1.000000e+00 : f32
    %broadcast_in_dim3A_134 = vector.broadcast %broadcast_in_dim3A_133 : f32 to vector<16xf32>
    %broadcast_in_dim3A_135 = arith.constant 0 : i32
    %broadcast_in_dim3A_136 = vector.broadcast %broadcast_in_dim3A_135 : i32 to vector<16xi32>
    %scan3A_137 = arith.constant 0 : i32
    %scan3A_138 = arith.constant 64 : i32
    %scan3A_139 = arith.addi %scan3A_137, %scan3A_138 : i32
    %scan3A_140 = arith.constant 1 : i32
    %scan3A_141:32 = scf.for %scan3A_405 = %scan3A_137 to %scan3A_139 step %scan3A_140 iter_args(%scan3A_406 = %broadcast_in_dim3A_134, %scan3A_407 = %broadcast_in_dim3A_134, %scan3A_408 = %broadcast_in_dim3A_136, %scan3A_409 = %broadcast_in_dim3A_136, %scan3A_410 = %broadcast_in_dim3A_134, %scan3A_411 = %broadcast_in_dim3A_134, %scan3A_412 = %broadcast_in_dim3A_136, %scan3A_413 = %broadcast_in_dim3A_136, %scan3A_414 = %broadcast_in_dim3A_134, %scan3A_415 = %broadcast_in_dim3A_134, %scan3A_416 = %broadcast_in_dim3A_136, %scan3A_417 = %broadcast_in_dim3A_136, %scan3A_418 = %broadcast_in_dim3A_134, %scan3A_419 = %broadcast_in_dim3A_134, %scan3A_420 = %broadcast_in_dim3A_136, %scan3A_421 = %broadcast_in_dim3A_136, %scan3A_422 = %broadcast_in_dim3A_134, %scan3A_423 = %broadcast_in_dim3A_134, %scan3A_424 = %broadcast_in_dim3A_136, %scan3A_425 = %broadcast_in_dim3A_136, %scan3A_426 = %broadcast_in_dim3A_134, %scan3A_427 = %broadcast_in_dim3A_134, %scan3A_428 = %broadcast_in_dim3A_136, %scan3A_429 = %broadcast_in_dim3A_136, %scan3A_430 = %broadcast_in_dim3A_134, %scan3A_431 = %broadcast_in_dim3A_134, %scan3A_432 = %broadcast_in_dim3A_136, %scan3A_433 = %broadcast_in_dim3A_136, %scan3A_434 = %broadcast_in_dim3A_134, %scan3A_435 = %broadcast_in_dim3A_134, %scan3A_436 = %broadcast_in_dim3A_136, %scan3A_437 = %broadcast_in_dim3A_136) -> (vector<16xf32>, vector<16xf32>, vector<16xi32>, vector<16xi32>, vector<16xf32>, vector<16xf32>, vector<16xi32>, vector<16xi32>, vector<16xf32>, vector<16xf32>, vector<16xi32>, vector<16xi32>, vector<16xf32>, vector<16xf32>, vector<16xi32>, vector<16xi32>, vector<16xf32>, vector<16xf32>, vector<16xi32>, vector<16xi32>, vector<16xf32>, vector<16xf32>, vector<16xi32>, vector<16xi32>, vector<16xf32>, vector<16xf32>, vector<16xi32>, vector<16xi32>, vector<16xf32>, vector<16xf32>, vector<16xi32>, vector<16xi32>)  : i32 {
      %broadcast_in_dim3A_438 = vector.broadcast %scan3A_405 : i32 to vector<16xi32>
      %gather3A = tpu.vector_load_idx %arg6[%add3A_10, %broadcast_in_dim3A_438] : memref<128x64xf32, #tpu.memory_space<vmem>>[vector<16xi32>, vector<16xi32>], vector<16xf32>,
      %gt3A = arith.cmpf ogt, %gather3A, %scan3A_406 : vector<16xf32>
      %gt3A_439 = arith.cmpf ogt, %gather3A, %scan3A_407 : vector<16xf32>
      %select_n3A = arith.select %gt3A_439, %gather3A, %scan3A_407 : vector<16xi1>, vector<16xf32>
      %select_n3A_440 = arith.select %gt3A, %scan3A_406, %select_n3A : vector<16xi1>, vector<16xf32>
      %select_n3A_441 = arith.select %gt3A_439, %broadcast_in_dim3A_438, %scan3A_409 : vector<16xi1>, vector<16xi32>
      %select_n3A_442 = arith.select %gt3A, %scan3A_408, %select_n3A_441 : vector<16xi1>, vector<16xi32>
      %select_n3A_443 = arith.select %gt3A, %gather3A, %scan3A_406 : vector<16xi1>, vector<16xf32>
      %select_n3A_444 = arith.select %gt3A, %broadcast_in_dim3A_438, %scan3A_408 : vector<16xi1>, vector<16xi32>
      %gather3A_445 = tpu.vector_load_idx %arg6[%add3A_14, %broadcast_in_dim3A_438] : memref<128x64xf32, #tpu.memory_space<vmem>>[vector<16xi32>, vector<16xi32>], vector<16xf32>,
      %gt3A_446 = arith.cmpf ogt, %gather3A_445, %scan3A_410 : vector<16xf32>
      %gt3A_447 = arith.cmpf ogt, %gather3A_445, %scan3A_411 : vector<16xf32>
      %select_n3A_448 = arith.select %gt3A_447, %gather3A_445, %scan3A_411 : vector<16xi1>, vector<16xf32>
      %select_n3A_449 = arith.select %gt3A_446, %scan3A_410, %select_n3A_448 : vector<16xi1>, vector<16xf32>
      %select_n3A_450 = arith.select %gt3A_447, %broadcast_in_dim3A_438, %scan3A_413 : vector<16xi1>, vector<16xi32>
      %select_n3A_451 = arith.select %gt3A_446, %scan3A_412, %select_n3A_450 : vector<16xi1>, vector<16xi32>
      %select_n3A_452 = arith.select %gt3A_446, %gather3A_445, %scan3A_410 : vector<16xi1>, vector<16xf32>
      %select_n3A_453 = arith.select %gt3A_446, %broadcast_in_dim3A_438, %scan3A_412 : vector<16xi1>, vector<16xi32>
      %gather3A_454 = tpu.vector_load_idx %arg6[%add3A_18, %broadcast_in_dim3A_438] : memref<128x64xf32, #tpu.memory_space<vmem>>[vector<16xi32>, vector<16xi32>], vector<16xf32>,
      %gt3A_455 = arith.cmpf ogt, %gather3A_454, %scan3A_414 : vector<16xf32>
      %gt3A_456 = arith.cmpf ogt, %gather3A_454, %scan3A_415 : vector<16xf32>
      %select_n3A_457 = arith.select %gt3A_456, %gather3A_454, %scan3A_415 : vector<16xi1>, vector<16xf32>
      %select_n3A_458 = arith.select %gt3A_455, %scan3A_414, %select_n3A_457 : vector<16xi1>, vector<16xf32>
      %select_n3A_459 = arith.select %gt3A_456, %broadcast_in_dim3A_438, %scan3A_417 : vector<16xi1>, vector<16xi32>
      %select_n3A_460 = arith.select %gt3A_455, %scan3A_416, %select_n3A_459 : vector<16xi1>, vector<16xi32>
      %select_n3A_461 = arith.select %gt3A_455, %gather3A_454, %scan3A_414 : vector<16xi1>, vector<16xf32>
      %select_n3A_462 = arith.select %gt3A_455, %broadcast_in_dim3A_438, %scan3A_416 : vector<16xi1>, vector<16xi32>
      %gather3A_463 = tpu.vector_load_idx %arg6[%add3A_22, %broadcast_in_dim3A_438] : memref<128x64xf32, #tpu.memory_space<vmem>>[vector<16xi32>, vector<16xi32>], vector<16xf32>,
      %gt3A_464 = arith.cmpf ogt, %gather3A_463, %scan3A_418 : vector<16xf32>
      %gt3A_465 = arith.cmpf ogt, %gather3A_463, %scan3A_419 : vector<16xf32>
      %select_n3A_466 = arith.select %gt3A_465, %gather3A_463, %scan3A_419 : vector<16xi1>, vector<16xf32>
      %select_n3A_467 = arith.select %gt3A_464, %scan3A_418, %select_n3A_466 : vector<16xi1>, vector<16xf32>
      %select_n3A_468 = arith.select %gt3A_465, %broadcast_in_dim3A_438, %scan3A_421 : vector<16xi1>, vector<16xi32>
      %select_n3A_469 = arith.select %gt3A_464, %scan3A_420, %select_n3A_468 : vector<16xi1>, vector<16xi32>
      %select_n3A_470 = arith.select %gt3A_464, %gather3A_463, %scan3A_418 : vector<16xi1>, vector<16xf32>
      %select_n3A_471 = arith.select %gt3A_464, %broadcast_in_dim3A_438, %scan3A_420 : vector<16xi1>, vector<16xi32>
      %gather3A_472 = tpu.vector_load_idx %arg6[%add3A_26, %broadcast_in_dim3A_438] : memref<128x64xf32, #tpu.memory_space<vmem>>[vector<16xi32>, vector<16xi32>], vector<16xf32>,
      %gt3A_473 = arith.cmpf ogt, %gather3A_472, %scan3A_422 : vector<16xf32>
      %gt3A_474 = arith.cmpf ogt, %gather3A_472, %scan3A_423 : vector<16xf32>
      %select_n3A_475 = arith.select %gt3A_474, %gather3A_472, %scan3A_423 : vector<16xi1>, vector<16xf32>
      %select_n3A_476 = arith.select %gt3A_473, %scan3A_422, %select_n3A_475 : vector<16xi1>, vector<16xf32>
      %select_n3A_477 = arith.select %gt3A_474, %broadcast_in_dim3A_438, %scan3A_425 : vector<16xi1>, vector<16xi32>
      %select_n3A_478 = arith.select %gt3A_473, %scan3A_424, %select_n3A_477 : vector<16xi1>, vector<16xi32>
      %select_n3A_479 = arith.select %gt3A_473, %gather3A_472, %scan3A_422 : vector<16xi1>, vector<16xf32>
      %select_n3A_480 = arith.select %gt3A_473, %broadcast_in_dim3A_438, %scan3A_424 : vector<16xi1>, vector<16xi32>
      %gather3A_481 = tpu.vector_load_idx %arg6[%add3A_30, %broadcast_in_dim3A_438] : memref<128x64xf32, #tpu.memory_space<vmem>>[vector<16xi32>, vector<16xi32>], vector<16xf32>,
      %gt3A_482 = arith.cmpf ogt, %gather3A_481, %scan3A_426 : vector<16xf32>
      %gt3A_483 = arith.cmpf ogt, %gather3A_481, %scan3A_427 : vector<16xf32>
      %select_n3A_484 = arith.select %gt3A_483, %gather3A_481, %scan3A_427 : vector<16xi1>, vector<16xf32>
      %select_n3A_485 = arith.select %gt3A_482, %scan3A_426, %select_n3A_484 : vector<16xi1>, vector<16xf32>
      %select_n3A_486 = arith.select %gt3A_483, %broadcast_in_dim3A_438, %scan3A_429 : vector<16xi1>, vector<16xi32>
      %select_n3A_487 = arith.select %gt3A_482, %scan3A_428, %select_n3A_486 : vector<16xi1>, vector<16xi32>
      %select_n3A_488 = arith.select %gt3A_482, %gather3A_481, %scan3A_426 : vector<16xi1>, vector<16xf32>
      %select_n3A_489 = arith.select %gt3A_482, %broadcast_in_dim3A_438, %scan3A_428 : vector<16xi1>, vector<16xi32>
      %gather3A_490 = tpu.vector_load_idx %arg6[%add3A_34, %broadcast_in_dim3A_438] : memref<128x64xf32, #tpu.memory_space<vmem>>[vector<16xi32>, vector<16xi32>], vector<16xf32>,
      %gt3A_491 = arith.cmpf ogt, %gather3A_490, %scan3A_430 : vector<16xf32>
      %gt3A_492 = arith.cmpf ogt, %gather3A_490, %scan3A_431 : vector<16xf32>
      %select_n3A_493 = arith.select %gt3A_492, %gather3A_490, %scan3A_431 : vector<16xi1>, vector<16xf32>
      %select_n3A_494 = arith.select %gt3A_491, %scan3A_430, %select_n3A_493 : vector<16xi1>, vector<16xf32>
      %select_n3A_495 = arith.select %gt3A_492, %broadcast_in_dim3A_438, %scan3A_433 : vector<16xi1>, vector<16xi32>
      %select_n3A_496 = arith.select %gt3A_491, %scan3A_432, %select_n3A_495 : vector<16xi1>, vector<16xi32>
      %select_n3A_497 = arith.select %gt3A_491, %gather3A_490, %scan3A_430 : vector<16xi1>, vector<16xf32>
      %select_n3A_498 = arith.select %gt3A_491, %broadcast_in_dim3A_438, %scan3A_432 : vector<16xi1>, vector<16xi32>
      %gather3A_499 = tpu.vector_load_idx %arg6[%add3A_38, %broadcast_in_dim3A_438] : memref<128x64xf32, #tpu.memory_space<vmem>>[vector<16xi32>, vector<16xi32>], vector<16xf32>,
      %gt3A_500 = arith.cmpf ogt, %gather3A_499, %scan3A_434 : vector<16xf32>
      %gt3A_501 = arith.cmpf ogt, %gather3A_499, %scan3A_435 : vector<16xf32>
      %select_n3A_502 = arith.select %gt3A_501, %gather3A_499, %scan3A_435 : vector<16xi1>, vector<16xf32>
      %select_n3A_503 = arith.select %gt3A_500, %scan3A_434, %select_n3A_502 : vector<16xi1>, vector<16xf32>
      %select_n3A_504 = arith.select %gt3A_501, %broadcast_in_dim3A_438, %scan3A_437 : vector<16xi1>, vector<16xi32>
      %select_n3A_505 = arith.select %gt3A_500, %scan3A_436, %select_n3A_504 : vector<16xi1>, vector<16xi32>
      %select_n3A_506 = arith.select %gt3A_500, %gather3A_499, %scan3A_434 : vector<16xi1>, vector<16xf32>
      %select_n3A_507 = arith.select %gt3A_500, %broadcast_in_dim3A_438, %scan3A_436 : vector<16xi1>, vector<16xi32>
      scf.yield %select_n3A_443, %select_n3A_440, %select_n3A_444, %select_n3A_442, %select_n3A_452, %select_n3A_449, %select_n3A_453, %select_n3A_451, %select_n3A_461, %select_n3A_458, %select_n3A_462, %select_n3A_460, %select_n3A_470, %select_n3A_467, %select_n3A_471, %select_n3A_469, %select_n3A_479, %select_n3A_476, %select_n3A_480, %select_n3A_478, %select_n3A_488, %select_n3A_485, %select_n3A_489, %select_n3A_487, %select_n3A_497, %select_n3A_494, %select_n3A_498, %select_n3A_496, %select_n3A_506, %select_n3A_503, %select_n3A_507, %select_n3A_505 : vector<16xf32>, vector<16xf32>, vector<16xi32>, vector<16xi32>, vector<16xf32>, vector<16xf32>, vector<16xi32>, vector<16xi32>, vector<16xf32>, vector<16xf32>, vector<16xi32>, vector<16xi32>, vector<16xf32>, vector<16xf32>, vector<16xi32>, vector<16xi32>, vector<16xf32>, vector<16xf32>, vector<16xi32>, vector<16xi32>, vector<16xf32>, vector<16xf32>, vector<16xi32>, vector<16xi32>, vector<16xf32>, vector<16xf32>, vector<16xi32>, vector<16xi32>, vector<16xf32>, vector<16xf32>, vector<16xi32>, vector<16xi32>
    }
    %scan3A_142 = arith.constant 64 : i32
    %add3A_143 = arith.addf %scan3A_141#0, %scan3A_141#1 : vector<16xf32>
    %add3A_144 = arith.addf %add3A_143, %broadcast_in_dim3A_7 : vector<16xf32>
    %div3A_145 = arith.divf %scan3A_141#0, %add3A_144 : vector<16xf32>
    tpu.vector_store_idx %arg7[%add3A_10, %scan3A_141#2], %div3A_145 : memref<128x64xf32, #tpu.memory_space<vmem>>[vector<16xi32>, vector<16xi32>], vector<16xf32>,
    %div3A_146 = arith.divf %scan3A_141#1, %add3A_144 : vector<16xf32>
    tpu.vector_store_idx %arg7[%add3A_10, %scan3A_141#3], %div3A_146 : memref<128x64xf32, #tpu.memory_space<vmem>>[vector<16xi32>, vector<16xi32>], vector<16xf32>,
    tpu.vector_store_idx %arg8[%add3A_10, %broadcast_in_dim3A_1], %scan3A_141#2 : memref<128x2xi32, #tpu.memory_space<vmem>>[vector<16xi32>, vector<16xi32>], vector<16xi32>,
    tpu.vector_store_idx %arg8[%add3A_10, %broadcast_in_dim3A_3], %scan3A_141#3 : memref<128x2xi32, #tpu.memory_space<vmem>>[vector<16xi32>, vector<16xi32>], vector<16xi32>,
    %add3A_147 = arith.addf %scan3A_141#4, %scan3A_141#5 : vector<16xf32>
    %add3A_148 = arith.addf %add3A_147, %broadcast_in_dim3A_7 : vector<16xf32>
    %div3A_149 = arith.divf %scan3A_141#4, %add3A_148 : vector<16xf32>
    tpu.vector_store_idx %arg7[%add3A_14, %scan3A_141#6], %div3A_149 : memref<128x64xf32, #tpu.memory_space<vmem>>[vector<16xi32>, vector<16xi32>], vector<16xf32>,
    %div3A_150 = arith.divf %scan3A_141#5, %add3A_148 : vector<16xf32>
    tpu.vector_store_idx %arg7[%add3A_14, %scan3A_141#7], %div3A_150 : memref<128x64xf32, #tpu.memory_space<vmem>>[vector<16xi32>, vector<16xi32>], vector<16xf32>,
    tpu.vector_store_idx %arg8[%add3A_14, %broadcast_in_dim3A_1], %scan3A_141#6 : memref<128x2xi32, #tpu.memory_space<vmem>>[vector<16xi32>, vector<16xi32>], vector<16xi32>,
    tpu.vector_store_idx %arg8[%add3A_14, %broadcast_in_dim3A_3], %scan3A_141#7 : memref<128x2xi32, #tpu.memory_space<vmem>>[vector<16xi32>, vector<16xi32>], vector<16xi32>,
    %add3A_151 = arith.addf %scan3A_141#8, %scan3A_141#9 : vector<16xf32>
    %add3A_152 = arith.addf %add3A_151, %broadcast_in_dim3A_7 : vector<16xf32>
    %div3A_153 = arith.divf %scan3A_141#8, %add3A_152 : vector<16xf32>
    tpu.vector_store_idx %arg7[%add3A_18, %scan3A_141#10], %div3A_153 : memref<128x64xf32, #tpu.memory_space<vmem>>[vector<16xi32>, vector<16xi32>], vector<16xf32>,
    %div3A_154 = arith.divf %scan3A_141#9, %add3A_152 : vector<16xf32>
    tpu.vector_store_idx %arg7[%add3A_18, %scan3A_141#11], %div3A_154 : memref<128x64xf32, #tpu.memory_space<vmem>>[vector<16xi32>, vector<16xi32>], vector<16xf32>,
    tpu.vector_store_idx %arg8[%add3A_18, %broadcast_in_dim3A_1], %scan3A_141#10 : memref<128x2xi32, #tpu.memory_space<vmem>>[vector<16xi32>, vector<16xi32>], vector<16xi32>,
    tpu.vector_store_idx %arg8[%add3A_18, %broadcast_in_dim3A_3], %scan3A_141#11 : memref<128x2xi32, #tpu.memory_space<vmem>>[vector<16xi32>, vector<16xi32>], vector<16xi32>,
    %add3A_155 = arith.addf %scan3A_141#12, %scan3A_141#13 : vector<16xf32>
    %add3A_156 = arith.addf %add3A_155, %broadcast_in_dim3A_7 : vector<16xf32>
    %div3A_157 = arith.divf %scan3A_141#12, %add3A_156 : vector<16xf32>
    tpu.vector_store_idx %arg7[%add3A_22, %scan3A_141#14], %div3A_157 : memref<128x64xf32, #tpu.memory_space<vmem>>[vector<16xi32>, vector<16xi32>], vector<16xf32>,
    %div3A_158 = arith.divf %scan3A_141#13, %add3A_156 : vector<16xf32>
    tpu.vector_store_idx %arg7[%add3A_22, %scan3A_141#15], %div3A_158 : memref<128x64xf32, #tpu.memory_space<vmem>>[vector<16xi32>, vector<16xi32>], vector<16xf32>,
    tpu.vector_store_idx %arg8[%add3A_22, %broadcast_in_dim3A_1], %scan3A_141#14 : memref<128x2xi32, #tpu.memory_space<vmem>>[vector<16xi32>, vector<16xi32>], vector<16xi32>,
    tpu.vector_store_idx %arg8[%add3A_22, %broadcast_in_dim3A_3], %scan3A_141#15 : memref<128x2xi32, #tpu.memory_space<vmem>>[vector<16xi32>, vector<16xi32>], vector<16xi32>,
    %add3A_159 = arith.addf %scan3A_141#16, %scan3A_141#17 : vector<16xf32>
    %add3A_160 = arith.addf %add3A_159, %broadcast_in_dim3A_7 : vector<16xf32>
    %div3A_161 = arith.divf %scan3A_141#16, %add3A_160 : vector<16xf32>
    tpu.vector_store_idx %arg7[%add3A_26, %scan3A_141#18], %div3A_161 : memref<128x64xf32, #tpu.memory_space<vmem>>[vector<16xi32>, vector<16xi32>], vector<16xf32>,
    %div3A_162 = arith.divf %scan3A_141#17, %add3A_160 : vector<16xf32>
    tpu.vector_store_idx %arg7[%add3A_26, %scan3A_141#19], %div3A_162 : memref<128x64xf32, #tpu.memory_space<vmem>>[vector<16xi32>, vector<16xi32>], vector<16xf32>,
    tpu.vector_store_idx %arg8[%add3A_26, %broadcast_in_dim3A_1], %scan3A_141#18 : memref<128x2xi32, #tpu.memory_space<vmem>>[vector<16xi32>, vector<16xi32>], vector<16xi32>,
    tpu.vector_store_idx %arg8[%add3A_26, %broadcast_in_dim3A_3], %scan3A_141#19 : memref<128x2xi32, #tpu.memory_space<vmem>>[vector<16xi32>, vector<16xi32>], vector<16xi32>,
    %add3A_163 = arith.addf %scan3A_141#20, %scan3A_141#21 : vector<16xf32>
    %add3A_164 = arith.addf %add3A_163, %broadcast_in_dim3A_7 : vector<16xf32>
    %div3A_165 = arith.divf %scan3A_141#20, %add3A_164 : vector<16xf32>
    tpu.vector_store_idx %arg7[%add3A_30, %scan3A_141#22], %div3A_165 : memref<128x64xf32, #tpu.memory_space<vmem>>[vector<16xi32>, vector<16xi32>], vector<16xf32>,
    %div3A_166 = arith.divf %scan3A_141#21, %add3A_164 : vector<16xf32>
    tpu.vector_store_idx %arg7[%add3A_30, %scan3A_141#23], %div3A_166 : memref<128x64xf32, #tpu.memory_space<vmem>>[vector<16xi32>, vector<16xi32>], vector<16xf32>,
    tpu.vector_store_idx %arg8[%add3A_30, %broadcast_in_dim3A_1], %scan3A_141#22 : memref<128x2xi32, #tpu.memory_space<vmem>>[vector<16xi32>, vector<16xi32>], vector<16xi32>,
    tpu.vector_store_idx %arg8[%add3A_30, %broadcast_in_dim3A_3], %scan3A_141#23 : memref<128x2xi32, #tpu.memory_space<vmem>>[vector<16xi32>, vector<16xi32>], vector<16xi32>,
    %add3A_167 = arith.addf %scan3A_141#24, %scan3A_141#25 : vector<16xf32>
    %add3A_168 = arith.addf %add3A_167, %broadcast_in_dim3A_7 : vector<16xf32>
    %div3A_169 = arith.divf %scan3A_141#24, %add3A_168 : vector<16xf32>
    tpu.vector_store_idx %arg7[%add3A_34, %scan3A_141#26], %div3A_169 : memref<128x64xf32, #tpu.memory_space<vmem>>[vector<16xi32>, vector<16xi32>], vector<16xf32>,
    %div3A_170 = arith.divf %scan3A_141#25, %add3A_168 : vector<16xf32>
    tpu.vector_store_idx %arg7[%add3A_34, %scan3A_141#27], %div3A_170 : memref<128x64xf32, #tpu.memory_space<vmem>>[vector<16xi32>, vector<16xi32>], vector<16xf32>,
    tpu.vector_store_idx %arg8[%add3A_34, %broadcast_in_dim3A_1], %scan3A_141#26 : memref<128x2xi32, #tpu.memory_space<vmem>>[vector<16xi32>, vector<16xi32>], vector<16xi32>,
    tpu.vector_store_idx %arg8[%add3A_34, %broadcast_in_dim3A_3], %scan3A_141#27 : memref<128x2xi32, #tpu.memory_space<vmem>>[vector<16xi32>, vector<16xi32>], vector<16xi32>,
    %add3A_171 = arith.addf %scan3A_141#28, %scan3A_141#29 : vector<16xf32>
    %add3A_172 = arith.addf %add3A_171, %broadcast_in_dim3A_7 : vector<16xf32>
    %div3A_173 = arith.divf %scan3A_141#28, %add3A_172 : vector<16xf32>
    tpu.vector_store_idx %arg7[%add3A_38, %scan3A_141#30], %div3A_173 : memref<128x64xf32, #tpu.memory_space<vmem>>[vector<16xi32>, vector<16xi32>], vector<16xf32>,
    %div3A_174 = arith.divf %scan3A_141#29, %add3A_172 : vector<16xf32>
    tpu.vector_store_idx %arg7[%add3A_38, %scan3A_141#31], %div3A_174 : memref<128x64xf32, #tpu.memory_space<vmem>>[vector<16xi32>, vector<16xi32>], vector<16xf32>,
    tpu.vector_store_idx %arg8[%add3A_38, %broadcast_in_dim3A_1], %scan3A_141#30 : memref<128x2xi32, #tpu.memory_space<vmem>>[vector<16xi32>, vector<16xi32>], vector<16xi32>,
    tpu.vector_store_idx %arg8[%add3A_38, %broadcast_in_dim3A_3], %scan3A_141#31 : memref<128x2xi32, #tpu.memory_space<vmem>>[vector<16xi32>, vector<16xi32>], vector<16xi32>,
    "tpu.region"() ({
      %run_scoped3A = tpu.sem_alloc : memref<!tpu.dma_semaphore, #tpu.memory_space<semaphore_mem>>
      %dma_start3A = arith.constant 0 : i32
      %dma_start3A_405 = tpu.memref_slice %arg4[%add3A_132, %dma_start3A] : memref<32768x64xf32, #tpu.memory_space<hbm>> -> memref<128x64xf32, #tpu.memory_space<hbm>>
      %dma_start3A_406 = arith.constant 0 : i32
      %dma_start3A_407 = tpu.memref_slice %arg4[%add3A_132, %dma_start3A_406] : memref<32768x64xf32, #tpu.memory_space<hbm>> -> memref<128x64xf32, #tpu.memory_space<hbm>>
      tpu.enqueue_dma source(%arg7 : memref<128x64xf32, #tpu.memory_space<vmem>>) target(%dma_start3A_407 : memref<128x64xf32, #tpu.memory_space<hbm>>) target_semaphore(%run_scoped3A : memref<!tpu.dma_semaphore, #tpu.memory_space<semaphore_mem>>)
      %dma_wait3A = arith.constant 0 : i32
      %dma_wait3A_408 = tpu.memref_slice %arg4[%add3A_132, %dma_wait3A] : memref<32768x64xf32, #tpu.memory_space<hbm>> -> memref<128x64xf32, #tpu.memory_space<hbm>>
      %dma_wait3A_409 = arith.constant 0 : i32
      %dma_wait3A_410 = tpu.memref_slice %arg4[%add3A_132, %dma_wait3A_409] : memref<32768x64xf32, #tpu.memory_space<hbm>> -> memref<128x64xf32, #tpu.memory_space<hbm>>
      tpu.wait_dma2 semaphore(%run_scoped3A : memref<!tpu.dma_semaphore, #tpu.memory_space<semaphore_mem>>) src(%arg7 : memref<128x64xf32, #tpu.memory_space<vmem>>) dst(%dma_wait3A_410 : memref<128x64xf32, #tpu.memory_space<hbm>>)
      tpu.yield
    }) : () -> ()
    "tpu.region"() ({
      %run_scoped3A = tpu.sem_alloc : memref<!tpu.dma_semaphore, #tpu.memory_space<semaphore_mem>>
      %dma_start3A = arith.constant 0 : i32
      %dma_start3A_405 = tpu.memref_slice %arg5[%add3A_132, %dma_start3A] : memref<32768x2xi32, #tpu.memory_space<hbm>> -> memref<128x2xi32, #tpu.memory_space<hbm>>
      %dma_start3A_406 = arith.constant 0 : i32
      %dma_start3A_407 = tpu.memref_slice %arg5[%add3A_132, %dma_start3A_406] : memref<32768x2xi32, #tpu.memory_space<hbm>> -> memref<128x2xi32, #tpu.memory_space<hbm>>
      tpu.enqueue_dma source(%arg8 : memref<128x2xi32, #tpu.memory_space<vmem>>) target(%dma_start3A_407 : memref<128x2xi32, #tpu.memory_space<hbm>>) target_semaphore(%run_scoped3A : memref<!tpu.dma_semaphore, #tpu.memory_space<semaphore_mem>>)
      %dma_wait3A = arith.constant 0 : i32
      %dma_wait3A_408 = tpu.memref_slice %arg5[%add3A_132, %dma_wait3A] : memref<32768x2xi32, #tpu.memory_space<hbm>> -> memref<128x2xi32, #tpu.memory_space<hbm>>
      %dma_wait3A_409 = arith.constant 0 : i32
      %dma_wait3A_410 = tpu.memref_slice %arg5[%add3A_132, %dma_wait3A_409] : memref<32768x2xi32, #tpu.memory_space<hbm>> -> memref<128x2xi32, #tpu.memory_space<hbm>>
      tpu.wait_dma2 semaphore(%run_scoped3A : memref<!tpu.dma_semaphore, #tpu.memory_space<semaphore_mem>>) src(%arg8 : memref<128x2xi32, #tpu.memory_space<vmem>>) dst(%dma_wait3A_410 : memref<128x2xi32, #tpu.memory_space<hbm>>)
      tpu.yield
    }) : () -> ()
    tpu.vector_store_idx %arg7[%add3A_10, %scan3A_141#2], %broadcast_in_dim3A_5 : memref<128x64xf32, #tpu.memory_space<vmem>>[vector<16xi32>, vector<16xi32>], vector<16xf32>,
    tpu.vector_store_idx %arg7[%add3A_10, %scan3A_141#3], %broadcast_in_dim3A_5 : memref<128x64xf32, #tpu.memory_space<vmem>>[vector<16xi32>, vector<16xi32>], vector<16xf32>,
    tpu.vector_store_idx %arg7[%add3A_14, %scan3A_141#6], %broadcast_in_dim3A_5 : memref<128x64xf32, #tpu.memory_space<vmem>>[vector<16xi32>, vector<16xi32>], vector<16xf32>,
    tpu.vector_store_idx %arg7[%add3A_14, %scan3A_141#7], %broadcast_in_dim3A_5 : memref<128x64xf32, #tpu.memory_space<vmem>>[vector<16xi32>, vector<16xi32>], vector<16xf32>,
    tpu.vector_store_idx %arg7[%add3A_18, %scan3A_141#10], %broadcast_in_dim3A_5 : memref<128x64xf32, #tpu.memory_space<vmem>>[vector<16xi32>, vector<16xi32>], vector<16xf32>,
    tpu.vector_store_idx %arg7[%add3A_18, %scan3A_141#11], %broadcast_in_dim3A_5 : memref<128x64xf32, #tpu.memory_space<vmem>>[vector<16xi32>, vector<16xi32>], vector<16xf32>,
    tpu.vector_store_idx %arg7[%add3A_22, %scan3A_141#14], %broadcast_in_dim3A_5 : memref<128x64xf32, #tpu.memory_space<vmem>>[vector<16xi32>, vector<16xi32>], vector<16xf32>,
    tpu.vector_store_idx %arg7[%add3A_22, %scan3A_141#15], %broadcast_in_dim3A_5 : memref<128x64xf32, #tpu.memory_space<vmem>>[vector<16xi32>, vector<16xi32>], vector<16xf32>,
    tpu.vector_store_idx %arg7[%add3A_26, %scan3A_141#18], %broadcast_in_dim3A_5 : memref<128x64xf32, #tpu.memory_space<vmem>>[vector<16xi32>, vector<16xi32>], vector<16xf32>,
    tpu.vector_store_idx %arg7[%add3A_26, %scan3A_141#19], %broadcast_in_dim3A_5 : memref<128x64xf32, #tpu.memory_space<vmem>>[vector<16xi32>, vector<16xi32>], vector<16xf32>,
    tpu.vector_store_idx %arg7[%add3A_30, %scan3A_141#22], %broadcast_in_dim3A_5 : memref<128x64xf32, #tpu.memory_space<vmem>>[vector<16xi32>, vector<16xi32>], vector<16xf32>,
    tpu.vector_store_idx %arg7[%add3A_30, %scan3A_141#23], %broadcast_in_dim3A_5 : memref<128x64xf32, #tpu.memory_space<vmem>>[vector<16xi32>, vector<16xi32>], vector<16xf32>,
    tpu.vector_store_idx %arg7[%add3A_34, %scan3A_141#26], %broadcast_in_dim3A_5 : memref<128x64xf32, #tpu.memory_space<vmem>>[vector<16xi32>, vector<16xi32>], vector<16xf32>,
    tpu.vector_store_idx %arg7[%add3A_34, %scan3A_141#27], %broadcast_in_dim3A_5 : memref<128x64xf32, #tpu.memory_space<vmem>>[vector<16xi32>, vector<16xi32>], vector<16xf32>,
    tpu.vector_store_idx %arg7[%add3A_38, %scan3A_141#30], %broadcast_in_dim3A_5 : memref<128x64xf32, #tpu.memory_space<vmem>>[vector<16xi32>, vector<16xi32>], vector<16xf32>,
    tpu.vector_store_idx %arg7[%add3A_38, %scan3A_141#31], %broadcast_in_dim3A_5 : memref<128x64xf32, #tpu.memory_space<vmem>>[vector<16xi32>, vector<16xi32>], vector<16xf32>,
    %mul3A_175 = arith.constant 1024 : i32
    %mul3A_176 = arith.muli %add3A, %mul3A_175 : i32
    %add3A_177 = arith.constant 384 : i32
    %add3A_178 = arith.addi %mul3A_176, %add3A_177 : i32
    "tpu.region"() ({
      %run_scoped3A = tpu.sem_alloc : memref<!tpu.dma_semaphore, #tpu.memory_space<semaphore_mem>>
      %dma_start3A = arith.constant 0 : i32
      %dma_start3A_405 = tpu.memref_slice %arg2[%add3A_178, %dma_start3A] : memref<32768x64xf32, #tpu.memory_space<hbm>> -> memref<128x64xf32, #tpu.memory_space<hbm>>
      %dma_start3A_406 = arith.constant 0 : i32
      %dma_start3A_407 = tpu.memref_slice %arg2[%add3A_178, %dma_start3A_406] : memref<32768x64xf32, #tpu.memory_space<hbm>> -> memref<128x64xf32, #tpu.memory_space<hbm>>
      tpu.enqueue_dma source(%dma_start3A_407 : memref<128x64xf32, #tpu.memory_space<hbm>>) target(%arg6 : memref<128x64xf32, #tpu.memory_space<vmem>>) target_semaphore(%run_scoped3A : memref<!tpu.dma_semaphore, #tpu.memory_space<semaphore_mem>>)
      %dma_wait3A = arith.constant 0 : i32
      %dma_wait3A_408 = tpu.memref_slice %arg2[%add3A_178, %dma_wait3A] : memref<32768x64xf32, #tpu.memory_space<hbm>> -> memref<128x64xf32, #tpu.memory_space<hbm>>
      %dma_wait3A_409 = arith.constant 0 : i32
      %dma_wait3A_410 = tpu.memref_slice %arg2[%add3A_178, %dma_wait3A_409] : memref<32768x64xf32, #tpu.memory_space<hbm>> -> memref<128x64xf32, #tpu.memory_space<hbm>>
      tpu.wait_dma2 semaphore(%run_scoped3A : memref<!tpu.dma_semaphore, #tpu.memory_space<semaphore_mem>>) src(%dma_wait3A_410 : memref<128x64xf32, #tpu.memory_space<hbm>>) dst(%arg6 : memref<128x64xf32, #tpu.memory_space<vmem>>)
      tpu.yield
    }) : () -> ()
    %broadcast_in_dim3A_179 = arith.constant -1.000000e+00 : f32
    %broadcast_in_dim3A_180 = vector.broadcast %broadcast_in_dim3A_179 : f32 to vector<16xf32>
    %broadcast_in_dim3A_181 = arith.constant 0 : i32
    %broadcast_in_dim3A_182 = vector.broadcast %broadcast_in_dim3A_181 : i32 to vector<16xi32>
    %scan3A_183 = arith.constant 0 : i32
    %scan3A_184 = arith.constant 64 : i32
    %scan3A_185 = arith.addi %scan3A_183, %scan3A_184 : i32
    %scan3A_186 = arith.constant 1 : i32
    %scan3A_187:32 = scf.for %scan3A_405 = %scan3A_183 to %scan3A_185 step %scan3A_186 iter_args(%scan3A_406 = %broadcast_in_dim3A_180, %scan3A_407 = %broadcast_in_dim3A_180, %scan3A_408 = %broadcast_in_dim3A_182, %scan3A_409 = %broadcast_in_dim3A_182, %scan3A_410 = %broadcast_in_dim3A_180, %scan3A_411 = %broadcast_in_dim3A_180, %scan3A_412 = %broadcast_in_dim3A_182, %scan3A_413 = %broadcast_in_dim3A_182, %scan3A_414 = %broadcast_in_dim3A_180, %scan3A_415 = %broadcast_in_dim3A_180, %scan3A_416 = %broadcast_in_dim3A_182, %scan3A_417 = %broadcast_in_dim3A_182, %scan3A_418 = %broadcast_in_dim3A_180, %scan3A_419 = %broadcast_in_dim3A_180, %scan3A_420 = %broadcast_in_dim3A_182, %scan3A_421 = %broadcast_in_dim3A_182, %scan3A_422 = %broadcast_in_dim3A_180, %scan3A_423 = %broadcast_in_dim3A_180, %scan3A_424 = %broadcast_in_dim3A_182, %scan3A_425 = %broadcast_in_dim3A_182, %scan3A_426 = %broadcast_in_dim3A_180, %scan3A_427 = %broadcast_in_dim3A_180, %scan3A_428 = %broadcast_in_dim3A_182, %scan3A_429 = %broadcast_in_dim3A_182, %scan3A_430 = %broadcast_in_dim3A_180, %scan3A_431 = %broadcast_in_dim3A_180, %scan3A_432 = %broadcast_in_dim3A_182, %scan3A_433 = %broadcast_in_dim3A_182, %scan3A_434 = %broadcast_in_dim3A_180, %scan3A_435 = %broadcast_in_dim3A_180, %scan3A_436 = %broadcast_in_dim3A_182, %scan3A_437 = %broadcast_in_dim3A_182) -> (vector<16xf32>, vector<16xf32>, vector<16xi32>, vector<16xi32>, vector<16xf32>, vector<16xf32>, vector<16xi32>, vector<16xi32>, vector<16xf32>, vector<16xf32>, vector<16xi32>, vector<16xi32>, vector<16xf32>, vector<16xf32>, vector<16xi32>, vector<16xi32>, vector<16xf32>, vector<16xf32>, vector<16xi32>, vector<16xi32>, vector<16xf32>, vector<16xf32>, vector<16xi32>, vector<16xi32>, vector<16xf32>, vector<16xf32>, vector<16xi32>, vector<16xi32>, vector<16xf32>, vector<16xf32>, vector<16xi32>, vector<16xi32>)  : i32 {
      %broadcast_in_dim3A_438 = vector.broadcast %scan3A_405 : i32 to vector<16xi32>
      %gather3A = tpu.vector_load_idx %arg6[%add3A_10, %broadcast_in_dim3A_438] : memref<128x64xf32, #tpu.memory_space<vmem>>[vector<16xi32>, vector<16xi32>], vector<16xf32>,
      %gt3A = arith.cmpf ogt, %gather3A, %scan3A_406 : vector<16xf32>
      %gt3A_439 = arith.cmpf ogt, %gather3A, %scan3A_407 : vector<16xf32>
      %select_n3A = arith.select %gt3A_439, %gather3A, %scan3A_407 : vector<16xi1>, vector<16xf32>
      %select_n3A_440 = arith.select %gt3A, %scan3A_406, %select_n3A : vector<16xi1>, vector<16xf32>
      %select_n3A_441 = arith.select %gt3A_439, %broadcast_in_dim3A_438, %scan3A_409 : vector<16xi1>, vector<16xi32>
      %select_n3A_442 = arith.select %gt3A, %scan3A_408, %select_n3A_441 : vector<16xi1>, vector<16xi32>
      %select_n3A_443 = arith.select %gt3A, %gather3A, %scan3A_406 : vector<16xi1>, vector<16xf32>
      %select_n3A_444 = arith.select %gt3A, %broadcast_in_dim3A_438, %scan3A_408 : vector<16xi1>, vector<16xi32>
      %gather3A_445 = tpu.vector_load_idx %arg6[%add3A_14, %broadcast_in_dim3A_438] : memref<128x64xf32, #tpu.memory_space<vmem>>[vector<16xi32>, vector<16xi32>], vector<16xf32>,
      %gt3A_446 = arith.cmpf ogt, %gather3A_445, %scan3A_410 : vector<16xf32>
      %gt3A_447 = arith.cmpf ogt, %gather3A_445, %scan3A_411 : vector<16xf32>
      %select_n3A_448 = arith.select %gt3A_447, %gather3A_445, %scan3A_411 : vector<16xi1>, vector<16xf32>
      %select_n3A_449 = arith.select %gt3A_446, %scan3A_410, %select_n3A_448 : vector<16xi1>, vector<16xf32>
      %select_n3A_450 = arith.select %gt3A_447, %broadcast_in_dim3A_438, %scan3A_413 : vector<16xi1>, vector<16xi32>
      %select_n3A_451 = arith.select %gt3A_446, %scan3A_412, %select_n3A_450 : vector<16xi1>, vector<16xi32>
      %select_n3A_452 = arith.select %gt3A_446, %gather3A_445, %scan3A_410 : vector<16xi1>, vector<16xf32>
      %select_n3A_453 = arith.select %gt3A_446, %broadcast_in_dim3A_438, %scan3A_412 : vector<16xi1>, vector<16xi32>
      %gather3A_454 = tpu.vector_load_idx %arg6[%add3A_18, %broadcast_in_dim3A_438] : memref<128x64xf32, #tpu.memory_space<vmem>>[vector<16xi32>, vector<16xi32>], vector<16xf32>,
      %gt3A_455 = arith.cmpf ogt, %gather3A_454, %scan3A_414 : vector<16xf32>
      %gt3A_456 = arith.cmpf ogt, %gather3A_454, %scan3A_415 : vector<16xf32>
      %select_n3A_457 = arith.select %gt3A_456, %gather3A_454, %scan3A_415 : vector<16xi1>, vector<16xf32>
      %select_n3A_458 = arith.select %gt3A_455, %scan3A_414, %select_n3A_457 : vector<16xi1>, vector<16xf32>
      %select_n3A_459 = arith.select %gt3A_456, %broadcast_in_dim3A_438, %scan3A_417 : vector<16xi1>, vector<16xi32>
      %select_n3A_460 = arith.select %gt3A_455, %scan3A_416, %select_n3A_459 : vector<16xi1>, vector<16xi32>
      %select_n3A_461 = arith.select %gt3A_455, %gather3A_454, %scan3A_414 : vector<16xi1>, vector<16xf32>
      %select_n3A_462 = arith.select %gt3A_455, %broadcast_in_dim3A_438, %scan3A_416 : vector<16xi1>, vector<16xi32>
      %gather3A_463 = tpu.vector_load_idx %arg6[%add3A_22, %broadcast_in_dim3A_438] : memref<128x64xf32, #tpu.memory_space<vmem>>[vector<16xi32>, vector<16xi32>], vector<16xf32>,
      %gt3A_464 = arith.cmpf ogt, %gather3A_463, %scan3A_418 : vector<16xf32>
      %gt3A_465 = arith.cmpf ogt, %gather3A_463, %scan3A_419 : vector<16xf32>
      %select_n3A_466 = arith.select %gt3A_465, %gather3A_463, %scan3A_419 : vector<16xi1>, vector<16xf32>
      %select_n3A_467 = arith.select %gt3A_464, %scan3A_418, %select_n3A_466 : vector<16xi1>, vector<16xf32>
      %select_n3A_468 = arith.select %gt3A_465, %broadcast_in_dim3A_438, %scan3A_421 : vector<16xi1>, vector<16xi32>
      %select_n3A_469 = arith.select %gt3A_464, %scan3A_420, %select_n3A_468 : vector<16xi1>, vector<16xi32>
      %select_n3A_470 = arith.select %gt3A_464, %gather3A_463, %scan3A_418 : vector<16xi1>, vector<16xf32>
      %select_n3A_471 = arith.select %gt3A_464, %broadcast_in_dim3A_438, %scan3A_420 : vector<16xi1>, vector<16xi32>
      %gather3A_472 = tpu.vector_load_idx %arg6[%add3A_26, %broadcast_in_dim3A_438] : memref<128x64xf32, #tpu.memory_space<vmem>>[vector<16xi32>, vector<16xi32>], vector<16xf32>,
      %gt3A_473 = arith.cmpf ogt, %gather3A_472, %scan3A_422 : vector<16xf32>
      %gt3A_474 = arith.cmpf ogt, %gather3A_472, %scan3A_423 : vector<16xf32>
      %select_n3A_475 = arith.select %gt3A_474, %gather3A_472, %scan3A_423 : vector<16xi1>, vector<16xf32>
      %select_n3A_476 = arith.select %gt3A_473, %scan3A_422, %select_n3A_475 : vector<16xi1>, vector<16xf32>
      %select_n3A_477 = arith.select %gt3A_474, %broadcast_in_dim3A_438, %scan3A_425 : vector<16xi1>, vector<16xi32>
      %select_n3A_478 = arith.select %gt3A_473, %scan3A_424, %select_n3A_477 : vector<16xi1>, vector<16xi32>
      %select_n3A_479 = arith.select %gt3A_473, %gather3A_472, %scan3A_422 : vector<16xi1>, vector<16xf32>
      %select_n3A_480 = arith.select %gt3A_473, %broadcast_in_dim3A_438, %scan3A_424 : vector<16xi1>, vector<16xi32>
      %gather3A_481 = tpu.vector_load_idx %arg6[%add3A_30, %broadcast_in_dim3A_438] : memref<128x64xf32, #tpu.memory_space<vmem>>[vector<16xi32>, vector<16xi32>], vector<16xf32>,
      %gt3A_482 = arith.cmpf ogt, %gather3A_481, %scan3A_426 : vector<16xf32>
      %gt3A_483 = arith.cmpf ogt, %gather3A_481, %scan3A_427 : vector<16xf32>
      %select_n3A_484 = arith.select %gt3A_483, %gather3A_481, %scan3A_427 : vector<16xi1>, vector<16xf32>
      %select_n3A_485 = arith.select %gt3A_482, %scan3A_426, %select_n3A_484 : vector<16xi1>, vector<16xf32>
      %select_n3A_486 = arith.select %gt3A_483, %broadcast_in_dim3A_438, %scan3A_429 : vector<16xi1>, vector<16xi32>
      %select_n3A_487 = arith.select %gt3A_482, %scan3A_428, %select_n3A_486 : vector<16xi1>, vector<16xi32>
      %select_n3A_488 = arith.select %gt3A_482, %gather3A_481, %scan3A_426 : vector<16xi1>, vector<16xf32>
      %select_n3A_489 = arith.select %gt3A_482, %broadcast_in_dim3A_438, %scan3A_428 : vector<16xi1>, vector<16xi32>
      %gather3A_490 = tpu.vector_load_idx %arg6[%add3A_34, %broadcast_in_dim3A_438] : memref<128x64xf32, #tpu.memory_space<vmem>>[vector<16xi32>, vector<16xi32>], vector<16xf32>,
      %gt3A_491 = arith.cmpf ogt, %gather3A_490, %scan3A_430 : vector<16xf32>
      %gt3A_492 = arith.cmpf ogt, %gather3A_490, %scan3A_431 : vector<16xf32>
      %select_n3A_493 = arith.select %gt3A_492, %gather3A_490, %scan3A_431 : vector<16xi1>, vector<16xf32>
      %select_n3A_494 = arith.select %gt3A_491, %scan3A_430, %select_n3A_493 : vector<16xi1>, vector<16xf32>
      %select_n3A_495 = arith.select %gt3A_492, %broadcast_in_dim3A_438, %scan3A_433 : vector<16xi1>, vector<16xi32>
      %select_n3A_496 = arith.select %gt3A_491, %scan3A_432, %select_n3A_495 : vector<16xi1>, vector<16xi32>
      %select_n3A_497 = arith.select %gt3A_491, %gather3A_490, %scan3A_430 : vector<16xi1>, vector<16xf32>
      %select_n3A_498 = arith.select %gt3A_491, %broadcast_in_dim3A_438, %scan3A_432 : vector<16xi1>, vector<16xi32>
      %gather3A_499 = tpu.vector_load_idx %arg6[%add3A_38, %broadcast_in_dim3A_438] : memref<128x64xf32, #tpu.memory_space<vmem>>[vector<16xi32>, vector<16xi32>], vector<16xf32>,
      %gt3A_500 = arith.cmpf ogt, %gather3A_499, %scan3A_434 : vector<16xf32>
      %gt3A_501 = arith.cmpf ogt, %gather3A_499, %scan3A_435 : vector<16xf32>
      %select_n3A_502 = arith.select %gt3A_501, %gather3A_499, %scan3A_435 : vector<16xi1>, vector<16xf32>
      %select_n3A_503 = arith.select %gt3A_500, %scan3A_434, %select_n3A_502 : vector<16xi1>, vector<16xf32>
      %select_n3A_504 = arith.select %gt3A_501, %broadcast_in_dim3A_438, %scan3A_437 : vector<16xi1>, vector<16xi32>
      %select_n3A_505 = arith.select %gt3A_500, %scan3A_436, %select_n3A_504 : vector<16xi1>, vector<16xi32>
      %select_n3A_506 = arith.select %gt3A_500, %gather3A_499, %scan3A_434 : vector<16xi1>, vector<16xf32>
      %select_n3A_507 = arith.select %gt3A_500, %broadcast_in_dim3A_438, %scan3A_436 : vector<16xi1>, vector<16xi32>
      scf.yield %select_n3A_443, %select_n3A_440, %select_n3A_444, %select_n3A_442, %select_n3A_452, %select_n3A_449, %select_n3A_453, %select_n3A_451, %select_n3A_461, %select_n3A_458, %select_n3A_462, %select_n3A_460, %select_n3A_470, %select_n3A_467, %select_n3A_471, %select_n3A_469, %select_n3A_479, %select_n3A_476, %select_n3A_480, %select_n3A_478, %select_n3A_488, %select_n3A_485, %select_n3A_489, %select_n3A_487, %select_n3A_497, %select_n3A_494, %select_n3A_498, %select_n3A_496, %select_n3A_506, %select_n3A_503, %select_n3A_507, %select_n3A_505 : vector<16xf32>, vector<16xf32>, vector<16xi32>, vector<16xi32>, vector<16xf32>, vector<16xf32>, vector<16xi32>, vector<16xi32>, vector<16xf32>, vector<16xf32>, vector<16xi32>, vector<16xi32>, vector<16xf32>, vector<16xf32>, vector<16xi32>, vector<16xi32>, vector<16xf32>, vector<16xf32>, vector<16xi32>, vector<16xi32>, vector<16xf32>, vector<16xf32>, vector<16xi32>, vector<16xi32>, vector<16xf32>, vector<16xf32>, vector<16xi32>, vector<16xi32>, vector<16xf32>, vector<16xf32>, vector<16xi32>, vector<16xi32>
    }
    %scan3A_188 = arith.constant 64 : i32
    %add3A_189 = arith.addf %scan3A_187#0, %scan3A_187#1 : vector<16xf32>
    %add3A_190 = arith.addf %add3A_189, %broadcast_in_dim3A_7 : vector<16xf32>
    %div3A_191 = arith.divf %scan3A_187#0, %add3A_190 : vector<16xf32>
    tpu.vector_store_idx %arg7[%add3A_10, %scan3A_187#2], %div3A_191 : memref<128x64xf32, #tpu.memory_space<vmem>>[vector<16xi32>, vector<16xi32>], vector<16xf32>,
    %div3A_192 = arith.divf %scan3A_187#1, %add3A_190 : vector<16xf32>
    tpu.vector_store_idx %arg7[%add3A_10, %scan3A_187#3], %div3A_192 : memref<128x64xf32, #tpu.memory_space<vmem>>[vector<16xi32>, vector<16xi32>], vector<16xf32>,
    tpu.vector_store_idx %arg8[%add3A_10, %broadcast_in_dim3A_1], %scan3A_187#2 : memref<128x2xi32, #tpu.memory_space<vmem>>[vector<16xi32>, vector<16xi32>], vector<16xi32>,
    tpu.vector_store_idx %arg8[%add3A_10, %broadcast_in_dim3A_3], %scan3A_187#3 : memref<128x2xi32, #tpu.memory_space<vmem>>[vector<16xi32>, vector<16xi32>], vector<16xi32>,
    %add3A_193 = arith.addf %scan3A_187#4, %scan3A_187#5 : vector<16xf32>
    %add3A_194 = arith.addf %add3A_193, %broadcast_in_dim3A_7 : vector<16xf32>
    %div3A_195 = arith.divf %scan3A_187#4, %add3A_194 : vector<16xf32>
    tpu.vector_store_idx %arg7[%add3A_14, %scan3A_187#6], %div3A_195 : memref<128x64xf32, #tpu.memory_space<vmem>>[vector<16xi32>, vector<16xi32>], vector<16xf32>,
    %div3A_196 = arith.divf %scan3A_187#5, %add3A_194 : vector<16xf32>
    tpu.vector_store_idx %arg7[%add3A_14, %scan3A_187#7], %div3A_196 : memref<128x64xf32, #tpu.memory_space<vmem>>[vector<16xi32>, vector<16xi32>], vector<16xf32>,
    tpu.vector_store_idx %arg8[%add3A_14, %broadcast_in_dim3A_1], %scan3A_187#6 : memref<128x2xi32, #tpu.memory_space<vmem>>[vector<16xi32>, vector<16xi32>], vector<16xi32>,
    tpu.vector_store_idx %arg8[%add3A_14, %broadcast_in_dim3A_3], %scan3A_187#7 : memref<128x2xi32, #tpu.memory_space<vmem>>[vector<16xi32>, vector<16xi32>], vector<16xi32>,
    %add3A_197 = arith.addf %scan3A_187#8, %scan3A_187#9 : vector<16xf32>
    %add3A_198 = arith.addf %add3A_197, %broadcast_in_dim3A_7 : vector<16xf32>
    %div3A_199 = arith.divf %scan3A_187#8, %add3A_198 : vector<16xf32>
    tpu.vector_store_idx %arg7[%add3A_18, %scan3A_187#10], %div3A_199 : memref<128x64xf32, #tpu.memory_space<vmem>>[vector<16xi32>, vector<16xi32>], vector<16xf32>,
    %div3A_200 = arith.divf %scan3A_187#9, %add3A_198 : vector<16xf32>
    tpu.vector_store_idx %arg7[%add3A_18, %scan3A_187#11], %div3A_200 : memref<128x64xf32, #tpu.memory_space<vmem>>[vector<16xi32>, vector<16xi32>], vector<16xf32>,
    tpu.vector_store_idx %arg8[%add3A_18, %broadcast_in_dim3A_1], %scan3A_187#10 : memref<128x2xi32, #tpu.memory_space<vmem>>[vector<16xi32>, vector<16xi32>], vector<16xi32>,
    tpu.vector_store_idx %arg8[%add3A_18, %broadcast_in_dim3A_3], %scan3A_187#11 : memref<128x2xi32, #tpu.memory_space<vmem>>[vector<16xi32>, vector<16xi32>], vector<16xi32>,
    %add3A_201 = arith.addf %scan3A_187#12, %scan3A_187#13 : vector<16xf32>
    %add3A_202 = arith.addf %add3A_201, %broadcast_in_dim3A_7 : vector<16xf32>
    %div3A_203 = arith.divf %scan3A_187#12, %add3A_202 : vector<16xf32>
    tpu.vector_store_idx %arg7[%add3A_22, %scan3A_187#14], %div3A_203 : memref<128x64xf32, #tpu.memory_space<vmem>>[vector<16xi32>, vector<16xi32>], vector<16xf32>,
    %div3A_204 = arith.divf %scan3A_187#13, %add3A_202 : vector<16xf32>
    tpu.vector_store_idx %arg7[%add3A_22, %scan3A_187#15], %div3A_204 : memref<128x64xf32, #tpu.memory_space<vmem>>[vector<16xi32>, vector<16xi32>], vector<16xf32>,
    tpu.vector_store_idx %arg8[%add3A_22, %broadcast_in_dim3A_1], %scan3A_187#14 : memref<128x2xi32, #tpu.memory_space<vmem>>[vector<16xi32>, vector<16xi32>], vector<16xi32>,
    tpu.vector_store_idx %arg8[%add3A_22, %broadcast_in_dim3A_3], %scan3A_187#15 : memref<128x2xi32, #tpu.memory_space<vmem>>[vector<16xi32>, vector<16xi32>], vector<16xi32>,
    %add3A_205 = arith.addf %scan3A_187#16, %scan3A_187#17 : vector<16xf32>
    %add3A_206 = arith.addf %add3A_205, %broadcast_in_dim3A_7 : vector<16xf32>
    %div3A_207 = arith.divf %scan3A_187#16, %add3A_206 : vector<16xf32>
    tpu.vector_store_idx %arg7[%add3A_26, %scan3A_187#18], %div3A_207 : memref<128x64xf32, #tpu.memory_space<vmem>>[vector<16xi32>, vector<16xi32>], vector<16xf32>,
    %div3A_208 = arith.divf %scan3A_187#17, %add3A_206 : vector<16xf32>
    tpu.vector_store_idx %arg7[%add3A_26, %scan3A_187#19], %div3A_208 : memref<128x64xf32, #tpu.memory_space<vmem>>[vector<16xi32>, vector<16xi32>], vector<16xf32>,
    tpu.vector_store_idx %arg8[%add3A_26, %broadcast_in_dim3A_1], %scan3A_187#18 : memref<128x2xi32, #tpu.memory_space<vmem>>[vector<16xi32>, vector<16xi32>], vector<16xi32>,
    tpu.vector_store_idx %arg8[%add3A_26, %broadcast_in_dim3A_3], %scan3A_187#19 : memref<128x2xi32, #tpu.memory_space<vmem>>[vector<16xi32>, vector<16xi32>], vector<16xi32>,
    %add3A_209 = arith.addf %scan3A_187#20, %scan3A_187#21 : vector<16xf32>
    %add3A_210 = arith.addf %add3A_209, %broadcast_in_dim3A_7 : vector<16xf32>
    %div3A_211 = arith.divf %scan3A_187#20, %add3A_210 : vector<16xf32>
    tpu.vector_store_idx %arg7[%add3A_30, %scan3A_187#22], %div3A_211 : memref<128x64xf32, #tpu.memory_space<vmem>>[vector<16xi32>, vector<16xi32>], vector<16xf32>,
    %div3A_212 = arith.divf %scan3A_187#21, %add3A_210 : vector<16xf32>
    tpu.vector_store_idx %arg7[%add3A_30, %scan3A_187#23], %div3A_212 : memref<128x64xf32, #tpu.memory_space<vmem>>[vector<16xi32>, vector<16xi32>], vector<16xf32>,
    tpu.vector_store_idx %arg8[%add3A_30, %broadcast_in_dim3A_1], %scan3A_187#22 : memref<128x2xi32, #tpu.memory_space<vmem>>[vector<16xi32>, vector<16xi32>], vector<16xi32>,
    tpu.vector_store_idx %arg8[%add3A_30, %broadcast_in_dim3A_3], %scan3A_187#23 : memref<128x2xi32, #tpu.memory_space<vmem>>[vector<16xi32>, vector<16xi32>], vector<16xi32>,
    %add3A_213 = arith.addf %scan3A_187#24, %scan3A_187#25 : vector<16xf32>
    %add3A_214 = arith.addf %add3A_213, %broadcast_in_dim3A_7 : vector<16xf32>
    %div3A_215 = arith.divf %scan3A_187#24, %add3A_214 : vector<16xf32>
    tpu.vector_store_idx %arg7[%add3A_34, %scan3A_187#26], %div3A_215 : memref<128x64xf32, #tpu.memory_space<vmem>>[vector<16xi32>, vector<16xi32>], vector<16xf32>,
    %div3A_216 = arith.divf %scan3A_187#25, %add3A_214 : vector<16xf32>
    tpu.vector_store_idx %arg7[%add3A_34, %scan3A_187#27], %div3A_216 : memref<128x64xf32, #tpu.memory_space<vmem>>[vector<16xi32>, vector<16xi32>], vector<16xf32>,
    tpu.vector_store_idx %arg8[%add3A_34, %broadcast_in_dim3A_1], %scan3A_187#26 : memref<128x2xi32, #tpu.memory_space<vmem>>[vector<16xi32>, vector<16xi32>], vector<16xi32>,
    tpu.vector_store_idx %arg8[%add3A_34, %broadcast_in_dim3A_3], %scan3A_187#27 : memref<128x2xi32, #tpu.memory_space<vmem>>[vector<16xi32>, vector<16xi32>], vector<16xi32>,
    %add3A_217 = arith.addf %scan3A_187#28, %scan3A_187#29 : vector<16xf32>
    %add3A_218 = arith.addf %add3A_217, %broadcast_in_dim3A_7 : vector<16xf32>
    %div3A_219 = arith.divf %scan3A_187#28, %add3A_218 : vector<16xf32>
    tpu.vector_store_idx %arg7[%add3A_38, %scan3A_187#30], %div3A_219 : memref<128x64xf32, #tpu.memory_space<vmem>>[vector<16xi32>, vector<16xi32>], vector<16xf32>,
    %div3A_220 = arith.divf %scan3A_187#29, %add3A_218 : vector<16xf32>
    tpu.vector_store_idx %arg7[%add3A_38, %scan3A_187#31], %div3A_220 : memref<128x64xf32, #tpu.memory_space<vmem>>[vector<16xi32>, vector<16xi32>], vector<16xf32>,
    tpu.vector_store_idx %arg8[%add3A_38, %broadcast_in_dim3A_1], %scan3A_187#30 : memref<128x2xi32, #tpu.memory_space<vmem>>[vector<16xi32>, vector<16xi32>], vector<16xi32>,
    tpu.vector_store_idx %arg8[%add3A_38, %broadcast_in_dim3A_3], %scan3A_187#31 : memref<128x2xi32, #tpu.memory_space<vmem>>[vector<16xi32>, vector<16xi32>], vector<16xi32>,
    "tpu.region"() ({
      %run_scoped3A = tpu.sem_alloc : memref<!tpu.dma_semaphore, #tpu.memory_space<semaphore_mem>>
      %dma_start3A = arith.constant 0 : i32
      %dma_start3A_405 = tpu.memref_slice %arg4[%add3A_178, %dma_start3A] : memref<32768x64xf32, #tpu.memory_space<hbm>> -> memref<128x64xf32, #tpu.memory_space<hbm>>
      %dma_start3A_406 = arith.constant 0 : i32
      %dma_start3A_407 = tpu.memref_slice %arg4[%add3A_178, %dma_start3A_406] : memref<32768x64xf32, #tpu.memory_space<hbm>> -> memref<128x64xf32, #tpu.memory_space<hbm>>
      tpu.enqueue_dma source(%arg7 : memref<128x64xf32, #tpu.memory_space<vmem>>) target(%dma_start3A_407 : memref<128x64xf32, #tpu.memory_space<hbm>>) target_semaphore(%run_scoped3A : memref<!tpu.dma_semaphore, #tpu.memory_space<semaphore_mem>>)
      %dma_wait3A = arith.constant 0 : i32
      %dma_wait3A_408 = tpu.memref_slice %arg4[%add3A_178, %dma_wait3A] : memref<32768x64xf32, #tpu.memory_space<hbm>> -> memref<128x64xf32, #tpu.memory_space<hbm>>
      %dma_wait3A_409 = arith.constant 0 : i32
      %dma_wait3A_410 = tpu.memref_slice %arg4[%add3A_178, %dma_wait3A_409] : memref<32768x64xf32, #tpu.memory_space<hbm>> -> memref<128x64xf32, #tpu.memory_space<hbm>>
      tpu.wait_dma2 semaphore(%run_scoped3A : memref<!tpu.dma_semaphore, #tpu.memory_space<semaphore_mem>>) src(%arg7 : memref<128x64xf32, #tpu.memory_space<vmem>>) dst(%dma_wait3A_410 : memref<128x64xf32, #tpu.memory_space<hbm>>)
      tpu.yield
    }) : () -> ()
    "tpu.region"() ({
      %run_scoped3A = tpu.sem_alloc : memref<!tpu.dma_semaphore, #tpu.memory_space<semaphore_mem>>
      %dma_start3A = arith.constant 0 : i32
      %dma_start3A_405 = tpu.memref_slice %arg5[%add3A_178, %dma_start3A] : memref<32768x2xi32, #tpu.memory_space<hbm>> -> memref<128x2xi32, #tpu.memory_space<hbm>>
      %dma_start3A_406 = arith.constant 0 : i32
      %dma_start3A_407 = tpu.memref_slice %arg5[%add3A_178, %dma_start3A_406] : memref<32768x2xi32, #tpu.memory_space<hbm>> -> memref<128x2xi32, #tpu.memory_space<hbm>>
      tpu.enqueue_dma source(%arg8 : memref<128x2xi32, #tpu.memory_space<vmem>>) target(%dma_start3A_407 : memref<128x2xi32, #tpu.memory_space<hbm>>) target_semaphore(%run_scoped3A : memref<!tpu.dma_semaphore, #tpu.memory_space<semaphore_mem>>)
      %dma_wait3A = arith.constant 0 : i32
      %dma_wait3A_408 = tpu.memref_slice %arg5[%add3A_178, %dma_wait3A] : memref<32768x2xi32, #tpu.memory_space<hbm>> -> memref<128x2xi32, #tpu.memory_space<hbm>>
      %dma_wait3A_409 = arith.constant 0 : i32
      %dma_wait3A_410 = tpu.memref_slice %arg5[%add3A_178, %dma_wait3A_409] : memref<32768x2xi32, #tpu.memory_space<hbm>> -> memref<128x2xi32, #tpu.memory_space<hbm>>
      tpu.wait_dma2 semaphore(%run_scoped3A : memref<!tpu.dma_semaphore, #tpu.memory_space<semaphore_mem>>) src(%arg8 : memref<128x2xi32, #tpu.memory_space<vmem>>) dst(%dma_wait3A_410 : memref<128x2xi32, #tpu.memory_space<hbm>>)
      tpu.yield
    }) : () -> ()
    tpu.vector_store_idx %arg7[%add3A_10, %scan3A_187#2], %broadcast_in_dim3A_5 : memref<128x64xf32, #tpu.memory_space<vmem>>[vector<16xi32>, vector<16xi32>], vector<16xf32>,
    tpu.vector_store_idx %arg7[%add3A_10, %scan3A_187#3], %broadcast_in_dim3A_5 : memref<128x64xf32, #tpu.memory_space<vmem>>[vector<16xi32>, vector<16xi32>], vector<16xf32>,
    tpu.vector_store_idx %arg7[%add3A_14, %scan3A_187#6], %broadcast_in_dim3A_5 : memref<128x64xf32, #tpu.memory_space<vmem>>[vector<16xi32>, vector<16xi32>], vector<16xf32>,
    tpu.vector_store_idx %arg7[%add3A_14, %scan3A_187#7], %broadcast_in_dim3A_5 : memref<128x64xf32, #tpu.memory_space<vmem>>[vector<16xi32>, vector<16xi32>], vector<16xf32>,
    tpu.vector_store_idx %arg7[%add3A_18, %scan3A_187#10], %broadcast_in_dim3A_5 : memref<128x64xf32, #tpu.memory_space<vmem>>[vector<16xi32>, vector<16xi32>], vector<16xf32>,
    tpu.vector_store_idx %arg7[%add3A_18, %scan3A_187#11], %broadcast_in_dim3A_5 : memref<128x64xf32, #tpu.memory_space<vmem>>[vector<16xi32>, vector<16xi32>], vector<16xf32>,
    tpu.vector_store_idx %arg7[%add3A_22, %scan3A_187#14], %broadcast_in_dim3A_5 : memref<128x64xf32, #tpu.memory_space<vmem>>[vector<16xi32>, vector<16xi32>], vector<16xf32>,
    tpu.vector_store_idx %arg7[%add3A_22, %scan3A_187#15], %broadcast_in_dim3A_5 : memref<128x64xf32, #tpu.memory_space<vmem>>[vector<16xi32>, vector<16xi32>], vector<16xf32>,
    tpu.vector_store_idx %arg7[%add3A_26, %scan3A_187#18], %broadcast_in_dim3A_5 : memref<128x64xf32, #tpu.memory_space<vmem>>[vector<16xi32>, vector<16xi32>], vector<16xf32>,
    tpu.vector_store_idx %arg7[%add3A_26, %scan3A_187#19], %broadcast_in_dim3A_5 : memref<128x64xf32, #tpu.memory_space<vmem>>[vector<16xi32>, vector<16xi32>], vector<16xf32>,
    tpu.vector_store_idx %arg7[%add3A_30, %scan3A_187#22], %broadcast_in_dim3A_5 : memref<128x64xf32, #tpu.memory_space<vmem>>[vector<16xi32>, vector<16xi32>], vector<16xf32>,
    tpu.vector_store_idx %arg7[%add3A_30, %scan3A_187#23], %broadcast_in_dim3A_5 : memref<128x64xf32, #tpu.memory_space<vmem>>[vector<16xi32>, vector<16xi32>], vector<16xf32>,
    tpu.vector_store_idx %arg7[%add3A_34, %scan3A_187#26], %broadcast_in_dim3A_5 : memref<128x64xf32, #tpu.memory_space<vmem>>[vector<16xi32>, vector<16xi32>], vector<16xf32>,
    tpu.vector_store_idx %arg7[%add3A_34, %scan3A_187#27], %broadcast_in_dim3A_5 : memref<128x64xf32, #tpu.memory_space<vmem>>[vector<16xi32>, vector<16xi32>], vector<16xf32>,
    tpu.vector_store_idx %arg7[%add3A_38, %scan3A_187#30], %broadcast_in_dim3A_5 : memref<128x64xf32, #tpu.memory_space<vmem>>[vector<16xi32>, vector<16xi32>], vector<16xf32>,
    tpu.vector_store_idx %arg7[%add3A_38, %scan3A_187#31], %broadcast_in_dim3A_5 : memref<128x64xf32, #tpu.memory_space<vmem>>[vector<16xi32>, vector<16xi32>], vector<16xf32>,
    %mul3A_221 = arith.constant 1024 : i32
    %mul3A_222 = arith.muli %add3A, %mul3A_221 : i32
    %add3A_223 = arith.constant 512 : i32
    %add3A_224 = arith.addi %mul3A_222, %add3A_223 : i32
    "tpu.region"() ({
      %run_scoped3A = tpu.sem_alloc : memref<!tpu.dma_semaphore, #tpu.memory_space<semaphore_mem>>
      %dma_start3A = arith.constant 0 : i32
      %dma_start3A_405 = tpu.memref_slice %arg2[%add3A_224, %dma_start3A] : memref<32768x64xf32, #tpu.memory_space<hbm>> -> memref<128x64xf32, #tpu.memory_space<hbm>>
      %dma_start3A_406 = arith.constant 0 : i32
      %dma_start3A_407 = tpu.memref_slice %arg2[%add3A_224, %dma_start3A_406] : memref<32768x64xf32, #tpu.memory_space<hbm>> -> memref<128x64xf32, #tpu.memory_space<hbm>>
      tpu.enqueue_dma source(%dma_start3A_407 : memref<128x64xf32, #tpu.memory_space<hbm>>) target(%arg6 : memref<128x64xf32, #tpu.memory_space<vmem>>) target_semaphore(%run_scoped3A : memref<!tpu.dma_semaphore, #tpu.memory_space<semaphore_mem>>)
      %dma_wait3A = arith.constant 0 : i32
      %dma_wait3A_408 = tpu.memref_slice %arg2[%add3A_224, %dma_wait3A] : memref<32768x64xf32, #tpu.memory_space<hbm>> -> memref<128x64xf32, #tpu.memory_space<hbm>>
      %dma_wait3A_409 = arith.constant 0 : i32
      %dma_wait3A_410 = tpu.memref_slice %arg2[%add3A_224, %dma_wait3A_409] : memref<32768x64xf32, #tpu.memory_space<hbm>> -> memref<128x64xf32, #tpu.memory_space<hbm>>
      tpu.wait_dma2 semaphore(%run_scoped3A : memref<!tpu.dma_semaphore, #tpu.memory_space<semaphore_mem>>) src(%dma_wait3A_410 : memref<128x64xf32, #tpu.memory_space<hbm>>) dst(%arg6 : memref<128x64xf32, #tpu.memory_space<vmem>>)
      tpu.yield
    }) : () -> ()
    %broadcast_in_dim3A_225 = arith.constant -1.000000e+00 : f32
    %broadcast_in_dim3A_226 = vector.broadcast %broadcast_in_dim3A_225 : f32 to vector<16xf32>
    %broadcast_in_dim3A_227 = arith.constant 0 : i32
    %broadcast_in_dim3A_228 = vector.broadcast %broadcast_in_dim3A_227 : i32 to vector<16xi32>
    %scan3A_229 = arith.constant 0 : i32
    %scan3A_230 = arith.constant 64 : i32
    %scan3A_231 = arith.addi %scan3A_229, %scan3A_230 : i32
    %scan3A_232 = arith.constant 1 : i32
    %scan3A_233:32 = scf.for %scan3A_405 = %scan3A_229 to %scan3A_231 step %scan3A_232 iter_args(%scan3A_406 = %broadcast_in_dim3A_226, %scan3A_407 = %broadcast_in_dim3A_226, %scan3A_408 = %broadcast_in_dim3A_228, %scan3A_409 = %broadcast_in_dim3A_228, %scan3A_410 = %broadcast_in_dim3A_226, %scan3A_411 = %broadcast_in_dim3A_226, %scan3A_412 = %broadcast_in_dim3A_228, %scan3A_413 = %broadcast_in_dim3A_228, %scan3A_414 = %broadcast_in_dim3A_226, %scan3A_415 = %broadcast_in_dim3A_226, %scan3A_416 = %broadcast_in_dim3A_228, %scan3A_417 = %broadcast_in_dim3A_228, %scan3A_418 = %broadcast_in_dim3A_226, %scan3A_419 = %broadcast_in_dim3A_226, %scan3A_420 = %broadcast_in_dim3A_228, %scan3A_421 = %broadcast_in_dim3A_228, %scan3A_422 = %broadcast_in_dim3A_226, %scan3A_423 = %broadcast_in_dim3A_226, %scan3A_424 = %broadcast_in_dim3A_228, %scan3A_425 = %broadcast_in_dim3A_228, %scan3A_426 = %broadcast_in_dim3A_226, %scan3A_427 = %broadcast_in_dim3A_226, %scan3A_428 = %broadcast_in_dim3A_228, %scan3A_429 = %broadcast_in_dim3A_228, %scan3A_430 = %broadcast_in_dim3A_226, %scan3A_431 = %broadcast_in_dim3A_226, %scan3A_432 = %broadcast_in_dim3A_228, %scan3A_433 = %broadcast_in_dim3A_228, %scan3A_434 = %broadcast_in_dim3A_226, %scan3A_435 = %broadcast_in_dim3A_226, %scan3A_436 = %broadcast_in_dim3A_228, %scan3A_437 = %broadcast_in_dim3A_228) -> (vector<16xf32>, vector<16xf32>, vector<16xi32>, vector<16xi32>, vector<16xf32>, vector<16xf32>, vector<16xi32>, vector<16xi32>, vector<16xf32>, vector<16xf32>, vector<16xi32>, vector<16xi32>, vector<16xf32>, vector<16xf32>, vector<16xi32>, vector<16xi32>, vector<16xf32>, vector<16xf32>, vector<16xi32>, vector<16xi32>, vector<16xf32>, vector<16xf32>, vector<16xi32>, vector<16xi32>, vector<16xf32>, vector<16xf32>, vector<16xi32>, vector<16xi32>, vector<16xf32>, vector<16xf32>, vector<16xi32>, vector<16xi32>)  : i32 {
      %broadcast_in_dim3A_438 = vector.broadcast %scan3A_405 : i32 to vector<16xi32>
      %gather3A = tpu.vector_load_idx %arg6[%add3A_10, %broadcast_in_dim3A_438] : memref<128x64xf32, #tpu.memory_space<vmem>>[vector<16xi32>, vector<16xi32>], vector<16xf32>,
      %gt3A = arith.cmpf ogt, %gather3A, %scan3A_406 : vector<16xf32>
      %gt3A_439 = arith.cmpf ogt, %gather3A, %scan3A_407 : vector<16xf32>
      %select_n3A = arith.select %gt3A_439, %gather3A, %scan3A_407 : vector<16xi1>, vector<16xf32>
      %select_n3A_440 = arith.select %gt3A, %scan3A_406, %select_n3A : vector<16xi1>, vector<16xf32>
      %select_n3A_441 = arith.select %gt3A_439, %broadcast_in_dim3A_438, %scan3A_409 : vector<16xi1>, vector<16xi32>
      %select_n3A_442 = arith.select %gt3A, %scan3A_408, %select_n3A_441 : vector<16xi1>, vector<16xi32>
      %select_n3A_443 = arith.select %gt3A, %gather3A, %scan3A_406 : vector<16xi1>, vector<16xf32>
      %select_n3A_444 = arith.select %gt3A, %broadcast_in_dim3A_438, %scan3A_408 : vector<16xi1>, vector<16xi32>
      %gather3A_445 = tpu.vector_load_idx %arg6[%add3A_14, %broadcast_in_dim3A_438] : memref<128x64xf32, #tpu.memory_space<vmem>>[vector<16xi32>, vector<16xi32>], vector<16xf32>,
      %gt3A_446 = arith.cmpf ogt, %gather3A_445, %scan3A_410 : vector<16xf32>
      %gt3A_447 = arith.cmpf ogt, %gather3A_445, %scan3A_411 : vector<16xf32>
      %select_n3A_448 = arith.select %gt3A_447, %gather3A_445, %scan3A_411 : vector<16xi1>, vector<16xf32>
      %select_n3A_449 = arith.select %gt3A_446, %scan3A_410, %select_n3A_448 : vector<16xi1>, vector<16xf32>
      %select_n3A_450 = arith.select %gt3A_447, %broadcast_in_dim3A_438, %scan3A_413 : vector<16xi1>, vector<16xi32>
      %select_n3A_451 = arith.select %gt3A_446, %scan3A_412, %select_n3A_450 : vector<16xi1>, vector<16xi32>
      %select_n3A_452 = arith.select %gt3A_446, %gather3A_445, %scan3A_410 : vector<16xi1>, vector<16xf32>
      %select_n3A_453 = arith.select %gt3A_446, %broadcast_in_dim3A_438, %scan3A_412 : vector<16xi1>, vector<16xi32>
      %gather3A_454 = tpu.vector_load_idx %arg6[%add3A_18, %broadcast_in_dim3A_438] : memref<128x64xf32, #tpu.memory_space<vmem>>[vector<16xi32>, vector<16xi32>], vector<16xf32>,
      %gt3A_455 = arith.cmpf ogt, %gather3A_454, %scan3A_414 : vector<16xf32>
      %gt3A_456 = arith.cmpf ogt, %gather3A_454, %scan3A_415 : vector<16xf32>
      %select_n3A_457 = arith.select %gt3A_456, %gather3A_454, %scan3A_415 : vector<16xi1>, vector<16xf32>
      %select_n3A_458 = arith.select %gt3A_455, %scan3A_414, %select_n3A_457 : vector<16xi1>, vector<16xf32>
      %select_n3A_459 = arith.select %gt3A_456, %broadcast_in_dim3A_438, %scan3A_417 : vector<16xi1>, vector<16xi32>
      %select_n3A_460 = arith.select %gt3A_455, %scan3A_416, %select_n3A_459 : vector<16xi1>, vector<16xi32>
      %select_n3A_461 = arith.select %gt3A_455, %gather3A_454, %scan3A_414 : vector<16xi1>, vector<16xf32>
      %select_n3A_462 = arith.select %gt3A_455, %broadcast_in_dim3A_438, %scan3A_416 : vector<16xi1>, vector<16xi32>
      %gather3A_463 = tpu.vector_load_idx %arg6[%add3A_22, %broadcast_in_dim3A_438] : memref<128x64xf32, #tpu.memory_space<vmem>>[vector<16xi32>, vector<16xi32>], vector<16xf32>,
      %gt3A_464 = arith.cmpf ogt, %gather3A_463, %scan3A_418 : vector<16xf32>
      %gt3A_465 = arith.cmpf ogt, %gather3A_463, %scan3A_419 : vector<16xf32>
      %select_n3A_466 = arith.select %gt3A_465, %gather3A_463, %scan3A_419 : vector<16xi1>, vector<16xf32>
      %select_n3A_467 = arith.select %gt3A_464, %scan3A_418, %select_n3A_466 : vector<16xi1>, vector<16xf32>
      %select_n3A_468 = arith.select %gt3A_465, %broadcast_in_dim3A_438, %scan3A_421 : vector<16xi1>, vector<16xi32>
      %select_n3A_469 = arith.select %gt3A_464, %scan3A_420, %select_n3A_468 : vector<16xi1>, vector<16xi32>
      %select_n3A_470 = arith.select %gt3A_464, %gather3A_463, %scan3A_418 : vector<16xi1>, vector<16xf32>
      %select_n3A_471 = arith.select %gt3A_464, %broadcast_in_dim3A_438, %scan3A_420 : vector<16xi1>, vector<16xi32>
      %gather3A_472 = tpu.vector_load_idx %arg6[%add3A_26, %broadcast_in_dim3A_438] : memref<128x64xf32, #tpu.memory_space<vmem>>[vector<16xi32>, vector<16xi32>], vector<16xf32>,
      %gt3A_473 = arith.cmpf ogt, %gather3A_472, %scan3A_422 : vector<16xf32>
      %gt3A_474 = arith.cmpf ogt, %gather3A_472, %scan3A_423 : vector<16xf32>
      %select_n3A_475 = arith.select %gt3A_474, %gather3A_472, %scan3A_423 : vector<16xi1>, vector<16xf32>
      %select_n3A_476 = arith.select %gt3A_473, %scan3A_422, %select_n3A_475 : vector<16xi1>, vector<16xf32>
      %select_n3A_477 = arith.select %gt3A_474, %broadcast_in_dim3A_438, %scan3A_425 : vector<16xi1>, vector<16xi32>
      %select_n3A_478 = arith.select %gt3A_473, %scan3A_424, %select_n3A_477 : vector<16xi1>, vector<16xi32>
      %select_n3A_479 = arith.select %gt3A_473, %gather3A_472, %scan3A_422 : vector<16xi1>, vector<16xf32>
      %select_n3A_480 = arith.select %gt3A_473, %broadcast_in_dim3A_438, %scan3A_424 : vector<16xi1>, vector<16xi32>
      %gather3A_481 = tpu.vector_load_idx %arg6[%add3A_30, %broadcast_in_dim3A_438] : memref<128x64xf32, #tpu.memory_space<vmem>>[vector<16xi32>, vector<16xi32>], vector<16xf32>,
      %gt3A_482 = arith.cmpf ogt, %gather3A_481, %scan3A_426 : vector<16xf32>
      %gt3A_483 = arith.cmpf ogt, %gather3A_481, %scan3A_427 : vector<16xf32>
      %select_n3A_484 = arith.select %gt3A_483, %gather3A_481, %scan3A_427 : vector<16xi1>, vector<16xf32>
      %select_n3A_485 = arith.select %gt3A_482, %scan3A_426, %select_n3A_484 : vector<16xi1>, vector<16xf32>
      %select_n3A_486 = arith.select %gt3A_483, %broadcast_in_dim3A_438, %scan3A_429 : vector<16xi1>, vector<16xi32>
      %select_n3A_487 = arith.select %gt3A_482, %scan3A_428, %select_n3A_486 : vector<16xi1>, vector<16xi32>
      %select_n3A_488 = arith.select %gt3A_482, %gather3A_481, %scan3A_426 : vector<16xi1>, vector<16xf32>
      %select_n3A_489 = arith.select %gt3A_482, %broadcast_in_dim3A_438, %scan3A_428 : vector<16xi1>, vector<16xi32>
      %gather3A_490 = tpu.vector_load_idx %arg6[%add3A_34, %broadcast_in_dim3A_438] : memref<128x64xf32, #tpu.memory_space<vmem>>[vector<16xi32>, vector<16xi32>], vector<16xf32>,
      %gt3A_491 = arith.cmpf ogt, %gather3A_490, %scan3A_430 : vector<16xf32>
      %gt3A_492 = arith.cmpf ogt, %gather3A_490, %scan3A_431 : vector<16xf32>
      %select_n3A_493 = arith.select %gt3A_492, %gather3A_490, %scan3A_431 : vector<16xi1>, vector<16xf32>
      %select_n3A_494 = arith.select %gt3A_491, %scan3A_430, %select_n3A_493 : vector<16xi1>, vector<16xf32>
      %select_n3A_495 = arith.select %gt3A_492, %broadcast_in_dim3A_438, %scan3A_433 : vector<16xi1>, vector<16xi32>
      %select_n3A_496 = arith.select %gt3A_491, %scan3A_432, %select_n3A_495 : vector<16xi1>, vector<16xi32>
      %select_n3A_497 = arith.select %gt3A_491, %gather3A_490, %scan3A_430 : vector<16xi1>, vector<16xf32>
      %select_n3A_498 = arith.select %gt3A_491, %broadcast_in_dim3A_438, %scan3A_432 : vector<16xi1>, vector<16xi32>
      %gather3A_499 = tpu.vector_load_idx %arg6[%add3A_38, %broadcast_in_dim3A_438] : memref<128x64xf32, #tpu.memory_space<vmem>>[vector<16xi32>, vector<16xi32>], vector<16xf32>,
      %gt3A_500 = arith.cmpf ogt, %gather3A_499, %scan3A_434 : vector<16xf32>
      %gt3A_501 = arith.cmpf ogt, %gather3A_499, %scan3A_435 : vector<16xf32>
      %select_n3A_502 = arith.select %gt3A_501, %gather3A_499, %scan3A_435 : vector<16xi1>, vector<16xf32>
      %select_n3A_503 = arith.select %gt3A_500, %scan3A_434, %select_n3A_502 : vector<16xi1>, vector<16xf32>
      %select_n3A_504 = arith.select %gt3A_501, %broadcast_in_dim3A_438, %scan3A_437 : vector<16xi1>, vector<16xi32>
      %select_n3A_505 = arith.select %gt3A_500, %scan3A_436, %select_n3A_504 : vector<16xi1>, vector<16xi32>
      %select_n3A_506 = arith.select %gt3A_500, %gather3A_499, %scan3A_434 : vector<16xi1>, vector<16xf32>
      %select_n3A_507 = arith.select %gt3A_500, %broadcast_in_dim3A_438, %scan3A_436 : vector<16xi1>, vector<16xi32>
      scf.yield %select_n3A_443, %select_n3A_440, %select_n3A_444, %select_n3A_442, %select_n3A_452, %select_n3A_449, %select_n3A_453, %select_n3A_451, %select_n3A_461, %select_n3A_458, %select_n3A_462, %select_n3A_460, %select_n3A_470, %select_n3A_467, %select_n3A_471, %select_n3A_469, %select_n3A_479, %select_n3A_476, %select_n3A_480, %select_n3A_478, %select_n3A_488, %select_n3A_485, %select_n3A_489, %select_n3A_487, %select_n3A_497, %select_n3A_494, %select_n3A_498, %select_n3A_496, %select_n3A_506, %select_n3A_503, %select_n3A_507, %select_n3A_505 : vector<16xf32>, vector<16xf32>, vector<16xi32>, vector<16xi32>, vector<16xf32>, vector<16xf32>, vector<16xi32>, vector<16xi32>, vector<16xf32>, vector<16xf32>, vector<16xi32>, vector<16xi32>, vector<16xf32>, vector<16xf32>, vector<16xi32>, vector<16xi32>, vector<16xf32>, vector<16xf32>, vector<16xi32>, vector<16xi32>, vector<16xf32>, vector<16xf32>, vector<16xi32>, vector<16xi32>, vector<16xf32>, vector<16xf32>, vector<16xi32>, vector<16xi32>, vector<16xf32>, vector<16xf32>, vector<16xi32>, vector<16xi32>
    }
    %scan3A_234 = arith.constant 64 : i32
    %add3A_235 = arith.addf %scan3A_233#0, %scan3A_233#1 : vector<16xf32>
    %add3A_236 = arith.addf %add3A_235, %broadcast_in_dim3A_7 : vector<16xf32>
    %div3A_237 = arith.divf %scan3A_233#0, %add3A_236 : vector<16xf32>
    tpu.vector_store_idx %arg7[%add3A_10, %scan3A_233#2], %div3A_237 : memref<128x64xf32, #tpu.memory_space<vmem>>[vector<16xi32>, vector<16xi32>], vector<16xf32>,
    %div3A_238 = arith.divf %scan3A_233#1, %add3A_236 : vector<16xf32>
    tpu.vector_store_idx %arg7[%add3A_10, %scan3A_233#3], %div3A_238 : memref<128x64xf32, #tpu.memory_space<vmem>>[vector<16xi32>, vector<16xi32>], vector<16xf32>,
    tpu.vector_store_idx %arg8[%add3A_10, %broadcast_in_dim3A_1], %scan3A_233#2 : memref<128x2xi32, #tpu.memory_space<vmem>>[vector<16xi32>, vector<16xi32>], vector<16xi32>,
    tpu.vector_store_idx %arg8[%add3A_10, %broadcast_in_dim3A_3], %scan3A_233#3 : memref<128x2xi32, #tpu.memory_space<vmem>>[vector<16xi32>, vector<16xi32>], vector<16xi32>,
    %add3A_239 = arith.addf %scan3A_233#4, %scan3A_233#5 : vector<16xf32>
    %add3A_240 = arith.addf %add3A_239, %broadcast_in_dim3A_7 : vector<16xf32>
    %div3A_241 = arith.divf %scan3A_233#4, %add3A_240 : vector<16xf32>
    tpu.vector_store_idx %arg7[%add3A_14, %scan3A_233#6], %div3A_241 : memref<128x64xf32, #tpu.memory_space<vmem>>[vector<16xi32>, vector<16xi32>], vector<16xf32>,
    %div3A_242 = arith.divf %scan3A_233#5, %add3A_240 : vector<16xf32>
    tpu.vector_store_idx %arg7[%add3A_14, %scan3A_233#7], %div3A_242 : memref<128x64xf32, #tpu.memory_space<vmem>>[vector<16xi32>, vector<16xi32>], vector<16xf32>,
    tpu.vector_store_idx %arg8[%add3A_14, %broadcast_in_dim3A_1], %scan3A_233#6 : memref<128x2xi32, #tpu.memory_space<vmem>>[vector<16xi32>, vector<16xi32>], vector<16xi32>,
    tpu.vector_store_idx %arg8[%add3A_14, %broadcast_in_dim3A_3], %scan3A_233#7 : memref<128x2xi32, #tpu.memory_space<vmem>>[vector<16xi32>, vector<16xi32>], vector<16xi32>,
    %add3A_243 = arith.addf %scan3A_233#8, %scan3A_233#9 : vector<16xf32>
    %add3A_244 = arith.addf %add3A_243, %broadcast_in_dim3A_7 : vector<16xf32>
    %div3A_245 = arith.divf %scan3A_233#8, %add3A_244 : vector<16xf32>
    tpu.vector_store_idx %arg7[%add3A_18, %scan3A_233#10], %div3A_245 : memref<128x64xf32, #tpu.memory_space<vmem>>[vector<16xi32>, vector<16xi32>], vector<16xf32>,
    %div3A_246 = arith.divf %scan3A_233#9, %add3A_244 : vector<16xf32>
    tpu.vector_store_idx %arg7[%add3A_18, %scan3A_233#11], %div3A_246 : memref<128x64xf32, #tpu.memory_space<vmem>>[vector<16xi32>, vector<16xi32>], vector<16xf32>,
    tpu.vector_store_idx %arg8[%add3A_18, %broadcast_in_dim3A_1], %scan3A_233#10 : memref<128x2xi32, #tpu.memory_space<vmem>>[vector<16xi32>, vector<16xi32>], vector<16xi32>,
    tpu.vector_store_idx %arg8[%add3A_18, %broadcast_in_dim3A_3], %scan3A_233#11 : memref<128x2xi32, #tpu.memory_space<vmem>>[vector<16xi32>, vector<16xi32>], vector<16xi32>,
    %add3A_247 = arith.addf %scan3A_233#12, %scan3A_233#13 : vector<16xf32>
    %add3A_248 = arith.addf %add3A_247, %broadcast_in_dim3A_7 : vector<16xf32>
    %div3A_249 = arith.divf %scan3A_233#12, %add3A_248 : vector<16xf32>
    tpu.vector_store_idx %arg7[%add3A_22, %scan3A_233#14], %div3A_249 : memref<128x64xf32, #tpu.memory_space<vmem>>[vector<16xi32>, vector<16xi32>], vector<16xf32>,
    %div3A_250 = arith.divf %scan3A_233#13, %add3A_248 : vector<16xf32>
    tpu.vector_store_idx %arg7[%add3A_22, %scan3A_233#15], %div3A_250 : memref<128x64xf32, #tpu.memory_space<vmem>>[vector<16xi32>, vector<16xi32>], vector<16xf32>,
    tpu.vector_store_idx %arg8[%add3A_22, %broadcast_in_dim3A_1], %scan3A_233#14 : memref<128x2xi32, #tpu.memory_space<vmem>>[vector<16xi32>, vector<16xi32>], vector<16xi32>,
    tpu.vector_store_idx %arg8[%add3A_22, %broadcast_in_dim3A_3], %scan3A_233#15 : memref<128x2xi32, #tpu.memory_space<vmem>>[vector<16xi32>, vector<16xi32>], vector<16xi32>,
    %add3A_251 = arith.addf %scan3A_233#16, %scan3A_233#17 : vector<16xf32>
    %add3A_252 = arith.addf %add3A_251, %broadcast_in_dim3A_7 : vector<16xf32>
    %div3A_253 = arith.divf %scan3A_233#16, %add3A_252 : vector<16xf32>
    tpu.vector_store_idx %arg7[%add3A_26, %scan3A_233#18], %div3A_253 : memref<128x64xf32, #tpu.memory_space<vmem>>[vector<16xi32>, vector<16xi32>], vector<16xf32>,
    %div3A_254 = arith.divf %scan3A_233#17, %add3A_252 : vector<16xf32>
    tpu.vector_store_idx %arg7[%add3A_26, %scan3A_233#19], %div3A_254 : memref<128x64xf32, #tpu.memory_space<vmem>>[vector<16xi32>, vector<16xi32>], vector<16xf32>,
    tpu.vector_store_idx %arg8[%add3A_26, %broadcast_in_dim3A_1], %scan3A_233#18 : memref<128x2xi32, #tpu.memory_space<vmem>>[vector<16xi32>, vector<16xi32>], vector<16xi32>,
    tpu.vector_store_idx %arg8[%add3A_26, %broadcast_in_dim3A_3], %scan3A_233#19 : memref<128x2xi32, #tpu.memory_space<vmem>>[vector<16xi32>, vector<16xi32>], vector<16xi32>,
    %add3A_255 = arith.addf %scan3A_233#20, %scan3A_233#21 : vector<16xf32>
    %add3A_256 = arith.addf %add3A_255, %broadcast_in_dim3A_7 : vector<16xf32>
    %div3A_257 = arith.divf %scan3A_233#20, %add3A_256 : vector<16xf32>
    tpu.vector_store_idx %arg7[%add3A_30, %scan3A_233#22], %div3A_257 : memref<128x64xf32, #tpu.memory_space<vmem>>[vector<16xi32>, vector<16xi32>], vector<16xf32>,
    %div3A_258 = arith.divf %scan3A_233#21, %add3A_256 : vector<16xf32>
    tpu.vector_store_idx %arg7[%add3A_30, %scan3A_233#23], %div3A_258 : memref<128x64xf32, #tpu.memory_space<vmem>>[vector<16xi32>, vector<16xi32>], vector<16xf32>,
    tpu.vector_store_idx %arg8[%add3A_30, %broadcast_in_dim3A_1], %scan3A_233#22 : memref<128x2xi32, #tpu.memory_space<vmem>>[vector<16xi32>, vector<16xi32>], vector<16xi32>,
    tpu.vector_store_idx %arg8[%add3A_30, %broadcast_in_dim3A_3], %scan3A_233#23 : memref<128x2xi32, #tpu.memory_space<vmem>>[vector<16xi32>, vector<16xi32>], vector<16xi32>,
    %add3A_259 = arith.addf %scan3A_233#24, %scan3A_233#25 : vector<16xf32>
    %add3A_260 = arith.addf %add3A_259, %broadcast_in_dim3A_7 : vector<16xf32>
    %div3A_261 = arith.divf %scan3A_233#24, %add3A_260 : vector<16xf32>
    tpu.vector_store_idx %arg7[%add3A_34, %scan3A_233#26], %div3A_261 : memref<128x64xf32, #tpu.memory_space<vmem>>[vector<16xi32>, vector<16xi32>], vector<16xf32>,
    %div3A_262 = arith.divf %scan3A_233#25, %add3A_260 : vector<16xf32>
    tpu.vector_store_idx %arg7[%add3A_34, %scan3A_233#27], %div3A_262 : memref<128x64xf32, #tpu.memory_space<vmem>>[vector<16xi32>, vector<16xi32>], vector<16xf32>,
    tpu.vector_store_idx %arg8[%add3A_34, %broadcast_in_dim3A_1], %scan3A_233#26 : memref<128x2xi32, #tpu.memory_space<vmem>>[vector<16xi32>, vector<16xi32>], vector<16xi32>,
    tpu.vector_store_idx %arg8[%add3A_34, %broadcast_in_dim3A_3], %scan3A_233#27 : memref<128x2xi32, #tpu.memory_space<vmem>>[vector<16xi32>, vector<16xi32>], vector<16xi32>,
    %add3A_263 = arith.addf %scan3A_233#28, %scan3A_233#29 : vector<16xf32>
    %add3A_264 = arith.addf %add3A_263, %broadcast_in_dim3A_7 : vector<16xf32>
    %div3A_265 = arith.divf %scan3A_233#28, %add3A_264 : vector<16xf32>
    tpu.vector_store_idx %arg7[%add3A_38, %scan3A_233#30], %div3A_265 : memref<128x64xf32, #tpu.memory_space<vmem>>[vector<16xi32>, vector<16xi32>], vector<16xf32>,
    %div3A_266 = arith.divf %scan3A_233#29, %add3A_264 : vector<16xf32>
    tpu.vector_store_idx %arg7[%add3A_38, %scan3A_233#31], %div3A_266 : memref<128x64xf32, #tpu.memory_space<vmem>>[vector<16xi32>, vector<16xi32>], vector<16xf32>,
    tpu.vector_store_idx %arg8[%add3A_38, %broadcast_in_dim3A_1], %scan3A_233#30 : memref<128x2xi32, #tpu.memory_space<vmem>>[vector<16xi32>, vector<16xi32>], vector<16xi32>,
    tpu.vector_store_idx %arg8[%add3A_38, %broadcast_in_dim3A_3], %scan3A_233#31 : memref<128x2xi32, #tpu.memory_space<vmem>>[vector<16xi32>, vector<16xi32>], vector<16xi32>,
    "tpu.region"() ({
      %run_scoped3A = tpu.sem_alloc : memref<!tpu.dma_semaphore, #tpu.memory_space<semaphore_mem>>
      %dma_start3A = arith.constant 0 : i32
      %dma_start3A_405 = tpu.memref_slice %arg4[%add3A_224, %dma_start3A] : memref<32768x64xf32, #tpu.memory_space<hbm>> -> memref<128x64xf32, #tpu.memory_space<hbm>>
      %dma_start3A_406 = arith.constant 0 : i32
      %dma_start3A_407 = tpu.memref_slice %arg4[%add3A_224, %dma_start3A_406] : memref<32768x64xf32, #tpu.memory_space<hbm>> -> memref<128x64xf32, #tpu.memory_space<hbm>>
      tpu.enqueue_dma source(%arg7 : memref<128x64xf32, #tpu.memory_space<vmem>>) target(%dma_start3A_407 : memref<128x64xf32, #tpu.memory_space<hbm>>) target_semaphore(%run_scoped3A : memref<!tpu.dma_semaphore, #tpu.memory_space<semaphore_mem>>)
      %dma_wait3A = arith.constant 0 : i32
      %dma_wait3A_408 = tpu.memref_slice %arg4[%add3A_224, %dma_wait3A] : memref<32768x64xf32, #tpu.memory_space<hbm>> -> memref<128x64xf32, #tpu.memory_space<hbm>>
      %dma_wait3A_409 = arith.constant 0 : i32
      %dma_wait3A_410 = tpu.memref_slice %arg4[%add3A_224, %dma_wait3A_409] : memref<32768x64xf32, #tpu.memory_space<hbm>> -> memref<128x64xf32, #tpu.memory_space<hbm>>
      tpu.wait_dma2 semaphore(%run_scoped3A : memref<!tpu.dma_semaphore, #tpu.memory_space<semaphore_mem>>) src(%arg7 : memref<128x64xf32, #tpu.memory_space<vmem>>) dst(%dma_wait3A_410 : memref<128x64xf32, #tpu.memory_space<hbm>>)
      tpu.yield
    }) : () -> ()
    "tpu.region"() ({
      %run_scoped3A = tpu.sem_alloc : memref<!tpu.dma_semaphore, #tpu.memory_space<semaphore_mem>>
      %dma_start3A = arith.constant 0 : i32
      %dma_start3A_405 = tpu.memref_slice %arg5[%add3A_224, %dma_start3A] : memref<32768x2xi32, #tpu.memory_space<hbm>> -> memref<128x2xi32, #tpu.memory_space<hbm>>
      %dma_start3A_406 = arith.constant 0 : i32
      %dma_start3A_407 = tpu.memref_slice %arg5[%add3A_224, %dma_start3A_406] : memref<32768x2xi32, #tpu.memory_space<hbm>> -> memref<128x2xi32, #tpu.memory_space<hbm>>
      tpu.enqueue_dma source(%arg8 : memref<128x2xi32, #tpu.memory_space<vmem>>) target(%dma_start3A_407 : memref<128x2xi32, #tpu.memory_space<hbm>>) target_semaphore(%run_scoped3A : memref<!tpu.dma_semaphore, #tpu.memory_space<semaphore_mem>>)
      %dma_wait3A = arith.constant 0 : i32
      %dma_wait3A_408 = tpu.memref_slice %arg5[%add3A_224, %dma_wait3A] : memref<32768x2xi32, #tpu.memory_space<hbm>> -> memref<128x2xi32, #tpu.memory_space<hbm>>
      %dma_wait3A_409 = arith.constant 0 : i32
      %dma_wait3A_410 = tpu.memref_slice %arg5[%add3A_224, %dma_wait3A_409] : memref<32768x2xi32, #tpu.memory_space<hbm>> -> memref<128x2xi32, #tpu.memory_space<hbm>>
      tpu.wait_dma2 semaphore(%run_scoped3A : memref<!tpu.dma_semaphore, #tpu.memory_space<semaphore_mem>>) src(%arg8 : memref<128x2xi32, #tpu.memory_space<vmem>>) dst(%dma_wait3A_410 : memref<128x2xi32, #tpu.memory_space<hbm>>)
      tpu.yield
    }) : () -> ()
    tpu.vector_store_idx %arg7[%add3A_10, %scan3A_233#2], %broadcast_in_dim3A_5 : memref<128x64xf32, #tpu.memory_space<vmem>>[vector<16xi32>, vector<16xi32>], vector<16xf32>,
    tpu.vector_store_idx %arg7[%add3A_10, %scan3A_233#3], %broadcast_in_dim3A_5 : memref<128x64xf32, #tpu.memory_space<vmem>>[vector<16xi32>, vector<16xi32>], vector<16xf32>,
    tpu.vector_store_idx %arg7[%add3A_14, %scan3A_233#6], %broadcast_in_dim3A_5 : memref<128x64xf32, #tpu.memory_space<vmem>>[vector<16xi32>, vector<16xi32>], vector<16xf32>,
    tpu.vector_store_idx %arg7[%add3A_14, %scan3A_233#7], %broadcast_in_dim3A_5 : memref<128x64xf32, #tpu.memory_space<vmem>>[vector<16xi32>, vector<16xi32>], vector<16xf32>,
    tpu.vector_store_idx %arg7[%add3A_18, %scan3A_233#10], %broadcast_in_dim3A_5 : memref<128x64xf32, #tpu.memory_space<vmem>>[vector<16xi32>, vector<16xi32>], vector<16xf32>,
    tpu.vector_store_idx %arg7[%add3A_18, %scan3A_233#11], %broadcast_in_dim3A_5 : memref<128x64xf32, #tpu.memory_space<vmem>>[vector<16xi32>, vector<16xi32>], vector<16xf32>,
    tpu.vector_store_idx %arg7[%add3A_22, %scan3A_233#14], %broadcast_in_dim3A_5 : memref<128x64xf32, #tpu.memory_space<vmem>>[vector<16xi32>, vector<16xi32>], vector<16xf32>,
    tpu.vector_store_idx %arg7[%add3A_22, %scan3A_233#15], %broadcast_in_dim3A_5 : memref<128x64xf32, #tpu.memory_space<vmem>>[vector<16xi32>, vector<16xi32>], vector<16xf32>,
    tpu.vector_store_idx %arg7[%add3A_26, %scan3A_233#18], %broadcast_in_dim3A_5 : memref<128x64xf32, #tpu.memory_space<vmem>>[vector<16xi32>, vector<16xi32>], vector<16xf32>,
    tpu.vector_store_idx %arg7[%add3A_26, %scan3A_233#19], %broadcast_in_dim3A_5 : memref<128x64xf32, #tpu.memory_space<vmem>>[vector<16xi32>, vector<16xi32>], vector<16xf32>,
    tpu.vector_store_idx %arg7[%add3A_30, %scan3A_233#22], %broadcast_in_dim3A_5 : memref<128x64xf32, #tpu.memory_space<vmem>>[vector<16xi32>, vector<16xi32>], vector<16xf32>,
    tpu.vector_store_idx %arg7[%add3A_30, %scan3A_233#23], %broadcast_in_dim3A_5 : memref<128x64xf32, #tpu.memory_space<vmem>>[vector<16xi32>, vector<16xi32>], vector<16xf32>,
    tpu.vector_store_idx %arg7[%add3A_34, %scan3A_233#26], %broadcast_in_dim3A_5 : memref<128x64xf32, #tpu.memory_space<vmem>>[vector<16xi32>, vector<16xi32>], vector<16xf32>,
    tpu.vector_store_idx %arg7[%add3A_34, %scan3A_233#27], %broadcast_in_dim3A_5 : memref<128x64xf32, #tpu.memory_space<vmem>>[vector<16xi32>, vector<16xi32>], vector<16xf32>,
    tpu.vector_store_idx %arg7[%add3A_38, %scan3A_233#30], %broadcast_in_dim3A_5 : memref<128x64xf32, #tpu.memory_space<vmem>>[vector<16xi32>, vector<16xi32>], vector<16xf32>,
    tpu.vector_store_idx %arg7[%add3A_38, %scan3A_233#31], %broadcast_in_dim3A_5 : memref<128x64xf32, #tpu.memory_space<vmem>>[vector<16xi32>, vector<16xi32>], vector<16xf32>,
    %mul3A_267 = arith.constant 1024 : i32
    %mul3A_268 = arith.muli %add3A, %mul3A_267 : i32
    %add3A_269 = arith.constant 640 : i32
    %add3A_270 = arith.addi %mul3A_268, %add3A_269 : i32
    "tpu.region"() ({
      %run_scoped3A = tpu.sem_alloc : memref<!tpu.dma_semaphore, #tpu.memory_space<semaphore_mem>>
      %dma_start3A = arith.constant 0 : i32
      %dma_start3A_405 = tpu.memref_slice %arg2[%add3A_270, %dma_start3A] : memref<32768x64xf32, #tpu.memory_space<hbm>> -> memref<128x64xf32, #tpu.memory_space<hbm>>
      %dma_start3A_406 = arith.constant 0 : i32
      %dma_start3A_407 = tpu.memref_slice %arg2[%add3A_270, %dma_start3A_406] : memref<32768x64xf32, #tpu.memory_space<hbm>> -> memref<128x64xf32, #tpu.memory_space<hbm>>
      tpu.enqueue_dma source(%dma_start3A_407 : memref<128x64xf32, #tpu.memory_space<hbm>>) target(%arg6 : memref<128x64xf32, #tpu.memory_space<vmem>>) target_semaphore(%run_scoped3A : memref<!tpu.dma_semaphore, #tpu.memory_space<semaphore_mem>>)
      %dma_wait3A = arith.constant 0 : i32
      %dma_wait3A_408 = tpu.memref_slice %arg2[%add3A_270, %dma_wait3A] : memref<32768x64xf32, #tpu.memory_space<hbm>> -> memref<128x64xf32, #tpu.memory_space<hbm>>
      %dma_wait3A_409 = arith.constant 0 : i32
      %dma_wait3A_410 = tpu.memref_slice %arg2[%add3A_270, %dma_wait3A_409] : memref<32768x64xf32, #tpu.memory_space<hbm>> -> memref<128x64xf32, #tpu.memory_space<hbm>>
      tpu.wait_dma2 semaphore(%run_scoped3A : memref<!tpu.dma_semaphore, #tpu.memory_space<semaphore_mem>>) src(%dma_wait3A_410 : memref<128x64xf32, #tpu.memory_space<hbm>>) dst(%arg6 : memref<128x64xf32, #tpu.memory_space<vmem>>)
      tpu.yield
    }) : () -> ()
    %broadcast_in_dim3A_271 = arith.constant -1.000000e+00 : f32
    %broadcast_in_dim3A_272 = vector.broadcast %broadcast_in_dim3A_271 : f32 to vector<16xf32>
    %broadcast_in_dim3A_273 = arith.constant 0 : i32
    %broadcast_in_dim3A_274 = vector.broadcast %broadcast_in_dim3A_273 : i32 to vector<16xi32>
    %scan3A_275 = arith.constant 0 : i32
    %scan3A_276 = arith.constant 64 : i32
    %scan3A_277 = arith.addi %scan3A_275, %scan3A_276 : i32
    %scan3A_278 = arith.constant 1 : i32
    %scan3A_279:32 = scf.for %scan3A_405 = %scan3A_275 to %scan3A_277 step %scan3A_278 iter_args(%scan3A_406 = %broadcast_in_dim3A_272, %scan3A_407 = %broadcast_in_dim3A_272, %scan3A_408 = %broadcast_in_dim3A_274, %scan3A_409 = %broadcast_in_dim3A_274, %scan3A_410 = %broadcast_in_dim3A_272, %scan3A_411 = %broadcast_in_dim3A_272, %scan3A_412 = %broadcast_in_dim3A_274, %scan3A_413 = %broadcast_in_dim3A_274, %scan3A_414 = %broadcast_in_dim3A_272, %scan3A_415 = %broadcast_in_dim3A_272, %scan3A_416 = %broadcast_in_dim3A_274, %scan3A_417 = %broadcast_in_dim3A_274, %scan3A_418 = %broadcast_in_dim3A_272, %scan3A_419 = %broadcast_in_dim3A_272, %scan3A_420 = %broadcast_in_dim3A_274, %scan3A_421 = %broadcast_in_dim3A_274, %scan3A_422 = %broadcast_in_dim3A_272, %scan3A_423 = %broadcast_in_dim3A_272, %scan3A_424 = %broadcast_in_dim3A_274, %scan3A_425 = %broadcast_in_dim3A_274, %scan3A_426 = %broadcast_in_dim3A_272, %scan3A_427 = %broadcast_in_dim3A_272, %scan3A_428 = %broadcast_in_dim3A_274, %scan3A_429 = %broadcast_in_dim3A_274, %scan3A_430 = %broadcast_in_dim3A_272, %scan3A_431 = %broadcast_in_dim3A_272, %scan3A_432 = %broadcast_in_dim3A_274, %scan3A_433 = %broadcast_in_dim3A_274, %scan3A_434 = %broadcast_in_dim3A_272, %scan3A_435 = %broadcast_in_dim3A_272, %scan3A_436 = %broadcast_in_dim3A_274, %scan3A_437 = %broadcast_in_dim3A_274) -> (vector<16xf32>, vector<16xf32>, vector<16xi32>, vector<16xi32>, vector<16xf32>, vector<16xf32>, vector<16xi32>, vector<16xi32>, vector<16xf32>, vector<16xf32>, vector<16xi32>, vector<16xi32>, vector<16xf32>, vector<16xf32>, vector<16xi32>, vector<16xi32>, vector<16xf32>, vector<16xf32>, vector<16xi32>, vector<16xi32>, vector<16xf32>, vector<16xf32>, vector<16xi32>, vector<16xi32>, vector<16xf32>, vector<16xf32>, vector<16xi32>, vector<16xi32>, vector<16xf32>, vector<16xf32>, vector<16xi32>, vector<16xi32>)  : i32 {
      %broadcast_in_dim3A_438 = vector.broadcast %scan3A_405 : i32 to vector<16xi32>
      %gather3A = tpu.vector_load_idx %arg6[%add3A_10, %broadcast_in_dim3A_438] : memref<128x64xf32, #tpu.memory_space<vmem>>[vector<16xi32>, vector<16xi32>], vector<16xf32>,
      %gt3A = arith.cmpf ogt, %gather3A, %scan3A_406 : vector<16xf32>
      %gt3A_439 = arith.cmpf ogt, %gather3A, %scan3A_407 : vector<16xf32>
      %select_n3A = arith.select %gt3A_439, %gather3A, %scan3A_407 : vector<16xi1>, vector<16xf32>
      %select_n3A_440 = arith.select %gt3A, %scan3A_406, %select_n3A : vector<16xi1>, vector<16xf32>
      %select_n3A_441 = arith.select %gt3A_439, %broadcast_in_dim3A_438, %scan3A_409 : vector<16xi1>, vector<16xi32>
      %select_n3A_442 = arith.select %gt3A, %scan3A_408, %select_n3A_441 : vector<16xi1>, vector<16xi32>
      %select_n3A_443 = arith.select %gt3A, %gather3A, %scan3A_406 : vector<16xi1>, vector<16xf32>
      %select_n3A_444 = arith.select %gt3A, %broadcast_in_dim3A_438, %scan3A_408 : vector<16xi1>, vector<16xi32>
      %gather3A_445 = tpu.vector_load_idx %arg6[%add3A_14, %broadcast_in_dim3A_438] : memref<128x64xf32, #tpu.memory_space<vmem>>[vector<16xi32>, vector<16xi32>], vector<16xf32>,
      %gt3A_446 = arith.cmpf ogt, %gather3A_445, %scan3A_410 : vector<16xf32>
      %gt3A_447 = arith.cmpf ogt, %gather3A_445, %scan3A_411 : vector<16xf32>
      %select_n3A_448 = arith.select %gt3A_447, %gather3A_445, %scan3A_411 : vector<16xi1>, vector<16xf32>
      %select_n3A_449 = arith.select %gt3A_446, %scan3A_410, %select_n3A_448 : vector<16xi1>, vector<16xf32>
      %select_n3A_450 = arith.select %gt3A_447, %broadcast_in_dim3A_438, %scan3A_413 : vector<16xi1>, vector<16xi32>
      %select_n3A_451 = arith.select %gt3A_446, %scan3A_412, %select_n3A_450 : vector<16xi1>, vector<16xi32>
      %select_n3A_452 = arith.select %gt3A_446, %gather3A_445, %scan3A_410 : vector<16xi1>, vector<16xf32>
      %select_n3A_453 = arith.select %gt3A_446, %broadcast_in_dim3A_438, %scan3A_412 : vector<16xi1>, vector<16xi32>
      %gather3A_454 = tpu.vector_load_idx %arg6[%add3A_18, %broadcast_in_dim3A_438] : memref<128x64xf32, #tpu.memory_space<vmem>>[vector<16xi32>, vector<16xi32>], vector<16xf32>,
      %gt3A_455 = arith.cmpf ogt, %gather3A_454, %scan3A_414 : vector<16xf32>
      %gt3A_456 = arith.cmpf ogt, %gather3A_454, %scan3A_415 : vector<16xf32>
      %select_n3A_457 = arith.select %gt3A_456, %gather3A_454, %scan3A_415 : vector<16xi1>, vector<16xf32>
      %select_n3A_458 = arith.select %gt3A_455, %scan3A_414, %select_n3A_457 : vector<16xi1>, vector<16xf32>
      %select_n3A_459 = arith.select %gt3A_456, %broadcast_in_dim3A_438, %scan3A_417 : vector<16xi1>, vector<16xi32>
      %select_n3A_460 = arith.select %gt3A_455, %scan3A_416, %select_n3A_459 : vector<16xi1>, vector<16xi32>
      %select_n3A_461 = arith.select %gt3A_455, %gather3A_454, %scan3A_414 : vector<16xi1>, vector<16xf32>
      %select_n3A_462 = arith.select %gt3A_455, %broadcast_in_dim3A_438, %scan3A_416 : vector<16xi1>, vector<16xi32>
      %gather3A_463 = tpu.vector_load_idx %arg6[%add3A_22, %broadcast_in_dim3A_438] : memref<128x64xf32, #tpu.memory_space<vmem>>[vector<16xi32>, vector<16xi32>], vector<16xf32>,
      %gt3A_464 = arith.cmpf ogt, %gather3A_463, %scan3A_418 : vector<16xf32>
      %gt3A_465 = arith.cmpf ogt, %gather3A_463, %scan3A_419 : vector<16xf32>
      %select_n3A_466 = arith.select %gt3A_465, %gather3A_463, %scan3A_419 : vector<16xi1>, vector<16xf32>
      %select_n3A_467 = arith.select %gt3A_464, %scan3A_418, %select_n3A_466 : vector<16xi1>, vector<16xf32>
      %select_n3A_468 = arith.select %gt3A_465, %broadcast_in_dim3A_438, %scan3A_421 : vector<16xi1>, vector<16xi32>
      %select_n3A_469 = arith.select %gt3A_464, %scan3A_420, %select_n3A_468 : vector<16xi1>, vector<16xi32>
      %select_n3A_470 = arith.select %gt3A_464, %gather3A_463, %scan3A_418 : vector<16xi1>, vector<16xf32>
      %select_n3A_471 = arith.select %gt3A_464, %broadcast_in_dim3A_438, %scan3A_420 : vector<16xi1>, vector<16xi32>
      %gather3A_472 = tpu.vector_load_idx %arg6[%add3A_26, %broadcast_in_dim3A_438] : memref<128x64xf32, #tpu.memory_space<vmem>>[vector<16xi32>, vector<16xi32>], vector<16xf32>,
      %gt3A_473 = arith.cmpf ogt, %gather3A_472, %scan3A_422 : vector<16xf32>
      %gt3A_474 = arith.cmpf ogt, %gather3A_472, %scan3A_423 : vector<16xf32>
      %select_n3A_475 = arith.select %gt3A_474, %gather3A_472, %scan3A_423 : vector<16xi1>, vector<16xf32>
      %select_n3A_476 = arith.select %gt3A_473, %scan3A_422, %select_n3A_475 : vector<16xi1>, vector<16xf32>
      %select_n3A_477 = arith.select %gt3A_474, %broadcast_in_dim3A_438, %scan3A_425 : vector<16xi1>, vector<16xi32>
      %select_n3A_478 = arith.select %gt3A_473, %scan3A_424, %select_n3A_477 : vector<16xi1>, vector<16xi32>
      %select_n3A_479 = arith.select %gt3A_473, %gather3A_472, %scan3A_422 : vector<16xi1>, vector<16xf32>
      %select_n3A_480 = arith.select %gt3A_473, %broadcast_in_dim3A_438, %scan3A_424 : vector<16xi1>, vector<16xi32>
      %gather3A_481 = tpu.vector_load_idx %arg6[%add3A_30, %broadcast_in_dim3A_438] : memref<128x64xf32, #tpu.memory_space<vmem>>[vector<16xi32>, vector<16xi32>], vector<16xf32>,
      %gt3A_482 = arith.cmpf ogt, %gather3A_481, %scan3A_426 : vector<16xf32>
      %gt3A_483 = arith.cmpf ogt, %gather3A_481, %scan3A_427 : vector<16xf32>
      %select_n3A_484 = arith.select %gt3A_483, %gather3A_481, %scan3A_427 : vector<16xi1>, vector<16xf32>
      %select_n3A_485 = arith.select %gt3A_482, %scan3A_426, %select_n3A_484 : vector<16xi1>, vector<16xf32>
      %select_n3A_486 = arith.select %gt3A_483, %broadcast_in_dim3A_438, %scan3A_429 : vector<16xi1>, vector<16xi32>
      %select_n3A_487 = arith.select %gt3A_482, %scan3A_428, %select_n3A_486 : vector<16xi1>, vector<16xi32>
      %select_n3A_488 = arith.select %gt3A_482, %gather3A_481, %scan3A_426 : vector<16xi1>, vector<16xf32>
      %select_n3A_489 = arith.select %gt3A_482, %broadcast_in_dim3A_438, %scan3A_428 : vector<16xi1>, vector<16xi32>
      %gather3A_490 = tpu.vector_load_idx %arg6[%add3A_34, %broadcast_in_dim3A_438] : memref<128x64xf32, #tpu.memory_space<vmem>>[vector<16xi32>, vector<16xi32>], vector<16xf32>,
      %gt3A_491 = arith.cmpf ogt, %gather3A_490, %scan3A_430 : vector<16xf32>
      %gt3A_492 = arith.cmpf ogt, %gather3A_490, %scan3A_431 : vector<16xf32>
      %select_n3A_493 = arith.select %gt3A_492, %gather3A_490, %scan3A_431 : vector<16xi1>, vector<16xf32>
      %select_n3A_494 = arith.select %gt3A_491, %scan3A_430, %select_n3A_493 : vector<16xi1>, vector<16xf32>
      %select_n3A_495 = arith.select %gt3A_492, %broadcast_in_dim3A_438, %scan3A_433 : vector<16xi1>, vector<16xi32>
      %select_n3A_496 = arith.select %gt3A_491, %scan3A_432, %select_n3A_495 : vector<16xi1>, vector<16xi32>
      %select_n3A_497 = arith.select %gt3A_491, %gather3A_490, %scan3A_430 : vector<16xi1>, vector<16xf32>
      %select_n3A_498 = arith.select %gt3A_491, %broadcast_in_dim3A_438, %scan3A_432 : vector<16xi1>, vector<16xi32>
      %gather3A_499 = tpu.vector_load_idx %arg6[%add3A_38, %broadcast_in_dim3A_438] : memref<128x64xf32, #tpu.memory_space<vmem>>[vector<16xi32>, vector<16xi32>], vector<16xf32>,
      %gt3A_500 = arith.cmpf ogt, %gather3A_499, %scan3A_434 : vector<16xf32>
      %gt3A_501 = arith.cmpf ogt, %gather3A_499, %scan3A_435 : vector<16xf32>
      %select_n3A_502 = arith.select %gt3A_501, %gather3A_499, %scan3A_435 : vector<16xi1>, vector<16xf32>
      %select_n3A_503 = arith.select %gt3A_500, %scan3A_434, %select_n3A_502 : vector<16xi1>, vector<16xf32>
      %select_n3A_504 = arith.select %gt3A_501, %broadcast_in_dim3A_438, %scan3A_437 : vector<16xi1>, vector<16xi32>
      %select_n3A_505 = arith.select %gt3A_500, %scan3A_436, %select_n3A_504 : vector<16xi1>, vector<16xi32>
      %select_n3A_506 = arith.select %gt3A_500, %gather3A_499, %scan3A_434 : vector<16xi1>, vector<16xf32>
      %select_n3A_507 = arith.select %gt3A_500, %broadcast_in_dim3A_438, %scan3A_436 : vector<16xi1>, vector<16xi32>
      scf.yield %select_n3A_443, %select_n3A_440, %select_n3A_444, %select_n3A_442, %select_n3A_452, %select_n3A_449, %select_n3A_453, %select_n3A_451, %select_n3A_461, %select_n3A_458, %select_n3A_462, %select_n3A_460, %select_n3A_470, %select_n3A_467, %select_n3A_471, %select_n3A_469, %select_n3A_479, %select_n3A_476, %select_n3A_480, %select_n3A_478, %select_n3A_488, %select_n3A_485, %select_n3A_489, %select_n3A_487, %select_n3A_497, %select_n3A_494, %select_n3A_498, %select_n3A_496, %select_n3A_506, %select_n3A_503, %select_n3A_507, %select_n3A_505 : vector<16xf32>, vector<16xf32>, vector<16xi32>, vector<16xi32>, vector<16xf32>, vector<16xf32>, vector<16xi32>, vector<16xi32>, vector<16xf32>, vector<16xf32>, vector<16xi32>, vector<16xi32>, vector<16xf32>, vector<16xf32>, vector<16xi32>, vector<16xi32>, vector<16xf32>, vector<16xf32>, vector<16xi32>, vector<16xi32>, vector<16xf32>, vector<16xf32>, vector<16xi32>, vector<16xi32>, vector<16xf32>, vector<16xf32>, vector<16xi32>, vector<16xi32>, vector<16xf32>, vector<16xf32>, vector<16xi32>, vector<16xi32>
    }
    %scan3A_280 = arith.constant 64 : i32
    %add3A_281 = arith.addf %scan3A_279#0, %scan3A_279#1 : vector<16xf32>
    %add3A_282 = arith.addf %add3A_281, %broadcast_in_dim3A_7 : vector<16xf32>
    %div3A_283 = arith.divf %scan3A_279#0, %add3A_282 : vector<16xf32>
    tpu.vector_store_idx %arg7[%add3A_10, %scan3A_279#2], %div3A_283 : memref<128x64xf32, #tpu.memory_space<vmem>>[vector<16xi32>, vector<16xi32>], vector<16xf32>,
    %div3A_284 = arith.divf %scan3A_279#1, %add3A_282 : vector<16xf32>
    tpu.vector_store_idx %arg7[%add3A_10, %scan3A_279#3], %div3A_284 : memref<128x64xf32, #tpu.memory_space<vmem>>[vector<16xi32>, vector<16xi32>], vector<16xf32>,
    tpu.vector_store_idx %arg8[%add3A_10, %broadcast_in_dim3A_1], %scan3A_279#2 : memref<128x2xi32, #tpu.memory_space<vmem>>[vector<16xi32>, vector<16xi32>], vector<16xi32>,
    tpu.vector_store_idx %arg8[%add3A_10, %broadcast_in_dim3A_3], %scan3A_279#3 : memref<128x2xi32, #tpu.memory_space<vmem>>[vector<16xi32>, vector<16xi32>], vector<16xi32>,
    %add3A_285 = arith.addf %scan3A_279#4, %scan3A_279#5 : vector<16xf32>
    %add3A_286 = arith.addf %add3A_285, %broadcast_in_dim3A_7 : vector<16xf32>
    %div3A_287 = arith.divf %scan3A_279#4, %add3A_286 : vector<16xf32>
    tpu.vector_store_idx %arg7[%add3A_14, %scan3A_279#6], %div3A_287 : memref<128x64xf32, #tpu.memory_space<vmem>>[vector<16xi32>, vector<16xi32>], vector<16xf32>,
    %div3A_288 = arith.divf %scan3A_279#5, %add3A_286 : vector<16xf32>
    tpu.vector_store_idx %arg7[%add3A_14, %scan3A_279#7], %div3A_288 : memref<128x64xf32, #tpu.memory_space<vmem>>[vector<16xi32>, vector<16xi32>], vector<16xf32>,
    tpu.vector_store_idx %arg8[%add3A_14, %broadcast_in_dim3A_1], %scan3A_279#6 : memref<128x2xi32, #tpu.memory_space<vmem>>[vector<16xi32>, vector<16xi32>], vector<16xi32>,
    tpu.vector_store_idx %arg8[%add3A_14, %broadcast_in_dim3A_3], %scan3A_279#7 : memref<128x2xi32, #tpu.memory_space<vmem>>[vector<16xi32>, vector<16xi32>], vector<16xi32>,
    %add3A_289 = arith.addf %scan3A_279#8, %scan3A_279#9 : vector<16xf32>
    %add3A_290 = arith.addf %add3A_289, %broadcast_in_dim3A_7 : vector<16xf32>
    %div3A_291 = arith.divf %scan3A_279#8, %add3A_290 : vector<16xf32>
    tpu.vector_store_idx %arg7[%add3A_18, %scan3A_279#10], %div3A_291 : memref<128x64xf32, #tpu.memory_space<vmem>>[vector<16xi32>, vector<16xi32>], vector<16xf32>,
    %div3A_292 = arith.divf %scan3A_279#9, %add3A_290 : vector<16xf32>
    tpu.vector_store_idx %arg7[%add3A_18, %scan3A_279#11], %div3A_292 : memref<128x64xf32, #tpu.memory_space<vmem>>[vector<16xi32>, vector<16xi32>], vector<16xf32>,
    tpu.vector_store_idx %arg8[%add3A_18, %broadcast_in_dim3A_1], %scan3A_279#10 : memref<128x2xi32, #tpu.memory_space<vmem>>[vector<16xi32>, vector<16xi32>], vector<16xi32>,
    tpu.vector_store_idx %arg8[%add3A_18, %broadcast_in_dim3A_3], %scan3A_279#11 : memref<128x2xi32, #tpu.memory_space<vmem>>[vector<16xi32>, vector<16xi32>], vector<16xi32>,
    %add3A_293 = arith.addf %scan3A_279#12, %scan3A_279#13 : vector<16xf32>
    %add3A_294 = arith.addf %add3A_293, %broadcast_in_dim3A_7 : vector<16xf32>
    %div3A_295 = arith.divf %scan3A_279#12, %add3A_294 : vector<16xf32>
    tpu.vector_store_idx %arg7[%add3A_22, %scan3A_279#14], %div3A_295 : memref<128x64xf32, #tpu.memory_space<vmem>>[vector<16xi32>, vector<16xi32>], vector<16xf32>,
    %div3A_296 = arith.divf %scan3A_279#13, %add3A_294 : vector<16xf32>
    tpu.vector_store_idx %arg7[%add3A_22, %scan3A_279#15], %div3A_296 : memref<128x64xf32, #tpu.memory_space<vmem>>[vector<16xi32>, vector<16xi32>], vector<16xf32>,
    tpu.vector_store_idx %arg8[%add3A_22, %broadcast_in_dim3A_1], %scan3A_279#14 : memref<128x2xi32, #tpu.memory_space<vmem>>[vector<16xi32>, vector<16xi32>], vector<16xi32>,
    tpu.vector_store_idx %arg8[%add3A_22, %broadcast_in_dim3A_3], %scan3A_279#15 : memref<128x2xi32, #tpu.memory_space<vmem>>[vector<16xi32>, vector<16xi32>], vector<16xi32>,
    %add3A_297 = arith.addf %scan3A_279#16, %scan3A_279#17 : vector<16xf32>
    %add3A_298 = arith.addf %add3A_297, %broadcast_in_dim3A_7 : vector<16xf32>
    %div3A_299 = arith.divf %scan3A_279#16, %add3A_298 : vector<16xf32>
    tpu.vector_store_idx %arg7[%add3A_26, %scan3A_279#18], %div3A_299 : memref<128x64xf32, #tpu.memory_space<vmem>>[vector<16xi32>, vector<16xi32>], vector<16xf32>,
    %div3A_300 = arith.divf %scan3A_279#17, %add3A_298 : vector<16xf32>
    tpu.vector_store_idx %arg7[%add3A_26, %scan3A_279#19], %div3A_300 : memref<128x64xf32, #tpu.memory_space<vmem>>[vector<16xi32>, vector<16xi32>], vector<16xf32>,
    tpu.vector_store_idx %arg8[%add3A_26, %broadcast_in_dim3A_1], %scan3A_279#18 : memref<128x2xi32, #tpu.memory_space<vmem>>[vector<16xi32>, vector<16xi32>], vector<16xi32>,
    tpu.vector_store_idx %arg8[%add3A_26, %broadcast_in_dim3A_3], %scan3A_279#19 : memref<128x2xi32, #tpu.memory_space<vmem>>[vector<16xi32>, vector<16xi32>], vector<16xi32>,
    %add3A_301 = arith.addf %scan3A_279#20, %scan3A_279#21 : vector<16xf32>
    %add3A_302 = arith.addf %add3A_301, %broadcast_in_dim3A_7 : vector<16xf32>
    %div3A_303 = arith.divf %scan3A_279#20, %add3A_302 : vector<16xf32>
    tpu.vector_store_idx %arg7[%add3A_30, %scan3A_279#22], %div3A_303 : memref<128x64xf32, #tpu.memory_space<vmem>>[vector<16xi32>, vector<16xi32>], vector<16xf32>,
    %div3A_304 = arith.divf %scan3A_279#21, %add3A_302 : vector<16xf32>
    tpu.vector_store_idx %arg7[%add3A_30, %scan3A_279#23], %div3A_304 : memref<128x64xf32, #tpu.memory_space<vmem>>[vector<16xi32>, vector<16xi32>], vector<16xf32>,
    tpu.vector_store_idx %arg8[%add3A_30, %broadcast_in_dim3A_1], %scan3A_279#22 : memref<128x2xi32, #tpu.memory_space<vmem>>[vector<16xi32>, vector<16xi32>], vector<16xi32>,
    tpu.vector_store_idx %arg8[%add3A_30, %broadcast_in_dim3A_3], %scan3A_279#23 : memref<128x2xi32, #tpu.memory_space<vmem>>[vector<16xi32>, vector<16xi32>], vector<16xi32>,
    %add3A_305 = arith.addf %scan3A_279#24, %scan3A_279#25 : vector<16xf32>
    %add3A_306 = arith.addf %add3A_305, %broadcast_in_dim3A_7 : vector<16xf32>
    %div3A_307 = arith.divf %scan3A_279#24, %add3A_306 : vector<16xf32>
    tpu.vector_store_idx %arg7[%add3A_34, %scan3A_279#26], %div3A_307 : memref<128x64xf32, #tpu.memory_space<vmem>>[vector<16xi32>, vector<16xi32>], vector<16xf32>,
    %div3A_308 = arith.divf %scan3A_279#25, %add3A_306 : vector<16xf32>
    tpu.vector_store_idx %arg7[%add3A_34, %scan3A_279#27], %div3A_308 : memref<128x64xf32, #tpu.memory_space<vmem>>[vector<16xi32>, vector<16xi32>], vector<16xf32>,
    tpu.vector_store_idx %arg8[%add3A_34, %broadcast_in_dim3A_1], %scan3A_279#26 : memref<128x2xi32, #tpu.memory_space<vmem>>[vector<16xi32>, vector<16xi32>], vector<16xi32>,
    tpu.vector_store_idx %arg8[%add3A_34, %broadcast_in_dim3A_3], %scan3A_279#27 : memref<128x2xi32, #tpu.memory_space<vmem>>[vector<16xi32>, vector<16xi32>], vector<16xi32>,
    %add3A_309 = arith.addf %scan3A_279#28, %scan3A_279#29 : vector<16xf32>
    %add3A_310 = arith.addf %add3A_309, %broadcast_in_dim3A_7 : vector<16xf32>
    %div3A_311 = arith.divf %scan3A_279#28, %add3A_310 : vector<16xf32>
    tpu.vector_store_idx %arg7[%add3A_38, %scan3A_279#30], %div3A_311 : memref<128x64xf32, #tpu.memory_space<vmem>>[vector<16xi32>, vector<16xi32>], vector<16xf32>,
    %div3A_312 = arith.divf %scan3A_279#29, %add3A_310 : vector<16xf32>
    tpu.vector_store_idx %arg7[%add3A_38, %scan3A_279#31], %div3A_312 : memref<128x64xf32, #tpu.memory_space<vmem>>[vector<16xi32>, vector<16xi32>], vector<16xf32>,
    tpu.vector_store_idx %arg8[%add3A_38, %broadcast_in_dim3A_1], %scan3A_279#30 : memref<128x2xi32, #tpu.memory_space<vmem>>[vector<16xi32>, vector<16xi32>], vector<16xi32>,
    tpu.vector_store_idx %arg8[%add3A_38, %broadcast_in_dim3A_3], %scan3A_279#31 : memref<128x2xi32, #tpu.memory_space<vmem>>[vector<16xi32>, vector<16xi32>], vector<16xi32>,
    "tpu.region"() ({
      %run_scoped3A = tpu.sem_alloc : memref<!tpu.dma_semaphore, #tpu.memory_space<semaphore_mem>>
      %dma_start3A = arith.constant 0 : i32
      %dma_start3A_405 = tpu.memref_slice %arg4[%add3A_270, %dma_start3A] : memref<32768x64xf32, #tpu.memory_space<hbm>> -> memref<128x64xf32, #tpu.memory_space<hbm>>
      %dma_start3A_406 = arith.constant 0 : i32
      %dma_start3A_407 = tpu.memref_slice %arg4[%add3A_270, %dma_start3A_406] : memref<32768x64xf32, #tpu.memory_space<hbm>> -> memref<128x64xf32, #tpu.memory_space<hbm>>
      tpu.enqueue_dma source(%arg7 : memref<128x64xf32, #tpu.memory_space<vmem>>) target(%dma_start3A_407 : memref<128x64xf32, #tpu.memory_space<hbm>>) target_semaphore(%run_scoped3A : memref<!tpu.dma_semaphore, #tpu.memory_space<semaphore_mem>>)
      %dma_wait3A = arith.constant 0 : i32
      %dma_wait3A_408 = tpu.memref_slice %arg4[%add3A_270, %dma_wait3A] : memref<32768x64xf32, #tpu.memory_space<hbm>> -> memref<128x64xf32, #tpu.memory_space<hbm>>
      %dma_wait3A_409 = arith.constant 0 : i32
      %dma_wait3A_410 = tpu.memref_slice %arg4[%add3A_270, %dma_wait3A_409] : memref<32768x64xf32, #tpu.memory_space<hbm>> -> memref<128x64xf32, #tpu.memory_space<hbm>>
      tpu.wait_dma2 semaphore(%run_scoped3A : memref<!tpu.dma_semaphore, #tpu.memory_space<semaphore_mem>>) src(%arg7 : memref<128x64xf32, #tpu.memory_space<vmem>>) dst(%dma_wait3A_410 : memref<128x64xf32, #tpu.memory_space<hbm>>)
      tpu.yield
    }) : () -> ()
    "tpu.region"() ({
      %run_scoped3A = tpu.sem_alloc : memref<!tpu.dma_semaphore, #tpu.memory_space<semaphore_mem>>
      %dma_start3A = arith.constant 0 : i32
      %dma_start3A_405 = tpu.memref_slice %arg5[%add3A_270, %dma_start3A] : memref<32768x2xi32, #tpu.memory_space<hbm>> -> memref<128x2xi32, #tpu.memory_space<hbm>>
      %dma_start3A_406 = arith.constant 0 : i32
      %dma_start3A_407 = tpu.memref_slice %arg5[%add3A_270, %dma_start3A_406] : memref<32768x2xi32, #tpu.memory_space<hbm>> -> memref<128x2xi32, #tpu.memory_space<hbm>>
      tpu.enqueue_dma source(%arg8 : memref<128x2xi32, #tpu.memory_space<vmem>>) target(%dma_start3A_407 : memref<128x2xi32, #tpu.memory_space<hbm>>) target_semaphore(%run_scoped3A : memref<!tpu.dma_semaphore, #tpu.memory_space<semaphore_mem>>)
      %dma_wait3A = arith.constant 0 : i32
      %dma_wait3A_408 = tpu.memref_slice %arg5[%add3A_270, %dma_wait3A] : memref<32768x2xi32, #tpu.memory_space<hbm>> -> memref<128x2xi32, #tpu.memory_space<hbm>>
      %dma_wait3A_409 = arith.constant 0 : i32
      %dma_wait3A_410 = tpu.memref_slice %arg5[%add3A_270, %dma_wait3A_409] : memref<32768x2xi32, #tpu.memory_space<hbm>> -> memref<128x2xi32, #tpu.memory_space<hbm>>
      tpu.wait_dma2 semaphore(%run_scoped3A : memref<!tpu.dma_semaphore, #tpu.memory_space<semaphore_mem>>) src(%arg8 : memref<128x2xi32, #tpu.memory_space<vmem>>) dst(%dma_wait3A_410 : memref<128x2xi32, #tpu.memory_space<hbm>>)
      tpu.yield
    }) : () -> ()
    tpu.vector_store_idx %arg7[%add3A_10, %scan3A_279#2], %broadcast_in_dim3A_5 : memref<128x64xf32, #tpu.memory_space<vmem>>[vector<16xi32>, vector<16xi32>], vector<16xf32>,
    tpu.vector_store_idx %arg7[%add3A_10, %scan3A_279#3], %broadcast_in_dim3A_5 : memref<128x64xf32, #tpu.memory_space<vmem>>[vector<16xi32>, vector<16xi32>], vector<16xf32>,
    tpu.vector_store_idx %arg7[%add3A_14, %scan3A_279#6], %broadcast_in_dim3A_5 : memref<128x64xf32, #tpu.memory_space<vmem>>[vector<16xi32>, vector<16xi32>], vector<16xf32>,
    tpu.vector_store_idx %arg7[%add3A_14, %scan3A_279#7], %broadcast_in_dim3A_5 : memref<128x64xf32, #tpu.memory_space<vmem>>[vector<16xi32>, vector<16xi32>], vector<16xf32>,
    tpu.vector_store_idx %arg7[%add3A_18, %scan3A_279#10], %broadcast_in_dim3A_5 : memref<128x64xf32, #tpu.memory_space<vmem>>[vector<16xi32>, vector<16xi32>], vector<16xf32>,
    tpu.vector_store_idx %arg7[%add3A_18, %scan3A_279#11], %broadcast_in_dim3A_5 : memref<128x64xf32, #tpu.memory_space<vmem>>[vector<16xi32>, vector<16xi32>], vector<16xf32>,
    tpu.vector_store_idx %arg7[%add3A_22, %scan3A_279#14], %broadcast_in_dim3A_5 : memref<128x64xf32, #tpu.memory_space<vmem>>[vector<16xi32>, vector<16xi32>], vector<16xf32>,
    tpu.vector_store_idx %arg7[%add3A_22, %scan3A_279#15], %broadcast_in_dim3A_5 : memref<128x64xf32, #tpu.memory_space<vmem>>[vector<16xi32>, vector<16xi32>], vector<16xf32>,
    tpu.vector_store_idx %arg7[%add3A_26, %scan3A_279#18], %broadcast_in_dim3A_5 : memref<128x64xf32, #tpu.memory_space<vmem>>[vector<16xi32>, vector<16xi32>], vector<16xf32>,
    tpu.vector_store_idx %arg7[%add3A_26, %scan3A_279#19], %broadcast_in_dim3A_5 : memref<128x64xf32, #tpu.memory_space<vmem>>[vector<16xi32>, vector<16xi32>], vector<16xf32>,
    tpu.vector_store_idx %arg7[%add3A_30, %scan3A_279#22], %broadcast_in_dim3A_5 : memref<128x64xf32, #tpu.memory_space<vmem>>[vector<16xi32>, vector<16xi32>], vector<16xf32>,
    tpu.vector_store_idx %arg7[%add3A_30, %scan3A_279#23], %broadcast_in_dim3A_5 : memref<128x64xf32, #tpu.memory_space<vmem>>[vector<16xi32>, vector<16xi32>], vector<16xf32>,
    tpu.vector_store_idx %arg7[%add3A_34, %scan3A_279#26], %broadcast_in_dim3A_5 : memref<128x64xf32, #tpu.memory_space<vmem>>[vector<16xi32>, vector<16xi32>], vector<16xf32>,
    tpu.vector_store_idx %arg7[%add3A_34, %scan3A_279#27], %broadcast_in_dim3A_5 : memref<128x64xf32, #tpu.memory_space<vmem>>[vector<16xi32>, vector<16xi32>], vector<16xf32>,
    tpu.vector_store_idx %arg7[%add3A_38, %scan3A_279#30], %broadcast_in_dim3A_5 : memref<128x64xf32, #tpu.memory_space<vmem>>[vector<16xi32>, vector<16xi32>], vector<16xf32>,
    tpu.vector_store_idx %arg7[%add3A_38, %scan3A_279#31], %broadcast_in_dim3A_5 : memref<128x64xf32, #tpu.memory_space<vmem>>[vector<16xi32>, vector<16xi32>], vector<16xf32>,
    %mul3A_313 = arith.constant 1024 : i32
    %mul3A_314 = arith.muli %add3A, %mul3A_313 : i32
    %add3A_315 = arith.constant 768 : i32
    %add3A_316 = arith.addi %mul3A_314, %add3A_315 : i32
    "tpu.region"() ({
      %run_scoped3A = tpu.sem_alloc : memref<!tpu.dma_semaphore, #tpu.memory_space<semaphore_mem>>
      %dma_start3A = arith.constant 0 : i32
      %dma_start3A_405 = tpu.memref_slice %arg2[%add3A_316, %dma_start3A] : memref<32768x64xf32, #tpu.memory_space<hbm>> -> memref<128x64xf32, #tpu.memory_space<hbm>>
      %dma_start3A_406 = arith.constant 0 : i32
      %dma_start3A_407 = tpu.memref_slice %arg2[%add3A_316, %dma_start3A_406] : memref<32768x64xf32, #tpu.memory_space<hbm>> -> memref<128x64xf32, #tpu.memory_space<hbm>>
      tpu.enqueue_dma source(%dma_start3A_407 : memref<128x64xf32, #tpu.memory_space<hbm>>) target(%arg6 : memref<128x64xf32, #tpu.memory_space<vmem>>) target_semaphore(%run_scoped3A : memref<!tpu.dma_semaphore, #tpu.memory_space<semaphore_mem>>)
      %dma_wait3A = arith.constant 0 : i32
      %dma_wait3A_408 = tpu.memref_slice %arg2[%add3A_316, %dma_wait3A] : memref<32768x64xf32, #tpu.memory_space<hbm>> -> memref<128x64xf32, #tpu.memory_space<hbm>>
      %dma_wait3A_409 = arith.constant 0 : i32
      %dma_wait3A_410 = tpu.memref_slice %arg2[%add3A_316, %dma_wait3A_409] : memref<32768x64xf32, #tpu.memory_space<hbm>> -> memref<128x64xf32, #tpu.memory_space<hbm>>
      tpu.wait_dma2 semaphore(%run_scoped3A : memref<!tpu.dma_semaphore, #tpu.memory_space<semaphore_mem>>) src(%dma_wait3A_410 : memref<128x64xf32, #tpu.memory_space<hbm>>) dst(%arg6 : memref<128x64xf32, #tpu.memory_space<vmem>>)
      tpu.yield
    }) : () -> ()
    %broadcast_in_dim3A_317 = arith.constant -1.000000e+00 : f32
    %broadcast_in_dim3A_318 = vector.broadcast %broadcast_in_dim3A_317 : f32 to vector<16xf32>
    %broadcast_in_dim3A_319 = arith.constant 0 : i32
    %broadcast_in_dim3A_320 = vector.broadcast %broadcast_in_dim3A_319 : i32 to vector<16xi32>
    %scan3A_321 = arith.constant 0 : i32
    %scan3A_322 = arith.constant 64 : i32
    %scan3A_323 = arith.addi %scan3A_321, %scan3A_322 : i32
    %scan3A_324 = arith.constant 1 : i32
    %scan3A_325:32 = scf.for %scan3A_405 = %scan3A_321 to %scan3A_323 step %scan3A_324 iter_args(%scan3A_406 = %broadcast_in_dim3A_318, %scan3A_407 = %broadcast_in_dim3A_318, %scan3A_408 = %broadcast_in_dim3A_320, %scan3A_409 = %broadcast_in_dim3A_320, %scan3A_410 = %broadcast_in_dim3A_318, %scan3A_411 = %broadcast_in_dim3A_318, %scan3A_412 = %broadcast_in_dim3A_320, %scan3A_413 = %broadcast_in_dim3A_320, %scan3A_414 = %broadcast_in_dim3A_318, %scan3A_415 = %broadcast_in_dim3A_318, %scan3A_416 = %broadcast_in_dim3A_320, %scan3A_417 = %broadcast_in_dim3A_320, %scan3A_418 = %broadcast_in_dim3A_318, %scan3A_419 = %broadcast_in_dim3A_318, %scan3A_420 = %broadcast_in_dim3A_320, %scan3A_421 = %broadcast_in_dim3A_320, %scan3A_422 = %broadcast_in_dim3A_318, %scan3A_423 = %broadcast_in_dim3A_318, %scan3A_424 = %broadcast_in_dim3A_320, %scan3A_425 = %broadcast_in_dim3A_320, %scan3A_426 = %broadcast_in_dim3A_318, %scan3A_427 = %broadcast_in_dim3A_318, %scan3A_428 = %broadcast_in_dim3A_320, %scan3A_429 = %broadcast_in_dim3A_320, %scan3A_430 = %broadcast_in_dim3A_318, %scan3A_431 = %broadcast_in_dim3A_318, %scan3A_432 = %broadcast_in_dim3A_320, %scan3A_433 = %broadcast_in_dim3A_320, %scan3A_434 = %broadcast_in_dim3A_318, %scan3A_435 = %broadcast_in_dim3A_318, %scan3A_436 = %broadcast_in_dim3A_320, %scan3A_437 = %broadcast_in_dim3A_320) -> (vector<16xf32>, vector<16xf32>, vector<16xi32>, vector<16xi32>, vector<16xf32>, vector<16xf32>, vector<16xi32>, vector<16xi32>, vector<16xf32>, vector<16xf32>, vector<16xi32>, vector<16xi32>, vector<16xf32>, vector<16xf32>, vector<16xi32>, vector<16xi32>, vector<16xf32>, vector<16xf32>, vector<16xi32>, vector<16xi32>, vector<16xf32>, vector<16xf32>, vector<16xi32>, vector<16xi32>, vector<16xf32>, vector<16xf32>, vector<16xi32>, vector<16xi32>, vector<16xf32>, vector<16xf32>, vector<16xi32>, vector<16xi32>)  : i32 {
      %broadcast_in_dim3A_438 = vector.broadcast %scan3A_405 : i32 to vector<16xi32>
      %gather3A = tpu.vector_load_idx %arg6[%add3A_10, %broadcast_in_dim3A_438] : memref<128x64xf32, #tpu.memory_space<vmem>>[vector<16xi32>, vector<16xi32>], vector<16xf32>,
      %gt3A = arith.cmpf ogt, %gather3A, %scan3A_406 : vector<16xf32>
      %gt3A_439 = arith.cmpf ogt, %gather3A, %scan3A_407 : vector<16xf32>
      %select_n3A = arith.select %gt3A_439, %gather3A, %scan3A_407 : vector<16xi1>, vector<16xf32>
      %select_n3A_440 = arith.select %gt3A, %scan3A_406, %select_n3A : vector<16xi1>, vector<16xf32>
      %select_n3A_441 = arith.select %gt3A_439, %broadcast_in_dim3A_438, %scan3A_409 : vector<16xi1>, vector<16xi32>
      %select_n3A_442 = arith.select %gt3A, %scan3A_408, %select_n3A_441 : vector<16xi1>, vector<16xi32>
      %select_n3A_443 = arith.select %gt3A, %gather3A, %scan3A_406 : vector<16xi1>, vector<16xf32>
      %select_n3A_444 = arith.select %gt3A, %broadcast_in_dim3A_438, %scan3A_408 : vector<16xi1>, vector<16xi32>
      %gather3A_445 = tpu.vector_load_idx %arg6[%add3A_14, %broadcast_in_dim3A_438] : memref<128x64xf32, #tpu.memory_space<vmem>>[vector<16xi32>, vector<16xi32>], vector<16xf32>,
      %gt3A_446 = arith.cmpf ogt, %gather3A_445, %scan3A_410 : vector<16xf32>
      %gt3A_447 = arith.cmpf ogt, %gather3A_445, %scan3A_411 : vector<16xf32>
      %select_n3A_448 = arith.select %gt3A_447, %gather3A_445, %scan3A_411 : vector<16xi1>, vector<16xf32>
      %select_n3A_449 = arith.select %gt3A_446, %scan3A_410, %select_n3A_448 : vector<16xi1>, vector<16xf32>
      %select_n3A_450 = arith.select %gt3A_447, %broadcast_in_dim3A_438, %scan3A_413 : vector<16xi1>, vector<16xi32>
      %select_n3A_451 = arith.select %gt3A_446, %scan3A_412, %select_n3A_450 : vector<16xi1>, vector<16xi32>
      %select_n3A_452 = arith.select %gt3A_446, %gather3A_445, %scan3A_410 : vector<16xi1>, vector<16xf32>
      %select_n3A_453 = arith.select %gt3A_446, %broadcast_in_dim3A_438, %scan3A_412 : vector<16xi1>, vector<16xi32>
      %gather3A_454 = tpu.vector_load_idx %arg6[%add3A_18, %broadcast_in_dim3A_438] : memref<128x64xf32, #tpu.memory_space<vmem>>[vector<16xi32>, vector<16xi32>], vector<16xf32>,
      %gt3A_455 = arith.cmpf ogt, %gather3A_454, %scan3A_414 : vector<16xf32>
      %gt3A_456 = arith.cmpf ogt, %gather3A_454, %scan3A_415 : vector<16xf32>
      %select_n3A_457 = arith.select %gt3A_456, %gather3A_454, %scan3A_415 : vector<16xi1>, vector<16xf32>
      %select_n3A_458 = arith.select %gt3A_455, %scan3A_414, %select_n3A_457 : vector<16xi1>, vector<16xf32>
      %select_n3A_459 = arith.select %gt3A_456, %broadcast_in_dim3A_438, %scan3A_417 : vector<16xi1>, vector<16xi32>
      %select_n3A_460 = arith.select %gt3A_455, %scan3A_416, %select_n3A_459 : vector<16xi1>, vector<16xi32>
      %select_n3A_461 = arith.select %gt3A_455, %gather3A_454, %scan3A_414 : vector<16xi1>, vector<16xf32>
      %select_n3A_462 = arith.select %gt3A_455, %broadcast_in_dim3A_438, %scan3A_416 : vector<16xi1>, vector<16xi32>
      %gather3A_463 = tpu.vector_load_idx %arg6[%add3A_22, %broadcast_in_dim3A_438] : memref<128x64xf32, #tpu.memory_space<vmem>>[vector<16xi32>, vector<16xi32>], vector<16xf32>,
      %gt3A_464 = arith.cmpf ogt, %gather3A_463, %scan3A_418 : vector<16xf32>
      %gt3A_465 = arith.cmpf ogt, %gather3A_463, %scan3A_419 : vector<16xf32>
      %select_n3A_466 = arith.select %gt3A_465, %gather3A_463, %scan3A_419 : vector<16xi1>, vector<16xf32>
      %select_n3A_467 = arith.select %gt3A_464, %scan3A_418, %select_n3A_466 : vector<16xi1>, vector<16xf32>
      %select_n3A_468 = arith.select %gt3A_465, %broadcast_in_dim3A_438, %scan3A_421 : vector<16xi1>, vector<16xi32>
      %select_n3A_469 = arith.select %gt3A_464, %scan3A_420, %select_n3A_468 : vector<16xi1>, vector<16xi32>
      %select_n3A_470 = arith.select %gt3A_464, %gather3A_463, %scan3A_418 : vector<16xi1>, vector<16xf32>
      %select_n3A_471 = arith.select %gt3A_464, %broadcast_in_dim3A_438, %scan3A_420 : vector<16xi1>, vector<16xi32>
      %gather3A_472 = tpu.vector_load_idx %arg6[%add3A_26, %broadcast_in_dim3A_438] : memref<128x64xf32, #tpu.memory_space<vmem>>[vector<16xi32>, vector<16xi32>], vector<16xf32>,
      %gt3A_473 = arith.cmpf ogt, %gather3A_472, %scan3A_422 : vector<16xf32>
      %gt3A_474 = arith.cmpf ogt, %gather3A_472, %scan3A_423 : vector<16xf32>
      %select_n3A_475 = arith.select %gt3A_474, %gather3A_472, %scan3A_423 : vector<16xi1>, vector<16xf32>
      %select_n3A_476 = arith.select %gt3A_473, %scan3A_422, %select_n3A_475 : vector<16xi1>, vector<16xf32>
      %select_n3A_477 = arith.select %gt3A_474, %broadcast_in_dim3A_438, %scan3A_425 : vector<16xi1>, vector<16xi32>
      %select_n3A_478 = arith.select %gt3A_473, %scan3A_424, %select_n3A_477 : vector<16xi1>, vector<16xi32>
      %select_n3A_479 = arith.select %gt3A_473, %gather3A_472, %scan3A_422 : vector<16xi1>, vector<16xf32>
      %select_n3A_480 = arith.select %gt3A_473, %broadcast_in_dim3A_438, %scan3A_424 : vector<16xi1>, vector<16xi32>
      %gather3A_481 = tpu.vector_load_idx %arg6[%add3A_30, %broadcast_in_dim3A_438] : memref<128x64xf32, #tpu.memory_space<vmem>>[vector<16xi32>, vector<16xi32>], vector<16xf32>,
      %gt3A_482 = arith.cmpf ogt, %gather3A_481, %scan3A_426 : vector<16xf32>
      %gt3A_483 = arith.cmpf ogt, %gather3A_481, %scan3A_427 : vector<16xf32>
      %select_n3A_484 = arith.select %gt3A_483, %gather3A_481, %scan3A_427 : vector<16xi1>, vector<16xf32>
      %select_n3A_485 = arith.select %gt3A_482, %scan3A_426, %select_n3A_484 : vector<16xi1>, vector<16xf32>
      %select_n3A_486 = arith.select %gt3A_483, %broadcast_in_dim3A_438, %scan3A_429 : vector<16xi1>, vector<16xi32>
      %select_n3A_487 = arith.select %gt3A_482, %scan3A_428, %select_n3A_486 : vector<16xi1>, vector<16xi32>
      %select_n3A_488 = arith.select %gt3A_482, %gather3A_481, %scan3A_426 : vector<16xi1>, vector<16xf32>
      %select_n3A_489 = arith.select %gt3A_482, %broadcast_in_dim3A_438, %scan3A_428 : vector<16xi1>, vector<16xi32>
      %gather3A_490 = tpu.vector_load_idx %arg6[%add3A_34, %broadcast_in_dim3A_438] : memref<128x64xf32, #tpu.memory_space<vmem>>[vector<16xi32>, vector<16xi32>], vector<16xf32>,
      %gt3A_491 = arith.cmpf ogt, %gather3A_490, %scan3A_430 : vector<16xf32>
      %gt3A_492 = arith.cmpf ogt, %gather3A_490, %scan3A_431 : vector<16xf32>
      %select_n3A_493 = arith.select %gt3A_492, %gather3A_490, %scan3A_431 : vector<16xi1>, vector<16xf32>
      %select_n3A_494 = arith.select %gt3A_491, %scan3A_430, %select_n3A_493 : vector<16xi1>, vector<16xf32>
      %select_n3A_495 = arith.select %gt3A_492, %broadcast_in_dim3A_438, %scan3A_433 : vector<16xi1>, vector<16xi32>
      %select_n3A_496 = arith.select %gt3A_491, %scan3A_432, %select_n3A_495 : vector<16xi1>, vector<16xi32>
      %select_n3A_497 = arith.select %gt3A_491, %gather3A_490, %scan3A_430 : vector<16xi1>, vector<16xf32>
      %select_n3A_498 = arith.select %gt3A_491, %broadcast_in_dim3A_438, %scan3A_432 : vector<16xi1>, vector<16xi32>
      %gather3A_499 = tpu.vector_load_idx %arg6[%add3A_38, %broadcast_in_dim3A_438] : memref<128x64xf32, #tpu.memory_space<vmem>>[vector<16xi32>, vector<16xi32>], vector<16xf32>,
      %gt3A_500 = arith.cmpf ogt, %gather3A_499, %scan3A_434 : vector<16xf32>
      %gt3A_501 = arith.cmpf ogt, %gather3A_499, %scan3A_435 : vector<16xf32>
      %select_n3A_502 = arith.select %gt3A_501, %gather3A_499, %scan3A_435 : vector<16xi1>, vector<16xf32>
      %select_n3A_503 = arith.select %gt3A_500, %scan3A_434, %select_n3A_502 : vector<16xi1>, vector<16xf32>
      %select_n3A_504 = arith.select %gt3A_501, %broadcast_in_dim3A_438, %scan3A_437 : vector<16xi1>, vector<16xi32>
      %select_n3A_505 = arith.select %gt3A_500, %scan3A_436, %select_n3A_504 : vector<16xi1>, vector<16xi32>
      %select_n3A_506 = arith.select %gt3A_500, %gather3A_499, %scan3A_434 : vector<16xi1>, vector<16xf32>
      %select_n3A_507 = arith.select %gt3A_500, %broadcast_in_dim3A_438, %scan3A_436 : vector<16xi1>, vector<16xi32>
      scf.yield %select_n3A_443, %select_n3A_440, %select_n3A_444, %select_n3A_442, %select_n3A_452, %select_n3A_449, %select_n3A_453, %select_n3A_451, %select_n3A_461, %select_n3A_458, %select_n3A_462, %select_n3A_460, %select_n3A_470, %select_n3A_467, %select_n3A_471, %select_n3A_469, %select_n3A_479, %select_n3A_476, %select_n3A_480, %select_n3A_478, %select_n3A_488, %select_n3A_485, %select_n3A_489, %select_n3A_487, %select_n3A_497, %select_n3A_494, %select_n3A_498, %select_n3A_496, %select_n3A_506, %select_n3A_503, %select_n3A_507, %select_n3A_505 : vector<16xf32>, vector<16xf32>, vector<16xi32>, vector<16xi32>, vector<16xf32>, vector<16xf32>, vector<16xi32>, vector<16xi32>, vector<16xf32>, vector<16xf32>, vector<16xi32>, vector<16xi32>, vector<16xf32>, vector<16xf32>, vector<16xi32>, vector<16xi32>, vector<16xf32>, vector<16xf32>, vector<16xi32>, vector<16xi32>, vector<16xf32>, vector<16xf32>, vector<16xi32>, vector<16xi32>, vector<16xf32>, vector<16xf32>, vector<16xi32>, vector<16xi32>, vector<16xf32>, vector<16xf32>, vector<16xi32>, vector<16xi32>
    }
    %scan3A_326 = arith.constant 64 : i32
    %add3A_327 = arith.addf %scan3A_325#0, %scan3A_325#1 : vector<16xf32>
    %add3A_328 = arith.addf %add3A_327, %broadcast_in_dim3A_7 : vector<16xf32>
    %div3A_329 = arith.divf %scan3A_325#0, %add3A_328 : vector<16xf32>
    tpu.vector_store_idx %arg7[%add3A_10, %scan3A_325#2], %div3A_329 : memref<128x64xf32, #tpu.memory_space<vmem>>[vector<16xi32>, vector<16xi32>], vector<16xf32>,
    %div3A_330 = arith.divf %scan3A_325#1, %add3A_328 : vector<16xf32>
    tpu.vector_store_idx %arg7[%add3A_10, %scan3A_325#3], %div3A_330 : memref<128x64xf32, #tpu.memory_space<vmem>>[vector<16xi32>, vector<16xi32>], vector<16xf32>,
    tpu.vector_store_idx %arg8[%add3A_10, %broadcast_in_dim3A_1], %scan3A_325#2 : memref<128x2xi32, #tpu.memory_space<vmem>>[vector<16xi32>, vector<16xi32>], vector<16xi32>,
    tpu.vector_store_idx %arg8[%add3A_10, %broadcast_in_dim3A_3], %scan3A_325#3 : memref<128x2xi32, #tpu.memory_space<vmem>>[vector<16xi32>, vector<16xi32>], vector<16xi32>,
    %add3A_331 = arith.addf %scan3A_325#4, %scan3A_325#5 : vector<16xf32>
    %add3A_332 = arith.addf %add3A_331, %broadcast_in_dim3A_7 : vector<16xf32>
    %div3A_333 = arith.divf %scan3A_325#4, %add3A_332 : vector<16xf32>
    tpu.vector_store_idx %arg7[%add3A_14, %scan3A_325#6], %div3A_333 : memref<128x64xf32, #tpu.memory_space<vmem>>[vector<16xi32>, vector<16xi32>], vector<16xf32>,
    %div3A_334 = arith.divf %scan3A_325#5, %add3A_332 : vector<16xf32>
    tpu.vector_store_idx %arg7[%add3A_14, %scan3A_325#7], %div3A_334 : memref<128x64xf32, #tpu.memory_space<vmem>>[vector<16xi32>, vector<16xi32>], vector<16xf32>,
    tpu.vector_store_idx %arg8[%add3A_14, %broadcast_in_dim3A_1], %scan3A_325#6 : memref<128x2xi32, #tpu.memory_space<vmem>>[vector<16xi32>, vector<16xi32>], vector<16xi32>,
    tpu.vector_store_idx %arg8[%add3A_14, %broadcast_in_dim3A_3], %scan3A_325#7 : memref<128x2xi32, #tpu.memory_space<vmem>>[vector<16xi32>, vector<16xi32>], vector<16xi32>,
    %add3A_335 = arith.addf %scan3A_325#8, %scan3A_325#9 : vector<16xf32>
    %add3A_336 = arith.addf %add3A_335, %broadcast_in_dim3A_7 : vector<16xf32>
    %div3A_337 = arith.divf %scan3A_325#8, %add3A_336 : vector<16xf32>
    tpu.vector_store_idx %arg7[%add3A_18, %scan3A_325#10], %div3A_337 : memref<128x64xf32, #tpu.memory_space<vmem>>[vector<16xi32>, vector<16xi32>], vector<16xf32>,
    %div3A_338 = arith.divf %scan3A_325#9, %add3A_336 : vector<16xf32>
    tpu.vector_store_idx %arg7[%add3A_18, %scan3A_325#11], %div3A_338 : memref<128x64xf32, #tpu.memory_space<vmem>>[vector<16xi32>, vector<16xi32>], vector<16xf32>,
    tpu.vector_store_idx %arg8[%add3A_18, %broadcast_in_dim3A_1], %scan3A_325#10 : memref<128x2xi32, #tpu.memory_space<vmem>>[vector<16xi32>, vector<16xi32>], vector<16xi32>,
    tpu.vector_store_idx %arg8[%add3A_18, %broadcast_in_dim3A_3], %scan3A_325#11 : memref<128x2xi32, #tpu.memory_space<vmem>>[vector<16xi32>, vector<16xi32>], vector<16xi32>,
    %add3A_339 = arith.addf %scan3A_325#12, %scan3A_325#13 : vector<16xf32>
    %add3A_340 = arith.addf %add3A_339, %broadcast_in_dim3A_7 : vector<16xf32>
    %div3A_341 = arith.divf %scan3A_325#12, %add3A_340 : vector<16xf32>
    tpu.vector_store_idx %arg7[%add3A_22, %scan3A_325#14], %div3A_341 : memref<128x64xf32, #tpu.memory_space<vmem>>[vector<16xi32>, vector<16xi32>], vector<16xf32>,
    %div3A_342 = arith.divf %scan3A_325#13, %add3A_340 : vector<16xf32>
    tpu.vector_store_idx %arg7[%add3A_22, %scan3A_325#15], %div3A_342 : memref<128x64xf32, #tpu.memory_space<vmem>>[vector<16xi32>, vector<16xi32>], vector<16xf32>,
    tpu.vector_store_idx %arg8[%add3A_22, %broadcast_in_dim3A_1], %scan3A_325#14 : memref<128x2xi32, #tpu.memory_space<vmem>>[vector<16xi32>, vector<16xi32>], vector<16xi32>,
    tpu.vector_store_idx %arg8[%add3A_22, %broadcast_in_dim3A_3], %scan3A_325#15 : memref<128x2xi32, #tpu.memory_space<vmem>>[vector<16xi32>, vector<16xi32>], vector<16xi32>,
    %add3A_343 = arith.addf %scan3A_325#16, %scan3A_325#17 : vector<16xf32>
    %add3A_344 = arith.addf %add3A_343, %broadcast_in_dim3A_7 : vector<16xf32>
    %div3A_345 = arith.divf %scan3A_325#16, %add3A_344 : vector<16xf32>
    tpu.vector_store_idx %arg7[%add3A_26, %scan3A_325#18], %div3A_345 : memref<128x64xf32, #tpu.memory_space<vmem>>[vector<16xi32>, vector<16xi32>], vector<16xf32>,
    %div3A_346 = arith.divf %scan3A_325#17, %add3A_344 : vector<16xf32>
    tpu.vector_store_idx %arg7[%add3A_26, %scan3A_325#19], %div3A_346 : memref<128x64xf32, #tpu.memory_space<vmem>>[vector<16xi32>, vector<16xi32>], vector<16xf32>,
    tpu.vector_store_idx %arg8[%add3A_26, %broadcast_in_dim3A_1], %scan3A_325#18 : memref<128x2xi32, #tpu.memory_space<vmem>>[vector<16xi32>, vector<16xi32>], vector<16xi32>,
    tpu.vector_store_idx %arg8[%add3A_26, %broadcast_in_dim3A_3], %scan3A_325#19 : memref<128x2xi32, #tpu.memory_space<vmem>>[vector<16xi32>, vector<16xi32>], vector<16xi32>,
    %add3A_347 = arith.addf %scan3A_325#20, %scan3A_325#21 : vector<16xf32>
    %add3A_348 = arith.addf %add3A_347, %broadcast_in_dim3A_7 : vector<16xf32>
    %div3A_349 = arith.divf %scan3A_325#20, %add3A_348 : vector<16xf32>
    tpu.vector_store_idx %arg7[%add3A_30, %scan3A_325#22], %div3A_349 : memref<128x64xf32, #tpu.memory_space<vmem>>[vector<16xi32>, vector<16xi32>], vector<16xf32>,
    %div3A_350 = arith.divf %scan3A_325#21, %add3A_348 : vector<16xf32>
    tpu.vector_store_idx %arg7[%add3A_30, %scan3A_325#23], %div3A_350 : memref<128x64xf32, #tpu.memory_space<vmem>>[vector<16xi32>, vector<16xi32>], vector<16xf32>,
    tpu.vector_store_idx %arg8[%add3A_30, %broadcast_in_dim3A_1], %scan3A_325#22 : memref<128x2xi32, #tpu.memory_space<vmem>>[vector<16xi32>, vector<16xi32>], vector<16xi32>,
    tpu.vector_store_idx %arg8[%add3A_30, %broadcast_in_dim3A_3], %scan3A_325#23 : memref<128x2xi32, #tpu.memory_space<vmem>>[vector<16xi32>, vector<16xi32>], vector<16xi32>,
    %add3A_351 = arith.addf %scan3A_325#24, %scan3A_325#25 : vector<16xf32>
    %add3A_352 = arith.addf %add3A_351, %broadcast_in_dim3A_7 : vector<16xf32>
    %div3A_353 = arith.divf %scan3A_325#24, %add3A_352 : vector<16xf32>
    tpu.vector_store_idx %arg7[%add3A_34, %scan3A_325#26], %div3A_353 : memref<128x64xf32, #tpu.memory_space<vmem>>[vector<16xi32>, vector<16xi32>], vector<16xf32>,
    %div3A_354 = arith.divf %scan3A_325#25, %add3A_352 : vector<16xf32>
    tpu.vector_store_idx %arg7[%add3A_34, %scan3A_325#27], %div3A_354 : memref<128x64xf32, #tpu.memory_space<vmem>>[vector<16xi32>, vector<16xi32>], vector<16xf32>,
    tpu.vector_store_idx %arg8[%add3A_34, %broadcast_in_dim3A_1], %scan3A_325#26 : memref<128x2xi32, #tpu.memory_space<vmem>>[vector<16xi32>, vector<16xi32>], vector<16xi32>,
    tpu.vector_store_idx %arg8[%add3A_34, %broadcast_in_dim3A_3], %scan3A_325#27 : memref<128x2xi32, #tpu.memory_space<vmem>>[vector<16xi32>, vector<16xi32>], vector<16xi32>,
    %add3A_355 = arith.addf %scan3A_325#28, %scan3A_325#29 : vector<16xf32>
    %add3A_356 = arith.addf %add3A_355, %broadcast_in_dim3A_7 : vector<16xf32>
    %div3A_357 = arith.divf %scan3A_325#28, %add3A_356 : vector<16xf32>
    tpu.vector_store_idx %arg7[%add3A_38, %scan3A_325#30], %div3A_357 : memref<128x64xf32, #tpu.memory_space<vmem>>[vector<16xi32>, vector<16xi32>], vector<16xf32>,
    %div3A_358 = arith.divf %scan3A_325#29, %add3A_356 : vector<16xf32>
    tpu.vector_store_idx %arg7[%add3A_38, %scan3A_325#31], %div3A_358 : memref<128x64xf32, #tpu.memory_space<vmem>>[vector<16xi32>, vector<16xi32>], vector<16xf32>,
    tpu.vector_store_idx %arg8[%add3A_38, %broadcast_in_dim3A_1], %scan3A_325#30 : memref<128x2xi32, #tpu.memory_space<vmem>>[vector<16xi32>, vector<16xi32>], vector<16xi32>,
    tpu.vector_store_idx %arg8[%add3A_38, %broadcast_in_dim3A_3], %scan3A_325#31 : memref<128x2xi32, #tpu.memory_space<vmem>>[vector<16xi32>, vector<16xi32>], vector<16xi32>,
    "tpu.region"() ({
      %run_scoped3A = tpu.sem_alloc : memref<!tpu.dma_semaphore, #tpu.memory_space<semaphore_mem>>
      %dma_start3A = arith.constant 0 : i32
      %dma_start3A_405 = tpu.memref_slice %arg4[%add3A_316, %dma_start3A] : memref<32768x64xf32, #tpu.memory_space<hbm>> -> memref<128x64xf32, #tpu.memory_space<hbm>>
      %dma_start3A_406 = arith.constant 0 : i32
      %dma_start3A_407 = tpu.memref_slice %arg4[%add3A_316, %dma_start3A_406] : memref<32768x64xf32, #tpu.memory_space<hbm>> -> memref<128x64xf32, #tpu.memory_space<hbm>>
      tpu.enqueue_dma source(%arg7 : memref<128x64xf32, #tpu.memory_space<vmem>>) target(%dma_start3A_407 : memref<128x64xf32, #tpu.memory_space<hbm>>) target_semaphore(%run_scoped3A : memref<!tpu.dma_semaphore, #tpu.memory_space<semaphore_mem>>)
      %dma_wait3A = arith.constant 0 : i32
      %dma_wait3A_408 = tpu.memref_slice %arg4[%add3A_316, %dma_wait3A] : memref<32768x64xf32, #tpu.memory_space<hbm>> -> memref<128x64xf32, #tpu.memory_space<hbm>>
      %dma_wait3A_409 = arith.constant 0 : i32
      %dma_wait3A_410 = tpu.memref_slice %arg4[%add3A_316, %dma_wait3A_409] : memref<32768x64xf32, #tpu.memory_space<hbm>> -> memref<128x64xf32, #tpu.memory_space<hbm>>
      tpu.wait_dma2 semaphore(%run_scoped3A : memref<!tpu.dma_semaphore, #tpu.memory_space<semaphore_mem>>) src(%arg7 : memref<128x64xf32, #tpu.memory_space<vmem>>) dst(%dma_wait3A_410 : memref<128x64xf32, #tpu.memory_space<hbm>>)
      tpu.yield
    }) : () -> ()
    "tpu.region"() ({
      %run_scoped3A = tpu.sem_alloc : memref<!tpu.dma_semaphore, #tpu.memory_space<semaphore_mem>>
      %dma_start3A = arith.constant 0 : i32
      %dma_start3A_405 = tpu.memref_slice %arg5[%add3A_316, %dma_start3A] : memref<32768x2xi32, #tpu.memory_space<hbm>> -> memref<128x2xi32, #tpu.memory_space<hbm>>
      %dma_start3A_406 = arith.constant 0 : i32
      %dma_start3A_407 = tpu.memref_slice %arg5[%add3A_316, %dma_start3A_406] : memref<32768x2xi32, #tpu.memory_space<hbm>> -> memref<128x2xi32, #tpu.memory_space<hbm>>
      tpu.enqueue_dma source(%arg8 : memref<128x2xi32, #tpu.memory_space<vmem>>) target(%dma_start3A_407 : memref<128x2xi32, #tpu.memory_space<hbm>>) target_semaphore(%run_scoped3A : memref<!tpu.dma_semaphore, #tpu.memory_space<semaphore_mem>>)
      %dma_wait3A = arith.constant 0 : i32
      %dma_wait3A_408 = tpu.memref_slice %arg5[%add3A_316, %dma_wait3A] : memref<32768x2xi32, #tpu.memory_space<hbm>> -> memref<128x2xi32, #tpu.memory_space<hbm>>
      %dma_wait3A_409 = arith.constant 0 : i32
      %dma_wait3A_410 = tpu.memref_slice %arg5[%add3A_316, %dma_wait3A_409] : memref<32768x2xi32, #tpu.memory_space<hbm>> -> memref<128x2xi32, #tpu.memory_space<hbm>>
      tpu.wait_dma2 semaphore(%run_scoped3A : memref<!tpu.dma_semaphore, #tpu.memory_space<semaphore_mem>>) src(%arg8 : memref<128x2xi32, #tpu.memory_space<vmem>>) dst(%dma_wait3A_410 : memref<128x2xi32, #tpu.memory_space<hbm>>)
      tpu.yield
    }) : () -> ()
    tpu.vector_store_idx %arg7[%add3A_10, %scan3A_325#2], %broadcast_in_dim3A_5 : memref<128x64xf32, #tpu.memory_space<vmem>>[vector<16xi32>, vector<16xi32>], vector<16xf32>,
    tpu.vector_store_idx %arg7[%add3A_10, %scan3A_325#3], %broadcast_in_dim3A_5 : memref<128x64xf32, #tpu.memory_space<vmem>>[vector<16xi32>, vector<16xi32>], vector<16xf32>,
    tpu.vector_store_idx %arg7[%add3A_14, %scan3A_325#6], %broadcast_in_dim3A_5 : memref<128x64xf32, #tpu.memory_space<vmem>>[vector<16xi32>, vector<16xi32>], vector<16xf32>,
    tpu.vector_store_idx %arg7[%add3A_14, %scan3A_325#7], %broadcast_in_dim3A_5 : memref<128x64xf32, #tpu.memory_space<vmem>>[vector<16xi32>, vector<16xi32>], vector<16xf32>,
    tpu.vector_store_idx %arg7[%add3A_18, %scan3A_325#10], %broadcast_in_dim3A_5 : memref<128x64xf32, #tpu.memory_space<vmem>>[vector<16xi32>, vector<16xi32>], vector<16xf32>,
    tpu.vector_store_idx %arg7[%add3A_18, %scan3A_325#11], %broadcast_in_dim3A_5 : memref<128x64xf32, #tpu.memory_space<vmem>>[vector<16xi32>, vector<16xi32>], vector<16xf32>,
    tpu.vector_store_idx %arg7[%add3A_22, %scan3A_325#14], %broadcast_in_dim3A_5 : memref<128x64xf32, #tpu.memory_space<vmem>>[vector<16xi32>, vector<16xi32>], vector<16xf32>,
    tpu.vector_store_idx %arg7[%add3A_22, %scan3A_325#15], %broadcast_in_dim3A_5 : memref<128x64xf32, #tpu.memory_space<vmem>>[vector<16xi32>, vector<16xi32>], vector<16xf32>,
    tpu.vector_store_idx %arg7[%add3A_26, %scan3A_325#18], %broadcast_in_dim3A_5 : memref<128x64xf32, #tpu.memory_space<vmem>>[vector<16xi32>, vector<16xi32>], vector<16xf32>,
    tpu.vector_store_idx %arg7[%add3A_26, %scan3A_325#19], %broadcast_in_dim3A_5 : memref<128x64xf32, #tpu.memory_space<vmem>>[vector<16xi32>, vector<16xi32>], vector<16xf32>,
    tpu.vector_store_idx %arg7[%add3A_30, %scan3A_325#22], %broadcast_in_dim3A_5 : memref<128x64xf32, #tpu.memory_space<vmem>>[vector<16xi32>, vector<16xi32>], vector<16xf32>,
    tpu.vector_store_idx %arg7[%add3A_30, %scan3A_325#23], %broadcast_in_dim3A_5 : memref<128x64xf32, #tpu.memory_space<vmem>>[vector<16xi32>, vector<16xi32>], vector<16xf32>,
    tpu.vector_store_idx %arg7[%add3A_34, %scan3A_325#26], %broadcast_in_dim3A_5 : memref<128x64xf32, #tpu.memory_space<vmem>>[vector<16xi32>, vector<16xi32>], vector<16xf32>,
    tpu.vector_store_idx %arg7[%add3A_34, %scan3A_325#27], %broadcast_in_dim3A_5 : memref<128x64xf32, #tpu.memory_space<vmem>>[vector<16xi32>, vector<16xi32>], vector<16xf32>,
    tpu.vector_store_idx %arg7[%add3A_38, %scan3A_325#30], %broadcast_in_dim3A_5 : memref<128x64xf32, #tpu.memory_space<vmem>>[vector<16xi32>, vector<16xi32>], vector<16xf32>,
    tpu.vector_store_idx %arg7[%add3A_38, %scan3A_325#31], %broadcast_in_dim3A_5 : memref<128x64xf32, #tpu.memory_space<vmem>>[vector<16xi32>, vector<16xi32>], vector<16xf32>,
    %mul3A_359 = arith.constant 1024 : i32
    %mul3A_360 = arith.muli %add3A, %mul3A_359 : i32
    %add3A_361 = arith.constant 896 : i32
    %add3A_362 = arith.addi %mul3A_360, %add3A_361 : i32
    "tpu.region"() ({
      %run_scoped3A = tpu.sem_alloc : memref<!tpu.dma_semaphore, #tpu.memory_space<semaphore_mem>>
      %dma_start3A = arith.constant 0 : i32
      %dma_start3A_405 = tpu.memref_slice %arg2[%add3A_362, %dma_start3A] : memref<32768x64xf32, #tpu.memory_space<hbm>> -> memref<128x64xf32, #tpu.memory_space<hbm>>
      %dma_start3A_406 = arith.constant 0 : i32
      %dma_start3A_407 = tpu.memref_slice %arg2[%add3A_362, %dma_start3A_406] : memref<32768x64xf32, #tpu.memory_space<hbm>> -> memref<128x64xf32, #tpu.memory_space<hbm>>
      tpu.enqueue_dma source(%dma_start3A_407 : memref<128x64xf32, #tpu.memory_space<hbm>>) target(%arg6 : memref<128x64xf32, #tpu.memory_space<vmem>>) target_semaphore(%run_scoped3A : memref<!tpu.dma_semaphore, #tpu.memory_space<semaphore_mem>>)
      %dma_wait3A = arith.constant 0 : i32
      %dma_wait3A_408 = tpu.memref_slice %arg2[%add3A_362, %dma_wait3A] : memref<32768x64xf32, #tpu.memory_space<hbm>> -> memref<128x64xf32, #tpu.memory_space<hbm>>
      %dma_wait3A_409 = arith.constant 0 : i32
      %dma_wait3A_410 = tpu.memref_slice %arg2[%add3A_362, %dma_wait3A_409] : memref<32768x64xf32, #tpu.memory_space<hbm>> -> memref<128x64xf32, #tpu.memory_space<hbm>>
      tpu.wait_dma2 semaphore(%run_scoped3A : memref<!tpu.dma_semaphore, #tpu.memory_space<semaphore_mem>>) src(%dma_wait3A_410 : memref<128x64xf32, #tpu.memory_space<hbm>>) dst(%arg6 : memref<128x64xf32, #tpu.memory_space<vmem>>)
      tpu.yield
    }) : () -> ()
    %broadcast_in_dim3A_363 = arith.constant -1.000000e+00 : f32
    %broadcast_in_dim3A_364 = vector.broadcast %broadcast_in_dim3A_363 : f32 to vector<16xf32>
    %broadcast_in_dim3A_365 = arith.constant 0 : i32
    %broadcast_in_dim3A_366 = vector.broadcast %broadcast_in_dim3A_365 : i32 to vector<16xi32>
    %scan3A_367 = arith.constant 0 : i32
    %scan3A_368 = arith.constant 64 : i32
    %scan3A_369 = arith.addi %scan3A_367, %scan3A_368 : i32
    %scan3A_370 = arith.constant 1 : i32
    %scan3A_371:32 = scf.for %scan3A_405 = %scan3A_367 to %scan3A_369 step %scan3A_370 iter_args(%scan3A_406 = %broadcast_in_dim3A_364, %scan3A_407 = %broadcast_in_dim3A_364, %scan3A_408 = %broadcast_in_dim3A_366, %scan3A_409 = %broadcast_in_dim3A_366, %scan3A_410 = %broadcast_in_dim3A_364, %scan3A_411 = %broadcast_in_dim3A_364, %scan3A_412 = %broadcast_in_dim3A_366, %scan3A_413 = %broadcast_in_dim3A_366, %scan3A_414 = %broadcast_in_dim3A_364, %scan3A_415 = %broadcast_in_dim3A_364, %scan3A_416 = %broadcast_in_dim3A_366, %scan3A_417 = %broadcast_in_dim3A_366, %scan3A_418 = %broadcast_in_dim3A_364, %scan3A_419 = %broadcast_in_dim3A_364, %scan3A_420 = %broadcast_in_dim3A_366, %scan3A_421 = %broadcast_in_dim3A_366, %scan3A_422 = %broadcast_in_dim3A_364, %scan3A_423 = %broadcast_in_dim3A_364, %scan3A_424 = %broadcast_in_dim3A_366, %scan3A_425 = %broadcast_in_dim3A_366, %scan3A_426 = %broadcast_in_dim3A_364, %scan3A_427 = %broadcast_in_dim3A_364, %scan3A_428 = %broadcast_in_dim3A_366, %scan3A_429 = %broadcast_in_dim3A_366, %scan3A_430 = %broadcast_in_dim3A_364, %scan3A_431 = %broadcast_in_dim3A_364, %scan3A_432 = %broadcast_in_dim3A_366, %scan3A_433 = %broadcast_in_dim3A_366, %scan3A_434 = %broadcast_in_dim3A_364, %scan3A_435 = %broadcast_in_dim3A_364, %scan3A_436 = %broadcast_in_dim3A_366, %scan3A_437 = %broadcast_in_dim3A_366) -> (vector<16xf32>, vector<16xf32>, vector<16xi32>, vector<16xi32>, vector<16xf32>, vector<16xf32>, vector<16xi32>, vector<16xi32>, vector<16xf32>, vector<16xf32>, vector<16xi32>, vector<16xi32>, vector<16xf32>, vector<16xf32>, vector<16xi32>, vector<16xi32>, vector<16xf32>, vector<16xf32>, vector<16xi32>, vector<16xi32>, vector<16xf32>, vector<16xf32>, vector<16xi32>, vector<16xi32>, vector<16xf32>, vector<16xf32>, vector<16xi32>, vector<16xi32>, vector<16xf32>, vector<16xf32>, vector<16xi32>, vector<16xi32>)  : i32 {
      %broadcast_in_dim3A_438 = vector.broadcast %scan3A_405 : i32 to vector<16xi32>
      %gather3A = tpu.vector_load_idx %arg6[%add3A_10, %broadcast_in_dim3A_438] : memref<128x64xf32, #tpu.memory_space<vmem>>[vector<16xi32>, vector<16xi32>], vector<16xf32>,
      %gt3A = arith.cmpf ogt, %gather3A, %scan3A_406 : vector<16xf32>
      %gt3A_439 = arith.cmpf ogt, %gather3A, %scan3A_407 : vector<16xf32>
      %select_n3A = arith.select %gt3A_439, %gather3A, %scan3A_407 : vector<16xi1>, vector<16xf32>
      %select_n3A_440 = arith.select %gt3A, %scan3A_406, %select_n3A : vector<16xi1>, vector<16xf32>
      %select_n3A_441 = arith.select %gt3A_439, %broadcast_in_dim3A_438, %scan3A_409 : vector<16xi1>, vector<16xi32>
      %select_n3A_442 = arith.select %gt3A, %scan3A_408, %select_n3A_441 : vector<16xi1>, vector<16xi32>
      %select_n3A_443 = arith.select %gt3A, %gather3A, %scan3A_406 : vector<16xi1>, vector<16xf32>
      %select_n3A_444 = arith.select %gt3A, %broadcast_in_dim3A_438, %scan3A_408 : vector<16xi1>, vector<16xi32>
      %gather3A_445 = tpu.vector_load_idx %arg6[%add3A_14, %broadcast_in_dim3A_438] : memref<128x64xf32, #tpu.memory_space<vmem>>[vector<16xi32>, vector<16xi32>], vector<16xf32>,
      %gt3A_446 = arith.cmpf ogt, %gather3A_445, %scan3A_410 : vector<16xf32>
      %gt3A_447 = arith.cmpf ogt, %gather3A_445, %scan3A_411 : vector<16xf32>
      %select_n3A_448 = arith.select %gt3A_447, %gather3A_445, %scan3A_411 : vector<16xi1>, vector<16xf32>
      %select_n3A_449 = arith.select %gt3A_446, %scan3A_410, %select_n3A_448 : vector<16xi1>, vector<16xf32>
      %select_n3A_450 = arith.select %gt3A_447, %broadcast_in_dim3A_438, %scan3A_413 : vector<16xi1>, vector<16xi32>
      %select_n3A_451 = arith.select %gt3A_446, %scan3A_412, %select_n3A_450 : vector<16xi1>, vector<16xi32>
      %select_n3A_452 = arith.select %gt3A_446, %gather3A_445, %scan3A_410 : vector<16xi1>, vector<16xf32>
      %select_n3A_453 = arith.select %gt3A_446, %broadcast_in_dim3A_438, %scan3A_412 : vector<16xi1>, vector<16xi32>
      %gather3A_454 = tpu.vector_load_idx %arg6[%add3A_18, %broadcast_in_dim3A_438] : memref<128x64xf32, #tpu.memory_space<vmem>>[vector<16xi32>, vector<16xi32>], vector<16xf32>,
      %gt3A_455 = arith.cmpf ogt, %gather3A_454, %scan3A_414 : vector<16xf32>
      %gt3A_456 = arith.cmpf ogt, %gather3A_454, %scan3A_415 : vector<16xf32>
      %select_n3A_457 = arith.select %gt3A_456, %gather3A_454, %scan3A_415 : vector<16xi1>, vector<16xf32>
      %select_n3A_458 = arith.select %gt3A_455, %scan3A_414, %select_n3A_457 : vector<16xi1>, vector<16xf32>
      %select_n3A_459 = arith.select %gt3A_456, %broadcast_in_dim3A_438, %scan3A_417 : vector<16xi1>, vector<16xi32>
      %select_n3A_460 = arith.select %gt3A_455, %scan3A_416, %select_n3A_459 : vector<16xi1>, vector<16xi32>
      %select_n3A_461 = arith.select %gt3A_455, %gather3A_454, %scan3A_414 : vector<16xi1>, vector<16xf32>
      %select_n3A_462 = arith.select %gt3A_455, %broadcast_in_dim3A_438, %scan3A_416 : vector<16xi1>, vector<16xi32>
      %gather3A_463 = tpu.vector_load_idx %arg6[%add3A_22, %broadcast_in_dim3A_438] : memref<128x64xf32, #tpu.memory_space<vmem>>[vector<16xi32>, vector<16xi32>], vector<16xf32>,
      %gt3A_464 = arith.cmpf ogt, %gather3A_463, %scan3A_418 : vector<16xf32>
      %gt3A_465 = arith.cmpf ogt, %gather3A_463, %scan3A_419 : vector<16xf32>
      %select_n3A_466 = arith.select %gt3A_465, %gather3A_463, %scan3A_419 : vector<16xi1>, vector<16xf32>
      %select_n3A_467 = arith.select %gt3A_464, %scan3A_418, %select_n3A_466 : vector<16xi1>, vector<16xf32>
      %select_n3A_468 = arith.select %gt3A_465, %broadcast_in_dim3A_438, %scan3A_421 : vector<16xi1>, vector<16xi32>
      %select_n3A_469 = arith.select %gt3A_464, %scan3A_420, %select_n3A_468 : vector<16xi1>, vector<16xi32>
      %select_n3A_470 = arith.select %gt3A_464, %gather3A_463, %scan3A_418 : vector<16xi1>, vector<16xf32>
      %select_n3A_471 = arith.select %gt3A_464, %broadcast_in_dim3A_438, %scan3A_420 : vector<16xi1>, vector<16xi32>
      %gather3A_472 = tpu.vector_load_idx %arg6[%add3A_26, %broadcast_in_dim3A_438] : memref<128x64xf32, #tpu.memory_space<vmem>>[vector<16xi32>, vector<16xi32>], vector<16xf32>,
      %gt3A_473 = arith.cmpf ogt, %gather3A_472, %scan3A_422 : vector<16xf32>
      %gt3A_474 = arith.cmpf ogt, %gather3A_472, %scan3A_423 : vector<16xf32>
      %select_n3A_475 = arith.select %gt3A_474, %gather3A_472, %scan3A_423 : vector<16xi1>, vector<16xf32>
      %select_n3A_476 = arith.select %gt3A_473, %scan3A_422, %select_n3A_475 : vector<16xi1>, vector<16xf32>
      %select_n3A_477 = arith.select %gt3A_474, %broadcast_in_dim3A_438, %scan3A_425 : vector<16xi1>, vector<16xi32>
      %select_n3A_478 = arith.select %gt3A_473, %scan3A_424, %select_n3A_477 : vector<16xi1>, vector<16xi32>
      %select_n3A_479 = arith.select %gt3A_473, %gather3A_472, %scan3A_422 : vector<16xi1>, vector<16xf32>
      %select_n3A_480 = arith.select %gt3A_473, %broadcast_in_dim3A_438, %scan3A_424 : vector<16xi1>, vector<16xi32>
      %gather3A_481 = tpu.vector_load_idx %arg6[%add3A_30, %broadcast_in_dim3A_438] : memref<128x64xf32, #tpu.memory_space<vmem>>[vector<16xi32>, vector<16xi32>], vector<16xf32>,
      %gt3A_482 = arith.cmpf ogt, %gather3A_481, %scan3A_426 : vector<16xf32>
      %gt3A_483 = arith.cmpf ogt, %gather3A_481, %scan3A_427 : vector<16xf32>
      %select_n3A_484 = arith.select %gt3A_483, %gather3A_481, %scan3A_427 : vector<16xi1>, vector<16xf32>
      %select_n3A_485 = arith.select %gt3A_482, %scan3A_426, %select_n3A_484 : vector<16xi1>, vector<16xf32>
      %select_n3A_486 = arith.select %gt3A_483, %broadcast_in_dim3A_438, %scan3A_429 : vector<16xi1>, vector<16xi32>
      %select_n3A_487 = arith.select %gt3A_482, %scan3A_428, %select_n3A_486 : vector<16xi1>, vector<16xi32>
      %select_n3A_488 = arith.select %gt3A_482, %gather3A_481, %scan3A_426 : vector<16xi1>, vector<16xf32>
      %select_n3A_489 = arith.select %gt3A_482, %broadcast_in_dim3A_438, %scan3A_428 : vector<16xi1>, vector<16xi32>
      %gather3A_490 = tpu.vector_load_idx %arg6[%add3A_34, %broadcast_in_dim3A_438] : memref<128x64xf32, #tpu.memory_space<vmem>>[vector<16xi32>, vector<16xi32>], vector<16xf32>,
      %gt3A_491 = arith.cmpf ogt, %gather3A_490, %scan3A_430 : vector<16xf32>
      %gt3A_492 = arith.cmpf ogt, %gather3A_490, %scan3A_431 : vector<16xf32>
      %select_n3A_493 = arith.select %gt3A_492, %gather3A_490, %scan3A_431 : vector<16xi1>, vector<16xf32>
      %select_n3A_494 = arith.select %gt3A_491, %scan3A_430, %select_n3A_493 : vector<16xi1>, vector<16xf32>
      %select_n3A_495 = arith.select %gt3A_492, %broadcast_in_dim3A_438, %scan3A_433 : vector<16xi1>, vector<16xi32>
      %select_n3A_496 = arith.select %gt3A_491, %scan3A_432, %select_n3A_495 : vector<16xi1>, vector<16xi32>
      %select_n3A_497 = arith.select %gt3A_491, %gather3A_490, %scan3A_430 : vector<16xi1>, vector<16xf32>
      %select_n3A_498 = arith.select %gt3A_491, %broadcast_in_dim3A_438, %scan3A_432 : vector<16xi1>, vector<16xi32>
      %gather3A_499 = tpu.vector_load_idx %arg6[%add3A_38, %broadcast_in_dim3A_438] : memref<128x64xf32, #tpu.memory_space<vmem>>[vector<16xi32>, vector<16xi32>], vector<16xf32>,
      %gt3A_500 = arith.cmpf ogt, %gather3A_499, %scan3A_434 : vector<16xf32>
      %gt3A_501 = arith.cmpf ogt, %gather3A_499, %scan3A_435 : vector<16xf32>
      %select_n3A_502 = arith.select %gt3A_501, %gather3A_499, %scan3A_435 : vector<16xi1>, vector<16xf32>
      %select_n3A_503 = arith.select %gt3A_500, %scan3A_434, %select_n3A_502 : vector<16xi1>, vector<16xf32>
      %select_n3A_504 = arith.select %gt3A_501, %broadcast_in_dim3A_438, %scan3A_437 : vector<16xi1>, vector<16xi32>
      %select_n3A_505 = arith.select %gt3A_500, %scan3A_436, %select_n3A_504 : vector<16xi1>, vector<16xi32>
      %select_n3A_506 = arith.select %gt3A_500, %gather3A_499, %scan3A_434 : vector<16xi1>, vector<16xf32>
      %select_n3A_507 = arith.select %gt3A_500, %broadcast_in_dim3A_438, %scan3A_436 : vector<16xi1>, vector<16xi32>
      scf.yield %select_n3A_443, %select_n3A_440, %select_n3A_444, %select_n3A_442, %select_n3A_452, %select_n3A_449, %select_n3A_453, %select_n3A_451, %select_n3A_461, %select_n3A_458, %select_n3A_462, %select_n3A_460, %select_n3A_470, %select_n3A_467, %select_n3A_471, %select_n3A_469, %select_n3A_479, %select_n3A_476, %select_n3A_480, %select_n3A_478, %select_n3A_488, %select_n3A_485, %select_n3A_489, %select_n3A_487, %select_n3A_497, %select_n3A_494, %select_n3A_498, %select_n3A_496, %select_n3A_506, %select_n3A_503, %select_n3A_507, %select_n3A_505 : vector<16xf32>, vector<16xf32>, vector<16xi32>, vector<16xi32>, vector<16xf32>, vector<16xf32>, vector<16xi32>, vector<16xi32>, vector<16xf32>, vector<16xf32>, vector<16xi32>, vector<16xi32>, vector<16xf32>, vector<16xf32>, vector<16xi32>, vector<16xi32>, vector<16xf32>, vector<16xf32>, vector<16xi32>, vector<16xi32>, vector<16xf32>, vector<16xf32>, vector<16xi32>, vector<16xi32>, vector<16xf32>, vector<16xf32>, vector<16xi32>, vector<16xi32>, vector<16xf32>, vector<16xf32>, vector<16xi32>, vector<16xi32>
    }
    %scan3A_372 = arith.constant 64 : i32
    %add3A_373 = arith.addf %scan3A_371#0, %scan3A_371#1 : vector<16xf32>
    %add3A_374 = arith.addf %add3A_373, %broadcast_in_dim3A_7 : vector<16xf32>
    %div3A_375 = arith.divf %scan3A_371#0, %add3A_374 : vector<16xf32>
    tpu.vector_store_idx %arg7[%add3A_10, %scan3A_371#2], %div3A_375 : memref<128x64xf32, #tpu.memory_space<vmem>>[vector<16xi32>, vector<16xi32>], vector<16xf32>,
    %div3A_376 = arith.divf %scan3A_371#1, %add3A_374 : vector<16xf32>
    tpu.vector_store_idx %arg7[%add3A_10, %scan3A_371#3], %div3A_376 : memref<128x64xf32, #tpu.memory_space<vmem>>[vector<16xi32>, vector<16xi32>], vector<16xf32>,
    tpu.vector_store_idx %arg8[%add3A_10, %broadcast_in_dim3A_1], %scan3A_371#2 : memref<128x2xi32, #tpu.memory_space<vmem>>[vector<16xi32>, vector<16xi32>], vector<16xi32>,
    tpu.vector_store_idx %arg8[%add3A_10, %broadcast_in_dim3A_3], %scan3A_371#3 : memref<128x2xi32, #tpu.memory_space<vmem>>[vector<16xi32>, vector<16xi32>], vector<16xi32>,
    %add3A_377 = arith.addf %scan3A_371#4, %scan3A_371#5 : vector<16xf32>
    %add3A_378 = arith.addf %add3A_377, %broadcast_in_dim3A_7 : vector<16xf32>
    %div3A_379 = arith.divf %scan3A_371#4, %add3A_378 : vector<16xf32>
    tpu.vector_store_idx %arg7[%add3A_14, %scan3A_371#6], %div3A_379 : memref<128x64xf32, #tpu.memory_space<vmem>>[vector<16xi32>, vector<16xi32>], vector<16xf32>,
    %div3A_380 = arith.divf %scan3A_371#5, %add3A_378 : vector<16xf32>
    tpu.vector_store_idx %arg7[%add3A_14, %scan3A_371#7], %div3A_380 : memref<128x64xf32, #tpu.memory_space<vmem>>[vector<16xi32>, vector<16xi32>], vector<16xf32>,
    tpu.vector_store_idx %arg8[%add3A_14, %broadcast_in_dim3A_1], %scan3A_371#6 : memref<128x2xi32, #tpu.memory_space<vmem>>[vector<16xi32>, vector<16xi32>], vector<16xi32>,
    tpu.vector_store_idx %arg8[%add3A_14, %broadcast_in_dim3A_3], %scan3A_371#7 : memref<128x2xi32, #tpu.memory_space<vmem>>[vector<16xi32>, vector<16xi32>], vector<16xi32>,
    %add3A_381 = arith.addf %scan3A_371#8, %scan3A_371#9 : vector<16xf32>
    %add3A_382 = arith.addf %add3A_381, %broadcast_in_dim3A_7 : vector<16xf32>
    %div3A_383 = arith.divf %scan3A_371#8, %add3A_382 : vector<16xf32>
    tpu.vector_store_idx %arg7[%add3A_18, %scan3A_371#10], %div3A_383 : memref<128x64xf32, #tpu.memory_space<vmem>>[vector<16xi32>, vector<16xi32>], vector<16xf32>,
    %div3A_384 = arith.divf %scan3A_371#9, %add3A_382 : vector<16xf32>
    tpu.vector_store_idx %arg7[%add3A_18, %scan3A_371#11], %div3A_384 : memref<128x64xf32, #tpu.memory_space<vmem>>[vector<16xi32>, vector<16xi32>], vector<16xf32>,
    tpu.vector_store_idx %arg8[%add3A_18, %broadcast_in_dim3A_1], %scan3A_371#10 : memref<128x2xi32, #tpu.memory_space<vmem>>[vector<16xi32>, vector<16xi32>], vector<16xi32>,
    tpu.vector_store_idx %arg8[%add3A_18, %broadcast_in_dim3A_3], %scan3A_371#11 : memref<128x2xi32, #tpu.memory_space<vmem>>[vector<16xi32>, vector<16xi32>], vector<16xi32>,
    %add3A_385 = arith.addf %scan3A_371#12, %scan3A_371#13 : vector<16xf32>
    %add3A_386 = arith.addf %add3A_385, %broadcast_in_dim3A_7 : vector<16xf32>
    %div3A_387 = arith.divf %scan3A_371#12, %add3A_386 : vector<16xf32>
    tpu.vector_store_idx %arg7[%add3A_22, %scan3A_371#14], %div3A_387 : memref<128x64xf32, #tpu.memory_space<vmem>>[vector<16xi32>, vector<16xi32>], vector<16xf32>,
    %div3A_388 = arith.divf %scan3A_371#13, %add3A_386 : vector<16xf32>
    tpu.vector_store_idx %arg7[%add3A_22, %scan3A_371#15], %div3A_388 : memref<128x64xf32, #tpu.memory_space<vmem>>[vector<16xi32>, vector<16xi32>], vector<16xf32>,
    tpu.vector_store_idx %arg8[%add3A_22, %broadcast_in_dim3A_1], %scan3A_371#14 : memref<128x2xi32, #tpu.memory_space<vmem>>[vector<16xi32>, vector<16xi32>], vector<16xi32>,
    tpu.vector_store_idx %arg8[%add3A_22, %broadcast_in_dim3A_3], %scan3A_371#15 : memref<128x2xi32, #tpu.memory_space<vmem>>[vector<16xi32>, vector<16xi32>], vector<16xi32>,
    %add3A_389 = arith.addf %scan3A_371#16, %scan3A_371#17 : vector<16xf32>
    %add3A_390 = arith.addf %add3A_389, %broadcast_in_dim3A_7 : vector<16xf32>
    %div3A_391 = arith.divf %scan3A_371#16, %add3A_390 : vector<16xf32>
    tpu.vector_store_idx %arg7[%add3A_26, %scan3A_371#18], %div3A_391 : memref<128x64xf32, #tpu.memory_space<vmem>>[vector<16xi32>, vector<16xi32>], vector<16xf32>,
    %div3A_392 = arith.divf %scan3A_371#17, %add3A_390 : vector<16xf32>
    tpu.vector_store_idx %arg7[%add3A_26, %scan3A_371#19], %div3A_392 : memref<128x64xf32, #tpu.memory_space<vmem>>[vector<16xi32>, vector<16xi32>], vector<16xf32>,
    tpu.vector_store_idx %arg8[%add3A_26, %broadcast_in_dim3A_1], %scan3A_371#18 : memref<128x2xi32, #tpu.memory_space<vmem>>[vector<16xi32>, vector<16xi32>], vector<16xi32>,
    tpu.vector_store_idx %arg8[%add3A_26, %broadcast_in_dim3A_3], %scan3A_371#19 : memref<128x2xi32, #tpu.memory_space<vmem>>[vector<16xi32>, vector<16xi32>], vector<16xi32>,
    %add3A_393 = arith.addf %scan3A_371#20, %scan3A_371#21 : vector<16xf32>
    %add3A_394 = arith.addf %add3A_393, %broadcast_in_dim3A_7 : vector<16xf32>
    %div3A_395 = arith.divf %scan3A_371#20, %add3A_394 : vector<16xf32>
    tpu.vector_store_idx %arg7[%add3A_30, %scan3A_371#22], %div3A_395 : memref<128x64xf32, #tpu.memory_space<vmem>>[vector<16xi32>, vector<16xi32>], vector<16xf32>,
    %div3A_396 = arith.divf %scan3A_371#21, %add3A_394 : vector<16xf32>
    tpu.vector_store_idx %arg7[%add3A_30, %scan3A_371#23], %div3A_396 : memref<128x64xf32, #tpu.memory_space<vmem>>[vector<16xi32>, vector<16xi32>], vector<16xf32>,
    tpu.vector_store_idx %arg8[%add3A_30, %broadcast_in_dim3A_1], %scan3A_371#22 : memref<128x2xi32, #tpu.memory_space<vmem>>[vector<16xi32>, vector<16xi32>], vector<16xi32>,
    tpu.vector_store_idx %arg8[%add3A_30, %broadcast_in_dim3A_3], %scan3A_371#23 : memref<128x2xi32, #tpu.memory_space<vmem>>[vector<16xi32>, vector<16xi32>], vector<16xi32>,
    %add3A_397 = arith.addf %scan3A_371#24, %scan3A_371#25 : vector<16xf32>
    %add3A_398 = arith.addf %add3A_397, %broadcast_in_dim3A_7 : vector<16xf32>
    %div3A_399 = arith.divf %scan3A_371#24, %add3A_398 : vector<16xf32>
    tpu.vector_store_idx %arg7[%add3A_34, %scan3A_371#26], %div3A_399 : memref<128x64xf32, #tpu.memory_space<vmem>>[vector<16xi32>, vector<16xi32>], vector<16xf32>,
    %div3A_400 = arith.divf %scan3A_371#25, %add3A_398 : vector<16xf32>
    tpu.vector_store_idx %arg7[%add3A_34, %scan3A_371#27], %div3A_400 : memref<128x64xf32, #tpu.memory_space<vmem>>[vector<16xi32>, vector<16xi32>], vector<16xf32>,
    tpu.vector_store_idx %arg8[%add3A_34, %broadcast_in_dim3A_1], %scan3A_371#26 : memref<128x2xi32, #tpu.memory_space<vmem>>[vector<16xi32>, vector<16xi32>], vector<16xi32>,
    tpu.vector_store_idx %arg8[%add3A_34, %broadcast_in_dim3A_3], %scan3A_371#27 : memref<128x2xi32, #tpu.memory_space<vmem>>[vector<16xi32>, vector<16xi32>], vector<16xi32>,
    %add3A_401 = arith.addf %scan3A_371#28, %scan3A_371#29 : vector<16xf32>
    %add3A_402 = arith.addf %add3A_401, %broadcast_in_dim3A_7 : vector<16xf32>
    %div3A_403 = arith.divf %scan3A_371#28, %add3A_402 : vector<16xf32>
    tpu.vector_store_idx %arg7[%add3A_38, %scan3A_371#30], %div3A_403 : memref<128x64xf32, #tpu.memory_space<vmem>>[vector<16xi32>, vector<16xi32>], vector<16xf32>,
    %div3A_404 = arith.divf %scan3A_371#29, %add3A_402 : vector<16xf32>
    tpu.vector_store_idx %arg7[%add3A_38, %scan3A_371#31], %div3A_404 : memref<128x64xf32, #tpu.memory_space<vmem>>[vector<16xi32>, vector<16xi32>], vector<16xf32>,
    tpu.vector_store_idx %arg8[%add3A_38, %broadcast_in_dim3A_1], %scan3A_371#30 : memref<128x2xi32, #tpu.memory_space<vmem>>[vector<16xi32>, vector<16xi32>], vector<16xi32>,
    tpu.vector_store_idx %arg8[%add3A_38, %broadcast_in_dim3A_3], %scan3A_371#31 : memref<128x2xi32, #tpu.memory_space<vmem>>[vector<16xi32>, vector<16xi32>], vector<16xi32>,
    "tpu.region"() ({
      %run_scoped3A = tpu.sem_alloc : memref<!tpu.dma_semaphore, #tpu.memory_space<semaphore_mem>>
      %dma_start3A = arith.constant 0 : i32
      %dma_start3A_405 = tpu.memref_slice %arg4[%add3A_362, %dma_start3A] : memref<32768x64xf32, #tpu.memory_space<hbm>> -> memref<128x64xf32, #tpu.memory_space<hbm>>
      %dma_start3A_406 = arith.constant 0 : i32
      %dma_start3A_407 = tpu.memref_slice %arg4[%add3A_362, %dma_start3A_406] : memref<32768x64xf32, #tpu.memory_space<hbm>> -> memref<128x64xf32, #tpu.memory_space<hbm>>
      tpu.enqueue_dma source(%arg7 : memref<128x64xf32, #tpu.memory_space<vmem>>) target(%dma_start3A_407 : memref<128x64xf32, #tpu.memory_space<hbm>>) target_semaphore(%run_scoped3A : memref<!tpu.dma_semaphore, #tpu.memory_space<semaphore_mem>>)
      %dma_wait3A = arith.constant 0 : i32
      %dma_wait3A_408 = tpu.memref_slice %arg4[%add3A_362, %dma_wait3A] : memref<32768x64xf32, #tpu.memory_space<hbm>> -> memref<128x64xf32, #tpu.memory_space<hbm>>
      %dma_wait3A_409 = arith.constant 0 : i32
      %dma_wait3A_410 = tpu.memref_slice %arg4[%add3A_362, %dma_wait3A_409] : memref<32768x64xf32, #tpu.memory_space<hbm>> -> memref<128x64xf32, #tpu.memory_space<hbm>>
      tpu.wait_dma2 semaphore(%run_scoped3A : memref<!tpu.dma_semaphore, #tpu.memory_space<semaphore_mem>>) src(%arg7 : memref<128x64xf32, #tpu.memory_space<vmem>>) dst(%dma_wait3A_410 : memref<128x64xf32, #tpu.memory_space<hbm>>)
      tpu.yield
    }) : () -> ()
    "tpu.region"() ({
      %run_scoped3A = tpu.sem_alloc : memref<!tpu.dma_semaphore, #tpu.memory_space<semaphore_mem>>
      %dma_start3A = arith.constant 0 : i32
      %dma_start3A_405 = tpu.memref_slice %arg5[%add3A_362, %dma_start3A] : memref<32768x2xi32, #tpu.memory_space<hbm>> -> memref<128x2xi32, #tpu.memory_space<hbm>>
      %dma_start3A_406 = arith.constant 0 : i32
      %dma_start3A_407 = tpu.memref_slice %arg5[%add3A_362, %dma_start3A_406] : memref<32768x2xi32, #tpu.memory_space<hbm>> -> memref<128x2xi32, #tpu.memory_space<hbm>>
      tpu.enqueue_dma source(%arg8 : memref<128x2xi32, #tpu.memory_space<vmem>>) target(%dma_start3A_407 : memref<128x2xi32, #tpu.memory_space<hbm>>) target_semaphore(%run_scoped3A : memref<!tpu.dma_semaphore, #tpu.memory_space<semaphore_mem>>)
      %dma_wait3A = arith.constant 0 : i32
      %dma_wait3A_408 = tpu.memref_slice %arg5[%add3A_362, %dma_wait3A] : memref<32768x2xi32, #tpu.memory_space<hbm>> -> memref<128x2xi32, #tpu.memory_space<hbm>>
      %dma_wait3A_409 = arith.constant 0 : i32
      %dma_wait3A_410 = tpu.memref_slice %arg5[%add3A_362, %dma_wait3A_409] : memref<32768x2xi32, #tpu.memory_space<hbm>> -> memref<128x2xi32, #tpu.memory_space<hbm>>
      tpu.wait_dma2 semaphore(%run_scoped3A : memref<!tpu.dma_semaphore, #tpu.memory_space<semaphore_mem>>) src(%arg8 : memref<128x2xi32, #tpu.memory_space<vmem>>) dst(%dma_wait3A_410 : memref<128x2xi32, #tpu.memory_space<hbm>>)
      tpu.yield
    }) : () -> ()
    tpu.vector_store_idx %arg7[%add3A_10, %scan3A_371#2], %broadcast_in_dim3A_5 : memref<128x64xf32, #tpu.memory_space<vmem>>[vector<16xi32>, vector<16xi32>], vector<16xf32>,
    tpu.vector_store_idx %arg7[%add3A_10, %scan3A_371#3], %broadcast_in_dim3A_5 : memref<128x64xf32, #tpu.memory_space<vmem>>[vector<16xi32>, vector<16xi32>], vector<16xf32>,
    tpu.vector_store_idx %arg7[%add3A_14, %scan3A_371#6], %broadcast_in_dim3A_5 : memref<128x64xf32, #tpu.memory_space<vmem>>[vector<16xi32>, vector<16xi32>], vector<16xf32>,
    tpu.vector_store_idx %arg7[%add3A_14, %scan3A_371#7], %broadcast_in_dim3A_5 : memref<128x64xf32, #tpu.memory_space<vmem>>[vector<16xi32>, vector<16xi32>], vector<16xf32>,
    tpu.vector_store_idx %arg7[%add3A_18, %scan3A_371#10], %broadcast_in_dim3A_5 : memref<128x64xf32, #tpu.memory_space<vmem>>[vector<16xi32>, vector<16xi32>], vector<16xf32>,
    tpu.vector_store_idx %arg7[%add3A_18, %scan3A_371#11], %broadcast_in_dim3A_5 : memref<128x64xf32, #tpu.memory_space<vmem>>[vector<16xi32>, vector<16xi32>], vector<16xf32>,
    tpu.vector_store_idx %arg7[%add3A_22, %scan3A_371#14], %broadcast_in_dim3A_5 : memref<128x64xf32, #tpu.memory_space<vmem>>[vector<16xi32>, vector<16xi32>], vector<16xf32>,
    tpu.vector_store_idx %arg7[%add3A_22, %scan3A_371#15], %broadcast_in_dim3A_5 : memref<128x64xf32, #tpu.memory_space<vmem>>[vector<16xi32>, vector<16xi32>], vector<16xf32>,
    tpu.vector_store_idx %arg7[%add3A_26, %scan3A_371#18], %broadcast_in_dim3A_5 : memref<128x64xf32, #tpu.memory_space<vmem>>[vector<16xi32>, vector<16xi32>], vector<16xf32>,
    tpu.vector_store_idx %arg7[%add3A_26, %scan3A_371#19], %broadcast_in_dim3A_5 : memref<128x64xf32, #tpu.memory_space<vmem>>[vector<16xi32>, vector<16xi32>], vector<16xf32>,
    tpu.vector_store_idx %arg7[%add3A_30, %scan3A_371#22], %broadcast_in_dim3A_5 : memref<128x64xf32, #tpu.memory_space<vmem>>[vector<16xi32>, vector<16xi32>], vector<16xf32>,
    tpu.vector_store_idx %arg7[%add3A_30, %scan3A_371#23], %broadcast_in_dim3A_5 : memref<128x64xf32, #tpu.memory_space<vmem>>[vector<16xi32>, vector<16xi32>], vector<16xf32>,
    tpu.vector_store_idx %arg7[%add3A_34, %scan3A_371#26], %broadcast_in_dim3A_5 : memref<128x64xf32, #tpu.memory_space<vmem>>[vector<16xi32>, vector<16xi32>], vector<16xf32>,
    tpu.vector_store_idx %arg7[%add3A_34, %scan3A_371#27], %broadcast_in_dim3A_5 : memref<128x64xf32, #tpu.memory_space<vmem>>[vector<16xi32>, vector<16xi32>], vector<16xf32>,
    tpu.vector_store_idx %arg7[%add3A_38, %scan3A_371#30], %broadcast_in_dim3A_5 : memref<128x64xf32, #tpu.memory_space<vmem>>[vector<16xi32>, vector<16xi32>], vector<16xf32>,
    tpu.vector_store_idx %arg7[%add3A_38, %scan3A_371#31], %broadcast_in_dim3A_5 : memref<128x64xf32, #tpu.memory_space<vmem>>[vector<16xi32>, vector<16xi32>], vector<16xf32>,
    return
  }
}

module attributes {stable_mosaic.version = 14 : i64} {
  func.func @_tc_logits_body(%arg0: i32, %arg1: memref<512x768xf32, #tpu.memory_space<vmem>>, %arg2: memref<768x768xf32, #tpu.memory_space<vmem>>, %arg3: memref<1x768xf32, #tpu.memory_space<vmem>>, %arg4: memref<768x64xf32, #tpu.memory_space<vmem>>, %arg5: memref<1x64xf32, #tpu.memory_space<vmem>>, %arg6: memref<512x64xf32, #tpu.memory_space<vmem>>) attributes {dimension_semantics = [#tpu.dimension_semantics<arbitrary>], iteration_bounds = array<i64: 64>, scalar_prefetch = 0 : i64, scratch_operands = 0 : i64, tpu.core_type = #tpu.core_type<tc>, window_params = [{transform_indices = @transform_0, window_bounds = array<i64: 512, 768>}, {pipeline_mode = #tpu.pipeline_mode<synchronous>, transform_indices = @transform_1, window_bounds = array<i64: 768, 768>}, {pipeline_mode = #tpu.pipeline_mode<synchronous>, transform_indices = @transform_2, window_bounds = array<i64: 1, 768>}, {pipeline_mode = #tpu.pipeline_mode<synchronous>, transform_indices = @transform_3, window_bounds = array<i64: 768, 64>}, {pipeline_mode = #tpu.pipeline_mode<synchronous>, transform_indices = @transform_4, window_bounds = array<i64: 1, 64>}, {transform_indices = @transform_5, window_bounds = array<i64: 512, 64>}]} {
    %get3A = arith.constant 0 : index
    %get3A_0 = arith.constant 0 : index
    %get3A_1 = vector.load %arg1[%get3A, %get3A_0] : memref<512x768xf32, #tpu.memory_space<vmem>>, vector<512x768xf32>
    %reduce_sum3A = arith.constant dense<0.000000e+00> : vector<512xf32>
    %reduce_sum3A_2 = vector.multi_reduction <add>, %get3A_1, %reduce_sum3A [1] : vector<512x768xf32> to vector<512xf32>
    %broadcast_in_dim3A = vector.shape_cast %reduce_sum3A_2 : vector<512xf32> to vector<512x1xf32>
    %div3A = arith.constant 7.680000e+02 : f32
    %div3A_3 = vector.broadcast %div3A : f32 to vector<512x1xf32>
    %div3A_4 = arith.divf %broadcast_in_dim3A, %div3A_3 : vector<512x1xf32>
    %sub3A = vector.broadcast %div3A_4 : vector<512x1xf32> to vector<512x768xf32>
    %sub3A_5 = arith.subf %get3A_1, %sub3A : vector<512x768xf32>
    %mul3A = arith.mulf %sub3A_5, %sub3A_5 : vector<512x768xf32>
    %reduce_sum3A_6 = arith.constant dense<0.000000e+00> : vector<512xf32>
    %reduce_sum3A_7 = vector.multi_reduction <add>, %mul3A, %reduce_sum3A_6 [1] : vector<512x768xf32> to vector<512xf32>
    %broadcast_in_dim3A_8 = vector.shape_cast %reduce_sum3A_7 : vector<512xf32> to vector<512x1xf32>
    %div3A_9 = arith.constant 7.680000e+02 : f32
    %div3A_10 = vector.broadcast %div3A_9 : f32 to vector<512x1xf32>
    %div3A_11 = arith.divf %broadcast_in_dim3A_8, %div3A_10 : vector<512x1xf32>
    %add3A = arith.constant 9.99999974E-6 : f32
    %add3A_12 = vector.broadcast %add3A : f32 to vector<512x1xf32>
    %add3A_13 = arith.addf %div3A_11, %add3A_12 : vector<512x1xf32>
    %sqrt3A = math.sqrt %add3A_13 : vector<512x1xf32>
    %div3A_14 = vector.broadcast %sqrt3A : vector<512x1xf32> to vector<512x768xf32>
    %div3A_15 = arith.divf %sub3A_5, %div3A_14 : vector<512x768xf32>
    %get3A_16 = arith.constant 0 : index
    %get3A_17 = arith.constant 0 : index
    %get3A_18 = vector.load %arg2[%get3A_16, %get3A_17] : memref<768x768xf32, #tpu.memory_space<vmem>>, vector<768x768xf32>
    %dot_general3A = arith.constant dense<0.000000e+00> : vector<512x768xf32>
    %dot_general3A_19 = tpu.matmul %div3A_15, %get3A_18, %dot_general3A {dimension_numbers = #tpu.dot_dimension_numbers<[1], [0], [0], [1], [0, 0, 1, 1], [], []>, transpose_lhs_hint = false} : vector<512x768xf32>, vector<768x768xf32>, vector<512x768xf32> -> vector<512x768xf32>
    %get3A_20 = arith.constant 0 : index
    %get3A_21 = arith.constant 0 : index
    %get3A_22 = vector.load %arg3[%get3A_20, %get3A_21] : memref<1x768xf32, #tpu.memory_space<vmem>>, vector<1x768xf32>
    %add3A_23 = vector.broadcast %get3A_22 : vector<1x768xf32> to vector<512x768xf32>
    %add3A_24 = arith.addf %dot_general3A_19, %add3A_23 : vector<512x768xf32>
    %mul3A_25 = arith.constant 5.000000e-01 : f32
    %mul3A_26 = vector.broadcast %mul3A_25 : f32 to vector<512x768xf32>
    %mul3A_27 = arith.mulf %mul3A_26, %add3A_24 : vector<512x768xf32>
    %mul3A_28 = arith.constant 0.707106769 : f32
    %mul3A_29 = vector.broadcast %mul3A_28 : f32 to vector<512x768xf32>
    %mul3A_30 = arith.mulf %add3A_24, %mul3A_29 : vector<512x768xf32>
    %erf3A = math.erf %mul3A_30 : vector<512x768xf32>
    %add3A_31 = arith.constant 1.000000e+00 : f32
    %add3A_32 = vector.broadcast %add3A_31 : f32 to vector<512x768xf32>
    %add3A_33 = arith.addf %add3A_32, %erf3A : vector<512x768xf32>
    %mul3A_34 = arith.mulf %mul3A_27, %add3A_33 : vector<512x768xf32>
    %get3A_35 = arith.constant 0 : index
    %get3A_36 = arith.constant 0 : index
    %get3A_37 = vector.load %arg4[%get3A_35, %get3A_36] : memref<768x64xf32, #tpu.memory_space<vmem>>, vector<768x64xf32>
    %dot_general3A_38 = arith.constant dense<0.000000e+00> : vector<512x64xf32>
    %dot_general3A_39 = tpu.matmul %mul3A_34, %get3A_37, %dot_general3A_38 {dimension_numbers = #tpu.dot_dimension_numbers<[1], [0], [0], [1], [0, 0, 1, 1], [], []>, transpose_lhs_hint = false} : vector<512x768xf32>, vector<768x64xf32>, vector<512x64xf32> -> vector<512x64xf32>
    %get3A_40 = arith.constant 0 : index
    %get3A_41 = arith.constant 0 : index
    %get3A_42 = vector.load %arg5[%get3A_40, %get3A_41] : memref<1x64xf32, #tpu.memory_space<vmem>>, vector<1x64xf32>
    %add3A_43 = vector.broadcast %get3A_42 : vector<1x64xf32> to vector<512x64xf32>
    %add3A_44 = arith.addf %dot_general3A_39, %add3A_43 : vector<512x64xf32>
    %reduce_max3A = arith.constant dense<0xFF800000> : vector<512xf32>
    %reduce_max3A_45 = vector.multi_reduction <maximumf>, %add3A_44, %reduce_max3A [1] : vector<512x64xf32> to vector<512xf32>
    %broadcast_in_dim3A_46 = vector.shape_cast %reduce_max3A_45 : vector<512xf32> to vector<512x1xf32>
    %sub3A_47 = vector.broadcast %broadcast_in_dim3A_46 : vector<512x1xf32> to vector<512x64xf32>
    %sub3A_48 = arith.subf %add3A_44, %sub3A_47 : vector<512x64xf32>
    %exp3A = math.exp %sub3A_48 : vector<512x64xf32>
    %reduce_sum3A_49 = arith.constant dense<0.000000e+00> : vector<512xf32>
    %reduce_sum3A_50 = vector.multi_reduction <add>, %exp3A, %reduce_sum3A_49 [1] : vector<512x64xf32> to vector<512xf32>
    %broadcast_in_dim3A_51 = vector.shape_cast %reduce_sum3A_50 : vector<512xf32> to vector<512x1xf32>
    %div3A_52 = vector.broadcast %broadcast_in_dim3A_51 : vector<512x1xf32> to vector<512x64xf32>
    %div3A_53 = arith.divf %exp3A, %div3A_52 : vector<512x64xf32>
    %swap3A = arith.constant 0 : index
    %swap3A_54 = arith.constant 0 : index
    %swap3A_55 = vector.load %arg6[%swap3A, %swap3A_54] : memref<512x64xf32, #tpu.memory_space<vmem>>, vector<512x64xf32>
    tpu.vector_store %arg6[%swap3A, %swap3A_54], %div3A_53 {strides = array<i32>} : memref<512x64xf32, #tpu.memory_space<vmem>>, vector<512x64xf32>,
    return
  }
  func.func @transform_0(%arg0: i32) -> (i32, i32) {
    %c0_i32 = arith.constant 0 : i32
    %c0_i32_0 = arith.constant 0 : i32
    return %arg0, %c0_i32 : i32, i32
  }
  func.func @transform_1(%arg0: i32) -> (i32, i32) {
    %c0_i32 = arith.constant 0 : i32
    %c0_i32_0 = arith.constant 0 : i32
    %c0_i32_1 = arith.constant 0 : i32
    return %c0_i32, %c0_i32_0 : i32, i32
  }
  func.func @transform_2(%arg0: i32) -> (i32, i32) {
    %c0_i32 = arith.constant 0 : i32
    %c0_i32_0 = arith.constant 0 : i32
    %c0_i32_1 = arith.constant 0 : i32
    return %c0_i32, %c0_i32_0 : i32, i32
  }
  func.func @transform_3(%arg0: i32) -> (i32, i32) {
    %c0_i32 = arith.constant 0 : i32
    %c0_i32_0 = arith.constant 0 : i32
    %c0_i32_1 = arith.constant 0 : i32
    return %c0_i32, %c0_i32_0 : i32, i32
  }
  func.func @transform_4(%arg0: i32) -> (i32, i32) {
    %c0_i32 = arith.constant 0 : i32
    %c0_i32_0 = arith.constant 0 : i32
    %c0_i32_1 = arith.constant 0 : i32
    return %c0_i32, %c0_i32_0 : i32, i32
  }
  func.func @transform_5(%arg0: i32) -> (i32, i32) {
    %c0_i32 = arith.constant 0 : i32
    %c0_i32_0 = arith.constant 0 : i32
    return %arg0, %c0_i32 : i32, i32
  }
}

</mosaic_0001>

<sc_bundles>
// kernel: kernel.4.cloned.1.call-start
scs
__scs_entry_jumppad:
0x0: {  	(pc) =	sbr.rel $0x88, $3  }
0x1: {  	(tag) =	ssettag $0x0;
	lr =	simm.s32 $0x1  }
0x2: {  	[smem:$0x3F9A] =	sst lr;
	_ =	strace $0xD0000000  }
0x3: {  	_ = 	snop  }
0x4: {  	_ = 	snop  }
0x5: {  	_ = 	snop  }
0x6: {  	_ = 	snop  }
0x7: {  	_ = 	snop  }
__scs_overlays_trampoline_lowered:
0x8: {  	[smem:$0x3FA9] =	sst s0  }
0x9: {  	[smem:$0x3FAA] =	sst s1  }
0xa: {  	[smem:$0x3FAB] =	sst s2  }
0xb: {  	[smem:$0x3FAC] =	sst s3  }
0xc: {  	[smem:$0x3FAD] =	sst s4  }
0xd: {  	[smem:$0x3FAE] =	sst s5  }
0xe: {  	[smem:$0x3FAF] =	sst s6  }
0xf: {  	[smem:$0x3FB0] =	sst s7  }
0x10: {  	[smem:$0x3FB1] =	sst s8  }
0x11: {  	[smem:$0x3FB2] =	sst s9;
	s0 =	simm.s32 @!p0 $0x0  }
0x12: {  	s1 =	sld [smem:$0x3F98];
	s0 =	simm.s32 @p0 $0x1  }
0x13: {  	[smem:$0x3FB3] =	sst s0;
	s0 =	simm.s32 @!p1 $0x0  }
0x14: {  	s2 =	sld [smem:$0x3F97];
	s0 =	simm.s32 @p1 $0x1  }
0x15: {  	[smem:$0x3FB4] =	sst s0;
	s0 =	simm.s32 @!p2 $0x0  }
0x16: {  	s3 =	sld [smem:$0x3FDB];
	s0 =	simm.s32 @p2 $0x1  }
0x17: {  	s4 =	simm.s32 $0x1BF5;
	[smem:$0x3FB6] =	sst s0  }
0x18: {  	s0 =	sld [smem:$0x3F99];
	_ =	swait.ge [sflag:s4], $0x0  }
0x19: {  	s7 =	sld [smem:$0x3F9A]  }
0x1a: {  	s8 =	sadd.s32 $0xFFFFE003, lr  }
0x1b: {  	s9 =	sadd.s32 $0xFFFFFEF7, lr;
	s5 =	simm.s32 $0xFFFFFFFF;
	p2 =	slt.u32 s8, $0xFFFFF086  }
0x1c: {  	p1 =	slt.u32 s9, $0xF7A;
	s5 =	simm.s32 @!p2 $0x0  }
0x1d: {  	s5 =	simm.s32 @p1 $0x1;
	p0 =	seq.s32 s7, s2  }
0x1e: {  	s7 =	smul.u32 @!p0 $0xF7A, s2;
	p2 =	seq.s32 @!p0 s5, $0x0  }
0x1f: {  	s9 =	smul.u32 $0xF7A, s1;
	s8 =	simm.s32 @!p0 $0x1BF5;
	p2 =	por !p2, p0  }
0x20: {  	[sflag:s8] =	ssyncset.s32 @!p0 $0xFFFFF086;
	s6 =	sadd.s32 @!p0 s3, s7;
	s7 =	simm.s32 @!p0 $0x108  }
0x21: {  	s3 =	sadd.s32 s3, s9;
	s6 =	sadd.s32 @!p0 $0x88, s6;
	s7 =	simm.s32 @p2 $0x1082  }
0x22: {  	[simem:s7], [sflag:s8] =	dma.local @!p0 [hbm:s6], $0xF7A  }
0x23: {  	s9 =	sor.u32 $0xD0000000, s2;
	s6 =	simm.s32 $0x108;
	_ =	swait.ge @!p0 [sflag:s8], $0x0  }
0x24: {  	s3 =	sadd.s32 $0x88, s3;
	s6 =	simm.s32 @!p1 $0x1082;
	[sflag:s4] =	ssyncset.s32 $0xFFFFF086  }
0x25: {  	[simem:s6], [sflag:s4] =	dma.local [hbm:s3], $0xF7A  }
0x26: {  	[smem:$0x3F9A] =	sst s1;
	(tag) =	ssettag s2;
	_ =	strace s9  }
0x27: {  	s1 =	sld [smem:$0x3FAA]  }
0x28: {  	s2 =	sld [smem:$0x3FAB]  }
0x29: {  	s4 =	sld [smem:$0x3FAD]  }
0x2a: {  	p0 =	seq.s32 s5, $0x0;
	s5 =	sld [smem:$0x3FAE]  }
0x2b: {  	s6 =	sld [smem:$0x3FAF]  }
0x2c: {  	s7 =	sld [smem:$0x3FB0]  }
0x2d: {  	s3 =	simm.s32 $0x108;
	s8 =	sld [smem:$0x3FB1]  }
0x2e: {  	s3 =	simm.s32 @!p0 $0x1082;
	s9 =	sld [smem:$0x3FB2]  }
0x2f: {  	lr =	sadd.s32 s0, s3;
	s0 =	sld [smem:$0x3FA9]  }
0x30: {  	s3 =	sld [smem:$0x3FAC]  }
0x31: {  	[smem:$0x3FB5] =	sst s10  }
0x32: {  	s10 =	sld [smem:$0x3FB3];
	_ =	sdelay $0x3  }
0x33: {  	p0 =	seq.s32 s10, $0x1;
	s10 =	sld [smem:$0x3FB5];
	_ =	sdelay $0x3  }
0x34: {  	[smem:$0x3FB5] =	sst s10  }
0x35: {  	s10 =	sld [smem:$0x3FB4];
	_ =	sdelay $0x3  }
0x36: {  	p1 =	seq.s32 s10, $0x1;
	s10 =	sld [smem:$0x3FB5];
	_ =	sdelay $0x3  }
0x37: {  	[smem:$0x3FB5] =	sst s10  }
0x38: {  	s10 =	sld [smem:$0x3FB6]  }
0x39: {  	_ = 	snop;
	(pc) =	sbr.ind lr, $3  }
0x3a: {  	_ = 	snop  }
0x3b: {  	_ = 	snop  }
0x3c: {  	p2 =	seq.s32 s10, $0x1;
	s10 =	sld [smem:$0x3FB5]  }
0x3d: {  	_ =	shalt  }
0x3e: {  	_ =	shalt  }
0x3f: {  	_ =	shalt  }
0x40: {  	_ =	shalt  }
0x41: {  	_ =	shalt  }
0x42: {  	_ =	shalt  }
0x43: {  	_ =	shalt  }
0x44: {  	_ =	shalt  }
0x45: {  	_ =	shalt  }
0x46: {  	_ =	shalt  }
0x47: {  	_ =	shalt  }
0x48: {  	_ =	shalt  }
0x49: {  	_ =	shalt  }
0x4a: {  	_ =	shalt  }
0x4b: {  	_ =	shalt  }
0x4c: {  	_ =	shalt  }
0x4d: {  	_ =	shalt  }
0x4e: {  	_ =	shalt  }
0x4f: {  	_ =	shalt  }
0x50: {  	_ =	shalt  }
0x51: {  	_ =	shalt  }
0x52: {  	_ =	shalt  }
0x53: {  	_ =	shalt  }
0x54: {  	_ =	shalt  }
0x55: {  	_ =	shalt  }
0x56: {  	_ =	shalt  }
0x57: {  	_ =	shalt  }
0x58: {  	_ =	shalt  }
0x59: {  	_ =	shalt  }
0x5a: {  	_ =	shalt  }
0x5b: {  	_ =	shalt  }
0x5c: {  	_ =	shalt  }
0x5d: {  	_ =	shalt  }
0x5e: {  	_ =	shalt  }
0x5f: {  	_ =	shalt  }
0x60: {  	_ =	shalt  }
0x61: {  	_ =	shalt  }
0x62: {  	_ =	shalt  }
0x63: {  	_ =	shalt  }
0x64: {  	_ =	shalt  }
0x65: {  	_ =	shalt  }
0x66: {  	_ =	shalt  }
0x67: {  	_ =	shalt  }
0x68: {  	_ =	shalt  }
0x69: {  	_ =	shalt  }
0x6a: {  	_ =	shalt  }
0x6b: {  	_ =	shalt  }
0x6c: {  	_ =	shalt  }
0x6d: {  	_ =	shalt  }
0x6e: {  	_ =	shalt  }
0x6f: {  	_ =	shalt  }
0x70: {  	_ =	shalt  }
0x71: {  	_ =	shalt  }
0x72: {  	_ =	shalt  }
0x73: {  	_ =	shalt  }
0x74: {  	_ =	shalt  }
0x75: {  	_ =	shalt  }
0x76: {  	_ =	shalt  }
0x77: {  	_ =	shalt  }
0x78: {  	_ =	shalt  }
0x79: {  	_ =	shalt  }
0x7a: {  	_ =	shalt  }
0x7b: {  	_ =	shalt  }
0x7c: {  	_ =	shalt  }
0x7d: {  	_ =	shalt  }
0x7e: {  	_ =	shalt  }
0x7f: {  	_ =	shalt  }
0x80: {  	_ =	shalt  }
0x81: {  	_ =	shalt  }
0x82: {  	_ =	shalt  }
0x83: {  	_ =	shalt  }
0x84: {  	_ =	shalt  }
0x85: {  	_ =	shalt  }
0x86: {  	_ =	shalt  }
0x87: {  	_ =	shalt  }
.Lfunc_end0:
.L_simem_size_0:
called_computation_lowered:
.L_overlay_start_0:
0x88: {  	s2 =	sld [smem:$0x3FD9]  }
0x89: {  	s3 =	sld [smem:$0x3FFE];
	_ =	sdelay $0x1  }
0x8a: {  	s1 =	srdreg.scid  }
0x8b: {  	s0 =	sand.u32 $0x1, s1  }
0x8c: {  	s14 =	sshll.u32 s0, $0xA;
	s2 =	sadd.s32 s3, s2  }
0x8d: {  	s2 =	sadd.s32 s2, s14  }
0x8e: {  	[smem:$0x3FC1] =	sst s2  }
0x8f: {  	_ = 	snop  }
0x90: {  	s2 =	sld [smem:$0x3FD0];
	_ =	sdelay $0x2  }
0x91: {  	s15 =	simm.s32 $0xA;
	s4 =	simm.s32 $0x10  }
0x92: {  	[smem:s4], [sflag:s15] =	dma.local [hbm:s2], $0x1  }
0x93: {  	_ =	swait.eq [sflag:s15], $0x1  }
0x94: {  	[sflag:s15] =	ssyncset.done $0x0  }
0x95: {  	[sflag:s15] =	ssyncadd.s32 $0xFFFFFFFF  }
0x96: {  	s16 =	sld [smem:$0x11];
	(tm) =	ssettm $0x1  }
0x97: {  	s17 =	sld [smem:$0x3FFB];
	_ =	sdelay $0x3  }
0x98: {  	_ =	strace s17  }
0x99: {  	s3 =	sld [smem:$0x3FFC];
	_ =	sdelay $0x3  }
0x9a: {  	_ =	strace s3  }
0x9b: {  	s3 =	sld [smem:$0x3FFD];
	_ =	sdelay $0x3  }
0x9c: {  	_ =	strace s3  }
0x9d: {  	_ =	strace $0x8FFFFFFF  }
0x9e: {  	s18 =	sld [smem:$0x3FDB];
	_ =	sdelay $0x1  }
0x9f: {  	s19 =	simm.s32 $_scs_section_size  }
0xa0: {  	s5 =	simm.s32 $_size__tile_overlayer_lowered;
	s6 =	simm.s32 $_tile_overlayer_lowered  }
0xa1: {  	s22 =	simm.s32 $0x1BFF;
	s21 =	sshll.u32 s6, $0x1;
	s3 =	sadd.s32 s19, s18  }
0xa2: {  	s7 =	simm.s32 $0x0;
	s20 =	sshll.u32 s5, $0x1;
	s5 =	sadd.s32 s21, s3  }
0xa3: {  	[timem:s7], [sflag:s22] =	dma.local [hbm:s5], s20  }
0xa4: {  	_ =	swait.ge [sflag:s22], s20  }
0xa5: {  	s4 =	ssub.s32 $0x0, s20;
	[sflag:s22] =	ssyncset.done $0x0  }
0xa6: {  	[sflag:s22] =	ssyncadd.s32 s4;
	_ =	sdelay $0x1  }
0xa7: {  	s23 =	simm.s32 $0x1B8B  }
0xa8: {  	_ =	swait.ge [sflag:s23], $0x1  }
0xa9: {  	[sflag:s23] =	ssyncset.done $0x0  }
0xaa: {  	s25 =	simm.s32 $0x1B8E;
	s24 =	sld [smem:$0x3FFE];
	[sflag:s23] =	ssyncadd.s32 $0xFFFFFFFF  }
0xab: {  	s26 =	simm.s32 $execute0_lowered;
	[smem:$0x3FD2] =	sst s25  }
0xac: {  	s5 =	sshll.u32 s26, $0x1;
	_ =	strace $0x80000046;
	[dreg:$0x1] =	wrdreg $0xFFFFFFFF  }
0xad: {  	s28 =	simm.s32 $_size_execute0_lowered;
	s3 =	sadd.s32 s3, s5;
	[dreg:$0x0] =	wrdreg $0x0  }
0xae: {  	s5 =	sshll.u32 s28, $0x1;
	[dreg:$0x2] =	wrdreg s3  }
0xaf: {  	[dreg:$0x3] =	wrdreg s5  }
0xb0: {  	[dreg:$0x4] =	wrdreg $0xC0  }
0xb1: {  	_ =	task [dreg:s7], $0x5FFFF  }
0xb2: {  	[dreg:$0x1] =	wrdreg $0xFFFFFFFF  }
0xb3: {  	[dreg:$0x0] =	wrdreg $0x60  }
0xb4: {  	[dreg:$0x2] =	wrdreg s24  }
0xb5: {  	[dreg:$0x3] =	wrdreg s16  }
0xb6: {  	[dreg:$0x4] =	wrdreg $0x9  }
0xb7: {  	_ =	task.clear_ibuf [dreg:s7], $0x5FFFF;
	_ =	strace $0x90000046  }
0xb8: {  	s29 =	simm.s32 $0x9;
	_ =	strace $0x80000048  }
0xb9: {  	_ =	swait.ge [sflag:s29], $0x1  }
0xba: {  	[sflag:s29] =	ssyncadd.s32 $0xFFFFFFFF  }
0xbb: {  	_ =	strace $0x90000048  }
0xbc: {  	_ =	sfence  }
0xbd: {  	s30 =	sld [smem:$0x0];
	_ =	sdelay $0x2  }
0xbe: {  	s31 =	sshll.u32 s1, $0xD;
	s1 =	sshrl.u32 s1, $0x2  }
0xbf: {  	s3 =	sand.u32 $0x4000, s31;
	s1 =	sadd.s32 s1, s30  }
0xc0: {  	s0 =	sor.u32 s3, s0;
	s1 =	sshll.u32 s1, $0x11  }
0xc1: {  	s0 =	sor.u32 s1, s0  }
0xc2: {  	s0 =	sadd.s32 $0x8F2B, s0  }
0xc3: {  	[sflag:s0] =	ssyncadd.remote.s32 $0x1  }
0xc4: {  	_ =	sfence.sel $0xFFFF  }
0xc5: {  	[dreg:$0x0] =	wrdreg $0xFFFFFFFF;
	(pc) =	sbr.abs _section_cstart, $3  }
0xc6: {  	[dreg:$0x1] =	wrdreg $0xFFFFFFFF  }
0xc7: {  	_ =	task.clear_ibuf [dreg:s7], $0x2FFFF;
	_ =	strace $0x9FFFFFFF  }
0xc8: {  	(tm) =	ssettm $0x7FFFFFFF  }
0xc9: {  	_ =	shalt  }
tec
execute0_lowered:
.L_overlay_start_1:
0x0: {  	(tag) =	ssettag $0x1  }
0x1: {  	s1 =	rddreg [dreg:$0x0];
	s0 =	simm.s32 $0x0;
	s2 =	srdreg.scid  }
0x2: {  	s6 =	stileid.u32;
	s30 =	simm.s32 $0x4000;
	s31 =	simm.s32 $0x1  }
0x3: {  	[smem:$0x7FF] =	sst s0;
	s3 =	sadd.s32 $0x1000, s1;
	s2 =	sand.u32 $0x1, s2  }
0x4: {  	s6 =	sshll.u32 s6, $0xF;
	s4 =	ssub.s32 $0x2, s2;
	s2 =	sshll.u32 s2, $0xE  }
0x5: {  	s23 =	sadd.s32 $0x81000, s1;
	s5 =	sshrl.u32 s4, $0x1;
	s2 =	sor.u32 s2, s6  }
0x6: {  	s1 =	sadd.s32 $0x101000, s1;
	s25 =	ssub.s32 s4, s5;
	s24 =	sadd.s32 s3, s2  }
0x7: {  	s26 =	sadd.s32 s23, s2;
	s7 =	sor.u32 $0x800, s2;
	s4 =	sadd.s32 s1, s2  }
0x8: {  	s10 =	sor.u32 $0x1000, s2;
	s13 =	sor.u32 $0x1800, s2;
	s16 =	sor.u32 $0x2000, s2  }
0x9: {  	s19 =	sor.u32 $0x2800, s2;
	s22 =	sor.u32 $0x3000, s2;
	[dreg:$0x3] =	wrdreg s24  }
0xa: {  	s2 =	sor.u32 $0x3800, s2;
	[dreg:$0x4] =	wrdreg s26;
	s5 =	sadd.s32 s3, s7  }
0xb: {  	s6 =	sadd.s32 s23, s7;
	s7 =	sadd.s32 s1, s7;
	s8 =	sadd.s32 s3, s10  }
0xc: {  	s9 =	sadd.s32 s23, s10;
	s10 =	sadd.s32 s1, s10;
	s11 =	sadd.s32 s3, s13  }
0xd: {  	v0 =	vlaneseq.u32;
	s12 =	sadd.s32 s23, s13;
	s13 =	sadd.s32 s1, s13;
	s14 =	sadd.s32 s3, s16  }
0xe: {  	v0 =	vmul.u32 $0x80, v0;
	s15 =	sadd.s32 s23, s16;
	s16 =	sadd.s32 s1, s16;
	s17 =	sadd.s32 s3, s19  }
0xf: {  	s18 =	sadd.s32 s23, s19;
	s19 =	sadd.s32 s1, s19;
	s20 =	sadd.s32 s3, s22  }
0x10: {  	v8 =	vimm.f32 $0.0e+00;
	v1 =	vor.u32 $0x800, v0;
	s21 =	sadd.s32 s23, s22;
	s22 =	sadd.s32 s1, s22;
	s24 =	sadd.s32 s3, s2  }
0x11: {  	v2 =	vor.u32 $0x1000, v0;
	v3 =	vor.u32 $0x1800, v0;
	v4 =	vor.u32 $0x2000, v0;
	s26 =	sadd.s32 s23, s2;
	s28 =	sadd.s32 s1, s2;
	s29 =	smax.u32 s25, $0x1  }
0x12: {  	v5 =	vor.u32 $0x2800, v0;
	v6 =	vor.u32 $0x3000, v0;
	v7 =	vor.u32 $0x3800, v0;
	s23 =	simm.s32 $0x8000;
	s1 =	simm.s32 $0x0;
	_ =	strace $0x80000047  }
.LBB2_1:
0x13: {  	s2 =	rddreg [dreg:$0x1]  }
0x14: {  	[tilespmem:s30], [sflag:$0x1] =	stream.linear.gather [hbm4b:s2+s0], $0x4000, $0x38;
	[tilespmem:$0xC000] =	vst v63  }
0x15: {  	_ =	swait.ge [sflag:s31], $0x4000  }
0x16: {  	[sflag:s31] =	ssyncset.done $0x0  }
0x17: {  	v9 =	vor.u32 s0, v6;
	s25 =	rddreg [dreg:$0x3];
	[sflag:s31] =	ssyncadd.s32 $0xFFFFC000  }
0x18: {  	v10 =	vor.u32 s0, v7;
	[tilespmem:s0], [sflag:$0x1] =	stream.linear.gather [hbm4b:s25+s0], $0x4000, $0x38;
	[tilespmem:$0xC000] =	vst v63  }
0x19: {  	v11 =	vor.u32 s0, v0;
	_ =	swait.ge [sflag:s31], $0x4000  }
0x1a: {  	v12 =	vor.u32 s0, v5;
	v14 =	vor.u32 s0, v3;
	[sflag:s31] =	ssyncset.done $0x0  }
0x1b: {  	v13 =	vor.u32 s0, v4;
	v30 =	vimm.f32 $-1.000000000e+00;
	v28 =	vimm.s32 $0x0;
	[sflag:s31] =	ssyncadd.s32 $0xFFFFC000  }
0x1c: {  	v25 =	vor.u32 s0, v1;
	v33 =	vor.u32 s0, v2;
	v47 =	vimm.f32 $-1.000000000e+00;
	v9 =	vld.idx.msk [tilespmem:v9+s0+$0x0], $0xffff  }
0x1d: {  	v37 =	vimm.s32 $0x0;
	v35 =	vimm.s32 $0x0;
	v29 =	vimm.f32 $-1.000000000e+00;
	v10 =	vld.idx.msk [tilespmem:v10+s0+$0x0], $0xffff  }
0x1e: {  	v45 =	vimm.f32 $-1.000000000e+00;
	v32 =	vimm.f32 $-1.000000000e+00;
	v44 =	vimm.s32 $0x0;
	v11 =	vld.idx.msk [tilespmem:v11+s0+$0x0], $0xffff  }
0x1f: {  	v46 =	vimm.f32 $-1.000000000e+00;
	v40 =	vimm.f32 $-1.000000000e+00;
	v36 =	vimm.f32 $-1.000000000e+00;
	v43 =	vld.idx.msk [tilespmem:v14+s0+$0x0], $0xffff  }
0x20: {  	v31 =	vimm.s32 $0x0;
	v24 =	vimm.s32 $0x0;
	v41 =	vimm.f32 $-1.000000000e+00  }
0x21: {  	v39 =	vimm.f32 $-1.000000000e+00;
	v26 =	vimm.s32 $0x0;
	v42 =	vimm.f32 $-1.000000000e+00;
	v34 =	vld.idx.msk [tilespmem:v13+s0+$0x0], $0xffff  }
0x22: {  	v38 =	vimm.f32 $-1.000000000e+00;
	v13 =	vimm.s32 $0x0;
	v48 =	vld.idx.msk [tilespmem:v33+s0+$0x0], $0xffff;
	v33 =	vimm.s32 $0x0  }
0x23: {  	v50 =	vld.idx.msk [tilespmem:v25+s0+$0x0], $0xffff;
	v25 =	vimm.s32 $0x0;
	vm0 =	vgt.f32 v9, v30;
	vm1 =	vgt.f32 v10, v30  }
0x24: {  	v12 =	vld.idx.msk [tilespmem:v12+s0+$0x0], $0xffff;
	vm2 =	vgt.f32 v11, v30;
	vm4 =	vgt.f32 v43, v30;
	v17 =	vsel vm0, s0, v28  }
0x25: {  	v15 =	vsel vm0, v9, v30;
	v9 =	vsel vm1, s0, v28;
	v16 =	vsel vm1, v10, v30  }
0x26: {  	v18 =	vsel vm0, s0, v28;
	v10 =	vsel vm2, s0, v28;
	v20 =	vsel vm0, v30, v15  }
0x27: {  	v22 =	vsel vm0, v28, v17;
	v19 =	vsel vm1, v30, v16;
	v21 =	vsel vm1, v28, v9  }
0x28: {  	v17 =	vsel vm1, s0, v28;
	v9 =	vsel vm2, v11, v30;
	v11 =	vsel vm2, v28, v10  }
0x29: {  	vm0 =	vgt.f32 v12, v30;
	vm1 =	vgt.f32 v34, v30;
	v27 =	vsel vm2, v30, v9  }
0x2a: {  	v49 =	vsel vm0, v12, v30;
	v14 =	vsel vm0, v12, v30;
	vm2 =	vgt.f32 v34, v30  }
0x2b: {  	s2 =	simm.s32 $0x1;
	s25 =	simm.s32 $0x0;
	v23 =	vsel vm0, s0, v28;
	v12 =	vimm.s32 $0x0;
	vm3 =	vmmov vm0  }
.LBB2_2:
0x2c: {  	p0 =	sne.s32 s2, $0x3F;
	vm5 =	vgt.f32 v50, v30;
	vm6 =	vgt.f32 v50, v47;
	v28 =	vsel vm4, s25, v28;
	s3 =	smov.u32 s2;
	s2 =	sadd.s32 $0x1, s2  }
0x2d: {  	v51 =	vor.u32 s3, v3;
	v52 =	vor.u32 s3, v6;
	v53 =	vor.u32 s3, v7  }
0x2e: {  	v54 =	vor.u32 s3, v0;
	v47 =	vsel vm6, v50, v47;
	v37 =	vsel vm6, s25, v37  }
0x2f: {  	v49 =	vsel vm0, v29, v49;
	v29 =	vmovc v14;
	v37 =	vsel vm5, v35, v37;
	v35 =	vsel vm5, s25, v35  }
0x30: {  	v32 =	vsel vm1, v34, v32;
	v30 =	vsel vm5, v50, v30;
	vm6 =	vgt.f32 v48, v45  }
0x31: {  	v12 =	vsel vm1, s25, v12;
	v45 =	vsel vm6, v48, v45;
	v44 =	vsel vm6, s25, v44  }
0x32: {  	v47 =	vsel vm5, v46, v47;
	vm5 =	vgt.f32 v48, v40;
	vm6 =	vgt.f32 v43, v36;
	v50 =	vld.idx.msk [tilespmem:v52+s0+$0x0], $0xffff  }
0x33: {  	v31 =	vsel vm2, s25, v31;
	v24 =	vsel vm3, s25, v24;
	v46 =	vmovc v30;
	v45 =	vsel vm5, v40, v45;
	v52 =	vld.idx.msk [tilespmem:v53+s0+$0x0], $0xffff  }
0x34: {  	v41 =	vsel vm4, v43, v41;
	v24 =	vsel vm0, v13, v24;
	v36 =	vsel vm6, v43, v36;
	v53 =	vld.idx.msk [tilespmem:v54+s0+$0x0], $0xffff  }
0x35: {  	v34 =	vsel vm2, v34, v42;
	v41 =	vsel vm6, v39, v41;
	v28 =	vsel vm6, v26, v28;
	v39 =	vmovc v36  }
0x36: {  	v13 =	vmovc v23;
	v43 =	vor.u32 s3, v4;
	v44 =	vsel vm5, v33, v44;
	v54 =	vor.u32 s3, v5  }
0x37: {  	v55 =	vor.u32 s3, v1;
	v56 =	vor.u32 s3, v2;
	v42 =	vsel vm1, v38, v34;
	v38 =	vmovc v32  }
0x38: {  	v31 =	vsel vm1, v25, v31;
	v25 =	vmovc v12;
	v26 =	vsel vm6, s25, v26;
	vm0 =	vgt.f32 v50, v20  }
0x39: {  	v22 =	vsel vm0, s3, v22;
	vm1 =	vgt.f32 v52, v16;
	vm2 =	vgt.f32 v52, v19  }
0x3a: {  	vm3 =	vgt.f32 v50, v15;
	v20 =	vsel vm0, v50, v20;
	v21 =	vsel vm2, s3, v21  }
0x3b: {  	v40 =	vsel vm5, v48, v40;
	v20 =	vsel vm3, v15, v20;
	v19 =	vsel vm2, v52, v19;
	v54 =	vld.idx.msk [tilespmem:v54+s0+$0x0], $0xffff  }
0x3c: {  	v33 =	vsel vm5, s25, v33;
	s25 =	smov.u32 s3;
	v22 =	vsel vm3, v18, v22;
	v15 =	vsel vm3, v50, v15;
	v34 =	vld.idx.msk [tilespmem:v43+s0+$0x0], $0xffff  }
0x3d: {  	v19 =	vsel vm1, v16, v19;
	v21 =	vsel vm1, v17, v21;
	v16 =	vsel vm1, v52, v16;
	v43 =	vld.idx.msk [tilespmem:v51+s0+$0x0], $0xffff  }
0x3e: {  	vm0 =	vgt.f32 v53, v27;
	v18 =	vsel vm3, s25, v18;
	v17 =	vsel vm1, s25, v17;
	v50 =	vld.idx.msk [tilespmem:v55+s0+$0x0], $0xffff  }
.Ltmp0:
0x3f: {  	vm1 =	vgt.f32 v53, v9;
	v27 =	vsel vm0, v53, v27;
	v11 =	vsel vm0, s25, v11;
	v48 =	vld.idx.msk [tilespmem:v56+s0+$0x0], $0xffff;
	(pc) =	sbr.rel @p0 .LBB2_2-.Ltmp0, $4  }
0x40: {  	v27 =	vsel vm1, v9, v27;
	v11 =	vsel vm1, v10, v11;
	v9 =	vsel vm1, v53, v9  }
0x41: {  	v10 =	vsel vm1, s25, v10;
	vm0 =	vgt.f32 v54, v14;
	vm3 =	vgt.f32 v54, v49  }
0x42: {  	vm1 =	vgt.f32 v34, v32;
	v49 =	vsel vm3, v54, v49;
	v14 =	vsel vm0, v54, v14  }
0x43: {  	vm2 =	vgt.f32 v34, v42;
	v23 =	vsel vm0, s25, v23;
	vm4 =	vgt.f32 v43, v41  }
0x44: {  	v51 =	vadd.f32 v27, v9;
	_ =	sdelay $0x1  }
0x45: {  	vm5 =	vgt.f32 v50, v47;
	v51 =	vadd.f32 $9.999999930e-09, v51  }
0x46: {  	vm7 =	vgt.f32 v50, v30;
	v47 =	vsel vm5, v50, v47  }
0x47: {  	v30 =	vsel vm7, v50, v30;
	v46 =	vsel vm7, v46, v47;
	(erf) = vrcp.f32 v51  }
0x48: {  	v47 =	vadd.f32 v46, v30  }
0x49: {  	vm8 =	vgt.f32 v48, v45;
	vm6 =	vgt.f32 v48, v40  }
0x4a: {  	v41 =	vsel vm4, v43, v41;
	v45 =	vsel vm8, v48, v45;
	v47 =	vadd.f32 $9.999999930e-09, v47  }
0x4b: {  	v52 =	vsel vm6, v48, v40;
	v37 =	vsel vm5, s25, v37;
	v45 =	vsel vm6, v40, v45  }
0x4c: {  	vm5 =	vgt.f32 v43, v36;
	v53 =	vadd.f32 v45, v52;
	(erf) = vrcp.f32 v47  }
0x4d: {  	v36 =	vsel vm5, v43, v36;
	v39 =	vsel vm5, v39, v41  }
0x4e: {  	v41 =	vadd.s32 v0, v10;
	v55 =	vadd.f32 v39, v36;
	v47 =	vadd.f32 $9.999999930e-09, v53  }
0x4f: {  	v32 =	vsel vm1, v34, v32;
	v43 =	vadd.s32 v0, v11  }
0x50: {  	v56 =	vsel vm2, v34, v42;
	(erf) = vrcp.f32 v47;
	v47 =	vadd.f32 $9.999999930e-09, v55;
	v57 =	vpop (erf)  }
0x51: {  	v58 =	vmul.f32 v57, v9;
	v9 =	vor.u32 $0x1, v0;
	v27 =	vmul.f32 v57, v27  }
0x52: {  	v29 =	vsel vm0, v29, v49;
	v54 =	vsel vm7, s25, v35;
	v34 =	vsel vm1, v38, v56;
	[tilespmem:$0x1FFE0] =	vst v9  }
0x53: {  	v37 =	vsel vm7, v35, v37;
	v38 =	vadd.s32 v1, v54;
	(erf) = vrcp.f32 v47;
	[tilespmem:v41+s30+$0x0] =	vst.idx.msk $0xffff, v58  }
0x54: {  	v28 =	vsel vm4, s25, v28;
	v59 =	vadd.f32 v34, v32;
	v42 =	vadd.s32 v1, v37;
	[tilespmem:v43+s30+$0x0] =	vst.idx.msk $0xffff, v27  }
0x55: {  	v44 =	vsel vm8, s25, v44;
	v60 =	vsel vm6, s25, v33;
	v61 =	vadd.f32 v29, v14;
	v27 =	vpop (erf);
	[tilespmem:v0+s23+$0x0] =	vst.idx.msk $0xffff, v10  }
0x56: {  	v47 =	vadd.f32 $9.999999930e-09, v59;
	v10 =	vor.u32 $0x801, v0;
	v30 =	vmul.f32 v27, v30;
	[tilespmem:v9+s23+$0x0] =	vst.idx.msk $0xffff, v11  }
0x57: {  	v44 =	vsel vm6, v33, v44;
	v11 =	vmul.f32 v27, v46;
	v27 =	vadd.s32 v2, v60;
	[tilespmem:$0x1FFF0] =	vst v10  }
0x58: {  	v31 =	vsel vm2, s25, v31;
	(erf) = vrcp.f32 v47;
	[tilespmem:v38+s30+$0x0] =	vst.idx.msk $0xffff, v30;
	v30 =	vadd.s32 v2, v44  }
0x59: {  	v28 =	vsel vm5, v26, v28;
	v26 =	vsel vm5, s25, v26;
	v48 =	vadd.f32 $9.999999930e-09, v61;
	v62 =	vpop (erf);
	[tilespmem:v42+s30+$0x0] =	vst.idx.msk $0xffff, v11  }
0x5a: {  	v50 =	vadd.s32 v3, v26;
	v63 =	vmul.f32 v62, v52;
	v11 =	vor.u32 $0x1001, v0;
	[tilespmem:v1+s23+$0x0] =	vst.idx.msk $0xffff, v54  }
0x5b: {  	v49 =	vmul.f32 v62, v45;
	v52 =	vadd.f32 v20, v15;
	[tilespmem:v10+s23+$0x0] =	vst.idx.msk $0xffff, v37  }
0x5c: {  	v25 =	vsel vm1, v25, v31;
	v51 =	vadd.s32 v3, v28;
	(erf) = vrcp.f32 v48;
	v31 =	vpop (erf);
	[tilespmem:v27+s30+$0x0] =	vst.idx.msk $0xffff, v63  }
0x5d: {  	v55 =	vadd.f32 $9.999999930e-09, v52;
	v54 =	vmul.f32 v31, v36;
	v31 =	vmul.f32 v31, v39;
	[tilespmem:v30+s30+$0x0] =	vst.idx.msk $0xffff, v49  }
0x5e: {  	v53 =	vsel vm1, s25, v12;
	v12 =	vor.u32 $0x1801, v0;
	[tilespmem:v2+s23+$0x0] =	vst.idx.msk $0xffff, v60  }
0x5f: {  	v56 =	vadd.s32 v4, v53;
	(erf) = vrcp.f32 v55;
	[tilespmem:v11+s23+$0x0] =	vst.idx.msk $0xffff, v44  }
0x60: {  	v24 =	vsel vm3, s25, v24;
	v57 =	vadd.s32 v4, v25;
	v58 =	vadd.f32 v19, v16;
	[tilespmem:v50+s30+$0x0] =	vst.idx.msk $0xffff, v54  }
0x61: {  	v24 =	vsel vm0, v13, v24;
	[tilespmem:v51+s30+$0x0] =	vst.idx.msk $0xffff, v31;
	v31 =	vpop (erf)  }
0x62: {  	v13 =	vor.u32 $0x2001, v0;
	v59 =	vadd.f32 $9.999999930e-09, v58;
	[tilespmem:v3+s23+$0x0] =	vst.idx.msk $0xffff, v26;
	v26 =	vmul.f32 v31, v32  }
0x63: {  	[tilespmem:v12+s23+$0x0] =	vst.idx.msk $0xffff, v28;
	v28 =	vmul.f32 v31, v34;
	v31 =	vadd.s32 v5, v23  }
0x64: {  	(erf) = vrcp.f32 v59;
	[tilespmem:v56+s30+$0x0] =	vst.idx.msk $0xffff, v26;
	v26 =	vadd.s32 v5, v24  }
0x65: {  	v60 =	vpop (erf);
	[tilespmem:v57+s30+$0x0] =	vst.idx.msk $0xffff, v28  }
0x66: {  	v28 =	vmul.f32 v60, v14;
	v14 =	vor.u32 $0x2801, v0;
	[tilespmem:v4+s23+$0x0] =	vst.idx.msk $0xffff, v53  }
0x67: {  	[tilespmem:v13+s23+$0x0] =	vst.idx.msk $0xffff, v25;
	v25 =	vmul.f32 v60, v29;
	v29 =	vadd.s32 v6, v18  }
0x68: {  	v61 =	vpop (erf);
	[tilespmem:v31+s30+$0x0] =	vst.idx.msk $0xffff, v28;
	v28 =	vadd.s32 v6, v22  }
0x69: {  	v20 =	vmul.f32 v61, v20;
	[tilespmem:v26+s30+$0x0] =	vst.idx.msk $0xffff, v25  }
0x6a: {  	[tilespmem:v5+s23+$0x0] =	vst.idx.msk $0xffff, v23;
	v23 =	vmul.f32 v61, v15;
	v15 =	vor.u32 $0x3001, v0  }
0x6b: {  	[tilespmem:v14+s23+$0x0] =	vst.idx.msk $0xffff, v24;
	v24 =	vadd.s32 v7, v17  }
0x6c: {  	[tilespmem:v29+s30+$0x0] =	vst.idx.msk $0xffff, v23;
	v23 =	vadd.s32 v7, v21  }
0x6d: {  	[tilespmem:v28+s30+$0x0] =	vst.idx.msk $0xffff, v20;
	v20 =	vpop (erf)  }
0x6e: {  	[tilespmem:v6+s23+$0x0] =	vst.idx.msk $0xffff, v18;
	v18 =	vmul.f32 v20, v16;
	v16 =	vor.u32 $0x3801, v0  }
0x6f: {  	v19 =	vmul.f32 v20, v19;
	[tilespmem:v15+s23+$0x0] =	vst.idx.msk $0xffff, v22  }
0x70: {  	[tilespmem:v24+s30+$0x0] =	vst.idx.msk $0xffff, v18  }
0x71: {  	[tilespmem:v23+s30+$0x0] =	vst.idx.msk $0xffff, v19  }
0x72: {  	[tilespmem:v7+s23+$0x0] =	vst.idx.msk $0xffff, v17  }
0x73: {  	s2 =	rddreg [dreg:$0x4];
	s25 =	simm.s32 $0x0;
	[tilespmem:v16+s23+$0x0] =	vst.idx.msk $0xffff, v21  }
0x74: {  	[hbm4b:s2+s25] =	stream.linear.scatter [tilespmem:s30], [sflag:$0x1], $0x4000, $0x38;
	[tilespmem:$0xC000] =	vst v63  }
0x75: {  	_ =	swait.ge [sflag:s31], $0x4000  }
0x76: {  	[sflag:s31] =	ssyncset.done $0x0  }
0x77: {  	[sflag:s31] =	ssyncadd.s32 $0xFFFFC000  }
0x78: {  	[hbm4b:s4+s25] =	stream.linear.scatter [tilespmem:s23], [sflag:$0x1], $0x4000, $0x38;
	[tilespmem:$0xC000] =	vst v63  }
0x79: {  	_ =	swait.ge [sflag:s31], $0x4000  }
0x7a: {  	[sflag:s31] =	ssyncset.done $0x0  }
0x7b: {  	[sflag:s31] =	ssyncadd.s32 $0xFFFFC000  }
0x7c: {  	[tilespmem:v41+s30+$0x0] =	vst.idx.msk $0xffff, v8  }
0x7d: {  	[tilespmem:v43+s30+$0x0] =	vst.idx.msk $0xffff, v8  }
0x7e: {  	[tilespmem:v38+s30+$0x0] =	vst.idx.msk $0xffff, v8  }
0x7f: {  	[tilespmem:v42+s30+$0x0] =	vst.idx.msk $0xffff, v8  }
0x80: {  	[tilespmem:v27+s30+$0x0] =	vst.idx.msk $0xffff, v8  }
0x81: {  	[tilespmem:v30+s30+$0x0] =	vst.idx.msk $0xffff, v8  }
0x82: {  	[tilespmem:v50+s30+$0x0] =	vst.idx.msk $0xffff, v8  }
0x83: {  	[tilespmem:v51+s30+$0x0] =	vst.idx.msk $0xffff, v8  }
0x84: {  	[tilespmem:v56+s30+$0x0] =	vst.idx.msk $0xffff, v8  }
0x85: {  	[tilespmem:v57+s30+$0x0] =	vst.idx.msk $0xffff, v8  }
0x86: {  	[tilespmem:v31+s30+$0x0] =	vst.idx.msk $0xffff, v8  }
0x87: {  	[tilespmem:v26+s30+$0x0] =	vst.idx.msk $0xffff, v8  }
0x88: {  	[tilespmem:v29+s30+$0x0] =	vst.idx.msk $0xffff, v8  }
0x89: {  	[tilespmem:v28+s30+$0x0] =	vst.idx.msk $0xffff, v8  }
0x8a: {  	[tilespmem:v24+s30+$0x0] =	vst.idx.msk $0xffff, v8  }
0x8b: {  	v17 =	vor.u32 s25, v6;
	[tilespmem:v23+s30+$0x0] =	vst.idx.msk $0xffff, v8  }
0x8c: {  	v18 =	vor.u32 s25, v7;
	[tilespmem:s25], [sflag:$0x1] =	stream.linear.gather [hbm4b:s5+s25], $0x4000, $0x38;
	[tilespmem:$0xC000] =	vst v63  }
0x8d: {  	v19 =	vor.u32 s25, v0;
	_ =	swait.ge [sflag:s31], $0x4000  }
0x8e: {  	v40 =	vimm.s32 $0x0;
	v22 =	vor.u32 s25, v3;
	[sflag:s31] =	ssyncset.done $0x0  }
0x8f: {  	v33 =	vimm.s32 $0x0;
	v47 =	vimm.f32 $-1.000000000e+00;
	v48 =	vimm.f32 $-1.000000000e+00;
	[sflag:s31] =	ssyncadd.s32 $0xFFFFC000  }
0x90: {  	v46 =	vimm.f32 $-1.000000000e+00;
	v62 =	vor.u32 s25, v1;
	v45 =	vimm.f32 $-1.000000000e+00;
	v17 =	vld.idx.msk [tilespmem:v17+s0+$0x0], $0xffff  }
0x91: {  	v36 =	vimm.f32 $-1.000000000e+00;
	v39 =	vimm.s32 $0x0;
	v37 =	vimm.s32 $0x0;
	v18 =	vld.idx.msk [tilespmem:v18+s0+$0x0], $0xffff  }
0x92: {  	v55 =	vimm.f32 $-1.000000000e+00;
	v63 =	vor.u32 s25, v2;
	v49 =	vimm.f32 $-1.000000000e+00;
	v25 =	vld.idx.msk [tilespmem:v19+s0+$0x0], $0xffff  }
0x93: {  	v44 =	vimm.s32 $0x0;
	v54 =	vimm.f32 $-1.000000000e+00;
	v20 =	vor.u32 s25, v5;
	v52 =	vld.idx.msk [tilespmem:v22+s0+$0x0], $0xffff  }
0x94: {  	v32 =	vimm.s32 $0x0;
	v53 =	vimm.f32 $-1.000000000e+00;
	v21 =	vor.u32 s25, v4  }
0x95: {  	v41 =	vimm.f32 $-1.000000000e+00;
	v38 =	vimm.f32 $-1.000000000e+00;
	v42 =	vimm.s32 $0x0  }
0x96: {  	v27 =	vimm.s32 $0x0;
	v50 =	vimm.f32 $-1.000000000e+00;
	v51 =	vimm.s32 $0x0  }
0x97: {  	v29 =	vimm.s32 $0x0;
	v28 =	vimm.s32 $0x0;
	vm0 =	vgt.f32 v17, v38  }
0x98: {  	v26 =	vld.idx.msk [tilespmem:v20+s0+$0x0], $0xffff;
	vm1 =	vgt.f32 v18, v38;
	vm2 =	vgt.f32 v25, v38;
	vm4 =	vgt.f32 v52, v38  }
0x99: {  	v43 =	vld.idx.msk [tilespmem:v21+s0+$0x0], $0xffff;
	v23 =	vsel vm0, s25, v37;
	v19 =	vsel vm0, v17, v38;
	v20 =	vsel vm1, s25, v37  }
0x9a: {  	v17 =	vsel vm1, v18, v38;
	v18 =	vsel vm1, s25, v37;
	v34 =	vsel vm2, v25, v38  }
0x9b: {  	v58 =	vld.idx.msk [tilespmem:v62+s0+$0x0], $0xffff;
	v30 =	vsel vm2, s25, v37;
	v21 =	vsel vm0, v38, v19;
	v24 =	vsel vm0, v37, v23  }
0x9c: {  	v22 =	vsel vm1, v38, v17;
	v23 =	vsel vm1, v37, v20;
	v20 =	vsel vm0, s25, v37  }
0x9d: {  	v35 =	vsel vm2, v38, v34;
	v31 =	vsel vm2, v37, v30;
	vm1 =	vgt.f32 v26, v38  }
0x9e: {  	vm0 =	vgt.f32 v43, v38;
	vm2 =	vgt.f32 v43, v38;
	v57 =	vsel vm1, v26, v38  }
0x9f: {  	s2 =	simm.s32 $0x1;
	v56 =	vld.idx.msk [tilespmem:v63+s0+$0x0], $0xffff;
	v26 =	vsel vm1, v26, v38;
	v25 =	vsel vm1, s25, v37;
	vm3 =	vmmov vm1  }
.LBB2_4:
0xa0: {  	p0 =	sne.s32 s2, $0x3F;
	vm5 =	vgt.f32 v58, v38;
	vm6 =	vgt.f32 v58, v55;
	v37 =	vsel vm4, s25, v37;
	s3 =	smov.u32 s2;
	s2 =	sadd.s32 $0x1, s2  }
0xa1: {  	v59 =	vor.u32 s3, v3;
	v60 =	vor.u32 s3, v6;
	v61 =	vor.u32 s3, v7  }
0xa2: {  	v62 =	vor.u32 s3, v0;
	v55 =	vsel vm6, v58, v55;
	v44 =	vsel vm6, s25, v44  }
0xa3: {  	v57 =	vsel vm1, v36, v57;
	v36 =	vmovc v26;
	v44 =	vsel vm5, v40, v44;
	v40 =	vsel vm5, s25, v40  }
0xa4: {  	v41 =	vsel vm0, v43, v41;
	v38 =	vsel vm5, v58, v38;
	vm6 =	vgt.f32 v56, v53  }
0xa5: {  	v29 =	vsel vm0, s25, v29;
	v53 =	vsel vm6, v56, v53;
	v51 =	vsel vm6, s25, v51  }
0xa6: {  	v55 =	vsel vm5, v54, v55;
	vm5 =	vgt.f32 v56, v47;
	vm6 =	vgt.f32 v52, v45;
	v58 =	vld.idx.msk [tilespmem:v60+s0+$0x0], $0xffff  }
0xa7: {  	v39 =	vsel vm2, s25, v39;
	v27 =	vsel vm3, s25, v27;
	v54 =	vmovc v38;
	v53 =	vsel vm5, v47, v53;
	v60 =	vld.idx.msk [tilespmem:v61+s0+$0x0], $0xffff  }
0xa8: {  	v50 =	vsel vm4, v52, v50;
	v27 =	vsel vm1, v28, v27;
	v45 =	vsel vm6, v52, v45;
	v61 =	vld.idx.msk [tilespmem:v62+s0+$0x0], $0xffff  }
0xa9: {  	v43 =	vsel vm2, v43, v49;
	v50 =	vsel vm6, v48, v50;
	v37 =	vsel vm6, v33, v37;
	v48 =	vmovc v45  }
0xaa: {  	v28 =	vmovc v25;
	v52 =	vor.u32 s3, v4;
	v51 =	vsel vm5, v42, v51;
	v62 =	vor.u32 s3, v5  }
0xab: {  	v63 =	vor.u32 s3, v1;
	v9 =	vor.u32 s3, v2;
	v49 =	vsel vm0, v46, v43;
	v46 =	vmovc v41  }
0xac: {  	v39 =	vsel vm0, v32, v39;
	v32 =	vmovc v29;
	v33 =	vsel vm6, s25, v33;
	vm1 =	vgt.f32 v58, v21  }
0xad: {  	v24 =	vsel vm1, s3, v24;
	vm0 =	vgt.f32 v60, v17;
	vm2 =	vgt.f32 v60, v22  }
0xae: {  	vm3 =	vgt.f32 v58, v19;
	v21 =	vsel vm1, v58, v21;
	v23 =	vsel vm2, s3, v23  }
0xaf: {  	v47 =	vsel vm5, v56, v47;
	v21 =	vsel vm3, v19, v21;
	v22 =	vsel vm2, v60, v22;
	v62 =	vld.idx.msk [tilespmem:v62+s0+$0x0], $0xffff  }
0xb0: {  	v42 =	vsel vm5, s25, v42;
	s25 =	smov.u32 s3;
	v24 =	vsel vm3, v20, v24;
	v19 =	vsel vm3, v58, v19;
	v43 =	vld.idx.msk [tilespmem:v52+s0+$0x0], $0xffff  }
0xb1: {  	v22 =	vsel vm0, v17, v22;
	v23 =	vsel vm0, v18, v23;
	v17 =	vsel vm0, v60, v17;
	v52 =	vld.idx.msk [tilespmem:v59+s0+$0x0], $0xffff  }
0xb2: {  	vm1 =	vgt.f32 v61, v35;
	v20 =	vsel vm3, s25, v20;
	v18 =	vsel vm0, s25, v18;
	v58 =	vld.idx.msk [tilespmem:v63+s0+$0x0], $0xffff  }
.Ltmp1:
0xb3: {  	vm0 =	vgt.f32 v61, v34;
	v35 =	vsel vm1, v61, v35;
	v31 =	vsel vm1, s25, v31;
	v56 =	vld.idx.msk [tilespmem:v9+s0+$0x0], $0xffff;
	(pc) =	sbr.rel @p0 .LBB2_4-.Ltmp1, $4  }
0xb4: {  	v35 =	vsel vm0, v34, v35;
	v31 =	vsel vm0, v30, v31;
	v34 =	vsel vm0, v61, v34  }
0xb5: {  	v30 =	vsel vm0, s25, v30;
	vm1 =	vgt.f32 v62, v26;
	vm3 =	vgt.f32 v62, v57  }
0xb6: {  	vm0 =	vgt.f32 v43, v41;
	v57 =	vsel vm3, v62, v57;
	v26 =	vsel vm1, v62, v26  }
0xb7: {  	vm2 =	vgt.f32 v43, v49;
	v25 =	vsel vm1, s25, v25;
	vm4 =	vgt.f32 v52, v50  }
0xb8: {  	v9 =	vadd.f32 v35, v34;
	_ =	sdelay $0x1  }
0xb9: {  	v9 =	vadd.f32 $9.999999930e-09, v9  }
0xba: {  	vm5 =	vgt.f32 v58, v55  }
0xbb: {  	vm7 =	vgt.f32 v58, v38;
	v55 =	vsel vm5, v58, v55;
	(erf) = vrcp.f32 v9  }
0xbc: {  	v38 =	vsel vm7, v58, v38;
	v54 =	vsel vm7, v54, v55  }
0xbd: {  	v9 =	vadd.f32 v54, v38  }
0xbe: {  	vm8 =	vgt.f32 v56, v53  }
0xbf: {  	vm6 =	vgt.f32 v56, v47;
	v50 =	vsel vm4, v52, v50;
	v9 =	vadd.f32 $9.999999930e-09, v9  }
0xc0: {  	v53 =	vsel vm8, v56, v53;
	v44 =	vsel vm5, s25, v44;
	vm5 =	vgt.f32 v52, v45  }
0xc1: {  	v53 =	vsel vm6, v47, v53;
	v47 =	vsel vm6, v56, v47;
	(erf) = vrcp.f32 v9  }
0xc2: {  	v10 =	vld [tilespmem:$0x1FFE0];
	v48 =	vsel vm5, v48, v50;
	v50 =	vadd.s32 v0, v30;
	v9 =	vadd.f32 v53, v47  }
0xc3: {  	v45 =	vsel vm5, v52, v45;
	v52 =	vadd.s32 v0, v31  }
0xc4: {  	v9 =	vadd.f32 $9.999999930e-09, v9;
	v63 =	vpop (erf)  }
0xc5: {  	v59 =	vmul.f32 v63, v34  }
0xc6: {  	(erf) = vrcp.f32 v9;
	v60 =	vmul.f32 v63, v35  }
0xc7: {  	v41 =	vsel vm0, v43, v41;
	v9 =	vadd.f32 v48, v45;
	[tilespmem:v50+s30+$0x0] =	vst.idx.msk $0xffff, v59  }
0xc8: {  	v58 =	vsel vm2, v43, v49;
	v44 =	vsel vm7, v40, v44;
	v40 =	vsel vm7, s25, v40;
	[tilespmem:v52+s30+$0x0] =	vst.idx.msk $0xffff, v60  }
0xc9: {  	v43 =	vsel vm0, v46, v58;
	v46 =	vadd.s32 v1, v40;
	v9 =	vadd.f32 $9.999999930e-09, v9;
	[tilespmem:v0+s23+$0x0] =	vst.idx.msk $0xffff, v30  }
0xca: {  	v34 =	vadd.s32 v1, v44;
	v62 =	vpop (erf);
	[tilespmem:v10+s23+$0x0] =	vst.idx.msk $0xffff, v31;
	v10 =	vld [tilespmem:$0x1FFF0]  }
0xcb: {  	(erf) = vrcp.f32 v9;
	v9 =	vadd.f32 v43, v41;
	v31 =	vmul.f32 v62, v54  }
0xcc: {  	v36 =	vsel vm1, v36, v57;
	v30 =	vmul.f32 v62, v38  }
0xcd: {  	v51 =	vsel vm8, s25, v51;
	v63 =	vsel vm6, s25, v42;
	v9 =	vadd.f32 $9.999999930e-09, v9  }
0xce: {  	v61 =	vsel vm6, v42, v51;
	v51 =	vadd.s32 v2, v63;
	[tilespmem:v46+s30+$0x0] =	vst.idx.msk $0xffff, v30  }
0xcf: {  	v30 =	vadd.s32 v2, v61;
	(erf) = vrcp.f32 v9;
	v9 =	vadd.f32 v36, v26;
	[tilespmem:v34+s30+$0x0] =	vst.idx.msk $0xffff, v31;
	v31 =	vpop (erf)  }
0xd0: {  	v55 =	vmul.f32 v31, v47;
	v31 =	vmul.f32 v31, v53  }
0xd1: {  	v37 =	vsel vm4, s25, v37;
	[tilespmem:v1+s23+$0x0] =	vst.idx.msk $0xffff, v40;
	v9 =	vadd.f32 $9.999999930e-09, v9  }
0xd2: {  	v37 =	vsel vm5, v33, v37;
	v54 =	vsel vm5, s25, v33;
	[tilespmem:v10+s23+$0x0] =	vst.idx.msk $0xffff, v44  }
0xd3: {  	v56 =	vadd.s32 v3, v54;
	(erf) = vrcp.f32 v9;
	v9 =	vadd.f32 v21, v19;
	[tilespmem:v51+s30+$0x0] =	vst.idx.msk $0xffff, v55  }
0xd4: {  	v39 =	vsel vm2, s25, v39;
	v57 =	vadd.s32 v3, v37;
	[tilespmem:v30+s30+$0x0] =	vst.idx.msk $0xffff, v31;
	v31 =	vpop (erf)  }
0xd5: {  	v9 =	vadd.f32 $9.999999930e-09, v9;
	v58 =	vmul.f32 v31, v45;
	v31 =	vmul.f32 v31, v48  }
0xd6: {  	v29 =	vsel vm0, s25, v29;
	v32 =	vsel vm0, v32, v39;
	[tilespmem:v2+s23+$0x0] =	vst.idx.msk $0xffff, v63  }
0xd7: {  	v59 =	vadd.s32 v4, v29;
	(erf) = vrcp.f32 v9;
	v9 =	vadd.f32 v22, v17;
	[tilespmem:v11+s23+$0x0] =	vst.idx.msk $0xffff, v61  }
0xd8: {  	v60 =	vadd.s32 v4, v32;
	[tilespmem:v56+s30+$0x0] =	vst.idx.msk $0xffff, v58  }
0xd9: {  	v27 =	vsel vm3, s25, v27;
	v9 =	vadd.f32 $9.999999930e-09, v9;
	[tilespmem:v57+s30+$0x0] =	vst.idx.msk $0xffff, v31;
	v31 =	vpop (erf)  }
0xda: {  	v27 =	vsel vm1, v28, v27;
	[tilespmem:v3+s23+$0x0] =	vst.idx.msk $0xffff, v54;
	v28 =	vmul.f32 v31, v41  }
0xdb: {  	v61 =	vadd.s32 v5, v25;
	[tilespmem:v12+s23+$0x0] =	vst.idx.msk $0xffff, v37;
	v31 =	vmul.f32 v31, v43  }
0xdc: {  	(erf) = vrcp.f32 v9;
	[tilespmem:v59+s30+$0x0] =	vst.idx.msk $0xffff, v28;
	v28 =	vadd.s32 v5, v27  }
0xdd: {  	v9 =	vpop (erf);
	[tilespmem:v60+s30+$0x0] =	vst.idx.msk $0xffff, v31  }
0xde: {  	v26 =	vmul.f32 v9, v26;
	[tilespmem:v4+s23+$0x0] =	vst.idx.msk $0xffff, v29  }
0xdf: {  	v9 =	vmul.f32 v9, v36;
	v29 =	vadd.s32 v6, v20;
	[tilespmem:v13+s23+$0x0] =	vst.idx.msk $0xffff, v32  }
0xe0: {  	v31 =	vpop (erf);
	[tilespmem:v61+s30+$0x0] =	vst.idx.msk $0xffff, v26;
	v26 =	vadd.s32 v6, v24  }
0xe1: {  	[tilespmem:v28+s30+$0x0] =	vst.idx.msk $0xffff, v9;
	v9 =	vmul.f32 v31, v19;
	v19 =	vmul.f32 v31, v21  }
0xe2: {  	[tilespmem:v5+s23+$0x0] =	vst.idx.msk $0xffff, v25  }
0xe3: {  	v21 =	vadd.s32 v7, v18;
	[tilespmem:v14+s23+$0x0] =	vst.idx.msk $0xffff, v27  }
0xe4: {  	[tilespmem:v29+s30+$0x0] =	vst.idx.msk $0xffff, v9;
	v9 =	vadd.s32 v7, v23  }
0xe5: {  	[tilespmem:v26+s30+$0x0] =	vst.idx.msk $0xffff, v19;
	v19 =	vpop (erf)  }
0xe6: {  	[tilespmem:v6+s23+$0x0] =	vst.idx.msk $0xffff, v20;
	v17 =	vmul.f32 v19, v17  }
0xe7: {  	v19 =	vmul.f32 v19, v22;
	[tilespmem:v15+s23+$0x0] =	vst.idx.msk $0xffff, v24  }
0xe8: {  	[tilespmem:v21+s30+$0x0] =	vst.idx.msk $0xffff, v17  }
0xe9: {  	[tilespmem:v9+s30+$0x0] =	vst.idx.msk $0xffff, v19  }
0xea: {  	[tilespmem:v7+s23+$0x0] =	vst.idx.msk $0xffff, v18  }
0xeb: {  	s25 =	simm.s32 $0x0;
	[tilespmem:v16+s23+$0x0] =	vst.idx.msk $0xffff, v23  }
0xec: {  	[hbm4b:s6+s25] =	stream.linear.scatter [tilespmem:s30], [sflag:$0x1], $0x4000, $0x38;
	[tilespmem:$0xC000] =	vst v63  }
0xed: {  	_ =	swait.ge [sflag:s31], $0x4000  }
0xee: {  	[sflag:s31] =	ssyncset.done $0x0  }
0xef: {  	[sflag:s31] =	ssyncadd.s32 $0xFFFFC000  }
0xf0: {  	[hbm4b:s7+s25] =	stream.linear.scatter [tilespmem:s23], [sflag:$0x1], $0x4000, $0x38;
	[tilespmem:$0xC000] =	vst v63  }
0xf1: {  	_ =	swait.ge [sflag:s31], $0x4000  }
0xf2: {  	[sflag:s31] =	ssyncset.done $0x0  }
0xf3: {  	[sflag:s31] =	ssyncadd.s32 $0xFFFFC000  }
0xf4: {  	[tilespmem:v50+s30+$0x0] =	vst.idx.msk $0xffff, v8  }
0xf5: {  	[tilespmem:v52+s30+$0x0] =	vst.idx.msk $0xffff, v8  }
0xf6: {  	[tilespmem:v46+s30+$0x0] =	vst.idx.msk $0xffff, v8  }
0xf7: {  	[tilespmem:v34+s30+$0x0] =	vst.idx.msk $0xffff, v8  }
0xf8: {  	[tilespmem:v51+s30+$0x0] =	vst.idx.msk $0xffff, v8  }
0xf9: {  	[tilespmem:v30+s30+$0x0] =	vst.idx.msk $0xffff, v8  }
0xfa: {  	[tilespmem:v56+s30+$0x0] =	vst.idx.msk $0xffff, v8  }
0xfb: {  	[tilespmem:v57+s30+$0x0] =	vst.idx.msk $0xffff, v8  }
0xfc: {  	[tilespmem:v59+s30+$0x0] =	vst.idx.msk $0xffff, v8  }
0xfd: {  	[tilespmem:v60+s30+$0x0] =	vst.idx.msk $0xffff, v8  }
0xfe: {  	[tilespmem:v61+s30+$0x0] =	vst.idx.msk $0xffff, v8  }
0xff: {  	[tilespmem:v28+s30+$0x0] =	vst.idx.msk $0xffff, v8  }
0x100: {  	[tilespmem:v29+s30+$0x0] =	vst.idx.msk $0xffff, v8  }
0x101: {  	[tilespmem:v26+s30+$0x0] =	vst.idx.msk $0xffff, v8  }
0x102: {  	[tilespmem:v21+s30+$0x0] =	vst.idx.msk $0xffff, v8  }
0x103: {  	[tilespmem:v9+s30+$0x0] =	vst.idx.msk $0xffff, v8;
	v9 =	vor.u32 s25, v6  }
0x104: {  	v17 =	vor.u32 s25, v7;
	[tilespmem:s25], [sflag:$0x1] =	stream.linear.gather [hbm4b:s8+s25], $0x4000, $0x38;
	[tilespmem:$0xC000] =	vst v63  }
0x105: {  	v18 =	vor.u32 s25, v0;
	_ =	swait.ge [sflag:s31], $0x4000  }
0x106: {  	v39 =	vimm.s32 $0x0;
	v22 =	vor.u32 s25, v3;
	[sflag:s31] =	ssyncset.done $0x0  }
0x107: {  	v49 =	vimm.f32 $-1.000000000e+00;
	v42 =	vimm.s32 $0x0;
	v38 =	vimm.f32 $-1.000000000e+00;
	[sflag:s31] =	ssyncadd.s32 $0xFFFFC000  }
0x108: {  	v33 =	vimm.s32 $0x0;
	v62 =	vor.u32 s25, v1;
	v40 =	vimm.s32 $0x0;
	v9 =	vld.idx.msk [tilespmem:v9+s0+$0x0], $0xffff  }
0x109: {  	v53 =	vimm.f32 $-1.000000000e+00;
	v47 =	vimm.f32 $-1.000000000e+00;
	v44 =	vimm.s32 $0x0;
	v17 =	vld.idx.msk [tilespmem:v17+s0+$0x0], $0xffff  }
0x10a: {  	v55 =	vimm.f32 $-1.000000000e+00;
	v63 =	vor.u32 s25, v2;
	v45 =	vimm.f32 $-1.000000000e+00;
	v25 =	vld.idx.msk [tilespmem:v18+s0+$0x0], $0xffff  }
0x10b: {  	v48 =	vimm.f32 $-1.000000000e+00;
	v54 =	vimm.f32 $-1.000000000e+00;
	v19 =	vor.u32 s25, v5;
	v52 =	vld.idx.msk [tilespmem:v22+s0+$0x0], $0xffff  }
0x10c: {  	v37 =	vimm.s32 $0x0;
	v41 =	vimm.f32 $-1.000000000e+00;
	v20 =	vor.u32 s25, v4  }
0x10d: {  	v36 =	vimm.f32 $-1.000000000e+00;
	v32 =	vimm.s32 $0x0;
	v27 =	vimm.s32 $0x0  }
0x10e: {  	v50 =	vimm.f32 $-1.000000000e+00;
	v46 =	vimm.f32 $-1.000000000e+00;
	v51 =	vimm.s32 $0x0  }
0x10f: {  	v28 =	vimm.s32 $0x0;
	v29 =	vimm.s32 $0x0;
	vm0 =	vgt.f32 v9, v38  }
0x110: {  	v26 =	vld.idx.msk [tilespmem:v19+s0+$0x0], $0xffff;
	vm1 =	vgt.f32 v17, v38;
	vm2 =	vgt.f32 v25, v38;
	vm4 =	vgt.f32 v52, v38  }
0x111: {  	v43 =	vld.idx.msk [tilespmem:v20+s0+$0x0], $0xffff;
	v18 =	vsel vm0, s25, v37;
	v19 =	vsel vm0, v9, v38;
	v9 =	vsel vm1, s25, v37  }
0x112: {  	v17 =	vsel vm1, v17, v38;
	v20 =	vsel vm0, s25, v37;
	v34 =	vsel vm2, v25, v38  }
0x113: {  	v58 =	vld.idx.msk [tilespmem:v62+s0+$0x0], $0xffff;
	v30 =	vsel vm2, s25, v37;
	v21 =	vsel vm0, v38, v19;
	v24 =	vsel vm0, v37, v18  }
0x114: {  	v22 =	vsel vm1, v38, v17;
	v23 =	vsel vm1, v37, v9;
	v18 =	vsel vm1, s25, v37  }
0x115: {  	v35 =	vsel vm2, v38, v34;
	v31 =	vsel vm2, v37, v30;
	vm1 =	vgt.f32 v26, v38  }
0x116: {  	vm0 =	vgt.f32 v43, v38;
	vm2 =	vgt.f32 v43, v38;
	v57 =	vsel vm1, v26, v38  }
0x117: {  	s2 =	simm.s32 $0x1;
	v56 =	vld.idx.msk [tilespmem:v63+s0+$0x0], $0xffff;
	v26 =	vsel vm1, v26, v38;
	v25 =	vsel vm1, s25, v37;
	vm3 =	vmmov vm1  }
.LBB2_6:
0x118: {  	p0 =	sne.s32 s2, $0x3F;
	vm5 =	vgt.f32 v58, v38;
	vm6 =	vgt.f32 v58, v55;
	v9 =	vsel vm4, s25, v37;
	s3 =	smov.u32 s2;
	s2 =	sadd.s32 $0x1, s2  }
0x119: {  	v59 =	vor.u32 s3, v3;
	v37 =	vor.u32 s3, v6;
	v60 =	vor.u32 s3, v7  }
0x11a: {  	v61 =	vor.u32 s3, v0;
	v55 =	vsel vm6, v58, v55;
	v44 =	vsel vm6, s25, v44  }
0x11b: {  	v57 =	vsel vm1, v36, v57;
	v36 =	vmovc v26;
	v44 =	vsel vm5, v40, v44;
	v40 =	vsel vm5, s25, v40  }
0x11c: {  	v41 =	vsel vm0, v43, v41;
	v38 =	vsel vm5, v58, v38;
	vm6 =	vgt.f32 v56, v53  }
0x11d: {  	v29 =	vsel vm0, s25, v29;
	v53 =	vsel vm6, v56, v53;
	v51 =	vsel vm6, s25, v51  }
0x11e: {  	v55 =	vsel vm5, v54, v55;
	vm5 =	vgt.f32 v56, v47;
	vm6 =	vgt.f32 v52, v45;
	v58 =	vld.idx.msk [tilespmem:v37+s0+$0x0], $0xffff  }
0x11f: {  	v39 =	vsel vm2, s25, v39;
	v27 =	vsel vm3, s25, v27;
	v54 =	vmovc v38;
	v53 =	vsel vm5, v47, v53;
	v60 =	vld.idx.msk [tilespmem:v60+s0+$0x0], $0xffff  }
0x120: {  	v27 =	vsel vm1, v28, v27;
	v45 =	vsel vm6, v52, v45;
	v37 =	vsel vm4, v52, v50;
	v61 =	vld.idx.msk [tilespmem:v61+s0+$0x0], $0xffff  }
0x121: {  	v50 =	vsel vm6, v48, v37;
	v37 =	vsel vm6, v33, v9;
	v9 =	vsel vm2, v43, v49;
	v48 =	vmovc v45  }
0x122: {  	v28 =	vmovc v25;
	v51 =	vsel vm5, v42, v51;
	v52 =	vor.u32 s3, v5;
	v43 =	vor.u32 s3, v4  }
0x123: {  	v62 =	vor.u32 s3, v1;
	v63 =	vor.u32 s3, v2;
	v49 =	vsel vm0, v46, v9;
	v46 =	vmovc v41  }
0x124: {  	v39 =	vsel vm0, v32, v39;
	v32 =	vmovc v29;
	v33 =	vsel vm6, s25, v33;
	vm1 =	vgt.f32 v58, v21  }
0x125: {  	v9 =	vsel vm1, s3, v24;
	vm0 =	vgt.f32 v60, v17;
	vm2 =	vgt.f32 v60, v22  }
0x126: {  	vm3 =	vgt.f32 v58, v19;
	v21 =	vsel vm1, v58, v21;
	v23 =	vsel vm2, s3, v23  }
0x127: {  	v47 =	vsel vm5, v56, v47;
	v21 =	vsel vm3, v19, v21;
	v22 =	vsel vm2, v60, v22;
	v10 =	vld.idx.msk [tilespmem:v52+s0+$0x0], $0xffff  }
0x128: {  	v42 =	vsel vm5, s25, v42;
	s25 =	smov.u32 s3;
	v24 =	vsel vm3, v20, v9;
	v19 =	vsel vm3, v58, v19;
	v43 =	vld.idx.msk [tilespmem:v43+s0+$0x0], $0xffff  }
0x129: {  	v22 =	vsel vm0, v17, v22;
	v23 =	vsel vm0, v18, v23;
	v17 =	vsel vm0, v60, v17;
	v52 =	vld.idx.msk [tilespmem:v59+s0+$0x0], $0xffff  }
0x12a: {  	vm1 =	vgt.f32 v61, v35;
	v20 =	vsel vm3, s25, v20;
	v18 =	vsel vm0, s25, v18;
	v58 =	vld.idx.msk [tilespmem:v62+s0+$0x0], $0xffff  }
.Ltmp2:
0x12b: {  	vm0 =	vgt.f32 v61, v34;
	v9 =	vsel vm1, v61, v35;
	v31 =	vsel vm1, s25, v31;
	v56 =	vld.idx.msk [tilespmem:v63+s0+$0x0], $0xffff;
	(pc) =	sbr.rel @p0 .LBB2_6-.Ltmp2, $4  }
0x12c: {  	v35 =	vsel vm0, v34, v9;
	v31 =	vsel vm0, v30, v31;
	v34 =	vsel vm0, v61, v34  }
0x12d: {  	v30 =	vsel vm0, s25, v30;
	vm1 =	vgt.f32 v10, v26;
	vm3 =	vgt.f32 v10, v57  }
0x12e: {  	vm0 =	vgt.f32 v43, v41;
	v57 =	vsel vm3, v10, v57;
	v26 =	vsel vm1, v10, v26  }
0x12f: {  	vm2 =	vgt.f32 v43, v49;
	v25 =	vsel vm1, s25, v25;
	vm4 =	vgt.f32 v52, v50  }
0x130: {  	v9 =	vadd.f32 v35, v34  }
0x131: {  	vm5 =	vgt.f32 v58, v55  }
0x132: {  	vm7 =	vgt.f32 v58, v38;
	v10 =	vsel vm5, v58, v55;
	v9 =	vadd.f32 $9.999999930e-09, v9  }
0x133: {  	v38 =	vsel vm7, v58, v38;
	v10 =	vsel vm7, v54, v10  }
0x134: {  	(erf) = vrcp.f32 v9;
	v9 =	vadd.f32 v10, v38;
	_ =	sdelay $0x1  }
0x135: {  	vm8 =	vgt.f32 v56, v53;
	v9 =	vadd.f32 $9.999999930e-09, v9  }
0x136: {  	vm6 =	vgt.f32 v56, v47;
	v53 =	vsel vm8, v56, v53  }
0x137: {  	v53 =	vsel vm6, v47, v53;
	v47 =	vsel vm6, v56, v47;
	(erf) = vrcp.f32 v9  }
0x138: {  	v9 =	vadd.f32 v53, v47  }
0x139: {  	v50 =	vsel vm4, v52, v50  }
0x13a: {  	v44 =	vsel vm5, s25, v44;
	vm5 =	vgt.f32 v52, v45;
	v9 =	vadd.f32 $9.999999930e-09, v9  }
0x13b: {  	v41 =	vsel vm0, v43, v41;
	v62 =	vld [tilespmem:$0x1FFE0];
	v48 =	vsel vm5, v48, v50;
	v50 =	vadd.s32 v0, v30  }
0x13c: {  	v45 =	vsel vm5, v52, v45;
	v52 =	vadd.s32 v0, v31;
	(erf) = vrcp.f32 v9  }
0x13d: {  	v55 =	vsel vm2, v43, v49;
	v44 =	vsel vm7, v40, v44;
	v9 =	vadd.f32 v48, v45;
	v63 =	vpop (erf)  }
0x13e: {  	v40 =	vsel vm7, s25, v40;
	v43 =	vsel vm0, v46, v55;
	v56 =	vmul.f32 v63, v34  }
0x13f: {  	v46 =	vadd.s32 v1, v40;
	v9 =	vadd.f32 $9.999999930e-09, v9;
	v58 =	vmul.f32 v63, v35  }
0x140: {  	v55 =	vld [tilespmem:$0x1FFF0];
	v34 =	vadd.s32 v1, v44;
	[tilespmem:v50+s30+$0x0] =	vst.idx.msk $0xffff, v56;
	v60 =	vpop (erf)  }
0x141: {  	(erf) = vrcp.f32 v9;
	v9 =	vadd.f32 v43, v41;
	[tilespmem:v52+s30+$0x0] =	vst.idx.msk $0xffff, v58;
	v10 =	vmul.f32 v60, v10  }
0x142: {  	v36 =	vsel vm1, v36, v57;
	[tilespmem:v0+s23+$0x0] =	vst.idx.msk $0xffff, v30;
	v30 =	vmul.f32 v60, v38  }
0x143: {  	v51 =	vsel vm8, s25, v51;
	v61 =	vsel vm6, s25, v42;
	v9 =	vadd.f32 $9.999999930e-09, v9;
	[tilespmem:v62+s23+$0x0] =	vst.idx.msk $0xffff, v31  }
0x144: {  	v59 =	vsel vm6, v42, v51;
	v31 =	vadd.s32 v2, v61;
	[tilespmem:v46+s30+$0x0] =	vst.idx.msk $0xffff, v30  }
0x145: {  	v30 =	vadd.s32 v2, v59;
	(erf) = vrcp.f32 v9;
	v9 =	vadd.f32 v36, v26;
	[tilespmem:v34+s30+$0x0] =	vst.idx.msk $0xffff, v10;
	v10 =	vpop (erf)  }
0x146: {  	v54 =	vmul.f32 v10, v47;
	v10 =	vmul.f32 v10, v53  }
0x147: {  	v37 =	vsel vm4, s25, v37;
	[tilespmem:v1+s23+$0x0] =	vst.idx.msk $0xffff, v40;
	v9 =	vadd.f32 $9.999999930e-09, v9  }
0x148: {  	v51 =	vsel vm5, s25, v33;
	v63 =	vsel vm5, v33, v37;
	[tilespmem:v55+s23+$0x0] =	vst.idx.msk $0xffff, v44  }
0x149: {  	v56 =	vadd.s32 v3, v51;
	(erf) = vrcp.f32 v9;
	v9 =	vadd.f32 v21, v19;
	[tilespmem:v31+s30+$0x0] =	vst.idx.msk $0xffff, v54  }
0x14a: {  	v39 =	vsel vm2, s25, v39;
	v57 =	vadd.s32 v3, v63;
	[tilespmem:v30+s30+$0x0] =	vst.idx.msk $0xffff, v10;
	v10 =	vpop (erf)  }
0x14b: {  	v9 =	vadd.f32 $9.999999930e-09, v9;
	v58 =	vmul.f32 v10, v45;
	v10 =	vmul.f32 v10, v48  }
0x14c: {  	v29 =	vsel vm0, s25, v29;
	v32 =	vsel vm0, v32, v39;
	[tilespmem:v2+s23+$0x0] =	vst.idx.msk $0xffff, v61  }
0x14d: {  	[tilespmem:v11+s23+$0x0] =	vst.idx.msk $0xffff, v59;
	v59 =	vadd.s32 v4, v29;
	(erf) = vrcp.f32 v9;
	v9 =	vadd.f32 v22, v17  }
0x14e: {  	v60 =	vadd.s32 v4, v32;
	[tilespmem:v56+s30+$0x0] =	vst.idx.msk $0xffff, v58  }
0x14f: {  	v27 =	vsel vm3, s25, v27;
	v9 =	vadd.f32 $9.999999930e-09, v9;
	[tilespmem:v57+s30+$0x0] =	vst.idx.msk $0xffff, v10;
	v10 =	vpop (erf)  }
0x150: {  	v27 =	vsel vm1, v28, v27;
	[tilespmem:v3+s23+$0x0] =	vst.idx.msk $0xffff, v51;
	v28 =	vmul.f32 v10, v41  }
0x151: {  	v61 =	vadd.s32 v5, v25;
	[tilespmem:v12+s23+$0x0] =	vst.idx.msk $0xffff, v63;
	v10 =	vmul.f32 v10, v43  }
0x152: {  	(erf) = vrcp.f32 v9;
	[tilespmem:v59+s30+$0x0] =	vst.idx.msk $0xffff, v28;
	v28 =	vadd.s32 v5, v27  }
0x153: {  	v9 =	vpop (erf);
	[tilespmem:v60+s30+$0x0] =	vst.idx.msk $0xffff, v10  }
0x154: {  	v10 =	vmul.f32 v9, v26;
	[tilespmem:v4+s23+$0x0] =	vst.idx.msk $0xffff, v29  }
0x155: {  	v9 =	vmul.f32 v9, v36;
	v26 =	vadd.s32 v6, v20;
	[tilespmem:v13+s23+$0x0] =	vst.idx.msk $0xffff, v32  }
0x156: {  	v29 =	vpop (erf);
	[tilespmem:v61+s30+$0x0] =	vst.idx.msk $0xffff, v10;
	v10 =	vadd.s32 v6, v24  }
0x157: {  	[tilespmem:v28+s30+$0x0] =	vst.idx.msk $0xffff, v9;
	v9 =	vmul.f32 v29, v19;
	v19 =	vmul.f32 v29, v21  }
0x158: {  	[tilespmem:v5+s23+$0x0] =	vst.idx.msk $0xffff, v25  }
0x159: {  	v21 =	vadd.s32 v7, v18;
	[tilespmem:v14+s23+$0x0] =	vst.idx.msk $0xffff, v27  }
0x15a: {  	[tilespmem:v26+s30+$0x0] =	vst.idx.msk $0xffff, v9;
	v9 =	vadd.s32 v7, v23  }
0x15b: {  	[tilespmem:v10+s30+$0x0] =	vst.idx.msk $0xffff, v19;
	v19 =	vpop (erf)  }
0x15c: {  	[tilespmem:v6+s23+$0x0] =	vst.idx.msk $0xffff, v20;
	v17 =	vmul.f32 v19, v17  }
0x15d: {  	v19 =	vmul.f32 v19, v22;
	[tilespmem:v15+s23+$0x0] =	vst.idx.msk $0xffff, v24  }
0x15e: {  	[tilespmem:v21+s30+$0x0] =	vst.idx.msk $0xffff, v17  }
0x15f: {  	[tilespmem:v9+s30+$0x0] =	vst.idx.msk $0xffff, v19  }
0x160: {  	[tilespmem:v7+s23+$0x0] =	vst.idx.msk $0xffff, v18  }
0x161: {  	s25 =	simm.s32 $0x0;
	[tilespmem:v16+s23+$0x0] =	vst.idx.msk $0xffff, v23  }
0x162: {  	[hbm4b:s9+s25] =	stream.linear.scatter [tilespmem:s30], [sflag:$0x1], $0x4000, $0x38;
	[tilespmem:$0xC000] =	vst v63  }
0x163: {  	_ =	swait.ge [sflag:s31], $0x4000  }
0x164: {  	[sflag:s31] =	ssyncset.done $0x0  }
0x165: {  	[sflag:s31] =	ssyncadd.s32 $0xFFFFC000  }
0x166: {  	[hbm4b:s10+s25] =	stream.linear.scatter [tilespmem:s23], [sflag:$0x1], $0x4000, $0x38;
	[tilespmem:$0xC000] =	vst v63  }
0x167: {  	_ =	swait.ge [sflag:s31], $0x4000  }
0x168: {  	[sflag:s31] =	ssyncset.done $0x0  }
0x169: {  	[sflag:s31] =	ssyncadd.s32 $0xFFFFC000  }
0x16a: {  	[tilespmem:v50+s30+$0x0] =	vst.idx.msk $0xffff, v8  }
0x16b: {  	[tilespmem:v52+s30+$0x0] =	vst.idx.msk $0xffff, v8  }
0x16c: {  	[tilespmem:v46+s30+$0x0] =	vst.idx.msk $0xffff, v8  }
0x16d: {  	[tilespmem:v34+s30+$0x0] =	vst.idx.msk $0xffff, v8  }
0x16e: {  	[tilespmem:v31+s30+$0x0] =	vst.idx.msk $0xffff, v8  }
0x16f: {  	[tilespmem:v30+s30+$0x0] =	vst.idx.msk $0xffff, v8  }
0x170: {  	[tilespmem:v56+s30+$0x0] =	vst.idx.msk $0xffff, v8  }
0x171: {  	[tilespmem:v57+s30+$0x0] =	vst.idx.msk $0xffff, v8  }
0x172: {  	[tilespmem:v59+s30+$0x0] =	vst.idx.msk $0xffff, v8  }
0x173: {  	[tilespmem:v60+s30+$0x0] =	vst.idx.msk $0xffff, v8  }
0x174: {  	[tilespmem:v61+s30+$0x0] =	vst.idx.msk $0xffff, v8  }
0x175: {  	[tilespmem:v28+s30+$0x0] =	vst.idx.msk $0xffff, v8  }
0x176: {  	[tilespmem:v26+s30+$0x0] =	vst.idx.msk $0xffff, v8  }
0x177: {  	[tilespmem:v10+s30+$0x0] =	vst.idx.msk $0xffff, v8  }
0x178: {  	[tilespmem:v21+s30+$0x0] =	vst.idx.msk $0xffff, v8  }
0x179: {  	[tilespmem:v9+s30+$0x0] =	vst.idx.msk $0xffff, v8;
	v9 =	vor.u32 s25, v6  }
0x17a: {  	v10 =	vor.u32 s25, v7;
	[tilespmem:s25], [sflag:$0x1] =	stream.linear.gather [hbm4b:s11+s25], $0x4000, $0x38;
	[tilespmem:$0xC000] =	vst v63  }
0x17b: {  	v17 =	vor.u32 s25, v0;
	_ =	swait.ge [sflag:s31], $0x4000  }
0x17c: {  	v39 =	vimm.s32 $0x0;
	v22 =	vor.u32 s25, v3;
	[sflag:s31] =	ssyncset.done $0x0  }
0x17d: {  	v49 =	vimm.f32 $-1.000000000e+00;
	v42 =	vimm.s32 $0x0;
	v37 =	vimm.s32 $0x0;
	[sflag:s31] =	ssyncadd.s32 $0xFFFFC000  }
0x17e: {  	v33 =	vimm.s32 $0x0;
	v38 =	vimm.f32 $-1.000000000e+00;
	v62 =	vor.u32 s25, v1;
	v9 =	vld.idx.msk [tilespmem:v9+s0+$0x0], $0xffff  }
0x17f: {  	v40 =	vimm.s32 $0x0;
	v55 =	vimm.f32 $-1.000000000e+00;
	v44 =	vimm.s32 $0x0;
	v10 =	vld.idx.msk [tilespmem:v10+s0+$0x0], $0xffff  }
0x180: {  	v53 =	vimm.f32 $-1.000000000e+00;
	v47 =	vimm.f32 $-1.000000000e+00;
	v54 =	vimm.f32 $-1.000000000e+00;
	v25 =	vld.idx.msk [tilespmem:v17+s0+$0x0], $0xffff  }
0x181: {  	v45 =	vimm.f32 $-1.000000000e+00;
	v48 =	vimm.f32 $-1.000000000e+00;
	v18 =	vor.u32 s25, v5;
	v52 =	vld.idx.msk [tilespmem:v22+s0+$0x0], $0xffff  }
0x182: {  	v51 =	vimm.s32 $0x0;
	v63 =	vor.u32 s25, v2;
	v20 =	vor.u32 s25, v4  }
0x183: {  	v41 =	vimm.f32 $-1.000000000e+00;
	v36 =	vimm.f32 $-1.000000000e+00;
	v32 =	vimm.s32 $0x0  }
0x184: {  	v29 =	vimm.s32 $0x0;
	v27 =	vimm.s32 $0x0;
	v50 =	vimm.f32 $-1.000000000e+00  }
0x185: {  	v46 =	vimm.f32 $-1.000000000e+00;
	v28 =	vimm.s32 $0x0;
	vm0 =	vgt.f32 v9, v38  }
0x186: {  	v26 =	vld.idx.msk [tilespmem:v18+s0+$0x0], $0xffff;
	vm1 =	vgt.f32 v10, v38;
	vm2 =	vgt.f32 v25, v38;
	vm4 =	vgt.f32 v52, v38  }
0x187: {  	v43 =	vld.idx.msk [tilespmem:v20+s0+$0x0], $0xffff;
	v23 =	vsel vm0, s25, v37;
	v19 =	vsel vm0, v9, v38;
	v9 =	vsel vm1, s25, v37  }
0x188: {  	v17 =	vsel vm1, v10, v38;
	v20 =	vsel vm0, s25, v37;
	v18 =	vsel vm1, s25, v37  }
0x189: {  	v58 =	vld.idx.msk [tilespmem:v62+s0+$0x0], $0xffff;
	v34 =	vsel vm2, v25, v38;
	v30 =	vsel vm2, s25, v37;
	v21 =	vsel vm0, v38, v19  }
0x18a: {  	v24 =	vsel vm0, v37, v23;
	v22 =	vsel vm1, v38, v17;
	v23 =	vsel vm1, v37, v9  }
0x18b: {  	v35 =	vsel vm2, v38, v34;
	v31 =	vsel vm2, v37, v30;
	vm1 =	vgt.f32 v26, v38  }
0x18c: {  	vm0 =	vgt.f32 v43, v38;
	vm2 =	vgt.f32 v43, v38;
	v57 =	vsel vm1, v26, v38  }
0x18d: {  	s2 =	simm.s32 $0x1;
	v56 =	vld.idx.msk [tilespmem:v63+s0+$0x0], $0xffff;
	v26 =	vsel vm1, v26, v38;
	v25 =	vsel vm1, s25, v37;
	vm3 =	vmmov vm1  }
.LBB2_8:
0x18e: {  	p0 =	sne.s32 s2, $0x3F;
	vm5 =	vgt.f32 v58, v38;
	vm6 =	vgt.f32 v58, v55;
	v9 =	vsel vm4, s25, v37;
	s3 =	smov.u32 s2;
	s2 =	sadd.s32 $0x1, s2  }
0x18f: {  	v10 =	vor.u32 s3, v3;
	v37 =	vor.u32 s3, v6;
	v59 =	vor.u32 s3, v7  }
0x190: {  	v60 =	vor.u32 s3, v0;
	v55 =	vsel vm6, v58, v55;
	v44 =	vsel vm6, s25, v44  }
0x191: {  	v57 =	vsel vm1, v36, v57;
	v36 =	vmovc v26;
	v44 =	vsel vm5, v40, v44;
	v40 =	vsel vm5, s25, v40  }
0x192: {  	v41 =	vsel vm0, v43, v41;
	v38 =	vsel vm5, v58, v38;
	vm6 =	vgt.f32 v56, v53  }
0x193: {  	v29 =	vsel vm0, s25, v29;
	v53 =	vsel vm6, v56, v53;
	v51 =	vsel vm6, s25, v51  }
0x194: {  	v55 =	vsel vm5, v54, v55;
	vm5 =	vgt.f32 v56, v47;
	vm6 =	vgt.f32 v52, v45;
	v58 =	vld.idx.msk [tilespmem:v37+s0+$0x0], $0xffff  }
0x195: {  	v39 =	vsel vm2, s25, v39;
	v27 =	vsel vm3, s25, v27;
	v54 =	vmovc v38;
	v53 =	vsel vm5, v47, v53;
	v59 =	vld.idx.msk [tilespmem:v59+s0+$0x0], $0xffff  }
0x196: {  	v27 =	vsel vm1, v28, v27;
	v45 =	vsel vm6, v52, v45;
	v37 =	vsel vm4, v52, v50;
	v60 =	vld.idx.msk [tilespmem:v60+s0+$0x0], $0xffff  }
0x197: {  	v50 =	vsel vm6, v48, v37;
	v37 =	vsel vm6, v33, v9;
	v9 =	vsel vm2, v43, v49;
	v48 =	vmovc v45  }
0x198: {  	v28 =	vmovc v25;
	v51 =	vsel vm5, v42, v51;
	v52 =	vor.u32 s3, v5;
	v43 =	vor.u32 s3, v4  }
0x199: {  	v61 =	vor.u32 s3, v1;
	v62 =	vor.u32 s3, v2;
	v49 =	vsel vm0, v46, v9;
	v46 =	vmovc v41  }
0x19a: {  	v39 =	vsel vm0, v32, v39;
	v32 =	vmovc v29;
	v33 =	vsel vm6, s25, v33;
	vm1 =	vgt.f32 v58, v21  }
0x19b: {  	v9 =	vsel vm1, s3, v24;
	vm0 =	vgt.f32 v59, v17;
	vm2 =	vgt.f32 v59, v22  }
0x19c: {  	vm3 =	vgt.f32 v58, v19;
	v21 =	vsel vm1, v58, v21;
	v23 =	vsel vm2, s3, v23  }
0x19d: {  	v47 =	vsel vm5, v56, v47;
	v21 =	vsel vm3, v19, v21;
	v22 =	vsel vm2, v59, v22;
	v63 =	vld.idx.msk [tilespmem:v52+s0+$0x0], $0xffff  }
0x19e: {  	v42 =	vsel vm5, s25, v42;
	s25 =	smov.u32 s3;
	v24 =	vsel vm3, v20, v9;
	v19 =	vsel vm3, v58, v19;
	v43 =	vld.idx.msk [tilespmem:v43+s0+$0x0], $0xffff  }
0x19f: {  	v22 =	vsel vm0, v17, v22;
	v23 =	vsel vm0, v18, v23;
	v17 =	vsel vm0, v59, v17;
	v52 =	vld.idx.msk [tilespmem:v10+s0+$0x0], $0xffff  }
0x1a0: {  	vm1 =	vgt.f32 v60, v35;
	v20 =	vsel vm3, s25, v20;
	v18 =	vsel vm0, s25, v18;
	v58 =	vld.idx.msk [tilespmem:v61+s0+$0x0], $0xffff  }
.Ltmp3:
0x1a1: {  	vm0 =	vgt.f32 v60, v34;
	v9 =	vsel vm1, v60, v35;
	v10 =	vsel vm1, s25, v31;
	v56 =	vld.idx.msk [tilespmem:v62+s0+$0x0], $0xffff;
	(pc) =	sbr.rel @p0 .LBB2_8-.Ltmp3, $4  }
0x1a2: {  	v35 =	vsel vm0, v34, v9;
	v34 =	vsel vm0, v60, v34;
	v31 =	vsel vm0, v30, v10  }
0x1a3: {  	v30 =	vsel vm0, s25, v30;
	vm1 =	vgt.f32 v63, v26;
	vm3 =	vgt.f32 v63, v57  }
0x1a4: {  	vm0 =	vgt.f32 v43, v41;
	v57 =	vsel vm3, v63, v57;
	v26 =	vsel vm1, v63, v26  }
0x1a5: {  	vm2 =	vgt.f32 v43, v49;
	v25 =	vsel vm1, s25, v25;
	vm4 =	vgt.f32 v52, v50  }
0x1a6: {  	v9 =	vadd.f32 v35, v34  }
0x1a7: {  	vm5 =	vgt.f32 v58, v55  }
0x1a8: {  	vm7 =	vgt.f32 v58, v38;
	v10 =	vsel vm5, v58, v55;
	v9 =	vadd.f32 $9.999999930e-09, v9  }
0x1a9: {  	v38 =	vsel vm7, v58, v38;
	v10 =	vsel vm7, v54, v10  }
0x1aa: {  	(erf) = vrcp.f32 v9;
	v9 =	vadd.f32 v10, v38;
	_ =	sdelay $0x1  }
0x1ab: {  	vm8 =	vgt.f32 v56, v53;
	v9 =	vadd.f32 $9.999999930e-09, v9  }
0x1ac: {  	vm6 =	vgt.f32 v56, v47;
	v53 =	vsel vm8, v56, v53  }
0x1ad: {  	v53 =	vsel vm6, v47, v53;
	v47 =	vsel vm6, v56, v47;
	(erf) = vrcp.f32 v9  }
0x1ae: {  	v9 =	vadd.f32 v53, v47  }
0x1af: {  	v50 =	vsel vm4, v52, v50  }
0x1b0: {  	v44 =	vsel vm5, s25, v44;
	vm5 =	vgt.f32 v52, v45;
	v9 =	vadd.f32 $9.999999930e-09, v9  }
0x1b1: {  	v41 =	vsel vm0, v43, v41;
	v62 =	vld [tilespmem:$0x1FFE0];
	v48 =	vsel vm5, v48, v50;
	v50 =	vadd.s32 v0, v30  }
0x1b2: {  	v45 =	vsel vm5, v52, v45;
	v52 =	vadd.s32 v0, v31;
	(erf) = vrcp.f32 v9  }
0x1b3: {  	v55 =	vsel vm2, v43, v49;
	v44 =	vsel vm7, v40, v44;
	v9 =	vadd.f32 v48, v45;
	v63 =	vpop (erf)  }
0x1b4: {  	v40 =	vsel vm7, s25, v40;
	v43 =	vsel vm0, v46, v55;
	v56 =	vmul.f32 v63, v34  }
0x1b5: {  	v46 =	vadd.s32 v1, v40;
	v9 =	vadd.f32 $9.999999930e-09, v9;
	v58 =	vmul.f32 v63, v35  }
0x1b6: {  	v55 =	vld [tilespmem:$0x1FFF0];
	v34 =	vadd.s32 v1, v44;
	[tilespmem:v50+s30+$0x0] =	vst.idx.msk $0xffff, v56;
	v60 =	vpop (erf)  }
0x1b7: {  	(erf) = vrcp.f32 v9;
	v9 =	vadd.f32 v43, v41;
	[tilespmem:v52+s30+$0x0] =	vst.idx.msk $0xffff, v58;
	v10 =	vmul.f32 v60, v10  }
0x1b8: {  	v36 =	vsel vm1, v36, v57;
	[tilespmem:v0+s23+$0x0] =	vst.idx.msk $0xffff, v30;
	v30 =	vmul.f32 v60, v38  }
0x1b9: {  	v51 =	vsel vm8, s25, v51;
	v61 =	vsel vm6, s25, v42;
	v9 =	vadd.f32 $9.999999930e-09, v9;
	[tilespmem:v62+s23+$0x0] =	vst.idx.msk $0xffff, v31  }
0x1ba: {  	v59 =	vsel vm6, v42, v51;
	v31 =	vadd.s32 v2, v61;
	[tilespmem:v46+s30+$0x0] =	vst.idx.msk $0xffff, v30  }
0x1bb: {  	v30 =	vadd.s32 v2, v59;
	(erf) = vrcp.f32 v9;
	v9 =	vadd.f32 v36, v26;
	[tilespmem:v34+s30+$0x0] =	vst.idx.msk $0xffff, v10;
	v10 =	vpop (erf)  }
0x1bc: {  	v54 =	vmul.f32 v10, v47;
	v10 =	vmul.f32 v10, v53  }
0x1bd: {  	v37 =	vsel vm4, s25, v37;
	[tilespmem:v1+s23+$0x0] =	vst.idx.msk $0xffff, v40;
	v9 =	vadd.f32 $9.999999930e-09, v9  }
0x1be: {  	v51 =	vsel vm5, s25, v33;
	v63 =	vsel vm5, v33, v37;
	[tilespmem:v55+s23+$0x0] =	vst.idx.msk $0xffff, v44  }
0x1bf: {  	v56 =	vadd.s32 v3, v51;
	(erf) = vrcp.f32 v9;
	v9 =	vadd.f32 v21, v19;
	[tilespmem:v31+s30+$0x0] =	vst.idx.msk $0xffff, v54  }
0x1c0: {  	v39 =	vsel vm2, s25, v39;
	v57 =	vadd.s32 v3, v63;
	[tilespmem:v30+s30+$0x0] =	vst.idx.msk $0xffff, v10;
	v10 =	vpop (erf)  }
0x1c1: {  	v9 =	vadd.f32 $9.999999930e-09, v9;
	v58 =	vmul.f32 v10, v45;
	v10 =	vmul.f32 v10, v48  }
0x1c2: {  	v29 =	vsel vm0, s25, v29;
	v32 =	vsel vm0, v32, v39;
	[tilespmem:v2+s23+$0x0] =	vst.idx.msk $0xffff, v61  }
0x1c3: {  	[tilespmem:v11+s23+$0x0] =	vst.idx.msk $0xffff, v59;
	v59 =	vadd.s32 v4, v29;
	(erf) = vrcp.f32 v9;
	v9 =	vadd.f32 v22, v17  }
0x1c4: {  	v60 =	vadd.s32 v4, v32;
	[tilespmem:v56+s30+$0x0] =	vst.idx.msk $0xffff, v58  }
0x1c5: {  	v27 =	vsel vm3, s25, v27;
	v9 =	vadd.f32 $9.999999930e-09, v9;
	[tilespmem:v57+s30+$0x0] =	vst.idx.msk $0xffff, v10;
	v10 =	vpop (erf)  }
0x1c6: {  	v27 =	vsel vm1, v28, v27;
	[tilespmem:v3+s23+$0x0] =	vst.idx.msk $0xffff, v51;
	v28 =	vmul.f32 v10, v41  }
0x1c7: {  	v61 =	vadd.s32 v5, v25;
	[tilespmem:v12+s23+$0x0] =	vst.idx.msk $0xffff, v63;
	v10 =	vmul.f32 v10, v43  }
0x1c8: {  	(erf) = vrcp.f32 v9;
	[tilespmem:v59+s30+$0x0] =	vst.idx.msk $0xffff, v28;
	v28 =	vadd.s32 v5, v27  }
0x1c9: {  	v9 =	vpop (erf);
	[tilespmem:v60+s30+$0x0] =	vst.idx.msk $0xffff, v10  }
0x1ca: {  	v10 =	vmul.f32 v9, v26;
	[tilespmem:v4+s23+$0x0] =	vst.idx.msk $0xffff, v29  }
0x1cb: {  	v9 =	vmul.f32 v9, v36;
	v26 =	vadd.s32 v6, v20;
	[tilespmem:v13+s23+$0x0] =	vst.idx.msk $0xffff, v32  }
0x1cc: {  	v29 =	vpop (erf);
	[tilespmem:v61+s30+$0x0] =	vst.idx.msk $0xffff, v10;
	v10 =	vadd.s32 v6, v24  }
0x1cd: {  	[tilespmem:v28+s30+$0x0] =	vst.idx.msk $0xffff, v9;
	v9 =	vmul.f32 v29, v19;
	v19 =	vmul.f32 v29, v21  }
0x1ce: {  	[tilespmem:v5+s23+$0x0] =	vst.idx.msk $0xffff, v25  }
0x1cf: {  	v21 =	vadd.s32 v7, v18;
	[tilespmem:v14+s23+$0x0] =	vst.idx.msk $0xffff, v27  }
0x1d0: {  	[tilespmem:v26+s30+$0x0] =	vst.idx.msk $0xffff, v9;
	v9 =	vadd.s32 v7, v23  }
0x1d1: {  	[tilespmem:v10+s30+$0x0] =	vst.idx.msk $0xffff, v19;
	v19 =	vpop (erf)  }
0x1d2: {  	[tilespmem:v6+s23+$0x0] =	vst.idx.msk $0xffff, v20;
	v17 =	vmul.f32 v19, v17  }
0x1d3: {  	v19 =	vmul.f32 v19, v22;
	[tilespmem:v15+s23+$0x0] =	vst.idx.msk $0xffff, v24  }
0x1d4: {  	[tilespmem:v21+s30+$0x0] =	vst.idx.msk $0xffff, v17  }
0x1d5: {  	[tilespmem:v9+s30+$0x0] =	vst.idx.msk $0xffff, v19  }
0x1d6: {  	[tilespmem:v7+s23+$0x0] =	vst.idx.msk $0xffff, v18  }
0x1d7: {  	s25 =	simm.s32 $0x0;
	[tilespmem:v16+s23+$0x0] =	vst.idx.msk $0xffff, v23  }
0x1d8: {  	[hbm4b:s12+s25] =	stream.linear.scatter [tilespmem:s30], [sflag:$0x1], $0x4000, $0x38;
	[tilespmem:$0xC000] =	vst v63  }
0x1d9: {  	_ =	swait.ge [sflag:s31], $0x4000  }
0x1da: {  	[sflag:s31] =	ssyncset.done $0x0  }
0x1db: {  	[sflag:s31] =	ssyncadd.s32 $0xFFFFC000  }
0x1dc: {  	[hbm4b:s13+s25] =	stream.linear.scatter [tilespmem:s23], [sflag:$0x1], $0x4000, $0x38;
	[tilespmem:$0xC000] =	vst v63  }
0x1dd: {  	_ =	swait.ge [sflag:s31], $0x4000  }
0x1de: {  	[sflag:s31] =	ssyncset.done $0x0  }
0x1df: {  	[sflag:s31] =	ssyncadd.s32 $0xFFFFC000  }
0x1e0: {  	[tilespmem:v50+s30+$0x0] =	vst.idx.msk $0xffff, v8  }
0x1e1: {  	[tilespmem:v52+s30+$0x0] =	vst.idx.msk $0xffff, v8  }
0x1e2: {  	[tilespmem:v46+s30+$0x0] =	vst.idx.msk $0xffff, v8  }
0x1e3: {  	[tilespmem:v34+s30+$0x0] =	vst.idx.msk $0xffff, v8  }
0x1e4: {  	[tilespmem:v31+s30+$0x0] =	vst.idx.msk $0xffff, v8  }
0x1e5: {  	[tilespmem:v30+s30+$0x0] =	vst.idx.msk $0xffff, v8  }
0x1e6: {  	[tilespmem:v56+s30+$0x0] =	vst.idx.msk $0xffff, v8  }
0x1e7: {  	[tilespmem:v57+s30+$0x0] =	vst.idx.msk $0xffff, v8  }
0x1e8: {  	[tilespmem:v59+s30+$0x0] =	vst.idx.msk $0xffff, v8  }
0x1e9: {  	[tilespmem:v60+s30+$0x0] =	vst.idx.msk $0xffff, v8  }
0x1ea: {  	[tilespmem:v61+s30+$0x0] =	vst.idx.msk $0xffff, v8  }
0x1eb: {  	[tilespmem:v28+s30+$0x0] =	vst.idx.msk $0xffff, v8  }
0x1ec: {  	[tilespmem:v26+s30+$0x0] =	vst.idx.msk $0xffff, v8  }
0x1ed: {  	[tilespmem:v10+s30+$0x0] =	vst.idx.msk $0xffff, v8  }
0x1ee: {  	[tilespmem:v21+s30+$0x0] =	vst.idx.msk $0xffff, v8  }
0x1ef: {  	[tilespmem:v9+s30+$0x0] =	vst.idx.msk $0xffff, v8;
	v9 =	vor.u32 s25, v6  }
0x1f0: {  	v10 =	vor.u32 s25, v7;
	[tilespmem:s25], [sflag:$0x1] =	stream.linear.gather [hbm4b:s14+s25], $0x4000, $0x38;
	[tilespmem:$0xC000] =	vst v63  }
0x1f1: {  	v17 =	vor.u32 s25, v0;
	_ =	swait.ge [sflag:s31], $0x4000  }
0x1f2: {  	v39 =	vimm.s32 $0x0;
	v22 =	vor.u32 s25, v3;
	[sflag:s31] =	ssyncset.done $0x0  }
0x1f3: {  	v49 =	vimm.f32 $-1.000000000e+00;
	v42 =	vimm.s32 $0x0;
	v37 =	vimm.s32 $0x0;
	[sflag:s31] =	ssyncadd.s32 $0xFFFFC000  }
0x1f4: {  	v33 =	vimm.s32 $0x0;
	v38 =	vimm.f32 $-1.000000000e+00;
	v62 =	vor.u32 s25, v1;
	v9 =	vld.idx.msk [tilespmem:v9+s0+$0x0], $0xffff  }
0x1f5: {  	v40 =	vimm.s32 $0x0;
	v55 =	vimm.f32 $-1.000000000e+00;
	v44 =	vimm.s32 $0x0;
	v10 =	vld.idx.msk [tilespmem:v10+s0+$0x0], $0xffff  }
0x1f6: {  	v53 =	vimm.f32 $-1.000000000e+00;
	v47 =	vimm.f32 $-1.000000000e+00;
	v54 =	vimm.f32 $-1.000000000e+00;
	v25 =	vld.idx.msk [tilespmem:v17+s0+$0x0], $0xffff  }
0x1f7: {  	v45 =	vimm.f32 $-1.000000000e+00;
	v48 =	vimm.f32 $-1.000000000e+00;
	v18 =	vor.u32 s25, v5;
	v52 =	vld.idx.msk [tilespmem:v22+s0+$0x0], $0xffff  }
0x1f8: {  	v51 =	vimm.s32 $0x0;
	v63 =	vor.u32 s25, v2;
	v20 =	vor.u32 s25, v4  }
0x1f9: {  	v41 =	vimm.f32 $-1.000000000e+00;
	v36 =	vimm.f32 $-1.000000000e+00;
	v32 =	vimm.s32 $0x0  }
0x1fa: {  	v29 =	vimm.s32 $0x0;
	v27 =	vimm.s32 $0x0;
	v50 =	vimm.f32 $-1.000000000e+00  }
0x1fb: {  	v46 =	vimm.f32 $-1.000000000e+00;
	v28 =	vimm.s32 $0x0;
	vm0 =	vgt.f32 v9, v38  }
0x1fc: {  	v26 =	vld.idx.msk [tilespmem:v18+s0+$0x0], $0xffff;
	vm1 =	vgt.f32 v10, v38;
	vm2 =	vgt.f32 v25, v38;
	vm4 =	vgt.f32 v52, v38  }
0x1fd: {  	v43 =	vld.idx.msk [tilespmem:v20+s0+$0x0], $0xffff;
	v23 =	vsel vm0, s25, v37;
	v19 =	vsel vm0, v9, v38;
	v9 =	vsel vm1, s25, v37  }
0x1fe: {  	v17 =	vsel vm1, v10, v38;
	v20 =	vsel vm0, s25, v37;
	v18 =	vsel vm1, s25, v37  }
0x1ff: {  	v58 =	vld.idx.msk [tilespmem:v62+s0+$0x0], $0xffff;
	v34 =	vsel vm2, v25, v38;
	v30 =	vsel vm2, s25, v37;
	v21 =	vsel vm0, v38, v19  }
0x200: {  	v24 =	vsel vm0, v37, v23;
	v22 =	vsel vm1, v38, v17;
	v23 =	vsel vm1, v37, v9  }
0x201: {  	v35 =	vsel vm2, v38, v34;
	v31 =	vsel vm2, v37, v30;
	vm1 =	vgt.f32 v26, v38  }
0x202: {  	vm0 =	vgt.f32 v43, v38;
	vm2 =	vgt.f32 v43, v38;
	v57 =	vsel vm1, v26, v38  }
0x203: {  	s2 =	simm.s32 $0x1;
	v56 =	vld.idx.msk [tilespmem:v63+s0+$0x0], $0xffff;
	v26 =	vsel vm1, v26, v38;
	v25 =	vsel vm1, s25, v37;
	vm3 =	vmmov vm1  }
.LBB2_10:
0x204: {  	p0 =	sne.s32 s2, $0x3F;
	vm5 =	vgt.f32 v58, v38;
	vm6 =	vgt.f32 v58, v55;
	v9 =	vsel vm4, s25, v37;
	s3 =	smov.u32 s2;
	s2 =	sadd.s32 $0x1, s2  }
0x205: {  	v10 =	vor.u32 s3, v3;
	v37 =	vor.u32 s3, v6;
	v59 =	vor.u32 s3, v7  }
0x206: {  	v60 =	vor.u32 s3, v0;
	v55 =	vsel vm6, v58, v55;
	v44 =	vsel vm6, s25, v44  }
0x207: {  	v57 =	vsel vm1, v36, v57;
	v36 =	vmovc v26;
	v44 =	vsel vm5, v40, v44;
	v40 =	vsel vm5, s25, v40  }
0x208: {  	v41 =	vsel vm0, v43, v41;
	v38 =	vsel vm5, v58, v38;
	vm6 =	vgt.f32 v56, v53  }
0x209: {  	v29 =	vsel vm0, s25, v29;
	v53 =	vsel vm6, v56, v53;
	v51 =	vsel vm6, s25, v51  }
0x20a: {  	v55 =	vsel vm5, v54, v55;
	vm5 =	vgt.f32 v56, v47;
	vm6 =	vgt.f32 v52, v45;
	v58 =	vld.idx.msk [tilespmem:v37+s0+$0x0], $0xffff  }
0x20b: {  	v39 =	vsel vm2, s25, v39;
	v27 =	vsel vm3, s25, v27;
	v54 =	vmovc v38;
	v53 =	vsel vm5, v47, v53;
	v59 =	vld.idx.msk [tilespmem:v59+s0+$0x0], $0xffff  }
0x20c: {  	v27 =	vsel vm1, v28, v27;
	v45 =	vsel vm6, v52, v45;
	v37 =	vsel vm4, v52, v50;
	v60 =	vld.idx.msk [tilespmem:v60+s0+$0x0], $0xffff  }
0x20d: {  	v50 =	vsel vm6, v48, v37;
	v37 =	vsel vm6, v33, v9;
	v9 =	vsel vm2, v43, v49;
	v48 =	vmovc v45  }
0x20e: {  	v28 =	vmovc v25;
	v51 =	vsel vm5, v42, v51;
	v52 =	vor.u32 s3, v5;
	v43 =	vor.u32 s3, v4  }
0x20f: {  	v61 =	vor.u32 s3, v1;
	v62 =	vor.u32 s3, v2;
	v49 =	vsel vm0, v46, v9;
	v46 =	vmovc v41  }
0x210: {  	v39 =	vsel vm0, v32, v39;
	v32 =	vmovc v29;
	v33 =	vsel vm6, s25, v33;
	vm1 =	vgt.f32 v58, v21  }
0x211: {  	v9 =	vsel vm1, s3, v24;
	vm0 =	vgt.f32 v59, v17;
	vm2 =	vgt.f32 v59, v22  }
0x212: {  	vm3 =	vgt.f32 v58, v19;
	v21 =	vsel vm1, v58, v21;
	v23 =	vsel vm2, s3, v23  }
0x213: {  	v47 =	vsel vm5, v56, v47;
	v21 =	vsel vm3, v19, v21;
	v22 =	vsel vm2, v59, v22;
	v63 =	vld.idx.msk [tilespmem:v52+s0+$0x0], $0xffff  }
0x214: {  	v42 =	vsel vm5, s25, v42;
	s25 =	smov.u32 s3;
	v24 =	vsel vm3, v20, v9;
	v19 =	vsel vm3, v58, v19;
	v43 =	vld.idx.msk [tilespmem:v43+s0+$0x0], $0xffff  }
0x215: {  	v22 =	vsel vm0, v17, v22;
	v23 =	vsel vm0, v18, v23;
	v17 =	vsel vm0, v59, v17;
	v52 =	vld.idx.msk [tilespmem:v10+s0+$0x0], $0xffff  }
0x216: {  	vm1 =	vgt.f32 v60, v35;
	v20 =	vsel vm3, s25, v20;
	v18 =	vsel vm0, s25, v18;
	v58 =	vld.idx.msk [tilespmem:v61+s0+$0x0], $0xffff  }
.Ltmp4:
0x217: {  	vm0 =	vgt.f32 v60, v34;
	v9 =	vsel vm1, v60, v35;
	v10 =	vsel vm1, s25, v31;
	v56 =	vld.idx.msk [tilespmem:v62+s0+$0x0], $0xffff;
	(pc) =	sbr.rel @p0 .LBB2_10-.Ltmp4, $4  }
0x218: {  	v35 =	vsel vm0, v34, v9;
	v34 =	vsel vm0, v60, v34;
	v31 =	vsel vm0, v30, v10  }
0x219: {  	v30 =	vsel vm0, s25, v30;
	vm1 =	vgt.f32 v63, v26;
	vm3 =	vgt.f32 v63, v57  }
0x21a: {  	vm0 =	vgt.f32 v43, v41;
	v57 =	vsel vm3, v63, v57;
	v26 =	vsel vm1, v63, v26  }
0x21b: {  	vm2 =	vgt.f32 v43, v49;
	v25 =	vsel vm1, s25, v25;
	vm4 =	vgt.f32 v52, v50  }
0x21c: {  	v9 =	vadd.f32 v35, v34  }
0x21d: {  	vm5 =	vgt.f32 v58, v55  }
0x21e: {  	vm7 =	vgt.f32 v58, v38;
	v10 =	vsel vm5, v58, v55;
	v9 =	vadd.f32 $9.999999930e-09, v9  }
0x21f: {  	v38 =	vsel vm7, v58, v38;
	v10 =	vsel vm7, v54, v10  }
0x220: {  	(erf) = vrcp.f32 v9;
	v9 =	vadd.f32 v10, v38;
	_ =	sdelay $0x1  }
0x221: {  	vm8 =	vgt.f32 v56, v53;
	v9 =	vadd.f32 $9.999999930e-09, v9  }
0x222: {  	vm6 =	vgt.f32 v56, v47;
	v53 =	vsel vm8, v56, v53  }
0x223: {  	v53 =	vsel vm6, v47, v53;
	v47 =	vsel vm6, v56, v47;
	(erf) = vrcp.f32 v9  }
0x224: {  	v9 =	vadd.f32 v53, v47  }
0x225: {  	v50 =	vsel vm4, v52, v50  }
0x226: {  	v44 =	vsel vm5, s25, v44;
	vm5 =	vgt.f32 v52, v45;
	v9 =	vadd.f32 $9.999999930e-09, v9  }
0x227: {  	v41 =	vsel vm0, v43, v41;
	v62 =	vld [tilespmem:$0x1FFE0];
	v48 =	vsel vm5, v48, v50;
	v50 =	vadd.s32 v0, v30  }
0x228: {  	v45 =	vsel vm5, v52, v45;
	v52 =	vadd.s32 v0, v31;
	(erf) = vrcp.f32 v9  }
0x229: {  	v55 =	vsel vm2, v43, v49;
	v44 =	vsel vm7, v40, v44;
	v9 =	vadd.f32 v48, v45;
	v63 =	vpop (erf)  }
0x22a: {  	v40 =	vsel vm7, s25, v40;
	v43 =	vsel vm0, v46, v55;
	v56 =	vmul.f32 v63, v34  }
0x22b: {  	v46 =	vadd.s32 v1, v40;
	v9 =	vadd.f32 $9.999999930e-09, v9;
	v58 =	vmul.f32 v63, v35  }
0x22c: {  	v55 =	vld [tilespmem:$0x1FFF0];
	v34 =	vadd.s32 v1, v44;
	[tilespmem:v50+s30+$0x0] =	vst.idx.msk $0xffff, v56;
	v60 =	vpop (erf)  }
0x22d: {  	(erf) = vrcp.f32 v9;
	v9 =	vadd.f32 v43, v41;
	[tilespmem:v52+s30+$0x0] =	vst.idx.msk $0xffff, v58;
	v10 =	vmul.f32 v60, v10  }
0x22e: {  	v36 =	vsel vm1, v36, v57;
	[tilespmem:v0+s23+$0x0] =	vst.idx.msk $0xffff, v30;
	v30 =	vmul.f32 v60, v38  }
0x22f: {  	v51 =	vsel vm8, s25, v51;
	v61 =	vsel vm6, s25, v42;
	v9 =	vadd.f32 $9.999999930e-09, v9;
	[tilespmem:v62+s23+$0x0] =	vst.idx.msk $0xffff, v31  }
0x230: {  	v59 =	vsel vm6, v42, v51;
	v31 =	vadd.s32 v2, v61;
	[tilespmem:v46+s30+$0x0] =	vst.idx.msk $0xffff, v30  }
0x231: {  	v30 =	vadd.s32 v2, v59;
	(erf) = vrcp.f32 v9;
	v9 =	vadd.f32 v36, v26;
	[tilespmem:v34+s30+$0x0] =	vst.idx.msk $0xffff, v10;
	v10 =	vpop (erf)  }
0x232: {  	v54 =	vmul.f32 v10, v47;
	v10 =	vmul.f32 v10, v53  }
0x233: {  	v37 =	vsel vm4, s25, v37;
	[tilespmem:v1+s23+$0x0] =	vst.idx.msk $0xffff, v40;
	v9 =	vadd.f32 $9.999999930e-09, v9  }
0x234: {  	v51 =	vsel vm5, s25, v33;
	v63 =	vsel vm5, v33, v37;
	[tilespmem:v55+s23+$0x0] =	vst.idx.msk $0xffff, v44  }
0x235: {  	v56 =	vadd.s32 v3, v51;
	(erf) = vrcp.f32 v9;
	v9 =	vadd.f32 v21, v19;
	[tilespmem:v31+s30+$0x0] =	vst.idx.msk $0xffff, v54  }
0x236: {  	v39 =	vsel vm2, s25, v39;
	v57 =	vadd.s32 v3, v63;
	[tilespmem:v30+s30+$0x0] =	vst.idx.msk $0xffff, v10;
	v10 =	vpop (erf)  }
0x237: {  	v9 =	vadd.f32 $9.999999930e-09, v9;
	v58 =	vmul.f32 v10, v45;
	v10 =	vmul.f32 v10, v48  }
0x238: {  	v29 =	vsel vm0, s25, v29;
	v32 =	vsel vm0, v32, v39;
	[tilespmem:v2+s23+$0x0] =	vst.idx.msk $0xffff, v61  }
0x239: {  	[tilespmem:v11+s23+$0x0] =	vst.idx.msk $0xffff, v59;
	v59 =	vadd.s32 v4, v29;
	(erf) = vrcp.f32 v9;
	v9 =	vadd.f32 v22, v17  }
0x23a: {  	v60 =	vadd.s32 v4, v32;
	[tilespmem:v56+s30+$0x0] =	vst.idx.msk $0xffff, v58  }
0x23b: {  	v27 =	vsel vm3, s25, v27;
	v9 =	vadd.f32 $9.999999930e-09, v9;
	[tilespmem:v57+s30+$0x0] =	vst.idx.msk $0xffff, v10;
	v10 =	vpop (erf)  }
0x23c: {  	v27 =	vsel vm1, v28, v27;
	[tilespmem:v3+s23+$0x0] =	vst.idx.msk $0xffff, v51;
	v28 =	vmul.f32 v10, v41  }
0x23d: {  	v61 =	vadd.s32 v5, v25;
	[tilespmem:v12+s23+$0x0] =	vst.idx.msk $0xffff, v63;
	v10 =	vmul.f32 v10, v43  }
0x23e: {  	(erf) = vrcp.f32 v9;
	[tilespmem:v59+s30+$0x0] =	vst.idx.msk $0xffff, v28;
	v28 =	vadd.s32 v5, v27  }
0x23f: {  	v9 =	vpop (erf);
	[tilespmem:v60+s30+$0x0] =	vst.idx.msk $0xffff, v10  }
0x240: {  	v10 =	vmul.f32 v9, v26;
	[tilespmem:v4+s23+$0x0] =	vst.idx.msk $0xffff, v29  }
0x241: {  	v9 =	vmul.f32 v9, v36;
	v26 =	vadd.s32 v6, v20;
	[tilespmem:v13+s23+$0x0] =	vst.idx.msk $0xffff, v32  }
0x242: {  	v29 =	vpop (erf);
	[tilespmem:v61+s30+$0x0] =	vst.idx.msk $0xffff, v10;
	v10 =	vadd.s32 v6, v24  }
0x243: {  	[tilespmem:v28+s30+$0x0] =	vst.idx.msk $0xffff, v9;
	v9 =	vmul.f32 v29, v19;
	v19 =	vmul.f32 v29, v21  }
0x244: {  	[tilespmem:v5+s23+$0x0] =	vst.idx.msk $0xffff, v25  }
0x245: {  	v21 =	vadd.s32 v7, v18;
	[tilespmem:v14+s23+$0x0] =	vst.idx.msk $0xffff, v27  }
0x246: {  	[tilespmem:v26+s30+$0x0] =	vst.idx.msk $0xffff, v9;
	v9 =	vadd.s32 v7, v23  }
0x247: {  	[tilespmem:v10+s30+$0x0] =	vst.idx.msk $0xffff, v19;
	v19 =	vpop (erf)  }
0x248: {  	[tilespmem:v6+s23+$0x0] =	vst.idx.msk $0xffff, v20;
	v17 =	vmul.f32 v19, v17  }
0x249: {  	v19 =	vmul.f32 v19, v22;
	[tilespmem:v15+s23+$0x0] =	vst.idx.msk $0xffff, v24  }
0x24a: {  	[tilespmem:v21+s30+$0x0] =	vst.idx.msk $0xffff, v17  }
0x24b: {  	[tilespmem:v9+s30+$0x0] =	vst.idx.msk $0xffff, v19  }
0x24c: {  	[tilespmem:v7+s23+$0x0] =	vst.idx.msk $0xffff, v18  }
0x24d: {  	s25 =	simm.s32 $0x0;
	[tilespmem:v16+s23+$0x0] =	vst.idx.msk $0xffff, v23  }
0x24e: {  	[hbm4b:s15+s25] =	stream.linear.scatter [tilespmem:s30], [sflag:$0x1], $0x4000, $0x38;
	[tilespmem:$0xC000] =	vst v63  }
0x24f: {  	_ =	swait.ge [sflag:s31], $0x4000  }
0x250: {  	[sflag:s31] =	ssyncset.done $0x0  }
0x251: {  	[sflag:s31] =	ssyncadd.s32 $0xFFFFC000  }
0x252: {  	[hbm4b:s16+s25] =	stream.linear.scatter [tilespmem:s23], [sflag:$0x1], $0x4000, $0x38;
	[tilespmem:$0xC000] =	vst v63  }
0x253: {  	_ =	swait.ge [sflag:s31], $0x4000  }
0x254: {  	[sflag:s31] =	ssyncset.done $0x0  }
0x255: {  	[sflag:s31] =	ssyncadd.s32 $0xFFFFC000  }
0x256: {  	[tilespmem:v50+s30+$0x0] =	vst.idx.msk $0xffff, v8  }
0x257: {  	[tilespmem:v52+s30+$0x0] =	vst.idx.msk $0xffff, v8  }
0x258: {  	[tilespmem:v46+s30+$0x0] =	vst.idx.msk $0xffff, v8  }
0x259: {  	[tilespmem:v34+s30+$0x0] =	vst.idx.msk $0xffff, v8  }
0x25a: {  	[tilespmem:v31+s30+$0x0] =	vst.idx.msk $0xffff, v8  }
0x25b: {  	[tilespmem:v30+s30+$0x0] =	vst.idx.msk $0xffff, v8  }
0x25c: {  	[tilespmem:v56+s30+$0x0] =	vst.idx.msk $0xffff, v8  }
0x25d: {  	[tilespmem:v57+s30+$0x0] =	vst.idx.msk $0xffff, v8  }
0x25e: {  	[tilespmem:v59+s30+$0x0] =	vst.idx.msk $0xffff, v8  }
0x25f: {  	[tilespmem:v60+s30+$0x0] =	vst.idx.msk $0xffff, v8  }
0x260: {  	[tilespmem:v61+s30+$0x0] =	vst.idx.msk $0xffff, v8  }
0x261: {  	[tilespmem:v28+s30+$0x0] =	vst.idx.msk $0xffff, v8  }
0x262: {  	[tilespmem:v26+s30+$0x0] =	vst.idx.msk $0xffff, v8  }
0x263: {  	[tilespmem:v10+s30+$0x0] =	vst.idx.msk $0xffff, v8  }
0x264: {  	[tilespmem:v21+s30+$0x0] =	vst.idx.msk $0xffff, v8  }
0x265: {  	[tilespmem:v9+s30+$0x0] =	vst.idx.msk $0xffff, v8;
	v9 =	vor.u32 s25, v6  }
0x266: {  	v10 =	vor.u32 s25, v7;
	[tilespmem:s25], [sflag:$0x1] =	stream.linear.gather [hbm4b:s17+s25], $0x4000, $0x38;
	[tilespmem:$0xC000] =	vst v63  }
0x267: {  	v17 =	vor.u32 s25, v0;
	_ =	swait.ge [sflag:s31], $0x4000  }
0x268: {  	v39 =	vimm.s32 $0x0;
	v22 =	vor.u32 s25, v3;
	[sflag:s31] =	ssyncset.done $0x0  }
0x269: {  	v49 =	vimm.f32 $-1.000000000e+00;
	v42 =	vimm.s32 $0x0;
	v37 =	vimm.s32 $0x0;
	[sflag:s31] =	ssyncadd.s32 $0xFFFFC000  }
0x26a: {  	v33 =	vimm.s32 $0x0;
	v38 =	vimm.f32 $-1.000000000e+00;
	v62 =	vor.u32 s25, v1;
	v9 =	vld.idx.msk [tilespmem:v9+s0+$0x0], $0xffff  }
0x26b: {  	v40 =	vimm.s32 $0x0;
	v55 =	vimm.f32 $-1.000000000e+00;
	v44 =	vimm.s32 $0x0;
	v10 =	vld.idx.msk [tilespmem:v10+s0+$0x0], $0xffff  }
0x26c: {  	v53 =	vimm.f32 $-1.000000000e+00;
	v47 =	vimm.f32 $-1.000000000e+00;
	v54 =	vimm.f32 $-1.000000000e+00;
	v25 =	vld.idx.msk [tilespmem:v17+s0+$0x0], $0xffff  }
0x26d: {  	v45 =	vimm.f32 $-1.000000000e+00;
	v48 =	vimm.f32 $-1.000000000e+00;
	v18 =	vor.u32 s25, v5;
	v52 =	vld.idx.msk [tilespmem:v22+s0+$0x0], $0xffff  }
0x26e: {  	v51 =	vimm.s32 $0x0;
	v63 =	vor.u32 s25, v2;
	v20 =	vor.u32 s25, v4  }
0x26f: {  	v41 =	vimm.f32 $-1.000000000e+00;
	v36 =	vimm.f32 $-1.000000000e+00;
	v32 =	vimm.s32 $0x0  }
0x270: {  	v29 =	vimm.s32 $0x0;
	v27 =	vimm.s32 $0x0;
	v50 =	vimm.f32 $-1.000000000e+00  }
0x271: {  	v46 =	vimm.f32 $-1.000000000e+00;
	v28 =	vimm.s32 $0x0;
	vm0 =	vgt.f32 v9, v38  }
0x272: {  	v26 =	vld.idx.msk [tilespmem:v18+s0+$0x0], $0xffff;
	vm1 =	vgt.f32 v10, v38;
	vm2 =	vgt.f32 v25, v38;
	vm4 =	vgt.f32 v52, v38  }
0x273: {  	v43 =	vld.idx.msk [tilespmem:v20+s0+$0x0], $0xffff;
	v23 =	vsel vm0, s25, v37;
	v19 =	vsel vm0, v9, v38;
	v9 =	vsel vm1, s25, v37  }
0x274: {  	v17 =	vsel vm1, v10, v38;
	v20 =	vsel vm0, s25, v37;
	v18 =	vsel vm1, s25, v37  }
0x275: {  	v58 =	vld.idx.msk [tilespmem:v62+s0+$0x0], $0xffff;
	v34 =	vsel vm2, v25, v38;
	v30 =	vsel vm2, s25, v37;
	v21 =	vsel vm0, v38, v19  }
0x276: {  	v24 =	vsel vm0, v37, v23;
	v22 =	vsel vm1, v38, v17;
	v23 =	vsel vm1, v37, v9  }
0x277: {  	v35 =	vsel vm2, v38, v34;
	v31 =	vsel vm2, v37, v30;
	vm1 =	vgt.f32 v26, v38  }
0x278: {  	vm0 =	vgt.f32 v43, v38;
	vm2 =	vgt.f32 v43, v38;
	v57 =	vsel vm1, v26, v38  }
0x279: {  	s2 =	simm.s32 $0x1;
	v56 =	vld.idx.msk [tilespmem:v63+s0+$0x0], $0xffff;
	v26 =	vsel vm1, v26, v38;
	v25 =	vsel vm1, s25, v37;
	vm3 =	vmmov vm1  }
.LBB2_12:
0x27a: {  	p0 =	sne.s32 s2, $0x3F;
	vm5 =	vgt.f32 v58, v38;
	vm6 =	vgt.f32 v58, v55;
	v9 =	vsel vm4, s25, v37;
	s3 =	smov.u32 s2;
	s2 =	sadd.s32 $0x1, s2  }
0x27b: {  	v10 =	vor.u32 s3, v3;
	v37 =	vor.u32 s3, v6;
	v59 =	vor.u32 s3, v7  }
0x27c: {  	v60 =	vor.u32 s3, v0;
	v55 =	vsel vm6, v58, v55;
	v44 =	vsel vm6, s25, v44  }
0x27d: {  	v57 =	vsel vm1, v36, v57;
	v36 =	vmovc v26;
	v44 =	vsel vm5, v40, v44;
	v40 =	vsel vm5, s25, v40  }
0x27e: {  	v41 =	vsel vm0, v43, v41;
	v38 =	vsel vm5, v58, v38;
	vm6 =	vgt.f32 v56, v53  }
0x27f: {  	v29 =	vsel vm0, s25, v29;
	v53 =	vsel vm6, v56, v53;
	v51 =	vsel vm6, s25, v51  }
0x280: {  	v55 =	vsel vm5, v54, v55;
	vm5 =	vgt.f32 v56, v47;
	vm6 =	vgt.f32 v52, v45;
	v58 =	vld.idx.msk [tilespmem:v37+s0+$0x0], $0xffff  }
0x281: {  	v39 =	vsel vm2, s25, v39;
	v27 =	vsel vm3, s25, v27;
	v54 =	vmovc v38;
	v53 =	vsel vm5, v47, v53;
	v59 =	vld.idx.msk [tilespmem:v59+s0+$0x0], $0xffff  }
0x282: {  	v27 =	vsel vm1, v28, v27;
	v45 =	vsel vm6, v52, v45;
	v37 =	vsel vm4, v52, v50;
	v60 =	vld.idx.msk [tilespmem:v60+s0+$0x0], $0xffff  }
0x283: {  	v50 =	vsel vm6, v48, v37;
	v37 =	vsel vm6, v33, v9;
	v9 =	vsel vm2, v43, v49;
	v48 =	vmovc v45  }
0x284: {  	v28 =	vmovc v25;
	v51 =	vsel vm5, v42, v51;
	v52 =	vor.u32 s3, v5;
	v43 =	vor.u32 s3, v4  }
0x285: {  	v61 =	vor.u32 s3, v1;
	v62 =	vor.u32 s3, v2;
	v49 =	vsel vm0, v46, v9;
	v46 =	vmovc v41  }
0x286: {  	v39 =	vsel vm0, v32, v39;
	v32 =	vmovc v29;
	v33 =	vsel vm6, s25, v33;
	vm1 =	vgt.f32 v58, v21  }
0x287: {  	v9 =	vsel vm1, s3, v24;
	vm0 =	vgt.f32 v59, v17;
	vm2 =	vgt.f32 v59, v22  }
0x288: {  	vm3 =	vgt.f32 v58, v19;
	v21 =	vsel vm1, v58, v21;
	v23 =	vsel vm2, s3, v23  }
0x289: {  	v47 =	vsel vm5, v56, v47;
	v21 =	vsel vm3, v19, v21;
	v22 =	vsel vm2, v59, v22;
	v63 =	vld.idx.msk [tilespmem:v52+s0+$0x0], $0xffff  }
0x28a: {  	v42 =	vsel vm5, s25, v42;
	s25 =	smov.u32 s3;
	v24 =	vsel vm3, v20, v9;
	v19 =	vsel vm3, v58, v19;
	v43 =	vld.idx.msk [tilespmem:v43+s0+$0x0], $0xffff  }
0x28b: {  	v22 =	vsel vm0, v17, v22;
	v23 =	vsel vm0, v18, v23;
	v17 =	vsel vm0, v59, v17;
	v52 =	vld.idx.msk [tilespmem:v10+s0+$0x0], $0xffff  }
0x28c: {  	vm1 =	vgt.f32 v60, v35;
	v20 =	vsel vm3, s25, v20;
	v18 =	vsel vm0, s25, v18;
	v58 =	vld.idx.msk [tilespmem:v61+s0+$0x0], $0xffff  }
.Ltmp5:
0x28d: {  	vm0 =	vgt.f32 v60, v34;
	v9 =	vsel vm1, v60, v35;
	v10 =	vsel vm1, s25, v31;
	v56 =	vld.idx.msk [tilespmem:v62+s0+$0x0], $0xffff;
	(pc) =	sbr.rel @p0 .LBB2_12-.Ltmp5, $4  }
0x28e: {  	v35 =	vsel vm0, v34, v9;
	v34 =	vsel vm0, v60, v34;
	v31 =	vsel vm0, v30, v10  }
0x28f: {  	v30 =	vsel vm0, s25, v30;
	vm1 =	vgt.f32 v63, v26;
	vm3 =	vgt.f32 v63, v57  }
0x290: {  	vm0 =	vgt.f32 v43, v41;
	v57 =	vsel vm3, v63, v57;
	v26 =	vsel vm1, v63, v26  }
0x291: {  	vm2 =	vgt.f32 v43, v49;
	v25 =	vsel vm1, s25, v25;
	vm4 =	vgt.f32 v52, v50  }
0x292: {  	v9 =	vadd.f32 v35, v34  }
0x293: {  	vm5 =	vgt.f32 v58, v55  }
0x294: {  	vm7 =	vgt.f32 v58, v38;
	v10 =	vsel vm5, v58, v55;
	v9 =	vadd.f32 $9.999999930e-09, v9  }
0x295: {  	v38 =	vsel vm7, v58, v38;
	v10 =	vsel vm7, v54, v10  }
0x296: {  	(erf) = vrcp.f32 v9;
	v9 =	vadd.f32 v10, v38;
	_ =	sdelay $0x1  }
0x297: {  	vm8 =	vgt.f32 v56, v53;
	v9 =	vadd.f32 $9.999999930e-09, v9  }
0x298: {  	vm6 =	vgt.f32 v56, v47;
	v53 =	vsel vm8, v56, v53  }
0x299: {  	v53 =	vsel vm6, v47, v53;
	v47 =	vsel vm6, v56, v47;
	(erf) = vrcp.f32 v9  }
0x29a: {  	v9 =	vadd.f32 v53, v47  }
0x29b: {  	v50 =	vsel vm4, v52, v50  }
0x29c: {  	v44 =	vsel vm5, s25, v44;
	vm5 =	vgt.f32 v52, v45;
	v9 =	vadd.f32 $9.999999930e-09, v9  }
0x29d: {  	v41 =	vsel vm0, v43, v41;
	v62 =	vld [tilespmem:$0x1FFE0];
	v48 =	vsel vm5, v48, v50;
	v50 =	vadd.s32 v0, v30  }
0x29e: {  	v45 =	vsel vm5, v52, v45;
	v52 =	vadd.s32 v0, v31;
	(erf) = vrcp.f32 v9  }
0x29f: {  	v55 =	vsel vm2, v43, v49;
	v44 =	vsel vm7, v40, v44;
	v9 =	vadd.f32 v48, v45;
	v63 =	vpop (erf)  }
0x2a0: {  	v40 =	vsel vm7, s25, v40;
	v43 =	vsel vm0, v46, v55;
	v56 =	vmul.f32 v63, v34  }
0x2a1: {  	v46 =	vadd.s32 v1, v40;
	v9 =	vadd.f32 $9.999999930e-09, v9;
	v58 =	vmul.f32 v63, v35  }
0x2a2: {  	v55 =	vld [tilespmem:$0x1FFF0];
	v34 =	vadd.s32 v1, v44;
	[tilespmem:v50+s30+$0x0] =	vst.idx.msk $0xffff, v56;
	v60 =	vpop (erf)  }
0x2a3: {  	(erf) = vrcp.f32 v9;
	v9 =	vadd.f32 v43, v41;
	[tilespmem:v52+s30+$0x0] =	vst.idx.msk $0xffff, v58;
	v10 =	vmul.f32 v60, v10  }
0x2a4: {  	v36 =	vsel vm1, v36, v57;
	[tilespmem:v0+s23+$0x0] =	vst.idx.msk $0xffff, v30;
	v30 =	vmul.f32 v60, v38  }
0x2a5: {  	v51 =	vsel vm8, s25, v51;
	v61 =	vsel vm6, s25, v42;
	v9 =	vadd.f32 $9.999999930e-09, v9;
	[tilespmem:v62+s23+$0x0] =	vst.idx.msk $0xffff, v31  }
0x2a6: {  	v59 =	vsel vm6, v42, v51;
	v31 =	vadd.s32 v2, v61;
	[tilespmem:v46+s30+$0x0] =	vst.idx.msk $0xffff, v30  }
0x2a7: {  	v30 =	vadd.s32 v2, v59;
	(erf) = vrcp.f32 v9;
	v9 =	vadd.f32 v36, v26;
	[tilespmem:v34+s30+$0x0] =	vst.idx.msk $0xffff, v10;
	v10 =	vpop (erf)  }
0x2a8: {  	v54 =	vmul.f32 v10, v47;
	v10 =	vmul.f32 v10, v53  }
0x2a9: {  	v37 =	vsel vm4, s25, v37;
	[tilespmem:v1+s23+$0x0] =	vst.idx.msk $0xffff, v40;
	v9 =	vadd.f32 $9.999999930e-09, v9  }
0x2aa: {  	v51 =	vsel vm5, s25, v33;
	v63 =	vsel vm5, v33, v37;
	[tilespmem:v55+s23+$0x0] =	vst.idx.msk $0xffff, v44  }
0x2ab: {  	v56 =	vadd.s32 v3, v51;
	(erf) = vrcp.f32 v9;
	v9 =	vadd.f32 v21, v19;
	[tilespmem:v31+s30+$0x0] =	vst.idx.msk $0xffff, v54  }
0x2ac: {  	v39 =	vsel vm2, s25, v39;
	v57 =	vadd.s32 v3, v63;
	[tilespmem:v30+s30+$0x0] =	vst.idx.msk $0xffff, v10;
	v10 =	vpop (erf)  }
0x2ad: {  	v9 =	vadd.f32 $9.999999930e-09, v9;
	v58 =	vmul.f32 v10, v45;
	v10 =	vmul.f32 v10, v48  }
0x2ae: {  	v29 =	vsel vm0, s25, v29;
	v32 =	vsel vm0, v32, v39;
	[tilespmem:v2+s23+$0x0] =	vst.idx.msk $0xffff, v61  }
0x2af: {  	[tilespmem:v11+s23+$0x0] =	vst.idx.msk $0xffff, v59;
	v59 =	vadd.s32 v4, v29;
	(erf) = vrcp.f32 v9;
	v9 =	vadd.f32 v22, v17  }
0x2b0: {  	v60 =	vadd.s32 v4, v32;
	[tilespmem:v56+s30+$0x0] =	vst.idx.msk $0xffff, v58  }
0x2b1: {  	v27 =	vsel vm3, s25, v27;
	v9 =	vadd.f32 $9.999999930e-09, v9;
	[tilespmem:v57+s30+$0x0] =	vst.idx.msk $0xffff, v10;
	v10 =	vpop (erf)  }
0x2b2: {  	v27 =	vsel vm1, v28, v27;
	[tilespmem:v3+s23+$0x0] =	vst.idx.msk $0xffff, v51;
	v28 =	vmul.f32 v10, v41  }
0x2b3: {  	v61 =	vadd.s32 v5, v25;
	[tilespmem:v12+s23+$0x0] =	vst.idx.msk $0xffff, v63;
	v10 =	vmul.f32 v10, v43  }
0x2b4: {  	(erf) = vrcp.f32 v9;
	[tilespmem:v59+s30+$0x0] =	vst.idx.msk $0xffff, v28;
	v28 =	vadd.s32 v5, v27  }
0x2b5: {  	v9 =	vpop (erf);
	[tilespmem:v60+s30+$0x0] =	vst.idx.msk $0xffff, v10  }
0x2b6: {  	v10 =	vmul.f32 v9, v26;
	[tilespmem:v4+s23+$0x0] =	vst.idx.msk $0xffff, v29  }
0x2b7: {  	v9 =	vmul.f32 v9, v36;
	v26 =	vadd.s32 v6, v20;
	[tilespmem:v13+s23+$0x0] =	vst.idx.msk $0xffff, v32  }
0x2b8: {  	v29 =	vpop (erf);
	[tilespmem:v61+s30+$0x0] =	vst.idx.msk $0xffff, v10;
	v10 =	vadd.s32 v6, v24  }
0x2b9: {  	[tilespmem:v28+s30+$0x0] =	vst.idx.msk $0xffff, v9;
	v9 =	vmul.f32 v29, v19;
	v19 =	vmul.f32 v29, v21  }
0x2ba: {  	[tilespmem:v5+s23+$0x0] =	vst.idx.msk $0xffff, v25  }
0x2bb: {  	v21 =	vadd.s32 v7, v18;
	[tilespmem:v14+s23+$0x0] =	vst.idx.msk $0xffff, v27  }
0x2bc: {  	[tilespmem:v26+s30+$0x0] =	vst.idx.msk $0xffff, v9;
	v9 =	vadd.s32 v7, v23  }
0x2bd: {  	[tilespmem:v10+s30+$0x0] =	vst.idx.msk $0xffff, v19;
	v19 =	vpop (erf)  }
0x2be: {  	[tilespmem:v6+s23+$0x0] =	vst.idx.msk $0xffff, v20;
	v17 =	vmul.f32 v19, v17  }
0x2bf: {  	v19 =	vmul.f32 v19, v22;
	[tilespmem:v15+s23+$0x0] =	vst.idx.msk $0xffff, v24  }
0x2c0: {  	[tilespmem:v21+s30+$0x0] =	vst.idx.msk $0xffff, v17  }
0x2c1: {  	[tilespmem:v9+s30+$0x0] =	vst.idx.msk $0xffff, v19  }
0x2c2: {  	[tilespmem:v7+s23+$0x0] =	vst.idx.msk $0xffff, v18  }
0x2c3: {  	s25 =	simm.s32 $0x0;
	[tilespmem:v16+s23+$0x0] =	vst.idx.msk $0xffff, v23  }
0x2c4: {  	[hbm4b:s18+s25] =	stream.linear.scatter [tilespmem:s30], [sflag:$0x1], $0x4000, $0x38;
	[tilespmem:$0xC000] =	vst v63  }
0x2c5: {  	_ =	swait.ge [sflag:s31], $0x4000  }
0x2c6: {  	[sflag:s31] =	ssyncset.done $0x0  }
0x2c7: {  	[sflag:s31] =	ssyncadd.s32 $0xFFFFC000  }
0x2c8: {  	[hbm4b:s19+s25] =	stream.linear.scatter [tilespmem:s23], [sflag:$0x1], $0x4000, $0x38;
	[tilespmem:$0xC000] =	vst v63  }
0x2c9: {  	_ =	swait.ge [sflag:s31], $0x4000  }
0x2ca: {  	[sflag:s31] =	ssyncset.done $0x0  }
0x2cb: {  	[sflag:s31] =	ssyncadd.s32 $0xFFFFC000  }
0x2cc: {  	[tilespmem:v50+s30+$0x0] =	vst.idx.msk $0xffff, v8  }
0x2cd: {  	[tilespmem:v52+s30+$0x0] =	vst.idx.msk $0xffff, v8  }
0x2ce: {  	[tilespmem:v46+s30+$0x0] =	vst.idx.msk $0xffff, v8  }
0x2cf: {  	[tilespmem:v34+s30+$0x0] =	vst.idx.msk $0xffff, v8  }
0x2d0: {  	[tilespmem:v31+s30+$0x0] =	vst.idx.msk $0xffff, v8  }
0x2d1: {  	[tilespmem:v30+s30+$0x0] =	vst.idx.msk $0xffff, v8  }
0x2d2: {  	[tilespmem:v56+s30+$0x0] =	vst.idx.msk $0xffff, v8  }
0x2d3: {  	[tilespmem:v57+s30+$0x0] =	vst.idx.msk $0xffff, v8  }
0x2d4: {  	[tilespmem:v59+s30+$0x0] =	vst.idx.msk $0xffff, v8  }
0x2d5: {  	[tilespmem:v60+s30+$0x0] =	vst.idx.msk $0xffff, v8  }
0x2d6: {  	[tilespmem:v61+s30+$0x0] =	vst.idx.msk $0xffff, v8  }
0x2d7: {  	[tilespmem:v28+s30+$0x0] =	vst.idx.msk $0xffff, v8  }
0x2d8: {  	[tilespmem:v26+s30+$0x0] =	vst.idx.msk $0xffff, v8  }
0x2d9: {  	[tilespmem:v10+s30+$0x0] =	vst.idx.msk $0xffff, v8  }
0x2da: {  	[tilespmem:v21+s30+$0x0] =	vst.idx.msk $0xffff, v8  }
0x2db: {  	[tilespmem:v9+s30+$0x0] =	vst.idx.msk $0xffff, v8;
	v9 =	vor.u32 s25, v6  }
0x2dc: {  	v10 =	vor.u32 s25, v7;
	[tilespmem:s25], [sflag:$0x1] =	stream.linear.gather [hbm4b:s20+s25], $0x4000, $0x38;
	[tilespmem:$0xC000] =	vst v63  }
0x2dd: {  	v17 =	vor.u32 s25, v0;
	_ =	swait.ge [sflag:s31], $0x4000  }
0x2de: {  	v39 =	vimm.s32 $0x0;
	v22 =	vor.u32 s25, v3;
	[sflag:s31] =	ssyncset.done $0x0  }
0x2df: {  	v49 =	vimm.f32 $-1.000000000e+00;
	v42 =	vimm.s32 $0x0;
	v37 =	vimm.s32 $0x0;
	[sflag:s31] =	ssyncadd.s32 $0xFFFFC000  }
0x2e0: {  	v33 =	vimm.s32 $0x0;
	v38 =	vimm.f32 $-1.000000000e+00;
	v62 =	vor.u32 s25, v1;
	v9 =	vld.idx.msk [tilespmem:v9+s0+$0x0], $0xffff  }
0x2e1: {  	v40 =	vimm.s32 $0x0;
	v55 =	vimm.f32 $-1.000000000e+00;
	v44 =	vimm.s32 $0x0;
	v10 =	vld.idx.msk [tilespmem:v10+s0+$0x0], $0xffff  }
0x2e2: {  	v53 =	vimm.f32 $-1.000000000e+00;
	v47 =	vimm.f32 $-1.000000000e+00;
	v54 =	vimm.f32 $-1.000000000e+00;
	v25 =	vld.idx.msk [tilespmem:v17+s0+$0x0], $0xffff  }
0x2e3: {  	v45 =	vimm.f32 $-1.000000000e+00;
	v48 =	vimm.f32 $-1.000000000e+00;
	v18 =	vor.u32 s25, v5;
	v52 =	vld.idx.msk [tilespmem:v22+s0+$0x0], $0xffff  }
0x2e4: {  	v51 =	vimm.s32 $0x0;
	v63 =	vor.u32 s25, v2;
	v20 =	vor.u32 s25, v4  }
0x2e5: {  	v41 =	vimm.f32 $-1.000000000e+00;
	v36 =	vimm.f32 $-1.000000000e+00;
	v32 =	vimm.s32 $0x0  }
0x2e6: {  	v29 =	vimm.s32 $0x0;
	v27 =	vimm.s32 $0x0;
	v50 =	vimm.f32 $-1.000000000e+00  }
0x2e7: {  	v46 =	vimm.f32 $-1.000000000e+00;
	v28 =	vimm.s32 $0x0;
	vm0 =	vgt.f32 v9, v38  }
0x2e8: {  	v26 =	vld.idx.msk [tilespmem:v18+s0+$0x0], $0xffff;
	vm1 =	vgt.f32 v10, v38;
	vm2 =	vgt.f32 v25, v38;
	vm4 =	vgt.f32 v52, v38  }
0x2e9: {  	v43 =	vld.idx.msk [tilespmem:v20+s0+$0x0], $0xffff;
	v23 =	vsel vm0, s25, v37;
	v19 =	vsel vm0, v9, v38;
	v9 =	vsel vm1, s25, v37  }
0x2ea: {  	v17 =	vsel vm1, v10, v38;
	v20 =	vsel vm0, s25, v37;
	v18 =	vsel vm1, s25, v37  }
0x2eb: {  	v58 =	vld.idx.msk [tilespmem:v62+s0+$0x0], $0xffff;
	v34 =	vsel vm2, v25, v38;
	v30 =	vsel vm2, s25, v37;
	v21 =	vsel vm0, v38, v19  }
0x2ec: {  	v24 =	vsel vm0, v37, v23;
	v22 =	vsel vm1, v38, v17;
	v23 =	vsel vm1, v37, v9  }
0x2ed: {  	v35 =	vsel vm2, v38, v34;
	v31 =	vsel vm2, v37, v30;
	vm1 =	vgt.f32 v26, v38  }
0x2ee: {  	vm0 =	vgt.f32 v43, v38;
	vm2 =	vgt.f32 v43, v38;
	v57 =	vsel vm1, v26, v38  }
0x2ef: {  	s2 =	simm.s32 $0x1;
	v56 =	vld.idx.msk [tilespmem:v63+s0+$0x0], $0xffff;
	v26 =	vsel vm1, v26, v38;
	v25 =	vsel vm1, s25, v37;
	vm3 =	vmmov vm1  }
.LBB2_14:
0x2f0: {  	p0 =	sne.s32 s2, $0x3F;
	vm5 =	vgt.f32 v58, v38;
	vm6 =	vgt.f32 v58, v55;
	v9 =	vsel vm4, s25, v37;
	s3 =	smov.u32 s2;
	s2 =	sadd.s32 $0x1, s2  }
0x2f1: {  	v10 =	vor.u32 s3, v3;
	v37 =	vor.u32 s3, v6;
	v59 =	vor.u32 s3, v7  }
0x2f2: {  	v60 =	vor.u32 s3, v0;
	v55 =	vsel vm6, v58, v55;
	v44 =	vsel vm6, s25, v44  }
0x2f3: {  	v57 =	vsel vm1, v36, v57;
	v36 =	vmovc v26;
	v44 =	vsel vm5, v40, v44;
	v40 =	vsel vm5, s25, v40  }
0x2f4: {  	v41 =	vsel vm0, v43, v41;
	v38 =	vsel vm5, v58, v38;
	vm6 =	vgt.f32 v56, v53  }
0x2f5: {  	v29 =	vsel vm0, s25, v29;
	v53 =	vsel vm6, v56, v53;
	v51 =	vsel vm6, s25, v51  }
0x2f6: {  	v55 =	vsel vm5, v54, v55;
	vm5 =	vgt.f32 v56, v47;
	vm6 =	vgt.f32 v52, v45;
	v58 =	vld.idx.msk [tilespmem:v37+s0+$0x0], $0xffff  }
0x2f7: {  	v39 =	vsel vm2, s25, v39;
	v27 =	vsel vm3, s25, v27;
	v54 =	vmovc v38;
	v53 =	vsel vm5, v47, v53;
	v59 =	vld.idx.msk [tilespmem:v59+s0+$0x0], $0xffff  }
0x2f8: {  	v27 =	vsel vm1, v28, v27;
	v45 =	vsel vm6, v52, v45;
	v37 =	vsel vm4, v52, v50;
	v60 =	vld.idx.msk [tilespmem:v60+s0+$0x0], $0xffff  }
0x2f9: {  	v50 =	vsel vm6, v48, v37;
	v37 =	vsel vm6, v33, v9;
	v9 =	vsel vm2, v43, v49;
	v48 =	vmovc v45  }
0x2fa: {  	v28 =	vmovc v25;
	v51 =	vsel vm5, v42, v51;
	v52 =	vor.u32 s3, v5;
	v43 =	vor.u32 s3, v4  }
0x2fb: {  	v61 =	vor.u32 s3, v1;
	v62 =	vor.u32 s3, v2;
	v49 =	vsel vm0, v46, v9;
	v46 =	vmovc v41  }
0x2fc: {  	v39 =	vsel vm0, v32, v39;
	v32 =	vmovc v29;
	v33 =	vsel vm6, s25, v33;
	vm1 =	vgt.f32 v58, v21  }
0x2fd: {  	v9 =	vsel vm1, s3, v24;
	vm0 =	vgt.f32 v59, v17;
	vm2 =	vgt.f32 v59, v22  }
0x2fe: {  	vm3 =	vgt.f32 v58, v19;
	v21 =	vsel vm1, v58, v21;
	v23 =	vsel vm2, s3, v23  }
0x2ff: {  	v47 =	vsel vm5, v56, v47;
	v21 =	vsel vm3, v19, v21;
	v22 =	vsel vm2, v59, v22;
	v63 =	vld.idx.msk [tilespmem:v52+s0+$0x0], $0xffff  }
0x300: {  	v42 =	vsel vm5, s25, v42;
	s25 =	smov.u32 s3;
	v24 =	vsel vm3, v20, v9;
	v19 =	vsel vm3, v58, v19;
	v43 =	vld.idx.msk [tilespmem:v43+s0+$0x0], $0xffff  }
0x301: {  	v22 =	vsel vm0, v17, v22;
	v23 =	vsel vm0, v18, v23;
	v17 =	vsel vm0, v59, v17;
	v52 =	vld.idx.msk [tilespmem:v10+s0+$0x0], $0xffff  }
0x302: {  	vm1 =	vgt.f32 v60, v35;
	v20 =	vsel vm3, s25, v20;
	v18 =	vsel vm0, s25, v18;
	v58 =	vld.idx.msk [tilespmem:v61+s0+$0x0], $0xffff  }
.Ltmp6:
0x303: {  	vm0 =	vgt.f32 v60, v34;
	v9 =	vsel vm1, v60, v35;
	v10 =	vsel vm1, s25, v31;
	v56 =	vld.idx.msk [tilespmem:v62+s0+$0x0], $0xffff;
	(pc) =	sbr.rel @p0 .LBB2_14-.Ltmp6, $4  }
0x304: {  	v35 =	vsel vm0, v34, v9;
	v34 =	vsel vm0, v60, v34;
	v31 =	vsel vm0, v30, v10  }
0x305: {  	v30 =	vsel vm0, s25, v30;
	vm1 =	vgt.f32 v63, v26;
	vm3 =	vgt.f32 v63, v57  }
0x306: {  	vm0 =	vgt.f32 v43, v41;
	v57 =	vsel vm3, v63, v57;
	v26 =	vsel vm1, v63, v26  }
0x307: {  	vm2 =	vgt.f32 v43, v49;
	v25 =	vsel vm1, s25, v25;
	vm4 =	vgt.f32 v52, v50  }
0x308: {  	v9 =	vadd.f32 v35, v34  }
0x309: {  	vm5 =	vgt.f32 v58, v55  }
0x30a: {  	vm7 =	vgt.f32 v58, v38;
	v10 =	vsel vm5, v58, v55;
	v9 =	vadd.f32 $9.999999930e-09, v9  }
0x30b: {  	v38 =	vsel vm7, v58, v38;
	v10 =	vsel vm7, v54, v10  }
0x30c: {  	(erf) = vrcp.f32 v9;
	v9 =	vadd.f32 v10, v38;
	_ =	sdelay $0x1  }
0x30d: {  	vm8 =	vgt.f32 v56, v53;
	v9 =	vadd.f32 $9.999999930e-09, v9  }
0x30e: {  	vm6 =	vgt.f32 v56, v47;
	v53 =	vsel vm8, v56, v53  }
0x30f: {  	v53 =	vsel vm6, v47, v53;
	v47 =	vsel vm6, v56, v47;
	(erf) = vrcp.f32 v9  }
0x310: {  	v9 =	vadd.f32 v53, v47  }
0x311: {  	v50 =	vsel vm4, v52, v50  }
0x312: {  	v44 =	vsel vm5, s25, v44;
	vm5 =	vgt.f32 v52, v45;
	v9 =	vadd.f32 $9.999999930e-09, v9  }
0x313: {  	v41 =	vsel vm0, v43, v41;
	v62 =	vld [tilespmem:$0x1FFE0];
	v48 =	vsel vm5, v48, v50;
	v50 =	vadd.s32 v0, v30  }
0x314: {  	v45 =	vsel vm5, v52, v45;
	v52 =	vadd.s32 v0, v31;
	(erf) = vrcp.f32 v9  }
0x315: {  	v55 =	vsel vm2, v43, v49;
	v44 =	vsel vm7, v40, v44;
	v9 =	vadd.f32 v48, v45;
	v63 =	vpop (erf)  }
0x316: {  	v40 =	vsel vm7, s25, v40;
	v43 =	vsel vm0, v46, v55;
	v56 =	vmul.f32 v63, v34  }
0x317: {  	v46 =	vadd.s32 v1, v40;
	v9 =	vadd.f32 $9.999999930e-09, v9;
	v58 =	vmul.f32 v63, v35  }
0x318: {  	v55 =	vld [tilespmem:$0x1FFF0];
	v34 =	vadd.s32 v1, v44;
	[tilespmem:v50+s30+$0x0] =	vst.idx.msk $0xffff, v56;
	v60 =	vpop (erf)  }
0x319: {  	(erf) = vrcp.f32 v9;
	v9 =	vadd.f32 v43, v41;
	[tilespmem:v52+s30+$0x0] =	vst.idx.msk $0xffff, v58;
	v10 =	vmul.f32 v60, v10  }
0x31a: {  	v36 =	vsel vm1, v36, v57;
	[tilespmem:v0+s23+$0x0] =	vst.idx.msk $0xffff, v30;
	v30 =	vmul.f32 v60, v38  }
0x31b: {  	v51 =	vsel vm8, s25, v51;
	v61 =	vsel vm6, s25, v42;
	v9 =	vadd.f32 $9.999999930e-09, v9;
	[tilespmem:v62+s23+$0x0] =	vst.idx.msk $0xffff, v31  }
0x31c: {  	v59 =	vsel vm6, v42, v51;
	v31 =	vadd.s32 v2, v61;
	[tilespmem:v46+s30+$0x0] =	vst.idx.msk $0xffff, v30  }
0x31d: {  	v30 =	vadd.s32 v2, v59;
	(erf) = vrcp.f32 v9;
	v9 =	vadd.f32 v36, v26;
	[tilespmem:v34+s30+$0x0] =	vst.idx.msk $0xffff, v10;
	v10 =	vpop (erf)  }
0x31e: {  	v54 =	vmul.f32 v10, v47;
	v10 =	vmul.f32 v10, v53  }
0x31f: {  	v37 =	vsel vm4, s25, v37;
	[tilespmem:v1+s23+$0x0] =	vst.idx.msk $0xffff, v40;
	v9 =	vadd.f32 $9.999999930e-09, v9  }
0x320: {  	v51 =	vsel vm5, s25, v33;
	v63 =	vsel vm5, v33, v37;
	[tilespmem:v55+s23+$0x0] =	vst.idx.msk $0xffff, v44  }
0x321: {  	v56 =	vadd.s32 v3, v51;
	(erf) = vrcp.f32 v9;
	v9 =	vadd.f32 v21, v19;
	[tilespmem:v31+s30+$0x0] =	vst.idx.msk $0xffff, v54  }
0x322: {  	v39 =	vsel vm2, s25, v39;
	v57 =	vadd.s32 v3, v63;
	[tilespmem:v30+s30+$0x0] =	vst.idx.msk $0xffff, v10;
	v10 =	vpop (erf)  }
0x323: {  	v9 =	vadd.f32 $9.999999930e-09, v9;
	v58 =	vmul.f32 v10, v45;
	v10 =	vmul.f32 v10, v48  }
0x324: {  	v29 =	vsel vm0, s25, v29;
	v32 =	vsel vm0, v32, v39;
	[tilespmem:v2+s23+$0x0] =	vst.idx.msk $0xffff, v61  }
0x325: {  	[tilespmem:v11+s23+$0x0] =	vst.idx.msk $0xffff, v59;
	v59 =	vadd.s32 v4, v29;
	(erf) = vrcp.f32 v9;
	v9 =	vadd.f32 v22, v17  }
0x326: {  	v60 =	vadd.s32 v4, v32;
	[tilespmem:v56+s30+$0x0] =	vst.idx.msk $0xffff, v58  }
0x327: {  	v27 =	vsel vm3, s25, v27;
	v9 =	vadd.f32 $9.999999930e-09, v9;
	[tilespmem:v57+s30+$0x0] =	vst.idx.msk $0xffff, v10;
	v10 =	vpop (erf)  }
0x328: {  	v27 =	vsel vm1, v28, v27;
	[tilespmem:v3+s23+$0x0] =	vst.idx.msk $0xffff, v51;
	v28 =	vmul.f32 v10, v41  }
0x329: {  	v61 =	vadd.s32 v5, v25;
	[tilespmem:v12+s23+$0x0] =	vst.idx.msk $0xffff, v63;
	v10 =	vmul.f32 v10, v43  }
0x32a: {  	(erf) = vrcp.f32 v9;
	[tilespmem:v59+s30+$0x0] =	vst.idx.msk $0xffff, v28;
	v28 =	vadd.s32 v5, v27  }
0x32b: {  	v9 =	vpop (erf);
	[tilespmem:v60+s30+$0x0] =	vst.idx.msk $0xffff, v10  }
0x32c: {  	v10 =	vmul.f32 v9, v26;
	[tilespmem:v4+s23+$0x0] =	vst.idx.msk $0xffff, v29  }
0x32d: {  	v9 =	vmul.f32 v9, v36;
	v26 =	vadd.s32 v6, v20;
	[tilespmem:v13+s23+$0x0] =	vst.idx.msk $0xffff, v32  }
0x32e: {  	v29 =	vpop (erf);
	[tilespmem:v61+s30+$0x0] =	vst.idx.msk $0xffff, v10;
	v10 =	vadd.s32 v6, v24  }
0x32f: {  	[tilespmem:v28+s30+$0x0] =	vst.idx.msk $0xffff, v9;
	v9 =	vmul.f32 v29, v19;
	v19 =	vmul.f32 v29, v21  }
0x330: {  	[tilespmem:v5+s23+$0x0] =	vst.idx.msk $0xffff, v25  }
0x331: {  	v21 =	vadd.s32 v7, v18;
	[tilespmem:v14+s23+$0x0] =	vst.idx.msk $0xffff, v27  }
0x332: {  	[tilespmem:v26+s30+$0x0] =	vst.idx.msk $0xffff, v9;
	v9 =	vadd.s32 v7, v23  }
0x333: {  	[tilespmem:v10+s30+$0x0] =	vst.idx.msk $0xffff, v19;
	v19 =	vpop (erf)  }
0x334: {  	[tilespmem:v6+s23+$0x0] =	vst.idx.msk $0xffff, v20;
	v17 =	vmul.f32 v19, v17  }
0x335: {  	v19 =	vmul.f32 v19, v22;
	[tilespmem:v15+s23+$0x0] =	vst.idx.msk $0xffff, v24  }
0x336: {  	[tilespmem:v21+s30+$0x0] =	vst.idx.msk $0xffff, v17  }
0x337: {  	[tilespmem:v9+s30+$0x0] =	vst.idx.msk $0xffff, v19  }
0x338: {  	[tilespmem:v7+s23+$0x0] =	vst.idx.msk $0xffff, v18  }
0x339: {  	s25 =	simm.s32 $0x0;
	[tilespmem:v16+s23+$0x0] =	vst.idx.msk $0xffff, v23  }
0x33a: {  	[hbm4b:s21+s25] =	stream.linear.scatter [tilespmem:s30], [sflag:$0x1], $0x4000, $0x38;
	[tilespmem:$0xC000] =	vst v63  }
0x33b: {  	_ =	swait.ge [sflag:s31], $0x4000  }
0x33c: {  	[sflag:s31] =	ssyncset.done $0x0  }
0x33d: {  	[sflag:s31] =	ssyncadd.s32 $0xFFFFC000  }
0x33e: {  	[hbm4b:s22+s25] =	stream.linear.scatter [tilespmem:s23], [sflag:$0x1], $0x4000, $0x38;
	[tilespmem:$0xC000] =	vst v63  }
0x33f: {  	_ =	swait.ge [sflag:s31], $0x4000  }
0x340: {  	[sflag:s31] =	ssyncset.done $0x0  }
0x341: {  	[sflag:s31] =	ssyncadd.s32 $0xFFFFC000  }
0x342: {  	[tilespmem:v50+s30+$0x0] =	vst.idx.msk $0xffff, v8  }
0x343: {  	[tilespmem:v52+s30+$0x0] =	vst.idx.msk $0xffff, v8  }
0x344: {  	[tilespmem:v46+s30+$0x0] =	vst.idx.msk $0xffff, v8  }
0x345: {  	[tilespmem:v34+s30+$0x0] =	vst.idx.msk $0xffff, v8  }
0x346: {  	[tilespmem:v31+s30+$0x0] =	vst.idx.msk $0xffff, v8  }
0x347: {  	[tilespmem:v30+s30+$0x0] =	vst.idx.msk $0xffff, v8  }
0x348: {  	[tilespmem:v56+s30+$0x0] =	vst.idx.msk $0xffff, v8  }
0x349: {  	[tilespmem:v57+s30+$0x0] =	vst.idx.msk $0xffff, v8  }
0x34a: {  	[tilespmem:v59+s30+$0x0] =	vst.idx.msk $0xffff, v8  }
0x34b: {  	[tilespmem:v60+s30+$0x0] =	vst.idx.msk $0xffff, v8  }
0x34c: {  	[tilespmem:v61+s30+$0x0] =	vst.idx.msk $0xffff, v8  }
0x34d: {  	[tilespmem:v28+s30+$0x0] =	vst.idx.msk $0xffff, v8  }
0x34e: {  	[tilespmem:v26+s30+$0x0] =	vst.idx.msk $0xffff, v8  }
0x34f: {  	[tilespmem:v10+s30+$0x0] =	vst.idx.msk $0xffff, v8  }
0x350: {  	[tilespmem:v21+s30+$0x0] =	vst.idx.msk $0xffff, v8  }
0x351: {  	[tilespmem:v9+s30+$0x0] =	vst.idx.msk $0xffff, v8;
	v9 =	vor.u32 s25, v6  }
0x352: {  	v10 =	vor.u32 s25, v7;
	[tilespmem:s25], [sflag:$0x1] =	stream.linear.gather [hbm4b:s24+s25], $0x4000, $0x38;
	[tilespmem:$0xC000] =	vst v63  }
0x353: {  	v17 =	vor.u32 s25, v0;
	_ =	swait.ge [sflag:s31], $0x4000  }
0x354: {  	v39 =	vimm.s32 $0x0;
	v22 =	vor.u32 s25, v3;
	[sflag:s31] =	ssyncset.done $0x0  }
0x355: {  	v49 =	vimm.f32 $-1.000000000e+00;
	v42 =	vimm.s32 $0x0;
	v37 =	vimm.s32 $0x0;
	[sflag:s31] =	ssyncadd.s32 $0xFFFFC000  }
0x356: {  	v33 =	vimm.s32 $0x0;
	v38 =	vimm.f32 $-1.000000000e+00;
	v62 =	vor.u32 s25, v1;
	v9 =	vld.idx.msk [tilespmem:v9+s0+$0x0], $0xffff  }
0x357: {  	v40 =	vimm.s32 $0x0;
	v55 =	vimm.f32 $-1.000000000e+00;
	v44 =	vimm.s32 $0x0;
	v10 =	vld.idx.msk [tilespmem:v10+s0+$0x0], $0xffff  }
0x358: {  	v53 =	vimm.f32 $-1.000000000e+00;
	v47 =	vimm.f32 $-1.000000000e+00;
	v54 =	vimm.f32 $-1.000000000e+00;
	v25 =	vld.idx.msk [tilespmem:v17+s0+$0x0], $0xffff  }
0x359: {  	v45 =	vimm.f32 $-1.000000000e+00;
	v48 =	vimm.f32 $-1.000000000e+00;
	v18 =	vor.u32 s25, v5;
	v52 =	vld.idx.msk [tilespmem:v22+s0+$0x0], $0xffff  }
0x35a: {  	v51 =	vimm.s32 $0x0;
	v63 =	vor.u32 s25, v2;
	v20 =	vor.u32 s25, v4  }
0x35b: {  	v41 =	vimm.f32 $-1.000000000e+00;
	v36 =	vimm.f32 $-1.000000000e+00;
	v32 =	vimm.s32 $0x0  }
0x35c: {  	v29 =	vimm.s32 $0x0;
	v27 =	vimm.s32 $0x0;
	v50 =	vimm.f32 $-1.000000000e+00  }
0x35d: {  	v46 =	vimm.f32 $-1.000000000e+00;
	v28 =	vimm.s32 $0x0;
	vm0 =	vgt.f32 v9, v38  }
0x35e: {  	v26 =	vld.idx.msk [tilespmem:v18+s0+$0x0], $0xffff;
	vm1 =	vgt.f32 v10, v38;
	vm2 =	vgt.f32 v25, v38;
	vm4 =	vgt.f32 v52, v38  }
0x35f: {  	v43 =	vld.idx.msk [tilespmem:v20+s0+$0x0], $0xffff;
	v23 =	vsel vm0, s25, v37;
	v19 =	vsel vm0, v9, v38;
	v9 =	vsel vm1, s25, v37  }
0x360: {  	v17 =	vsel vm1, v10, v38;
	v20 =	vsel vm0, s25, v37;
	v18 =	vsel vm1, s25, v37  }
0x361: {  	v58 =	vld.idx.msk [tilespmem:v62+s0+$0x0], $0xffff;
	v34 =	vsel vm2, v25, v38;
	v30 =	vsel vm2, s25, v37;
	v21 =	vsel vm0, v38, v19  }
0x362: {  	v24 =	vsel vm0, v37, v23;
	v22 =	vsel vm1, v38, v17;
	v23 =	vsel vm1, v37, v9  }
0x363: {  	v35 =	vsel vm2, v38, v34;
	v31 =	vsel vm2, v37, v30;
	vm1 =	vgt.f32 v26, v38  }
0x364: {  	vm0 =	vgt.f32 v43, v38;
	vm2 =	vgt.f32 v43, v38;
	v57 =	vsel vm1, v26, v38  }
0x365: {  	s2 =	simm.s32 $0x1;
	v56 =	vld.idx.msk [tilespmem:v63+s0+$0x0], $0xffff;
	v26 =	vsel vm1, v26, v38;
	v25 =	vsel vm1, s25, v37;
	vm3 =	vmmov vm1  }
.LBB2_16:
0x366: {  	p0 =	sne.s32 s2, $0x3F;
	vm5 =	vgt.f32 v58, v38;
	vm6 =	vgt.f32 v58, v55;
	v9 =	vsel vm4, s25, v37;
	s3 =	smov.u32 s2;
	s2 =	sadd.s32 $0x1, s2  }
0x367: {  	v10 =	vor.u32 s3, v3;
	v37 =	vor.u32 s3, v6;
	v59 =	vor.u32 s3, v7  }
0x368: {  	v60 =	vor.u32 s3, v0;
	v55 =	vsel vm6, v58, v55;
	v44 =	vsel vm6, s25, v44  }
0x369: {  	v57 =	vsel vm1, v36, v57;
	v36 =	vmovc v26;
	v44 =	vsel vm5, v40, v44;
	v40 =	vsel vm5, s25, v40  }
0x36a: {  	v41 =	vsel vm0, v43, v41;
	v38 =	vsel vm5, v58, v38;
	vm6 =	vgt.f32 v56, v53  }
0x36b: {  	v29 =	vsel vm0, s25, v29;
	v53 =	vsel vm6, v56, v53;
	v51 =	vsel vm6, s25, v51  }
0x36c: {  	v55 =	vsel vm5, v54, v55;
	vm5 =	vgt.f32 v56, v47;
	vm6 =	vgt.f32 v52, v45;
	v58 =	vld.idx.msk [tilespmem:v37+s0+$0x0], $0xffff  }
0x36d: {  	v39 =	vsel vm2, s25, v39;
	v27 =	vsel vm3, s25, v27;
	v54 =	vmovc v38;
	v53 =	vsel vm5, v47, v53;
	v59 =	vld.idx.msk [tilespmem:v59+s0+$0x0], $0xffff  }
0x36e: {  	v27 =	vsel vm1, v28, v27;
	v45 =	vsel vm6, v52, v45;
	v37 =	vsel vm4, v52, v50;
	v60 =	vld.idx.msk [tilespmem:v60+s0+$0x0], $0xffff  }
0x36f: {  	v50 =	vsel vm6, v48, v37;
	v37 =	vsel vm6, v33, v9;
	v9 =	vsel vm2, v43, v49;
	v48 =	vmovc v45  }
0x370: {  	v28 =	vmovc v25;
	v51 =	vsel vm5, v42, v51;
	v52 =	vor.u32 s3, v5;
	v43 =	vor.u32 s3, v4  }
0x371: {  	v61 =	vor.u32 s3, v1;
	v62 =	vor.u32 s3, v2;
	v49 =	vsel vm0, v46, v9;
	v46 =	vmovc v41  }
0x372: {  	v39 =	vsel vm0, v32, v39;
	v32 =	vmovc v29;
	v33 =	vsel vm6, s25, v33;
	vm1 =	vgt.f32 v58, v21  }
0x373: {  	v9 =	vsel vm1, s3, v24;
	vm0 =	vgt.f32 v59, v17;
	vm2 =	vgt.f32 v59, v22  }
0x374: {  	vm3 =	vgt.f32 v58, v19;
	v21 =	vsel vm1, v58, v21;
	v23 =	vsel vm2, s3, v23  }
0x375: {  	v47 =	vsel vm5, v56, v47;
	v21 =	vsel vm3, v19, v21;
	v22 =	vsel vm2, v59, v22;
	v63 =	vld.idx.msk [tilespmem:v52+s0+$0x0], $0xffff  }
0x376: {  	v42 =	vsel vm5, s25, v42;
	s25 =	smov.u32 s3;
	v24 =	vsel vm3, v20, v9;
	v19 =	vsel vm3, v58, v19;
	v43 =	vld.idx.msk [tilespmem:v43+s0+$0x0], $0xffff  }
0x377: {  	v22 =	vsel vm0, v17, v22;
	v23 =	vsel vm0, v18, v23;
	v17 =	vsel vm0, v59, v17;
	v52 =	vld.idx.msk [tilespmem:v10+s0+$0x0], $0xffff  }
0x378: {  	vm1 =	vgt.f32 v60, v35;
	v20 =	vsel vm3, s25, v20;
	v18 =	vsel vm0, s25, v18;
	v58 =	vld.idx.msk [tilespmem:v61+s0+$0x0], $0xffff  }
.Ltmp7:
0x379: {  	vm0 =	vgt.f32 v60, v34;
	v9 =	vsel vm1, v60, v35;
	v10 =	vsel vm1, s25, v31;
	v56 =	vld.idx.msk [tilespmem:v62+s0+$0x0], $0xffff;
	(pc) =	sbr.rel @p0 .LBB2_16-.Ltmp7, $4  }
0x37a: {  	v35 =	vsel vm0, v34, v9;
	v34 =	vsel vm0, v60, v34;
	v31 =	vsel vm0, v30, v10  }
0x37b: {  	v30 =	vsel vm0, s25, v30;
	vm1 =	vgt.f32 v63, v26;
	vm3 =	vgt.f32 v63, v57  }
0x37c: {  	vm0 =	vgt.f32 v43, v41;
	v57 =	vsel vm3, v63, v57;
	v26 =	vsel vm1, v63, v26  }
0x37d: {  	vm2 =	vgt.f32 v43, v49;
	v25 =	vsel vm1, s25, v25;
	vm4 =	vgt.f32 v52, v50  }
0x37e: {  	v9 =	vadd.f32 v35, v34  }
0x37f: {  	vm5 =	vgt.f32 v58, v55  }
0x380: {  	vm7 =	vgt.f32 v58, v38;
	v10 =	vsel vm5, v58, v55;
	v9 =	vadd.f32 $9.999999930e-09, v9  }
0x381: {  	v38 =	vsel vm7, v58, v38;
	v10 =	vsel vm7, v54, v10  }
0x382: {  	(erf) = vrcp.f32 v9;
	v9 =	vadd.f32 v10, v38;
	_ =	sdelay $0x1  }
0x383: {  	v9 =	vadd.f32 $9.999999930e-09, v9;
	_ =	sdelay $0x1  }
0x384: {  	(erf) = vrcp.f32 v9  }
0x385: {  	vm8 =	vgt.f32 v56, v53;
	vm6 =	vgt.f32 v56, v47;
	vm15 =	vgt.f32 v52, v45  }
0x386: {  	v50 =	vsel vm4, v52, v50;
	v41 =	vsel vm0, v43, v41;
	v63 =	vsel vm2, v43, v49  }
0x387: {  	v60 =	vld [tilespmem:$0x1FFE0];
	v53 =	vsel vm8, v56, v53;
	v48 =	vsel vm15, v48, v50;
	v50 =	vadd.s32 v0, v30  }
0x388: {  	v44 =	vsel vm5, s25, v44;
	v45 =	vsel vm15, v52, v45;
	v52 =	vadd.s32 v0, v31  }
0x389: {  	v53 =	vsel vm6, v47, v53;
	v47 =	vsel vm6, v56, v47;
	v44 =	vsel vm7, v40, v44;
	v62 =	vpop (erf)  }
0x38a: {  	v40 =	vsel vm7, s25, v40;
	v9 =	vadd.f32 v53, v47;
	v49 =	vmul.f32 v62, v34  }
0x38b: {  	v43 =	vsel vm0, v46, v63;
	v46 =	vadd.s32 v1, v40;
	v55 =	vmul.f32 v62, v35  }
0x38c: {  	v9 =	vadd.f32 $9.999999930e-09, v9;
	v34 =	vadd.s32 v1, v44;
	[tilespmem:v50+s30+$0x0] =	vst.idx.msk $0xffff, v49  }
0x38d: {  	v36 =	vsel vm1, v36, v57;
	[tilespmem:v52+s30+$0x0] =	vst.idx.msk $0xffff, v55;
	v57 =	vpop (erf)  }
0x38e: {  	(erf) = vrcp.f32 v9;
	[tilespmem:v0+s23+$0x0] =	vst.idx.msk $0xffff, v30;
	v59 =	vmul.f32 v57, v38  }
0x38f: {  	v9 =	vadd.f32 v48, v45;
	v10 =	vmul.f32 v57, v10;
	[tilespmem:v60+s23+$0x0] =	vst.idx.msk $0xffff, v31  }
0x390: {  	[tilespmem:v46+s30+$0x0] =	vst.idx.msk $0xffff, v59  }
0x391: {  	v9 =	vadd.f32 $9.999999930e-09, v9;
	[tilespmem:v34+s30+$0x0] =	vst.idx.msk $0xffff, v10  }
0x392: {  	[tilespmem:v1+s23+$0x0] =	vst.idx.msk $0xffff, v40;
	v40 =	vld [tilespmem:$0x1FFF0]  }
0x393: {  	(erf) = vrcp.f32 v9;
	v9 =	vadd.f32 v43, v41;
	_ =	sdelay $0x1  }
0x394: {  	v51 =	vsel vm8, s25, v51;
	v58 =	vsel vm6, s25, v42;
	v9 =	vadd.f32 $9.999999930e-09, v9  }
0x395: {  	v56 =	vsel vm6, v42, v51;
	v31 =	vadd.s32 v2, v58  }
0x396: {  	v30 =	vadd.s32 v2, v56;
	(erf) = vrcp.f32 v9;
	v9 =	vadd.f32 v36, v26;
	v10 =	vpop (erf)  }
0x397: {  	v63 =	vmul.f32 v10, v47;
	v10 =	vmul.f32 v10, v53  }
0x398: {  	v37 =	vsel vm4, s25, v37;
	v9 =	vadd.f32 $9.999999930e-09, v9  }
0x399: {  	v61 =	vsel vm15, v33, v37;
	v62 =	vsel vm15, s25, v33;
	[tilespmem:v40+s23+$0x0] =	vst.idx.msk $0xffff, v44  }
0x39a: {  	v47 =	vadd.s32 v3, v62;
	(erf) = vrcp.f32 v9;
	v9 =	vadd.f32 v21, v19;
	[tilespmem:v31+s30+$0x0] =	vst.idx.msk $0xffff, v63  }
0x39b: {  	v39 =	vsel vm2, s25, v39;
	v51 =	vadd.s32 v3, v61;
	[tilespmem:v30+s30+$0x0] =	vst.idx.msk $0xffff, v10;
	v10 =	vpop (erf)  }
0x39c: {  	v9 =	vadd.f32 $9.999999930e-09, v9;
	v53 =	vmul.f32 v10, v45;
	v10 =	vmul.f32 v10, v48  }
0x39d: {  	v29 =	vsel vm0, s25, v29;
	v32 =	vsel vm0, v32, v39;
	[tilespmem:v2+s23+$0x0] =	vst.idx.msk $0xffff, v58  }
0x39e: {  	(erf) = vrcp.f32 v9;
	v9 =	vadd.f32 v22, v17;
	[tilespmem:v11+s23+$0x0] =	vst.idx.msk $0xffff, v56;
	v11 =	vadd.s32 v4, v29  }
0x39f: {  	v54 =	vadd.s32 v4, v32;
	[tilespmem:v47+s30+$0x0] =	vst.idx.msk $0xffff, v53  }
0x3a0: {  	v27 =	vsel vm3, s25, v27;
	v9 =	vadd.f32 $9.999999930e-09, v9;
	[tilespmem:v51+s30+$0x0] =	vst.idx.msk $0xffff, v10;
	v10 =	vpop (erf)  }
0x3a1: {  	v27 =	vsel vm1, v28, v27;
	[tilespmem:v3+s23+$0x0] =	vst.idx.msk $0xffff, v62;
	v55 =	vmul.f32 v10, v41  }
0x3a2: {  	v56 =	vadd.s32 v5, v25;
	[tilespmem:v12+s23+$0x0] =	vst.idx.msk $0xffff, v61;
	v10 =	vmul.f32 v10, v43  }
0x3a3: {  	v57 =	vadd.s32 v5, v27;
	(erf) = vrcp.f32 v9;
	[tilespmem:v11+s30+$0x0] =	vst.idx.msk $0xffff, v55  }
0x3a4: {  	v9 =	vpop (erf);
	[tilespmem:v54+s30+$0x0] =	vst.idx.msk $0xffff, v10  }
0x3a5: {  	v10 =	vmul.f32 v9, v26;
	[tilespmem:v4+s23+$0x0] =	vst.idx.msk $0xffff, v29  }
0x3a6: {  	v58 =	vadd.s32 v6, v20;
	v9 =	vmul.f32 v9, v36;
	[tilespmem:v13+s23+$0x0] =	vst.idx.msk $0xffff, v32  }
0x3a7: {  	[tilespmem:v56+s30+$0x0] =	vst.idx.msk $0xffff, v10;
	v10 =	vadd.s32 v6, v24  }
0x3a8: {  	v59 =	vpop (erf);
	[tilespmem:v57+s30+$0x0] =	vst.idx.msk $0xffff, v9  }
0x3a9: {  	v9 =	vmul.f32 v59, v19;
	[tilespmem:v5+s23+$0x0] =	vst.idx.msk $0xffff, v25  }
0x3aa: {  	v61 =	vadd.s32 v7, v18;
	v60 =	vmul.f32 v59, v21;
	[tilespmem:v14+s23+$0x0] =	vst.idx.msk $0xffff, v27  }
0x3ab: {  	[tilespmem:v58+s30+$0x0] =	vst.idx.msk $0xffff, v9;
	v9 =	vadd.s32 v7, v23  }
0x3ac: {  	v62 =	vpop (erf);
	[tilespmem:v10+s30+$0x0] =	vst.idx.msk $0xffff, v60  }
0x3ad: {  	v63 =	vmul.f32 v62, v17;
	[tilespmem:v6+s23+$0x0] =	vst.idx.msk $0xffff, v20  }
0x3ae: {  	v14 =	vmul.f32 v62, v22;
	[tilespmem:v15+s23+$0x0] =	vst.idx.msk $0xffff, v24  }
0x3af: {  	[tilespmem:v61+s30+$0x0] =	vst.idx.msk $0xffff, v63  }
0x3b0: {  	[tilespmem:v9+s30+$0x0] =	vst.idx.msk $0xffff, v14  }
0x3b1: {  	[tilespmem:v7+s23+$0x0] =	vst.idx.msk $0xffff, v18  }
0x3b2: {  	[tilespmem:v16+s23+$0x0] =	vst.idx.msk $0xffff, v23  }
0x3b3: {  	[hbm4b:s26+s0] =	stream.linear.scatter [tilespmem:s30], [sflag:$0x1], $0x4000, $0x38;
	[tilespmem:$0xC000] =	vst v63  }
0x3b4: {  	_ =	swait.ge [sflag:s31], $0x4000  }
0x3b5: {  	[sflag:s31] =	ssyncset.done $0x0  }
0x3b6: {  	[sflag:s31] =	ssyncadd.s32 $0xFFFFC000  }
0x3b7: {  	[hbm4b:s28+s0] =	stream.linear.scatter [tilespmem:s23], [sflag:$0x1], $0x4000, $0x38;
	[tilespmem:$0xC000] =	vst v63  }
0x3b8: {  	_ =	swait.ge [sflag:s31], $0x4000  }
0x3b9: {  	[sflag:s31] =	ssyncset.done $0x0  }
0x3ba: {  	[sflag:s31] =	ssyncadd.s32 $0xFFFFC000  }
0x3bb: {  	[tilespmem:v50+s30+$0x0] =	vst.idx.msk $0xffff, v8  }
0x3bc: {  	[tilespmem:v52+s30+$0x0] =	vst.idx.msk $0xffff, v8  }
0x3bd: {  	[tilespmem:v46+s30+$0x0] =	vst.idx.msk $0xffff, v8  }
0x3be: {  	[tilespmem:v34+s30+$0x0] =	vst.idx.msk $0xffff, v8  }
0x3bf: {  	[tilespmem:v31+s30+$0x0] =	vst.idx.msk $0xffff, v8  }
0x3c0: {  	[tilespmem:v30+s30+$0x0] =	vst.idx.msk $0xffff, v8  }
0x3c1: {  	[tilespmem:v47+s30+$0x0] =	vst.idx.msk $0xffff, v8  }
0x3c2: {  	[tilespmem:v51+s30+$0x0] =	vst.idx.msk $0xffff, v8  }
0x3c3: {  	[tilespmem:v11+s30+$0x0] =	vst.idx.msk $0xffff, v8  }
0x3c4: {  	s1 =	sadd.s32 $0x1, s1;
	[tilespmem:v54+s30+$0x0] =	vst.idx.msk $0xffff, v8  }
0x3c5: {  	p0 =	sne.s32 s1, s29;
	[tilespmem:v56+s30+$0x0] =	vst.idx.msk $0xffff, v8  }
.Ltmp8:
0x3c6: {  	[tilespmem:v57+s30+$0x0] =	vst.idx.msk $0xffff, v8;
	(pc) =	sbr.rel @p0 .LBB2_1-.Ltmp8, $4  }
0x3c7: {  	[tilespmem:v58+s30+$0x0] =	vst.idx.msk $0xffff, v8  }
0x3c8: {  	[tilespmem:v10+s30+$0x0] =	vst.idx.msk $0xffff, v8  }
0x3c9: {  	[tilespmem:v61+s30+$0x0] =	vst.idx.msk $0xffff, v8  }
0x3ca: {  	[tilespmem:v9+s30+$0x0] =	vst.idx.msk $0xffff, v8  }
0x3cb: {  	_ =	sfence.sel $0x180000  }
0x3cc: {  	[bflag:$0x0] =	sbarrier.arrive $0xFFFF  }
0x3cd: {  	_ =	strace $0x90000047  }
0x3ce: {  	s0 =	stileid.u32;
	[bflag:$0x2] =	sbarrier.arrive $0xFFFF  }
0x3cf: {  	p0 =	sne.s32 s0, $0x0;
	s0 =	rddreg [dreg:$0x2]  }
0x3d0: {  	s0 =	sadd.s32 @!p0 $0x100000, s0  }
0x3d1: {  	[sflag:s0] =	ssyncadd.tile.s32 @!p0 $0x1;
	_ =	shalt  }
.Lfunc_end2:
_tile_overlayer_lowered:
.L_overlay_start_2:
0x3d2: {  	(tag) =	ssettag $0x2  }
0x3d3: {  	s0 =	rddreg [dreg:$0x0];
	s2 =	stileid.u32  }
0x3d4: {  	s1 =	rddreg [dreg:$0x1];
	p0 =	sne.s32 s2, $0x0  }
0x3d5: {  	s3 =	rddreg [dreg:$0x2];
	[bflag:$0x3] =	sbarrier.arrive $0xFFFF;
	s2 =	simm.s32 @!p0 $0x1C01  }
0x3d6: {  	[timem:s3], [sflag:s2] =	dma.local @!p0 [hbm:s0], s1  }
0x3d7: {  	s0 =	simm.s32 @!p0 $0x1  }
0x3d8: {  	_ =	swait.ge @!p0 [sflag:s0], s1  }
0x3d9: {  	s1 =	ssub.s32 @!p0 $0x0, s1;
	[sflag:s0] =	ssyncset.done @!p0 $0x0  }
0x3da: {  	[sflag:s0] =	ssyncadd.s32 @!p0 s1  }
0x3db: {  	[bflag:$0x3] =	sbarrier.arrive $0xFFFF  }
0x3dc: {  	_ =	shalt  }

</sc_bundles>
